<compile_context>
chip_gen: v7x
topology: tpu7x:2x2x1
jax: 0.10.2.dev20260603
libtpu: 0.0.44.dev20260713+nightly
codegen_flags: <defaults>
</compile_context>

<pallas_src>
import functools

import jax
import jax.numpy as jnp
from jax import lax
from jax.experimental import pallas as pl
from jax.experimental.pallas import tpu as pltpu
from jax.experimental.pallas import tpu_sc as plsc

NUM_WKR = 2000
NUM_TSK = 8000
NUM_RELS = 10
DIM = 256
E = 160000

C = 128
NCHUNK = E // C
NTILES = 32

WKR_PAD = 2048
TSK_PAD2 = 8192
DEGT_PAD = 8192



def _mm1_body(lab_ref, w_ref, t1_ref):
    t1_ref[0] = jnp.dot(lab_ref[...], w_ref[0],
                        preferred_element_type=jnp.float32)


def _tc_transform1(labels, weight_worker):
    nb = 1000
    grid = (NUM_TSK // nb, NUM_RELS)
    return pl.pallas_call(
        _mm1_body,
        grid=grid,
        in_specs=[
            pl.BlockSpec((nb, DIM), lambda n, r: (n, 0)),
            pl.BlockSpec((1, DIM, DIM), lambda n, r: (r, 0, 0)),
        ],
        out_specs=pl.BlockSpec((1, nb, DIM), lambda n, r: (r, n, 0)),
        out_shape=jax.ShapeDtypeStruct((NUM_RELS, NUM_TSK, DIM), jnp.float32),
    )(labels, weight_worker)


def _mm2_body(p_ref, deg_ref, w_ref, abil_ref, t2_ref):
    s = p_ref[0] + p_ref[1]
    d = jnp.maximum(deg_ref[0] + deg_ref[1], 1.0)
    ab = s / d
    abil_ref[...] = ab
    t2_ref[0] = jnp.dot(ab, w_ref[0], preferred_element_type=jnp.float32)


def _tc_normalize_transform2(parts, degw, weight_task):
    nb = 1000
    grid = (NUM_WKR // nb, NUM_RELS)
    return pl.pallas_call(
        _mm2_body,
        grid=grid,
        in_specs=[
            pl.BlockSpec((2, nb, DIM), lambda n, r: (0, n, 0)),
            pl.BlockSpec((2, nb, 1), lambda n, r: (0, n, 0)),
            pl.BlockSpec((1, DIM, DIM), lambda n, r: (r, 0, 0)),
        ],
        out_specs=[
            pl.BlockSpec((nb, DIM), lambda n, r: (n, 0)),
            pl.BlockSpec((1, nb, DIM), lambda n, r: (r, n, 0)),
        ],
        out_shape=[
            jax.ShapeDtypeStruct((NUM_WKR, DIM), jnp.float32),
            jax.ShapeDtypeStruct((NUM_RELS, NUM_WKR, DIM), jnp.float32),
        ],
    )(parts, degw, weight_task)


def _norm_body(q_ref, deg_ref, out_ref):
    d = jnp.maximum(deg_ref[0] + deg_ref[1], 1.0)
    out_ref[:, 0:128] = q_ref[0] / d
    out_ref[:, 128:256] = q_ref[1] / d


def _tc_normalize(parts, degt):
    nb = 1000
    grid = (NUM_TSK // nb,)
    return pl.pallas_call(
        _norm_body,
        grid=grid,
        in_specs=[
            pl.BlockSpec((2, nb, 128), lambda n: (0, n, 0)),
            pl.BlockSpec((2, nb, 1), lambda n: (0, n, 0)),
        ],
        out_specs=pl.BlockSpec((nb, DIM), lambda n: (n, 0)),
        out_shape=jax.ShapeDtypeStruct((NUM_TSK, DIM), jnp.float32),
    )(parts, degt)



def _sc_pass1(t1_flat, esrc, edst, etyp):
    mesh = plsc.VectorSubcoreMesh(core_axis_name="c", subcore_axis_name="s")
    C2 = 256
    NCHUNK2 = E // C2

    @functools.partial(
        pl.kernel,
        out_type=(
            jax.ShapeDtypeStruct((2, WKR_PAD, DIM), jnp.float32),
            jax.ShapeDtypeStruct((2, WKR_PAD), jnp.float32),
            jax.ShapeDtypeStruct((2, DEGT_PAD), jnp.float32),
        ),
        mesh=mesh,
        scratch_types=(
            pltpu.VMEM((C2,), jnp.int32),
            pltpu.VMEM((C2,), jnp.int32),
            pltpu.VMEM((C2,), jnp.int32),
            pltpu.VMEM((128,), jnp.int32),
            pltpu.VMEM((128,), jnp.int32),
            pltpu.VMEM((128,), jnp.int32),
            pltpu.VMEM((128,), jnp.int32),
            pltpu.VMEM((128,), jnp.int32),
            pltpu.VMEM((128,), jnp.int32),
            pltpu.VMEM((128,), jnp.float32),
            pltpu.VMEM((128, 128), jnp.float32),
            pltpu.VMEM((128, 128), jnp.float32),
            pltpu.VMEM((128, 128), jnp.float32),
            pltpu.VMEM((128, 128), jnp.float32),
            pltpu.VMEM((64, 128), jnp.float32),
            pltpu.VMEM_SHARED((WKR_PAD, 128), jnp.float32),
            pltpu.VMEM_SHARED((WKR_PAD, 128), jnp.float32),
            pltpu.VMEM_SHARED((WKR_PAD,), jnp.float32),
            pltpu.VMEM_SHARED((DEGT_PAD,), jnp.float32),
            pltpu.SemaphoreType.DMA,
        ),
    )
    def k(t1_hbm, src_hbm, dst_hbm, typ_hbm,
          abil_out, degw_out, degt_out,
          srcv, dstv, typv, keyA, keyB, srcA, srcB, dstA, dstB, onesv,
          rowsAL, rowsAR, rowsBL, rowsBR, zbuf,
          accL, accR, degw_s, degt_s, sem):
        c = lax.axis_index("c")
        s = lax.axis_index("s")
        wid = c * 16 + s

        z16 = jnp.zeros((16,), jnp.float32)
        o16 = jnp.ones((16,), jnp.float32)

        def zrow(i, carry):
            for j in range(8):
                zbuf[i, pl.ds(j * 16, 16)] = z16
            return carry
        lax.fori_loop(0, 64, zrow, 0)
        for j in range(8):
            onesv[pl.ds(j * 16, 16)] = o16

        for half in (accL, accR):
            pltpu.sync_copy(zbuf, half.at[pl.ds(s * 128, 64)])
            pltpu.sync_copy(zbuf, half.at[pl.ds(s * 128 + 64, 64)])
        pltpu.sync_copy(zbuf.at[0], degw_s.at[pl.ds(s * 128, 128)])
        for b in range(4):
            pltpu.sync_copy(zbuf.at[b],
                            degt_s.at[pl.ds(s * 512 + b * 128, 128)])
        plsc.subcore_barrier()

        def chunk(j, carry):
            cid = wid + j * NTILES

            @pl.when(cid < NCHUNK2)
            def _():
                base = cid * C2
                ld1 = pltpu.async_copy(src_hbm.at[pl.ds(base, C2)], srcv, sem)
                ld2 = pltpu.async_copy(dst_hbm.at[pl.ds(base, C2)], dstv, sem)
                ld3 = pltpu.async_copy(typ_hbm.at[pl.ds(base, C2)], typv, sem)
                ld1.wait()
                ld2.wait()
                ld3.wait()
                for i in range(8):
                    sl = pl.ds(i * 16, 16)
                    sh = pl.ds(128 + i * 16, 16)
                    keyA[sl] = typv[sl] * NUM_TSK + srcv[sl]
                    keyB[sl] = typv[sh] * NUM_TSK + srcv[sh]
                    srcA[sl] = srcv[sl]
                    srcB[sl] = srcv[sh]
                    dstA[sl] = dstv[sl]
                    dstB[sl] = dstv[sh]
                g1 = pltpu.async_copy(
                    t1_hbm.at[keyA, pl.ds(0, 128)], rowsAL, sem)
                g2 = pltpu.async_copy(
                    t1_hbm.at[keyA, pl.ds(128, 128)], rowsAR, sem)
                g3 = pltpu.async_copy(
                    t1_hbm.at[keyB, pl.ds(0, 128)], rowsBL, sem)
                g4 = pltpu.async_copy(
                    t1_hbm.at[keyB, pl.ds(128, 128)], rowsBR, sem)
                g1.wait()
                g2.wait()
                g3.wait()
                g4.wait()
                s1 = pltpu.async_copy(rowsAL, accL.at[dstA], sem, add=True)
                s2 = pltpu.async_copy(rowsAR, accR.at[dstA], sem, add=True)
                s3 = pltpu.async_copy(rowsBL, accL.at[dstB], sem, add=True)
                s4 = pltpu.async_copy(rowsBR, accR.at[dstB], sem, add=True)
                pltpu.sync_copy(onesv, degw_s.at[dstA], add=True)
                pltpu.sync_copy(onesv, degw_s.at[dstB], add=True)
                pltpu.sync_copy(onesv, degt_s.at[srcA], add=True)
                pltpu.sync_copy(onesv, degt_s.at[srcB], add=True)
                s1.wait()
                s2.wait()
                s3.wait()
                s4.wait()
            return carry
        lax.fori_loop(0, -(-NCHUNK2 // NTILES), chunk, 0)

        plsc.subcore_barrier()
        pltpu.sync_copy(accL.at[pl.ds(s * 128, 128)],
                        abil_out.at[c, pl.ds(s * 128, 128), pl.ds(0, 128)])
        pltpu.sync_copy(accR.at[pl.ds(s * 128, 128)],
                        abil_out.at[c, pl.ds(s * 128, 128), pl.ds(128, 128)])
        pltpu.sync_copy(degw_s.at[pl.ds(s * 128, 128)],
                        degw_out.at[c, pl.ds(s * 128, 128)])
        pltpu.sync_copy(degt_s.at[pl.ds(s * 512, 512)],
                        degt_out.at[c, pl.ds(s * 512, 512)])

    return k(t1_flat, esrc, edst, etyp)


def _sc_pass2(t2_flat, esrc, edst, etyp):
    mesh = plsc.VectorSubcoreMesh(core_axis_name="c", subcore_axis_name="s")

    C2 = 256
    NCHUNK2 = E // C2

    @functools.partial(
        pl.kernel,
        out_type=jax.ShapeDtypeStruct((2, TSK_PAD2, 128), jnp.float32),
        mesh=mesh,
        scratch_types=(
            pltpu.VMEM((C2,), jnp.int32),
            pltpu.VMEM((C2,), jnp.int32),
            pltpu.VMEM((C2,), jnp.int32),
            pltpu.VMEM((128,), jnp.int32),
            pltpu.VMEM((128,), jnp.int32),
            pltpu.VMEM((128,), jnp.int32),
            pltpu.VMEM((128,), jnp.int32),
            pltpu.VMEM((128, 128), jnp.float32),
            pltpu.VMEM((128, 128), jnp.float32),
            pltpu.VMEM((64, 128), jnp.float32),
            pltpu.VMEM_SHARED((TSK_PAD2, 128), jnp.float32),
            pltpu.SemaphoreType.DMA,
        ),
    )
    def k(t2_hbm, src_hbm, dst_hbm, typ_hbm, out_hbm,
          srcv, dstv, typv, keyA, keyB, srcA, srcB,
          rowsA, rowsB, zbuf, acc, sem):
        c = lax.axis_index("c")
        s = lax.axis_index("s")
        colbase = pl.multiple_of(c * 128, 128)

        z16 = jnp.zeros((16,), jnp.float32)

        def zrow(i, carry):
            for j in range(8):
                zbuf[i, pl.ds(j * 16, 16)] = z16
            return carry
        lax.fori_loop(0, 64, zrow, 0)

        for b in range(8):
            pltpu.sync_copy(zbuf, acc.at[pl.ds(s * 512 + b * 64, 64)])
        plsc.subcore_barrier()

        def chunk(j, carry):
            cid = s + j * 16

            @pl.when(cid < NCHUNK2)
            def _():
                base = cid * C2
                ld1 = pltpu.async_copy(src_hbm.at[pl.ds(base, C2)], srcv, sem)
                ld2 = pltpu.async_copy(dst_hbm.at[pl.ds(base, C2)], dstv, sem)
                ld3 = pltpu.async_copy(typ_hbm.at[pl.ds(base, C2)], typv, sem)
                ld1.wait()
                ld2.wait()
                ld3.wait()
                for i in range(8):
                    sl = pl.ds(i * 16, 16)
                    sh = pl.ds(128 + i * 16, 16)
                    keyA[sl] = typv[sl] * NUM_WKR + dstv[sl]
                    keyB[sl] = typv[sh] * NUM_WKR + dstv[sh]
                    srcA[sl] = srcv[sl]
                    srcB[sl] = srcv[sh]
                cpA = pltpu.async_copy(
                    t2_hbm.at[keyA, pl.ds(colbase, 128)], rowsA, sem)
                cpB = pltpu.async_copy(
                    t2_hbm.at[keyB, pl.ds(colbase, 128)], rowsB, sem)
                cpA.wait()
                cpB.wait()
                scA = pltpu.async_copy(rowsA, acc.at[srcA], sem, add=True)
                scB = pltpu.async_copy(rowsB, acc.at[srcB], sem, add=True)
                scA.wait()
                scB.wait()
            return carry
        lax.fori_loop(0, -(-NCHUNK2 // 16), chunk, 0)

        plsc.subcore_barrier()
        pltpu.sync_copy(acc.at[pl.ds(s * 512, 512)],
                        out_hbm.at[c, pl.ds(s * 512, 512)])

    return k(t2_flat, esrc, edst, etyp)



def kernel(labels, edge_src_task, edge_dst_wkr, edge_type,
           weight_worker, weight_task):
    esrc = edge_src_task.astype(jnp.int32)
    edst = edge_dst_wkr.astype(jnp.int32)
    etyp = edge_type.astype(jnp.int32)

    t1 = _tc_transform1(labels, weight_worker)
    abil_p, degw_p, degt_p = _sc_pass1(
        t1.reshape(NUM_RELS * NUM_TSK, DIM), esrc, edst, etyp)

    ability, t2 = _tc_normalize_transform2(
        abil_p, degw_p.reshape(2, WKR_PAD, 1), weight_task)

    q_p = _sc_pass2(t2.reshape(NUM_RELS * NUM_WKR, DIM), esrc, edst, etyp)
    new_labels = _tc_normalize(q_p, degt_p.reshape(2, DEGT_PAD, 1))
    return ability, new_labels

# --- scband reference (transcript-rebuilt; emitter-appended) ---
"""Pipeline reference for scband-mpnnlayer-1692217115209 (READ-ONLY COPY).

The authoritative reference and input builder live on the scoring server;
editing this copy changes nothing except your own understanding.
"""

import jax, jax.numpy as jnp
import numpy as np

NUM_WKR = 2000
NUM_TSK = 8000
NUM_RELS = 10
WKR_DIM = 256
TSK_DIM = 256
E = 160000


def setup_inputs(seed: int = 0) -> dict:
    key = jax.random.key(seed)
    k1, k2, k3, k4, k5, k6 = jax.random.split(key, 6)
    labels = jax.random.normal(k1, (NUM_TSK, TSK_DIM), dtype=jnp.float32)
    edge_src_task = jax.random.randint(k2, (E,), 0, NUM_TSK)
    edge_dst_wkr = jax.random.randint(k3, (E,), 0, NUM_WKR)
    edge_type = jax.random.randint(k4, (E,), 0, NUM_RELS)
    # xavier_uniform with relu gain, matching nn.init in the torch module
    gain = float(np.sqrt(2.0))
    a = gain * float(np.sqrt(6.0 / (TSK_DIM + WKR_DIM)))
    weight_worker = jax.random.uniform(k5, (NUM_RELS, TSK_DIM, WKR_DIM), minval=-a, maxval=a, dtype=jnp.float32)
    weight_task = jax.random.uniform(k6, (NUM_RELS, WKR_DIM, TSK_DIM), minval=-a, maxval=a, dtype=jnp.float32)
    return {
        "labels": labels,
        "edge_src_task": edge_src_task,
        "edge_dst_wkr": edge_dst_wkr,
        "edge_type": edge_type,
        "weight_worker": weight_worker,
        "weight_task": weight_task,
    }


def reference(labels, edge_src_task, edge_dst_wkr, edge_type, weight_worker, weight_task):
    # Phase 1: tasks -> workers. msg = (src.labels @ weight_worker[type]) / dst.deg
    # Pre-transform each task feature by every relation weight (mathematically
    # identical to per-edge matmul of gathered weights), then gather per edge.
    deg_wkr = jnp.maximum(jnp.bincount(edge_dst_wkr, length=NUM_WKR).astype(jnp.float32), 1.0)
    H_tsk = jnp.einsum('nd,rdw->nrw', labels, weight_worker)  # [NUM_TSK, R, WKR_DIM]
    msg1 = H_tsk[edge_src_task, edge_type] / deg_wkr[edge_dst_wkr][:, None]
    ability = jax.ops.segment_sum(msg1, edge_dst_wkr, num_segments=NUM_WKR)

    # Phase 2: workers -> tasks. msg = (src.ability @ weight_task[type]) / dst.deg
    deg_tsk = jnp.maximum(jnp.bincount(edge_src_task, length=NUM_TSK).astype(jnp.float32), 1.0)
    H_wkr = jnp.einsum('nw,rwt->nrt', ability, weight_task)  # [NUM_WKR, R, TSK_DIM]
    msg2 = H_wkr[edge_dst_wkr, edge_type] / deg_tsk[edge_src_task][:, None]
    new_labels = jax.ops.segment_sum(msg2, edge_src_task, num_segments=NUM_TSK)
    return (ability, new_labels)

if __name__ == "__main__":
    import jax
    _d = setup_inputs()
    print(jax.jit(kernel)(*tuple(_d.values())))

</pallas_src>

<mosaic_0001>
#map = affine_map<(d0, d1) -> (0, 0)>
#map1 = affine_map<(d0, d1) -> (0)>
#map2 = affine_map<(d0, d1) -> (0, 0, 0)>
module attributes {stable_mosaic.version = 14 : i64} {
  func.func @k(%arg0: i32, %arg1: i32, %arg2: memref<80000x256xf32, #tpu.memory_space<hbm>>, %arg3: memref<160000xi32, #tpu.memory_space<hbm>>, %arg4: memref<160000xi32, #tpu.memory_space<hbm>>, %arg5: memref<160000xi32, #tpu.memory_space<hbm>>, %arg6: memref<2x2048x256xf32, #tpu.memory_space<hbm>>, %arg7: memref<2x2048xf32, #tpu.memory_space<hbm>>, %arg8: memref<2x8192xf32, #tpu.memory_space<hbm>>, %arg9: memref<256xi32, #tpu.memory_space<vmem>>, %arg10: memref<256xi32, #tpu.memory_space<vmem>>, %arg11: memref<256xi32, #tpu.memory_space<vmem>>, %arg12: memref<128xi32, #tpu.memory_space<vmem>>, %arg13: memref<128xi32, #tpu.memory_space<vmem>>, %arg14: memref<128xi32, #tpu.memory_space<vmem>>, %arg15: memref<128xi32, #tpu.memory_space<vmem>>, %arg16: memref<128xi32, #tpu.memory_space<vmem>>, %arg17: memref<128xi32, #tpu.memory_space<vmem>>, %arg18: memref<128xf32, #tpu.memory_space<vmem>>, %arg19: memref<128x128xf32, #tpu.memory_space<vmem>>, %arg20: memref<128x128xf32, #tpu.memory_space<vmem>>, %arg21: memref<128x128xf32, #tpu.memory_space<vmem>>, %arg22: memref<128x128xf32, #tpu.memory_space<vmem>>, %arg23: memref<64x128xf32, #tpu.memory_space<vmem>>, %arg24: memref<2048x128xf32, #tpu.memory_space<vmem_shared>>, %arg25: memref<2048x128xf32, #tpu.memory_space<vmem_shared>>, %arg26: memref<2048xf32, #tpu.memory_space<vmem_shared>>, %arg27: memref<8192xf32, #tpu.memory_space<vmem_shared>>, %arg28: memref<!tpu.dma_semaphore, #tpu.memory_space<semaphore_mem>>) attributes {dimension_semantics = [#tpu.dimension_semantics<core_parallel>, #tpu.dimension_semantics<subcore_parallel>], iteration_bounds = array<i64: 2, 16>, scalar_prefetch = 0 : i64, scratch_operands = 20 : i64, tpu.core_type = #tpu.core_type<sc_vector_subcore>, window_params = [{transform_indices = #map}, {transform_indices = #map1}, {transform_indices = #map1}, {transform_indices = #map1}, {transform_indices = #map2}, {transform_indices = #map}, {transform_indices = #map}]} {
    %mul3A = arith.constant 16 : i32
    %mul3A_0 = arith.muli %arg0, %mul3A : i32
    %add3A = arith.addi %mul3A_0, %arg1 : i32
    %broadcast_in_dim3A = arith.constant 0.000000e+00 : f32
    %broadcast_in_dim3A_1 = vector.broadcast %broadcast_in_dim3A : f32 to vector<16xf32>
    %broadcast_in_dim3A_2 = arith.constant 1.000000e+00 : f32
    %broadcast_in_dim3A_3 = vector.broadcast %broadcast_in_dim3A_2 : f32 to vector<16xf32>
    %scan3A = arith.constant 0 : i32
    %scan3A_4 = arith.constant 0 : i32
    %scan3A_5 = arith.constant 64 : i32
    %scan3A_6 = arith.addi %scan3A_4, %scan3A_5 : i32
    %scan3A_7 = arith.constant 1 : i32
    scf.for %scan3A_97 = %scan3A_4 to %scan3A_6 step %scan3A_7  : i32 {
      %swap3A_98 = arith.index_cast %scan3A_97 : i32 to index
      %swap3A_99 = arith.constant 0 : index
      %swap3A_100 = tpu.vector_load %arg23[%swap3A_98, %swap3A_99] {strides = array<i32>} : memref<64x128xf32, #tpu.memory_space<vmem>>, vector<1x16xf32>,
      %swap3A_101 = vector.shape_cast %swap3A_100 : vector<1x16xf32> to vector<16xf32>
      %swap3A_102 = vector.shape_cast %broadcast_in_dim3A_1 : vector<16xf32> to vector<1x16xf32>
      tpu.vector_store %arg23[%swap3A_98, %swap3A_99], %swap3A_102 {strides = array<i32>} : memref<64x128xf32, #tpu.memory_space<vmem>>, vector<1x16xf32>,
      %swap3A_103 = arith.index_cast %scan3A_97 : i32 to index
      %swap3A_104 = arith.constant 16 : index
      %swap3A_105 = tpu.vector_load %arg23[%swap3A_103, %swap3A_104] {strides = array<i32>} : memref<64x128xf32, #tpu.memory_space<vmem>>, vector<1x16xf32>,
      %swap3A_106 = vector.shape_cast %swap3A_105 : vector<1x16xf32> to vector<16xf32>
      %swap3A_107 = vector.shape_cast %broadcast_in_dim3A_1 : vector<16xf32> to vector<1x16xf32>
      tpu.vector_store %arg23[%swap3A_103, %swap3A_104], %swap3A_107 {strides = array<i32>} : memref<64x128xf32, #tpu.memory_space<vmem>>, vector<1x16xf32>,
      %swap3A_108 = arith.index_cast %scan3A_97 : i32 to index
      %swap3A_109 = arith.constant 32 : index
      %swap3A_110 = tpu.vector_load %arg23[%swap3A_108, %swap3A_109] {strides = array<i32>} : memref<64x128xf32, #tpu.memory_space<vmem>>, vector<1x16xf32>,
      %swap3A_111 = vector.shape_cast %swap3A_110 : vector<1x16xf32> to vector<16xf32>
      %swap3A_112 = vector.shape_cast %broadcast_in_dim3A_1 : vector<16xf32> to vector<1x16xf32>
      tpu.vector_store %arg23[%swap3A_108, %swap3A_109], %swap3A_112 {strides = array<i32>} : memref<64x128xf32, #tpu.memory_space<vmem>>, vector<1x16xf32>,
      %swap3A_113 = arith.index_cast %scan3A_97 : i32 to index
      %swap3A_114 = arith.constant 48 : index
      %swap3A_115 = tpu.vector_load %arg23[%swap3A_113, %swap3A_114] {strides = array<i32>} : memref<64x128xf32, #tpu.memory_space<vmem>>, vector<1x16xf32>,
      %swap3A_116 = vector.shape_cast %swap3A_115 : vector<1x16xf32> to vector<16xf32>
      %swap3A_117 = vector.shape_cast %broadcast_in_dim3A_1 : vector<16xf32> to vector<1x16xf32>
      tpu.vector_store %arg23[%swap3A_113, %swap3A_114], %swap3A_117 {strides = array<i32>} : memref<64x128xf32, #tpu.memory_space<vmem>>, vector<1x16xf32>,
      %swap3A_118 = arith.index_cast %scan3A_97 : i32 to index
      %swap3A_119 = arith.constant 64 : index
      %swap3A_120 = tpu.vector_load %arg23[%swap3A_118, %swap3A_119] {strides = array<i32>} : memref<64x128xf32, #tpu.memory_space<vmem>>, vector<1x16xf32>,
      %swap3A_121 = vector.shape_cast %swap3A_120 : vector<1x16xf32> to vector<16xf32>
      %swap3A_122 = vector.shape_cast %broadcast_in_dim3A_1 : vector<16xf32> to vector<1x16xf32>
      tpu.vector_store %arg23[%swap3A_118, %swap3A_119], %swap3A_122 {strides = array<i32>} : memref<64x128xf32, #tpu.memory_space<vmem>>, vector<1x16xf32>,
      %swap3A_123 = arith.index_cast %scan3A_97 : i32 to index
      %swap3A_124 = arith.constant 80 : index
      %swap3A_125 = tpu.vector_load %arg23[%swap3A_123, %swap3A_124] {strides = array<i32>} : memref<64x128xf32, #tpu.memory_space<vmem>>, vector<1x16xf32>,
      %swap3A_126 = vector.shape_cast %swap3A_125 : vector<1x16xf32> to vector<16xf32>
      %swap3A_127 = vector.shape_cast %broadcast_in_dim3A_1 : vector<16xf32> to vector<1x16xf32>
      tpu.vector_store %arg23[%swap3A_123, %swap3A_124], %swap3A_127 {strides = array<i32>} : memref<64x128xf32, #tpu.memory_space<vmem>>, vector<1x16xf32>,
      %swap3A_128 = arith.index_cast %scan3A_97 : i32 to index
      %swap3A_129 = arith.constant 96 : index
      %swap3A_130 = tpu.vector_load %arg23[%swap3A_128, %swap3A_129] {strides = array<i32>} : memref<64x128xf32, #tpu.memory_space<vmem>>, vector<1x16xf32>,
      %swap3A_131 = vector.shape_cast %swap3A_130 : vector<1x16xf32> to vector<16xf32>
      %swap3A_132 = vector.shape_cast %broadcast_in_dim3A_1 : vector<16xf32> to vector<1x16xf32>
      tpu.vector_store %arg23[%swap3A_128, %swap3A_129], %swap3A_132 {strides = array<i32>} : memref<64x128xf32, #tpu.memory_space<vmem>>, vector<1x16xf32>,
      %swap3A_133 = arith.index_cast %scan3A_97 : i32 to index
      %swap3A_134 = arith.constant 112 : index
      %swap3A_135 = tpu.vector_load %arg23[%swap3A_133, %swap3A_134] {strides = array<i32>} : memref<64x128xf32, #tpu.memory_space<vmem>>, vector<1x16xf32>,
      %swap3A_136 = vector.shape_cast %swap3A_135 : vector<1x16xf32> to vector<16xf32>
      %swap3A_137 = vector.shape_cast %broadcast_in_dim3A_1 : vector<16xf32> to vector<1x16xf32>
      tpu.vector_store %arg23[%swap3A_133, %swap3A_134], %swap3A_137 {strides = array<i32>} : memref<64x128xf32, #tpu.memory_space<vmem>>, vector<1x16xf32>,
    }
    %scan3A_8 = arith.constant 64 : i32
    %swap3A = arith.constant 0 : index
    %swap3A_9 = tpu.vector_load %arg18[%swap3A] {strides = array<i32>} : memref<128xf32, #tpu.memory_space<vmem>>, vector<16xf32>,
    %swap3A_10 = vector.shape_cast %swap3A_9 : vector<16xf32> to vector<16xf32>
    %swap3A_11 = vector.shape_cast %broadcast_in_dim3A_3 : vector<16xf32> to vector<16xf32>
    tpu.vector_store %arg18[%swap3A], %swap3A_11 {strides = array<i32>} : memref<128xf32, #tpu.memory_space<vmem>>, vector<16xf32>,
    %swap3A_12 = arith.constant 16 : index
    %swap3A_13 = tpu.vector_load %arg18[%swap3A_12] {strides = array<i32>} : memref<128xf32, #tpu.memory_space<vmem>>, vector<16xf32>,
    %swap3A_14 = vector.shape_cast %swap3A_13 : vector<16xf32> to vector<16xf32>
    %swap3A_15 = vector.shape_cast %broadcast_in_dim3A_3 : vector<16xf32> to vector<16xf32>
    tpu.vector_store %arg18[%swap3A_12], %swap3A_15 {strides = array<i32>} : memref<128xf32, #tpu.memory_space<vmem>>, vector<16xf32>,
    %swap3A_16 = arith.constant 32 : index
    %swap3A_17 = tpu.vector_load %arg18[%swap3A_16] {strides = array<i32>} : memref<128xf32, #tpu.memory_space<vmem>>, vector<16xf32>,
    %swap3A_18 = vector.shape_cast %swap3A_17 : vector<16xf32> to vector<16xf32>
    %swap3A_19 = vector.shape_cast %broadcast_in_dim3A_3 : vector<16xf32> to vector<16xf32>
    tpu.vector_store %arg18[%swap3A_16], %swap3A_19 {strides = array<i32>} : memref<128xf32, #tpu.memory_space<vmem>>, vector<16xf32>,
    %swap3A_20 = arith.constant 48 : index
    %swap3A_21 = tpu.vector_load %arg18[%swap3A_20] {strides = array<i32>} : memref<128xf32, #tpu.memory_space<vmem>>, vector<16xf32>,
    %swap3A_22 = vector.shape_cast %swap3A_21 : vector<16xf32> to vector<16xf32>
    %swap3A_23 = vector.shape_cast %broadcast_in_dim3A_3 : vector<16xf32> to vector<16xf32>
    tpu.vector_store %arg18[%swap3A_20], %swap3A_23 {strides = array<i32>} : memref<128xf32, #tpu.memory_space<vmem>>, vector<16xf32>,
    %swap3A_24 = arith.constant 64 : index
    %swap3A_25 = tpu.vector_load %arg18[%swap3A_24] {strides = array<i32>} : memref<128xf32, #tpu.memory_space<vmem>>, vector<16xf32>,
    %swap3A_26 = vector.shape_cast %swap3A_25 : vector<16xf32> to vector<16xf32>
    %swap3A_27 = vector.shape_cast %broadcast_in_dim3A_3 : vector<16xf32> to vector<16xf32>
    tpu.vector_store %arg18[%swap3A_24], %swap3A_27 {strides = array<i32>} : memref<128xf32, #tpu.memory_space<vmem>>, vector<16xf32>,
    %swap3A_28 = arith.constant 80 : index
    %swap3A_29 = tpu.vector_load %arg18[%swap3A_28] {strides = array<i32>} : memref<128xf32, #tpu.memory_space<vmem>>, vector<16xf32>,
    %swap3A_30 = vector.shape_cast %swap3A_29 : vector<16xf32> to vector<16xf32>
    %swap3A_31 = vector.shape_cast %broadcast_in_dim3A_3 : vector<16xf32> to vector<16xf32>
    tpu.vector_store %arg18[%swap3A_28], %swap3A_31 {strides = array<i32>} : memref<128xf32, #tpu.memory_space<vmem>>, vector<16xf32>,
    %swap3A_32 = arith.constant 96 : index
    %swap3A_33 = tpu.vector_load %arg18[%swap3A_32] {strides = array<i32>} : memref<128xf32, #tpu.memory_space<vmem>>, vector<16xf32>,
    %swap3A_34 = vector.shape_cast %swap3A_33 : vector<16xf32> to vector<16xf32>
    %swap3A_35 = vector.shape_cast %broadcast_in_dim3A_3 : vector<16xf32> to vector<16xf32>
    tpu.vector_store %arg18[%swap3A_32], %swap3A_35 {strides = array<i32>} : memref<128xf32, #tpu.memory_space<vmem>>, vector<16xf32>,
    %swap3A_36 = arith.constant 112 : index
    %swap3A_37 = tpu.vector_load %arg18[%swap3A_36] {strides = array<i32>} : memref<128xf32, #tpu.memory_space<vmem>>, vector<16xf32>,
    %swap3A_38 = vector.shape_cast %swap3A_37 : vector<16xf32> to vector<16xf32>
    %swap3A_39 = vector.shape_cast %broadcast_in_dim3A_3 : vector<16xf32> to vector<16xf32>
    tpu.vector_store %arg18[%swap3A_36], %swap3A_39 {strides = array<i32>} : memref<128xf32, #tpu.memory_space<vmem>>, vector<16xf32>,
    %mul3A_40 = arith.constant 128 : i32
    %mul3A_41 = arith.muli %arg1, %mul3A_40 : i32
    "tpu.region"() ({
      %run_scoped3A_97 = tpu.sem_alloc : memref<!tpu.dma_semaphore, #tpu.memory_space<semaphore_mem>>
      %dma_start3A = arith.constant 0 : i32
      %dma_start3A_98 = tpu.memref_slice %arg24[%mul3A_41, %dma_start3A] : memref<2048x128xf32, #tpu.memory_space<vmem_shared>> -> memref<64x128xf32, #tpu.memory_space<vmem_shared>>
      %dma_start3A_99 = arith.constant 0 : i32
      %dma_start3A_100 = tpu.memref_slice %arg24[%mul3A_41, %dma_start3A_99] : memref<2048x128xf32, #tpu.memory_space<vmem_shared>> -> memref<64x128xf32, #tpu.memory_space<vmem_shared>>
      tpu.enqueue_dma source(%arg23 : memref<64x128xf32, #tpu.memory_space<vmem>>) target(%dma_start3A_100 : memref<64x128xf32, #tpu.memory_space<vmem_shared>>) target_semaphore(%run_scoped3A_97 : memref<!tpu.dma_semaphore, #tpu.memory_space<semaphore_mem>>)
      %dma_wait3A = arith.constant 0 : i32
      %dma_wait3A_101 = tpu.memref_slice %arg24[%mul3A_41, %dma_wait3A] : memref<2048x128xf32, #tpu.memory_space<vmem_shared>> -> memref<64x128xf32, #tpu.memory_space<vmem_shared>>
      %dma_wait3A_102 = arith.constant 0 : i32
      %dma_wait3A_103 = tpu.memref_slice %arg24[%mul3A_41, %dma_wait3A_102] : memref<2048x128xf32, #tpu.memory_space<vmem_shared>> -> memref<64x128xf32, #tpu.memory_space<vmem_shared>>
      tpu.wait_dma2 semaphore(%run_scoped3A_97 : memref<!tpu.dma_semaphore, #tpu.memory_space<semaphore_mem>>) src(%arg23 : memref<64x128xf32, #tpu.memory_space<vmem>>) dst(%dma_wait3A_103 : memref<64x128xf32, #tpu.memory_space<vmem_shared>>)
      tpu.yield
    }) : () -> ()
    %mul3A_42 = arith.constant 128 : i32
    %mul3A_43 = arith.muli %arg1, %mul3A_42 : i32
    %add3A_44 = arith.constant 64 : i32
    %add3A_45 = arith.addi %mul3A_43, %add3A_44 : i32
    "tpu.region"() ({
      %run_scoped3A_97 = tpu.sem_alloc : memref<!tpu.dma_semaphore, #tpu.memory_space<semaphore_mem>>
      %dma_start3A = arith.constant 0 : i32
      %dma_start3A_98 = tpu.memref_slice %arg24[%add3A_45, %dma_start3A] : memref<2048x128xf32, #tpu.memory_space<vmem_shared>> -> memref<64x128xf32, #tpu.memory_space<vmem_shared>>
      %dma_start3A_99 = arith.constant 0 : i32
      %dma_start3A_100 = tpu.memref_slice %arg24[%add3A_45, %dma_start3A_99] : memref<2048x128xf32, #tpu.memory_space<vmem_shared>> -> memref<64x128xf32, #tpu.memory_space<vmem_shared>>
      tpu.enqueue_dma source(%arg23 : memref<64x128xf32, #tpu.memory_space<vmem>>) target(%dma_start3A_100 : memref<64x128xf32, #tpu.memory_space<vmem_shared>>) target_semaphore(%run_scoped3A_97 : memref<!tpu.dma_semaphore, #tpu.memory_space<semaphore_mem>>)
      %dma_wait3A = arith.constant 0 : i32
      %dma_wait3A_101 = tpu.memref_slice %arg24[%add3A_45, %dma_wait3A] : memref<2048x128xf32, #tpu.memory_space<vmem_shared>> -> memref<64x128xf32, #tpu.memory_space<vmem_shared>>
      %dma_wait3A_102 = arith.constant 0 : i32
      %dma_wait3A_103 = tpu.memref_slice %arg24[%add3A_45, %dma_wait3A_102] : memref<2048x128xf32, #tpu.memory_space<vmem_shared>> -> memref<64x128xf32, #tpu.memory_space<vmem_shared>>
      tpu.wait_dma2 semaphore(%run_scoped3A_97 : memref<!tpu.dma_semaphore, #tpu.memory_space<semaphore_mem>>) src(%arg23 : memref<64x128xf32, #tpu.memory_space<vmem>>) dst(%dma_wait3A_103 : memref<64x128xf32, #tpu.memory_space<vmem_shared>>)
      tpu.yield
    }) : () -> ()
    %mul3A_46 = arith.constant 128 : i32
    %mul3A_47 = arith.muli %arg1, %mul3A_46 : i32
    "tpu.region"() ({
      %run_scoped3A_97 = tpu.sem_alloc : memref<!tpu.dma_semaphore, #tpu.memory_space<semaphore_mem>>
      %dma_start3A = arith.constant 0 : i32
      %dma_start3A_98 = tpu.memref_slice %arg25[%mul3A_47, %dma_start3A] : memref<2048x128xf32, #tpu.memory_space<vmem_shared>> -> memref<64x128xf32, #tpu.memory_space<vmem_shared>>
      %dma_start3A_99 = arith.constant 0 : i32
      %dma_start3A_100 = tpu.memref_slice %arg25[%mul3A_47, %dma_start3A_99] : memref<2048x128xf32, #tpu.memory_space<vmem_shared>> -> memref<64x128xf32, #tpu.memory_space<vmem_shared>>
      tpu.enqueue_dma source(%arg23 : memref<64x128xf32, #tpu.memory_space<vmem>>) target(%dma_start3A_100 : memref<64x128xf32, #tpu.memory_space<vmem_shared>>) target_semaphore(%run_scoped3A_97 : memref<!tpu.dma_semaphore, #tpu.memory_space<semaphore_mem>>)
      %dma_wait3A = arith.constant 0 : i32
      %dma_wait3A_101 = tpu.memref_slice %arg25[%mul3A_47, %dma_wait3A] : memref<2048x128xf32, #tpu.memory_space<vmem_shared>> -> memref<64x128xf32, #tpu.memory_space<vmem_shared>>
      %dma_wait3A_102 = arith.constant 0 : i32
      %dma_wait3A_103 = tpu.memref_slice %arg25[%mul3A_47, %dma_wait3A_102] : memref<2048x128xf32, #tpu.memory_space<vmem_shared>> -> memref<64x128xf32, #tpu.memory_space<vmem_shared>>
      tpu.wait_dma2 semaphore(%run_scoped3A_97 : memref<!tpu.dma_semaphore, #tpu.memory_space<semaphore_mem>>) src(%arg23 : memref<64x128xf32, #tpu.memory_space<vmem>>) dst(%dma_wait3A_103 : memref<64x128xf32, #tpu.memory_space<vmem_shared>>)
      tpu.yield
    }) : () -> ()
    %mul3A_48 = arith.constant 128 : i32
    %mul3A_49 = arith.muli %arg1, %mul3A_48 : i32
    %add3A_50 = arith.constant 64 : i32
    %add3A_51 = arith.addi %mul3A_49, %add3A_50 : i32
    "tpu.region"() ({
      %run_scoped3A_97 = tpu.sem_alloc : memref<!tpu.dma_semaphore, #tpu.memory_space<semaphore_mem>>
      %dma_start3A = arith.constant 0 : i32
      %dma_start3A_98 = tpu.memref_slice %arg25[%add3A_51, %dma_start3A] : memref<2048x128xf32, #tpu.memory_space<vmem_shared>> -> memref<64x128xf32, #tpu.memory_space<vmem_shared>>
      %dma_start3A_99 = arith.constant 0 : i32
      %dma_start3A_100 = tpu.memref_slice %arg25[%add3A_51, %dma_start3A_99] : memref<2048x128xf32, #tpu.memory_space<vmem_shared>> -> memref<64x128xf32, #tpu.memory_space<vmem_shared>>
      tpu.enqueue_dma source(%arg23 : memref<64x128xf32, #tpu.memory_space<vmem>>) target(%dma_start3A_100 : memref<64x128xf32, #tpu.memory_space<vmem_shared>>) target_semaphore(%run_scoped3A_97 : memref<!tpu.dma_semaphore, #tpu.memory_space<semaphore_mem>>)
      %dma_wait3A = arith.constant 0 : i32
      %dma_wait3A_101 = tpu.memref_slice %arg25[%add3A_51, %dma_wait3A] : memref<2048x128xf32, #tpu.memory_space<vmem_shared>> -> memref<64x128xf32, #tpu.memory_space<vmem_shared>>
      %dma_wait3A_102 = arith.constant 0 : i32
      %dma_wait3A_103 = tpu.memref_slice %arg25[%add3A_51, %dma_wait3A_102] : memref<2048x128xf32, #tpu.memory_space<vmem_shared>> -> memref<64x128xf32, #tpu.memory_space<vmem_shared>>
      tpu.wait_dma2 semaphore(%run_scoped3A_97 : memref<!tpu.dma_semaphore, #tpu.memory_space<semaphore_mem>>) src(%arg23 : memref<64x128xf32, #tpu.memory_space<vmem>>) dst(%dma_wait3A_103 : memref<64x128xf32, #tpu.memory_space<vmem_shared>>)
      tpu.yield
    }) : () -> ()
    %mul3A_52 = arith.constant 128 : i32
    %mul3A_53 = arith.muli %arg1, %mul3A_52 : i32
    %run_scoped3A = arith.constant 0 : i32
    "tpu.region"() ({
      %run_scoped3A_97 = tpu.sem_alloc : memref<!tpu.dma_semaphore, #tpu.memory_space<semaphore_mem>>
      %dma_start3A = arith.constant 0 : i32
      %dma_start3A_98 = tpu.memref_slice %arg23[%run_scoped3A, %dma_start3A] : memref<64x128xf32, #tpu.memory_space<vmem>> -> memref<1x128xf32, #tpu.memory_space<vmem>>
      %dma_start3A_99 = tpu.memref_squeeze %dma_start3A_98 : memref<1x128xf32, #tpu.memory_space<vmem>> -> memref<128xf32, #tpu.memory_space<vmem>>
      %dma_start3A_100 = tpu.memref_slice %arg26[%mul3A_53] : memref<2048xf32, #tpu.memory_space<vmem_shared>> -> memref<128xf32, #tpu.memory_space<vmem_shared>>
      %dma_start3A_101 = tpu.memref_slice %arg26[%mul3A_53] : memref<2048xf32, #tpu.memory_space<vmem_shared>> -> memref<128xf32, #tpu.memory_space<vmem_shared>>
      %dma_start3A_102 = arith.constant 0 : i32
      %dma_start3A_103 = tpu.memref_slice %arg23[%run_scoped3A, %dma_start3A_102] : memref<64x128xf32, #tpu.memory_space<vmem>> -> memref<1x128xf32, #tpu.memory_space<vmem>>
      %dma_start3A_104 = tpu.memref_squeeze %dma_start3A_103 : memref<1x128xf32, #tpu.memory_space<vmem>> -> memref<128xf32, #tpu.memory_space<vmem>>
      tpu.enqueue_dma source(%dma_start3A_104 : memref<128xf32, #tpu.memory_space<vmem>>) target(%dma_start3A_101 : memref<128xf32, #tpu.memory_space<vmem_shared>>) target_semaphore(%run_scoped3A_97 : memref<!tpu.dma_semaphore, #tpu.memory_space<semaphore_mem>>)
      %dma_wait3A = arith.constant 0 : i32
      %dma_wait3A_105 = tpu.memref_slice %arg23[%run_scoped3A, %dma_wait3A] : memref<64x128xf32, #tpu.memory_space<vmem>> -> memref<1x128xf32, #tpu.memory_space<vmem>>
      %dma_wait3A_106 = tpu.memref_squeeze %dma_wait3A_105 : memref<1x128xf32, #tpu.memory_space<vmem>> -> memref<128xf32, #tpu.memory_space<vmem>>
      %dma_wait3A_107 = tpu.memref_slice %arg26[%mul3A_53] : memref<2048xf32, #tpu.memory_space<vmem_shared>> -> memref<128xf32, #tpu.memory_space<vmem_shared>>
      %dma_wait3A_108 = tpu.memref_slice %arg26[%mul3A_53] : memref<2048xf32, #tpu.memory_space<vmem_shared>> -> memref<128xf32, #tpu.memory_space<vmem_shared>>
      %dma_wait3A_109 = arith.constant 0 : i32
      %dma_wait3A_110 = tpu.memref_slice %arg23[%run_scoped3A, %dma_wait3A_109] : memref<64x128xf32, #tpu.memory_space<vmem>> -> memref<1x128xf32, #tpu.memory_space<vmem>>
      %dma_wait3A_111 = tpu.memref_squeeze %dma_wait3A_110 : memref<1x128xf32, #tpu.memory_space<vmem>> -> memref<128xf32, #tpu.memory_space<vmem>>
      tpu.wait_dma2 semaphore(%run_scoped3A_97 : memref<!tpu.dma_semaphore, #tpu.memory_space<semaphore_mem>>) src(%dma_wait3A_111 : memref<128xf32, #tpu.memory_space<vmem>>) dst(%dma_wait3A_108 : memref<128xf32, #tpu.memory_space<vmem_shared>>)
      tpu.yield
    }) : () -> ()
    %mul3A_54 = arith.constant 512 : i32
    %mul3A_55 = arith.muli %arg1, %mul3A_54 : i32
    %add3A_56 = arith.constant 0 : i32
    %add3A_57 = arith.addi %mul3A_55, %add3A_56 : i32
    %run_scoped3A_58 = arith.constant 0 : i32
    "tpu.region"() ({
      %run_scoped3A_97 = tpu.sem_alloc : memref<!tpu.dma_semaphore, #tpu.memory_space<semaphore_mem>>
      %dma_start3A = arith.constant 0 : i32
      %dma_start3A_98 = tpu.memref_slice %arg23[%run_scoped3A_58, %dma_start3A] : memref<64x128xf32, #tpu.memory_space<vmem>> -> memref<1x128xf32, #tpu.memory_space<vmem>>
      %dma_start3A_99 = tpu.memref_squeeze %dma_start3A_98 : memref<1x128xf32, #tpu.memory_space<vmem>> -> memref<128xf32, #tpu.memory_space<vmem>>
      %dma_start3A_100 = tpu.memref_slice %arg27[%add3A_57] : memref<8192xf32, #tpu.memory_space<vmem_shared>> -> memref<128xf32, #tpu.memory_space<vmem_shared>>
      %dma_start3A_101 = tpu.memref_slice %arg27[%add3A_57] : memref<8192xf32, #tpu.memory_space<vmem_shared>> -> memref<128xf32, #tpu.memory_space<vmem_shared>>
      %dma_start3A_102 = arith.constant 0 : i32
      %dma_start3A_103 = tpu.memref_slice %arg23[%run_scoped3A_58, %dma_start3A_102] : memref<64x128xf32, #tpu.memory_space<vmem>> -> memref<1x128xf32, #tpu.memory_space<vmem>>
      %dma_start3A_104 = tpu.memref_squeeze %dma_start3A_103 : memref<1x128xf32, #tpu.memory_space<vmem>> -> memref<128xf32, #tpu.memory_space<vmem>>
      tpu.enqueue_dma source(%dma_start3A_104 : memref<128xf32, #tpu.memory_space<vmem>>) target(%dma_start3A_101 : memref<128xf32, #tpu.memory_space<vmem_shared>>) target_semaphore(%run_scoped3A_97 : memref<!tpu.dma_semaphore, #tpu.memory_space<semaphore_mem>>)
      %dma_wait3A = arith.constant 0 : i32
      %dma_wait3A_105 = tpu.memref_slice %arg23[%run_scoped3A_58, %dma_wait3A] : memref<64x128xf32, #tpu.memory_space<vmem>> -> memref<1x128xf32, #tpu.memory_space<vmem>>
      %dma_wait3A_106 = tpu.memref_squeeze %dma_wait3A_105 : memref<1x128xf32, #tpu.memory_space<vmem>> -> memref<128xf32, #tpu.memory_space<vmem>>
      %dma_wait3A_107 = tpu.memref_slice %arg27[%add3A_57] : memref<8192xf32, #tpu.memory_space<vmem_shared>> -> memref<128xf32, #tpu.memory_space<vmem_shared>>
      %dma_wait3A_108 = tpu.memref_slice %arg27[%add3A_57] : memref<8192xf32, #tpu.memory_space<vmem_shared>> -> memref<128xf32, #tpu.memory_space<vmem_shared>>
      %dma_wait3A_109 = arith.constant 0 : i32
      %dma_wait3A_110 = tpu.memref_slice %arg23[%run_scoped3A_58, %dma_wait3A_109] : memref<64x128xf32, #tpu.memory_space<vmem>> -> memref<1x128xf32, #tpu.memory_space<vmem>>
      %dma_wait3A_111 = tpu.memref_squeeze %dma_wait3A_110 : memref<1x128xf32, #tpu.memory_space<vmem>> -> memref<128xf32, #tpu.memory_space<vmem>>
      tpu.wait_dma2 semaphore(%run_scoped3A_97 : memref<!tpu.dma_semaphore, #tpu.memory_space<semaphore_mem>>) src(%dma_wait3A_111 : memref<128xf32, #tpu.memory_space<vmem>>) dst(%dma_wait3A_108 : memref<128xf32, #tpu.memory_space<vmem_shared>>)
      tpu.yield
    }) : () -> ()
    %mul3A_59 = arith.constant 512 : i32
    %mul3A_60 = arith.muli %arg1, %mul3A_59 : i32
    %add3A_61 = arith.constant 128 : i32
    %add3A_62 = arith.addi %mul3A_60, %add3A_61 : i32
    %run_scoped3A_63 = arith.constant 1 : i32
    "tpu.region"() ({
      %run_scoped3A_97 = tpu.sem_alloc : memref<!tpu.dma_semaphore, #tpu.memory_space<semaphore_mem>>
      %dma_start3A = arith.constant 0 : i32
      %dma_start3A_98 = tpu.memref_slice %arg23[%run_scoped3A_63, %dma_start3A] : memref<64x128xf32, #tpu.memory_space<vmem>> -> memref<1x128xf32, #tpu.memory_space<vmem>>
      %dma_start3A_99 = tpu.memref_squeeze %dma_start3A_98 : memref<1x128xf32, #tpu.memory_space<vmem>> -> memref<128xf32, #tpu.memory_space<vmem>>
      %dma_start3A_100 = tpu.memref_slice %arg27[%add3A_62] : memref<8192xf32, #tpu.memory_space<vmem_shared>> -> memref<128xf32, #tpu.memory_space<vmem_shared>>
      %dma_start3A_101 = tpu.memref_slice %arg27[%add3A_62] : memref<8192xf32, #tpu.memory_space<vmem_shared>> -> memref<128xf32, #tpu.memory_space<vmem_shared>>
      %dma_start3A_102 = arith.constant 0 : i32
      %dma_start3A_103 = tpu.memref_slice %arg23[%run_scoped3A_63, %dma_start3A_102] : memref<64x128xf32, #tpu.memory_space<vmem>> -> memref<1x128xf32, #tpu.memory_space<vmem>>
      %dma_start3A_104 = tpu.memref_squeeze %dma_start3A_103 : memref<1x128xf32, #tpu.memory_space<vmem>> -> memref<128xf32, #tpu.memory_space<vmem>>
      tpu.enqueue_dma source(%dma_start3A_104 : memref<128xf32, #tpu.memory_space<vmem>>) target(%dma_start3A_101 : memref<128xf32, #tpu.memory_space<vmem_shared>>) target_semaphore(%run_scoped3A_97 : memref<!tpu.dma_semaphore, #tpu.memory_space<semaphore_mem>>)
      %dma_wait3A = arith.constant 0 : i32
      %dma_wait3A_105 = tpu.memref_slice %arg23[%run_scoped3A_63, %dma_wait3A] : memref<64x128xf32, #tpu.memory_space<vmem>> -> memref<1x128xf32, #tpu.memory_space<vmem>>
      %dma_wait3A_106 = tpu.memref_squeeze %dma_wait3A_105 : memref<1x128xf32, #tpu.memory_space<vmem>> -> memref<128xf32, #tpu.memory_space<vmem>>
      %dma_wait3A_107 = tpu.memref_slice %arg27[%add3A_62] : memref<8192xf32, #tpu.memory_space<vmem_shared>> -> memref<128xf32, #tpu.memory_space<vmem_shared>>
      %dma_wait3A_108 = tpu.memref_slice %arg27[%add3A_62] : memref<8192xf32, #tpu.memory_space<vmem_shared>> -> memref<128xf32, #tpu.memory_space<vmem_shared>>
      %dma_wait3A_109 = arith.constant 0 : i32
      %dma_wait3A_110 = tpu.memref_slice %arg23[%run_scoped3A_63, %dma_wait3A_109] : memref<64x128xf32, #tpu.memory_space<vmem>> -> memref<1x128xf32, #tpu.memory_space<vmem>>
      %dma_wait3A_111 = tpu.memref_squeeze %dma_wait3A_110 : memref<1x128xf32, #tpu.memory_space<vmem>> -> memref<128xf32, #tpu.memory_space<vmem>>
      tpu.wait_dma2 semaphore(%run_scoped3A_97 : memref<!tpu.dma_semaphore, #tpu.memory_space<semaphore_mem>>) src(%dma_wait3A_111 : memref<128xf32, #tpu.memory_space<vmem>>) dst(%dma_wait3A_108 : memref<128xf32, #tpu.memory_space<vmem_shared>>)
      tpu.yield
    }) : () -> ()
    %mul3A_64 = arith.constant 512 : i32
    %mul3A_65 = arith.muli %arg1, %mul3A_64 : i32
    %add3A_66 = arith.constant 256 : i32
    %add3A_67 = arith.addi %mul3A_65, %add3A_66 : i32
    %run_scoped3A_68 = arith.constant 2 : i32
    "tpu.region"() ({
      %run_scoped3A_97 = tpu.sem_alloc : memref<!tpu.dma_semaphore, #tpu.memory_space<semaphore_mem>>
      %dma_start3A = arith.constant 0 : i32
      %dma_start3A_98 = tpu.memref_slice %arg23[%run_scoped3A_68, %dma_start3A] : memref<64x128xf32, #tpu.memory_space<vmem>> -> memref<1x128xf32, #tpu.memory_space<vmem>>
      %dma_start3A_99 = tpu.memref_squeeze %dma_start3A_98 : memref<1x128xf32, #tpu.memory_space<vmem>> -> memref<128xf32, #tpu.memory_space<vmem>>
      %dma_start3A_100 = tpu.memref_slice %arg27[%add3A_67] : memref<8192xf32, #tpu.memory_space<vmem_shared>> -> memref<128xf32, #tpu.memory_space<vmem_shared>>
      %dma_start3A_101 = tpu.memref_slice %arg27[%add3A_67] : memref<8192xf32, #tpu.memory_space<vmem_shared>> -> memref<128xf32, #tpu.memory_space<vmem_shared>>
      %dma_start3A_102 = arith.constant 0 : i32
      %dma_start3A_103 = tpu.memref_slice %arg23[%run_scoped3A_68, %dma_start3A_102] : memref<64x128xf32, #tpu.memory_space<vmem>> -> memref<1x128xf32, #tpu.memory_space<vmem>>
      %dma_start3A_104 = tpu.memref_squeeze %dma_start3A_103 : memref<1x128xf32, #tpu.memory_space<vmem>> -> memref<128xf32, #tpu.memory_space<vmem>>
      tpu.enqueue_dma source(%dma_start3A_104 : memref<128xf32, #tpu.memory_space<vmem>>) target(%dma_start3A_101 : memref<128xf32, #tpu.memory_space<vmem_shared>>) target_semaphore(%run_scoped3A_97 : memref<!tpu.dma_semaphore, #tpu.memory_space<semaphore_mem>>)
      %dma_wait3A = arith.constant 0 : i32
      %dma_wait3A_105 = tpu.memref_slice %arg23[%run_scoped3A_68, %dma_wait3A] : memref<64x128xf32, #tpu.memory_space<vmem>> -> memref<1x128xf32, #tpu.memory_space<vmem>>
      %dma_wait3A_106 = tpu.memref_squeeze %dma_wait3A_105 : memref<1x128xf32, #tpu.memory_space<vmem>> -> memref<128xf32, #tpu.memory_space<vmem>>
      %dma_wait3A_107 = tpu.memref_slice %arg27[%add3A_67] : memref<8192xf32, #tpu.memory_space<vmem_shared>> -> memref<128xf32, #tpu.memory_space<vmem_shared>>
      %dma_wait3A_108 = tpu.memref_slice %arg27[%add3A_67] : memref<8192xf32, #tpu.memory_space<vmem_shared>> -> memref<128xf32, #tpu.memory_space<vmem_shared>>
      %dma_wait3A_109 = arith.constant 0 : i32
      %dma_wait3A_110 = tpu.memref_slice %arg23[%run_scoped3A_68, %dma_wait3A_109] : memref<64x128xf32, #tpu.memory_space<vmem>> -> memref<1x128xf32, #tpu.memory_space<vmem>>
      %dma_wait3A_111 = tpu.memref_squeeze %dma_wait3A_110 : memref<1x128xf32, #tpu.memory_space<vmem>> -> memref<128xf32, #tpu.memory_space<vmem>>
      tpu.wait_dma2 semaphore(%run_scoped3A_97 : memref<!tpu.dma_semaphore, #tpu.memory_space<semaphore_mem>>) src(%dma_wait3A_111 : memref<128xf32, #tpu.memory_space<vmem>>) dst(%dma_wait3A_108 : memref<128xf32, #tpu.memory_space<vmem_shared>>)
      tpu.yield
    }) : () -> ()
    %mul3A_69 = arith.constant 512 : i32
    %mul3A_70 = arith.muli %arg1, %mul3A_69 : i32
    %add3A_71 = arith.constant 384 : i32
    %add3A_72 = arith.addi %mul3A_70, %add3A_71 : i32
    %run_scoped3A_73 = arith.constant 3 : i32
    "tpu.region"() ({
      %run_scoped3A_97 = tpu.sem_alloc : memref<!tpu.dma_semaphore, #tpu.memory_space<semaphore_mem>>
      %dma_start3A = arith.constant 0 : i32
      %dma_start3A_98 = tpu.memref_slice %arg23[%run_scoped3A_73, %dma_start3A] : memref<64x128xf32, #tpu.memory_space<vmem>> -> memref<1x128xf32, #tpu.memory_space<vmem>>
      %dma_start3A_99 = tpu.memref_squeeze %dma_start3A_98 : memref<1x128xf32, #tpu.memory_space<vmem>> -> memref<128xf32, #tpu.memory_space<vmem>>
      %dma_start3A_100 = tpu.memref_slice %arg27[%add3A_72] : memref<8192xf32, #tpu.memory_space<vmem_shared>> -> memref<128xf32, #tpu.memory_space<vmem_shared>>
      %dma_start3A_101 = tpu.memref_slice %arg27[%add3A_72] : memref<8192xf32, #tpu.memory_space<vmem_shared>> -> memref<128xf32, #tpu.memory_space<vmem_shared>>
      %dma_start3A_102 = arith.constant 0 : i32
      %dma_start3A_103 = tpu.memref_slice %arg23[%run_scoped3A_73, %dma_start3A_102] : memref<64x128xf32, #tpu.memory_space<vmem>> -> memref<1x128xf32, #tpu.memory_space<vmem>>
      %dma_start3A_104 = tpu.memref_squeeze %dma_start3A_103 : memref<1x128xf32, #tpu.memory_space<vmem>> -> memref<128xf32, #tpu.memory_space<vmem>>
      tpu.enqueue_dma source(%dma_start3A_104 : memref<128xf32, #tpu.memory_space<vmem>>) target(%dma_start3A_101 : memref<128xf32, #tpu.memory_space<vmem_shared>>) target_semaphore(%run_scoped3A_97 : memref<!tpu.dma_semaphore, #tpu.memory_space<semaphore_mem>>)
      %dma_wait3A = arith.constant 0 : i32
      %dma_wait3A_105 = tpu.memref_slice %arg23[%run_scoped3A_73, %dma_wait3A] : memref<64x128xf32, #tpu.memory_space<vmem>> -> memref<1x128xf32, #tpu.memory_space<vmem>>
      %dma_wait3A_106 = tpu.memref_squeeze %dma_wait3A_105 : memref<1x128xf32, #tpu.memory_space<vmem>> -> memref<128xf32, #tpu.memory_space<vmem>>
      %dma_wait3A_107 = tpu.memref_slice %arg27[%add3A_72] : memref<8192xf32, #tpu.memory_space<vmem_shared>> -> memref<128xf32, #tpu.memory_space<vmem_shared>>
      %dma_wait3A_108 = tpu.memref_slice %arg27[%add3A_72] : memref<8192xf32, #tpu.memory_space<vmem_shared>> -> memref<128xf32, #tpu.memory_space<vmem_shared>>
      %dma_wait3A_109 = arith.constant 0 : i32
      %dma_wait3A_110 = tpu.memref_slice %arg23[%run_scoped3A_73, %dma_wait3A_109] : memref<64x128xf32, #tpu.memory_space<vmem>> -> memref<1x128xf32, #tpu.memory_space<vmem>>
      %dma_wait3A_111 = tpu.memref_squeeze %dma_wait3A_110 : memref<1x128xf32, #tpu.memory_space<vmem>> -> memref<128xf32, #tpu.memory_space<vmem>>
      tpu.wait_dma2 semaphore(%run_scoped3A_97 : memref<!tpu.dma_semaphore, #tpu.memory_space<semaphore_mem>>) src(%dma_wait3A_111 : memref<128xf32, #tpu.memory_space<vmem>>) dst(%dma_wait3A_108 : memref<128xf32, #tpu.memory_space<vmem_shared>>)
      tpu.yield
    }) : () -> ()
    %barrier3A = arith.constant 0 : index
    tpu.barrier barrier_id(%barrier3A)
    %scan3A_74 = arith.constant 0 : i32
    %scan3A_75 = arith.constant 0 : i32
    %scan3A_76 = arith.constant 20 : i32
    %scan3A_77 = arith.addi %scan3A_75, %scan3A_76 : i32
    %scan3A_78 = arith.constant 1 : i32
    scf.for %scan3A_97 = %scan3A_75 to %scan3A_77 step %scan3A_78  : i32 {
      %mul3A_98 = arith.constant 32 : i32
      %mul3A_99 = arith.muli %scan3A_97, %mul3A_98 : i32
      %add3A_100 = arith.addi %add3A, %mul3A_99 : i32
      %lt3A = arith.constant 625 : i32
      %lt3A_101 = arith.cmpi slt, %add3A_100, %lt3A : i32
      %convert_element_type3A = arith.extui %lt3A_101 : i1 to i32
      %cond3A = arith.constant 0 : i32
      %cond3A_102 = arith.cmpi ne, %convert_element_type3A, %cond3A : i32
      scf.if %cond3A_102 {
        %mul3A_103 = arith.constant 256 : i32
        %mul3A_104 = arith.muli %add3A_100, %mul3A_103 : i32
        %dma_start3A = tpu.memref_slice %arg3[%mul3A_104] : memref<160000xi32, #tpu.memory_space<hbm>> -> memref<256xi32, #tpu.memory_space<hbm>>
        %dma_start3A_105 = tpu.memref_slice %arg3[%mul3A_104] : memref<160000xi32, #tpu.memory_space<hbm>> -> memref<256xi32, #tpu.memory_space<hbm>>
        tpu.enqueue_dma source(%dma_start3A_105 : memref<256xi32, #tpu.memory_space<hbm>>) target(%arg9 : memref<256xi32, #tpu.memory_space<vmem>>) target_semaphore(%arg28 : memref<!tpu.dma_semaphore, #tpu.memory_space<semaphore_mem>>)
        %dma_start3A_106 = tpu.memref_slice %arg4[%mul3A_104] : memref<160000xi32, #tpu.memory_space<hbm>> -> memref<256xi32, #tpu.memory_space<hbm>>
        %dma_start3A_107 = tpu.memref_slice %arg4[%mul3A_104] : memref<160000xi32, #tpu.memory_space<hbm>> -> memref<256xi32, #tpu.memory_space<hbm>>
        tpu.enqueue_dma source(%dma_start3A_107 : memref<256xi32, #tpu.memory_space<hbm>>) target(%arg10 : memref<256xi32, #tpu.memory_space<vmem>>) target_semaphore(%arg28 : memref<!tpu.dma_semaphore, #tpu.memory_space<semaphore_mem>>)
        %dma_start3A_108 = tpu.memref_slice %arg5[%mul3A_104] : memref<160000xi32, #tpu.memory_space<hbm>> -> memref<256xi32, #tpu.memory_space<hbm>>
        %dma_start3A_109 = tpu.memref_slice %arg5[%mul3A_104] : memref<160000xi32, #tpu.memory_space<hbm>> -> memref<256xi32, #tpu.memory_space<hbm>>
        tpu.enqueue_dma source(%dma_start3A_109 : memref<256xi32, #tpu.memory_space<hbm>>) target(%arg11 : memref<256xi32, #tpu.memory_space<vmem>>) target_semaphore(%arg28 : memref<!tpu.dma_semaphore, #tpu.memory_space<semaphore_mem>>)
        %dma_wait3A = tpu.memref_slice %arg3[%mul3A_104] : memref<160000xi32, #tpu.memory_space<hbm>> -> memref<256xi32, #tpu.memory_space<hbm>>
        %dma_wait3A_110 = tpu.memref_slice %arg3[%mul3A_104] : memref<160000xi32, #tpu.memory_space<hbm>> -> memref<256xi32, #tpu.memory_space<hbm>>
        tpu.wait_dma2 semaphore(%arg28 : memref<!tpu.dma_semaphore, #tpu.memory_space<semaphore_mem>>) src(%dma_wait3A_110 : memref<256xi32, #tpu.memory_space<hbm>>) dst(%arg9 : memref<256xi32, #tpu.memory_space<vmem>>)
        %dma_wait3A_111 = tpu.memref_slice %arg4[%mul3A_104] : memref<160000xi32, #tpu.memory_space<hbm>> -> memref<256xi32, #tpu.memory_space<hbm>>
        %dma_wait3A_112 = tpu.memref_slice %arg4[%mul3A_104] : memref<160000xi32, #tpu.memory_space<hbm>> -> memref<256xi32, #tpu.memory_space<hbm>>
        tpu.wait_dma2 semaphore(%arg28 : memref<!tpu.dma_semaphore, #tpu.memory_space<semaphore_mem>>) src(%dma_wait3A_112 : memref<256xi32, #tpu.memory_space<hbm>>) dst(%arg10 : memref<256xi32, #tpu.memory_space<vmem>>)
        %dma_wait3A_113 = tpu.memref_slice %arg5[%mul3A_104] : memref<160000xi32, #tpu.memory_space<hbm>> -> memref<256xi32, #tpu.memory_space<hbm>>
        %dma_wait3A_114 = tpu.memref_slice %arg5[%mul3A_104] : memref<160000xi32, #tpu.memory_space<hbm>> -> memref<256xi32, #tpu.memory_space<hbm>>
        tpu.wait_dma2 semaphore(%arg28 : memref<!tpu.dma_semaphore, #tpu.memory_space<semaphore_mem>>) src(%dma_wait3A_114 : memref<256xi32, #tpu.memory_space<hbm>>) dst(%arg11 : memref<256xi32, #tpu.memory_space<vmem>>)
        %get3A = arith.constant 0 : index
        %get3A_115 = tpu.vector_load %arg11[%get3A] {strides = array<i32>} : memref<256xi32, #tpu.memory_space<vmem>>, vector<16xi32>,
        %get3A_116 = vector.shape_cast %get3A_115 : vector<16xi32> to vector<16xi32>
        %mul3A_117 = arith.constant 8000 : i32
        %mul3A_118 = vector.broadcast %mul3A_117 : i32 to vector<16xi32>
        %mul3A_119 = arith.muli %get3A_116, %mul3A_118 : vector<16xi32>
        %get3A_120 = arith.constant 0 : index
        %get3A_121 = tpu.vector_load %arg9[%get3A_120] {strides = array<i32>} : memref<256xi32, #tpu.memory_space<vmem>>, vector<16xi32>,
        %get3A_122 = vector.shape_cast %get3A_121 : vector<16xi32> to vector<16xi32>
        %add3A_123 = arith.addi %mul3A_119, %get3A_122 : vector<16xi32>
        %swap3A_124 = arith.constant 0 : index
        %swap3A_125 = tpu.vector_load %arg12[%swap3A_124] {strides = array<i32>} : memref<128xi32, #tpu.memory_space<vmem>>, vector<16xi32>,
        %swap3A_126 = vector.shape_cast %swap3A_125 : vector<16xi32> to vector<16xi32>
        %swap3A_127 = vector.shape_cast %add3A_123 : vector<16xi32> to vector<16xi32>
        tpu.vector_store %arg12[%swap3A_124], %swap3A_127 {strides = array<i32>} : memref<128xi32, #tpu.memory_space<vmem>>, vector<16xi32>,
        %get3A_128 = arith.constant 128 : index
        %get3A_129 = tpu.vector_load %arg11[%get3A_128] {strides = array<i32>} : memref<256xi32, #tpu.memory_space<vmem>>, vector<16xi32>,
        %get3A_130 = vector.shape_cast %get3A_129 : vector<16xi32> to vector<16xi32>
        %mul3A_131 = arith.constant 8000 : i32
        %mul3A_132 = vector.broadcast %mul3A_131 : i32 to vector<16xi32>
        %mul3A_133 = arith.muli %get3A_130, %mul3A_132 : vector<16xi32>
        %get3A_134 = arith.constant 128 : index
        %get3A_135 = tpu.vector_load %arg9[%get3A_134] {strides = array<i32>} : memref<256xi32, #tpu.memory_space<vmem>>, vector<16xi32>,
        %get3A_136 = vector.shape_cast %get3A_135 : vector<16xi32> to vector<16xi32>
        %add3A_137 = arith.addi %mul3A_133, %get3A_136 : vector<16xi32>
        %swap3A_138 = arith.constant 0 : index
        %swap3A_139 = tpu.vector_load %arg13[%swap3A_138] {strides = array<i32>} : memref<128xi32, #tpu.memory_space<vmem>>, vector<16xi32>,
        %swap3A_140 = vector.shape_cast %swap3A_139 : vector<16xi32> to vector<16xi32>
        %swap3A_141 = vector.shape_cast %add3A_137 : vector<16xi32> to vector<16xi32>
        tpu.vector_store %arg13[%swap3A_138], %swap3A_141 {strides = array<i32>} : memref<128xi32, #tpu.memory_space<vmem>>, vector<16xi32>,
        %get3A_142 = arith.constant 0 : index
        %get3A_143 = tpu.vector_load %arg9[%get3A_142] {strides = array<i32>} : memref<256xi32, #tpu.memory_space<vmem>>, vector<16xi32>,
        %get3A_144 = vector.shape_cast %get3A_143 : vector<16xi32> to vector<16xi32>
        %swap3A_145 = arith.constant 0 : index
        %swap3A_146 = tpu.vector_load %arg14[%swap3A_145] {strides = array<i32>} : memref<128xi32, #tpu.memory_space<vmem>>, vector<16xi32>,
        %swap3A_147 = vector.shape_cast %swap3A_146 : vector<16xi32> to vector<16xi32>
        %swap3A_148 = vector.shape_cast %get3A_144 : vector<16xi32> to vector<16xi32>
        tpu.vector_store %arg14[%swap3A_145], %swap3A_148 {strides = array<i32>} : memref<128xi32, #tpu.memory_space<vmem>>, vector<16xi32>,
        %get3A_149 = arith.constant 128 : index
        %get3A_150 = tpu.vector_load %arg9[%get3A_149] {strides = array<i32>} : memref<256xi32, #tpu.memory_space<vmem>>, vector<16xi32>,
        %get3A_151 = vector.shape_cast %get3A_150 : vector<16xi32> to vector<16xi32>
        %swap3A_152 = arith.constant 0 : index
        %swap3A_153 = tpu.vector_load %arg15[%swap3A_152] {strides = array<i32>} : memref<128xi32, #tpu.memory_space<vmem>>, vector<16xi32>,
        %swap3A_154 = vector.shape_cast %swap3A_153 : vector<16xi32> to vector<16xi32>
        %swap3A_155 = vector.shape_cast %get3A_151 : vector<16xi32> to vector<16xi32>
        tpu.vector_store %arg15[%swap3A_152], %swap3A_155 {strides = array<i32>} : memref<128xi32, #tpu.memory_space<vmem>>, vector<16xi32>,
        %get3A_156 = arith.constant 0 : index
        %get3A_157 = tpu.vector_load %arg10[%get3A_156] {strides = array<i32>} : memref<256xi32, #tpu.memory_space<vmem>>, vector<16xi32>,
        %get3A_158 = vector.shape_cast %get3A_157 : vector<16xi32> to vector<16xi32>
        %swap3A_159 = arith.constant 0 : index
        %swap3A_160 = tpu.vector_load %arg16[%swap3A_159] {strides = array<i32>} : memref<128xi32, #tpu.memory_space<vmem>>, vector<16xi32>,
        %swap3A_161 = vector.shape_cast %swap3A_160 : vector<16xi32> to vector<16xi32>
        %swap3A_162 = vector.shape_cast %get3A_158 : vector<16xi32> to vector<16xi32>
        tpu.vector_store %arg16[%swap3A_159], %swap3A_162 {strides = array<i32>} : memref<128xi32, #tpu.memory_space<vmem>>, vector<16xi32>,
        %get3A_163 = arith.constant 128 : index
        %get3A_164 = tpu.vector_load %arg10[%get3A_163] {strides = array<i32>} : memref<256xi32, #tpu.memory_space<vmem>>, vector<16xi32>,
        %get3A_165 = vector.shape_cast %get3A_164 : vector<16xi32> to vector<16xi32>
        %swap3A_166 = arith.constant 0 : index
        %swap3A_167 = tpu.vector_load %arg17[%swap3A_166] {strides = array<i32>} : memref<128xi32, #tpu.memory_space<vmem>>, vector<16xi32>,
        %swap3A_168 = vector.shape_cast %swap3A_167 : vector<16xi32> to vector<16xi32>
        %swap3A_169 = vector.shape_cast %get3A_165 : vector<16xi32> to vector<16xi32>
        tpu.vector_store %arg17[%swap3A_166], %swap3A_169 {strides = array<i32>} : memref<128xi32, #tpu.memory_space<vmem>>, vector<16xi32>,
        %get3A_170 = arith.constant 16 : index
        %get3A_171 = tpu.vector_load %arg11[%get3A_170] {strides = array<i32>} : memref<256xi32, #tpu.memory_space<vmem>>, vector<16xi32>,
        %get3A_172 = vector.shape_cast %get3A_171 : vector<16xi32> to vector<16xi32>
        %mul3A_173 = arith.constant 8000 : i32
        %mul3A_174 = vector.broadcast %mul3A_173 : i32 to vector<16xi32>
        %mul3A_175 = arith.muli %get3A_172, %mul3A_174 : vector<16xi32>
        %get3A_176 = arith.constant 16 : index
        %get3A_177 = tpu.vector_load %arg9[%get3A_176] {strides = array<i32>} : memref<256xi32, #tpu.memory_space<vmem>>, vector<16xi32>,
        %get3A_178 = vector.shape_cast %get3A_177 : vector<16xi32> to vector<16xi32>
        %add3A_179 = arith.addi %mul3A_175, %get3A_178 : vector<16xi32>
        %swap3A_180 = arith.constant 16 : index
        %swap3A_181 = tpu.vector_load %arg12[%swap3A_180] {strides = array<i32>} : memref<128xi32, #tpu.memory_space<vmem>>, vector<16xi32>,
        %swap3A_182 = vector.shape_cast %swap3A_181 : vector<16xi32> to vector<16xi32>
        %swap3A_183 = vector.shape_cast %add3A_179 : vector<16xi32> to vector<16xi32>
        tpu.vector_store %arg12[%swap3A_180], %swap3A_183 {strides = array<i32>} : memref<128xi32, #tpu.memory_space<vmem>>, vector<16xi32>,
        %get3A_184 = arith.constant 144 : index
        %get3A_185 = tpu.vector_load %arg11[%get3A_184] {strides = array<i32>} : memref<256xi32, #tpu.memory_space<vmem>>, vector<16xi32>,
        %get3A_186 = vector.shape_cast %get3A_185 : vector<16xi32> to vector<16xi32>
        %mul3A_187 = arith.constant 8000 : i32
        %mul3A_188 = vector.broadcast %mul3A_187 : i32 to vector<16xi32>
        %mul3A_189 = arith.muli %get3A_186, %mul3A_188 : vector<16xi32>
        %get3A_190 = arith.constant 144 : index
        %get3A_191 = tpu.vector_load %arg9[%get3A_190] {strides = array<i32>} : memref<256xi32, #tpu.memory_space<vmem>>, vector<16xi32>,
        %get3A_192 = vector.shape_cast %get3A_191 : vector<16xi32> to vector<16xi32>
        %add3A_193 = arith.addi %mul3A_189, %get3A_192 : vector<16xi32>
        %swap3A_194 = arith.constant 16 : index
        %swap3A_195 = tpu.vector_load %arg13[%swap3A_194] {strides = array<i32>} : memref<128xi32, #tpu.memory_space<vmem>>, vector<16xi32>,
        %swap3A_196 = vector.shape_cast %swap3A_195 : vector<16xi32> to vector<16xi32>
        %swap3A_197 = vector.shape_cast %add3A_193 : vector<16xi32> to vector<16xi32>
        tpu.vector_store %arg13[%swap3A_194], %swap3A_197 {strides = array<i32>} : memref<128xi32, #tpu.memory_space<vmem>>, vector<16xi32>,
        %get3A_198 = arith.constant 16 : index
        %get3A_199 = tpu.vector_load %arg9[%get3A_198] {strides = array<i32>} : memref<256xi32, #tpu.memory_space<vmem>>, vector<16xi32>,
        %get3A_200 = vector.shape_cast %get3A_199 : vector<16xi32> to vector<16xi32>
        %swap3A_201 = arith.constant 16 : index
        %swap3A_202 = tpu.vector_load %arg14[%swap3A_201] {strides = array<i32>} : memref<128xi32, #tpu.memory_space<vmem>>, vector<16xi32>,
        %swap3A_203 = vector.shape_cast %swap3A_202 : vector<16xi32> to vector<16xi32>
        %swap3A_204 = vector.shape_cast %get3A_200 : vector<16xi32> to vector<16xi32>
        tpu.vector_store %arg14[%swap3A_201], %swap3A_204 {strides = array<i32>} : memref<128xi32, #tpu.memory_space<vmem>>, vector<16xi32>,
        %get3A_205 = arith.constant 144 : index
        %get3A_206 = tpu.vector_load %arg9[%get3A_205] {strides = array<i32>} : memref<256xi32, #tpu.memory_space<vmem>>, vector<16xi32>,
        %get3A_207 = vector.shape_cast %get3A_206 : vector<16xi32> to vector<16xi32>
        %swap3A_208 = arith.constant 16 : index
        %swap3A_209 = tpu.vector_load %arg15[%swap3A_208] {strides = array<i32>} : memref<128xi32, #tpu.memory_space<vmem>>, vector<16xi32>,
        %swap3A_210 = vector.shape_cast %swap3A_209 : vector<16xi32> to vector<16xi32>
        %swap3A_211 = vector.shape_cast %get3A_207 : vector<16xi32> to vector<16xi32>
        tpu.vector_store %arg15[%swap3A_208], %swap3A_211 {strides = array<i32>} : memref<128xi32, #tpu.memory_space<vmem>>, vector<16xi32>,
        %get3A_212 = arith.constant 16 : index
        %get3A_213 = tpu.vector_load %arg10[%get3A_212] {strides = array<i32>} : memref<256xi32, #tpu.memory_space<vmem>>, vector<16xi32>,
        %get3A_214 = vector.shape_cast %get3A_213 : vector<16xi32> to vector<16xi32>
        %swap3A_215 = arith.constant 16 : index
        %swap3A_216 = tpu.vector_load %arg16[%swap3A_215] {strides = array<i32>} : memref<128xi32, #tpu.memory_space<vmem>>, vector<16xi32>,
        %swap3A_217 = vector.shape_cast %swap3A_216 : vector<16xi32> to vector<16xi32>
        %swap3A_218 = vector.shape_cast %get3A_214 : vector<16xi32> to vector<16xi32>
        tpu.vector_store %arg16[%swap3A_215], %swap3A_218 {strides = array<i32>} : memref<128xi32, #tpu.memory_space<vmem>>, vector<16xi32>,
        %get3A_219 = arith.constant 144 : index
        %get3A_220 = tpu.vector_load %arg10[%get3A_219] {strides = array<i32>} : memref<256xi32, #tpu.memory_space<vmem>>, vector<16xi32>,
        %get3A_221 = vector.shape_cast %get3A_220 : vector<16xi32> to vector<16xi32>
        %swap3A_222 = arith.constant 16 : index
        %swap3A_223 = tpu.vector_load %arg17[%swap3A_222] {strides = array<i32>} : memref<128xi32, #tpu.memory_space<vmem>>, vector<16xi32>,
        %swap3A_224 = vector.shape_cast %swap3A_223 : vector<16xi32> to vector<16xi32>
        %swap3A_225 = vector.shape_cast %get3A_221 : vector<16xi32> to vector<16xi32>
        tpu.vector_store %arg17[%swap3A_222], %swap3A_225 {strides = array<i32>} : memref<128xi32, #tpu.memory_space<vmem>>, vector<16xi32>,
        %get3A_226 = arith.constant 32 : index
        %get3A_227 = tpu.vector_load %arg11[%get3A_226] {strides = array<i32>} : memref<256xi32, #tpu.memory_space<vmem>>, vector<16xi32>,
        %get3A_228 = vector.shape_cast %get3A_227 : vector<16xi32> to vector<16xi32>
        %mul3A_229 = arith.constant 8000 : i32
        %mul3A_230 = vector.broadcast %mul3A_229 : i32 to vector<16xi32>
        %mul3A_231 = arith.muli %get3A_228, %mul3A_230 : vector<16xi32>
        %get3A_232 = arith.constant 32 : index
        %get3A_233 = tpu.vector_load %arg9[%get3A_232] {strides = array<i32>} : memref<256xi32, #tpu.memory_space<vmem>>, vector<16xi32>,
        %get3A_234 = vector.shape_cast %get3A_233 : vector<16xi32> to vector<16xi32>
        %add3A_235 = arith.addi %mul3A_231, %get3A_234 : vector<16xi32>
        %swap3A_236 = arith.constant 32 : index
        %swap3A_237 = tpu.vector_load %arg12[%swap3A_236] {strides = array<i32>} : memref<128xi32, #tpu.memory_space<vmem>>, vector<16xi32>,
        %swap3A_238 = vector.shape_cast %swap3A_237 : vector<16xi32> to vector<16xi32>
        %swap3A_239 = vector.shape_cast %add3A_235 : vector<16xi32> to vector<16xi32>
        tpu.vector_store %arg12[%swap3A_236], %swap3A_239 {strides = array<i32>} : memref<128xi32, #tpu.memory_space<vmem>>, vector<16xi32>,
        %get3A_240 = arith.constant 160 : index
        %get3A_241 = tpu.vector_load %arg11[%get3A_240] {strides = array<i32>} : memref<256xi32, #tpu.memory_space<vmem>>, vector<16xi32>,
        %get3A_242 = vector.shape_cast %get3A_241 : vector<16xi32> to vector<16xi32>
        %mul3A_243 = arith.constant 8000 : i32
        %mul3A_244 = vector.broadcast %mul3A_243 : i32 to vector<16xi32>
        %mul3A_245 = arith.muli %get3A_242, %mul3A_244 : vector<16xi32>
        %get3A_246 = arith.constant 160 : index
        %get3A_247 = tpu.vector_load %arg9[%get3A_246] {strides = array<i32>} : memref<256xi32, #tpu.memory_space<vmem>>, vector<16xi32>,
        %get3A_248 = vector.shape_cast %get3A_247 : vector<16xi32> to vector<16xi32>
        %add3A_249 = arith.addi %mul3A_245, %get3A_248 : vector<16xi32>
        %swap3A_250 = arith.constant 32 : index
        %swap3A_251 = tpu.vector_load %arg13[%swap3A_250] {strides = array<i32>} : memref<128xi32, #tpu.memory_space<vmem>>, vector<16xi32>,
        %swap3A_252 = vector.shape_cast %swap3A_251 : vector<16xi32> to vector<16xi32>
        %swap3A_253 = vector.shape_cast %add3A_249 : vector<16xi32> to vector<16xi32>
        tpu.vector_store %arg13[%swap3A_250], %swap3A_253 {strides = array<i32>} : memref<128xi32, #tpu.memory_space<vmem>>, vector<16xi32>,
        %get3A_254 = arith.constant 32 : index
        %get3A_255 = tpu.vector_load %arg9[%get3A_254] {strides = array<i32>} : memref<256xi32, #tpu.memory_space<vmem>>, vector<16xi32>,
        %get3A_256 = vector.shape_cast %get3A_255 : vector<16xi32> to vector<16xi32>
        %swap3A_257 = arith.constant 32 : index
        %swap3A_258 = tpu.vector_load %arg14[%swap3A_257] {strides = array<i32>} : memref<128xi32, #tpu.memory_space<vmem>>, vector<16xi32>,
        %swap3A_259 = vector.shape_cast %swap3A_258 : vector<16xi32> to vector<16xi32>
        %swap3A_260 = vector.shape_cast %get3A_256 : vector<16xi32> to vector<16xi32>
        tpu.vector_store %arg14[%swap3A_257], %swap3A_260 {strides = array<i32>} : memref<128xi32, #tpu.memory_space<vmem>>, vector<16xi32>,
        %get3A_261 = arith.constant 160 : index
        %get3A_262 = tpu.vector_load %arg9[%get3A_261] {strides = array<i32>} : memref<256xi32, #tpu.memory_space<vmem>>, vector<16xi32>,
        %get3A_263 = vector.shape_cast %get3A_262 : vector<16xi32> to vector<16xi32>
        %swap3A_264 = arith.constant 32 : index
        %swap3A_265 = tpu.vector_load %arg15[%swap3A_264] {strides = array<i32>} : memref<128xi32, #tpu.memory_space<vmem>>, vector<16xi32>,
        %swap3A_266 = vector.shape_cast %swap3A_265 : vector<16xi32> to vector<16xi32>
        %swap3A_267 = vector.shape_cast %get3A_263 : vector<16xi32> to vector<16xi32>
        tpu.vector_store %arg15[%swap3A_264], %swap3A_267 {strides = array<i32>} : memref<128xi32, #tpu.memory_space<vmem>>, vector<16xi32>,
        %get3A_268 = arith.constant 32 : index
        %get3A_269 = tpu.vector_load %arg10[%get3A_268] {strides = array<i32>} : memref<256xi32, #tpu.memory_space<vmem>>, vector<16xi32>,
        %get3A_270 = vector.shape_cast %get3A_269 : vector<16xi32> to vector<16xi32>
        %swap3A_271 = arith.constant 32 : index
        %swap3A_272 = tpu.vector_load %arg16[%swap3A_271] {strides = array<i32>} : memref<128xi32, #tpu.memory_space<vmem>>, vector<16xi32>,
        %swap3A_273 = vector.shape_cast %swap3A_272 : vector<16xi32> to vector<16xi32>
        %swap3A_274 = vector.shape_cast %get3A_270 : vector<16xi32> to vector<16xi32>
        tpu.vector_store %arg16[%swap3A_271], %swap3A_274 {strides = array<i32>} : memref<128xi32, #tpu.memory_space<vmem>>, vector<16xi32>,
        %get3A_275 = arith.constant 160 : index
        %get3A_276 = tpu.vector_load %arg10[%get3A_275] {strides = array<i32>} : memref<256xi32, #tpu.memory_space<vmem>>, vector<16xi32>,
        %get3A_277 = vector.shape_cast %get3A_276 : vector<16xi32> to vector<16xi32>
        %swap3A_278 = arith.constant 32 : index
        %swap3A_279 = tpu.vector_load %arg17[%swap3A_278] {strides = array<i32>} : memref<128xi32, #tpu.memory_space<vmem>>, vector<16xi32>,
        %swap3A_280 = vector.shape_cast %swap3A_279 : vector<16xi32> to vector<16xi32>
        %swap3A_281 = vector.shape_cast %get3A_277 : vector<16xi32> to vector<16xi32>
        tpu.vector_store %arg17[%swap3A_278], %swap3A_281 {strides = array<i32>} : memref<128xi32, #tpu.memory_space<vmem>>, vector<16xi32>,
        %get3A_282 = arith.constant 48 : index
        %get3A_283 = tpu.vector_load %arg11[%get3A_282] {strides = array<i32>} : memref<256xi32, #tpu.memory_space<vmem>>, vector<16xi32>,
        %get3A_284 = vector.shape_cast %get3A_283 : vector<16xi32> to vector<16xi32>
        %mul3A_285 = arith.constant 8000 : i32
        %mul3A_286 = vector.broadcast %mul3A_285 : i32 to vector<16xi32>
        %mul3A_287 = arith.muli %get3A_284, %mul3A_286 : vector<16xi32>
        %get3A_288 = arith.constant 48 : index
        %get3A_289 = tpu.vector_load %arg9[%get3A_288] {strides = array<i32>} : memref<256xi32, #tpu.memory_space<vmem>>, vector<16xi32>,
        %get3A_290 = vector.shape_cast %get3A_289 : vector<16xi32> to vector<16xi32>
        %add3A_291 = arith.addi %mul3A_287, %get3A_290 : vector<16xi32>
        %swap3A_292 = arith.constant 48 : index
        %swap3A_293 = tpu.vector_load %arg12[%swap3A_292] {strides = array<i32>} : memref<128xi32, #tpu.memory_space<vmem>>, vector<16xi32>,
        %swap3A_294 = vector.shape_cast %swap3A_293 : vector<16xi32> to vector<16xi32>
        %swap3A_295 = vector.shape_cast %add3A_291 : vector<16xi32> to vector<16xi32>
        tpu.vector_store %arg12[%swap3A_292], %swap3A_295 {strides = array<i32>} : memref<128xi32, #tpu.memory_space<vmem>>, vector<16xi32>,
        %get3A_296 = arith.constant 176 : index
        %get3A_297 = tpu.vector_load %arg11[%get3A_296] {strides = array<i32>} : memref<256xi32, #tpu.memory_space<vmem>>, vector<16xi32>,
        %get3A_298 = vector.shape_cast %get3A_297 : vector<16xi32> to vector<16xi32>
        %mul3A_299 = arith.constant 8000 : i32
        %mul3A_300 = vector.broadcast %mul3A_299 : i32 to vector<16xi32>
        %mul3A_301 = arith.muli %get3A_298, %mul3A_300 : vector<16xi32>
        %get3A_302 = arith.constant 176 : index
        %get3A_303 = tpu.vector_load %arg9[%get3A_302] {strides = array<i32>} : memref<256xi32, #tpu.memory_space<vmem>>, vector<16xi32>,
        %get3A_304 = vector.shape_cast %get3A_303 : vector<16xi32> to vector<16xi32>
        %add3A_305 = arith.addi %mul3A_301, %get3A_304 : vector<16xi32>
        %swap3A_306 = arith.constant 48 : index
        %swap3A_307 = tpu.vector_load %arg13[%swap3A_306] {strides = array<i32>} : memref<128xi32, #tpu.memory_space<vmem>>, vector<16xi32>,
        %swap3A_308 = vector.shape_cast %swap3A_307 : vector<16xi32> to vector<16xi32>
        %swap3A_309 = vector.shape_cast %add3A_305 : vector<16xi32> to vector<16xi32>
        tpu.vector_store %arg13[%swap3A_306], %swap3A_309 {strides = array<i32>} : memref<128xi32, #tpu.memory_space<vmem>>, vector<16xi32>,
        %get3A_310 = arith.constant 48 : index
        %get3A_311 = tpu.vector_load %arg9[%get3A_310] {strides = array<i32>} : memref<256xi32, #tpu.memory_space<vmem>>, vector<16xi32>,
        %get3A_312 = vector.shape_cast %get3A_311 : vector<16xi32> to vector<16xi32>
        %swap3A_313 = arith.constant 48 : index
        %swap3A_314 = tpu.vector_load %arg14[%swap3A_313] {strides = array<i32>} : memref<128xi32, #tpu.memory_space<vmem>>, vector<16xi32>,
        %swap3A_315 = vector.shape_cast %swap3A_314 : vector<16xi32> to vector<16xi32>
        %swap3A_316 = vector.shape_cast %get3A_312 : vector<16xi32> to vector<16xi32>
        tpu.vector_store %arg14[%swap3A_313], %swap3A_316 {strides = array<i32>} : memref<128xi32, #tpu.memory_space<vmem>>, vector<16xi32>,
        %get3A_317 = arith.constant 176 : index
        %get3A_318 = tpu.vector_load %arg9[%get3A_317] {strides = array<i32>} : memref<256xi32, #tpu.memory_space<vmem>>, vector<16xi32>,
        %get3A_319 = vector.shape_cast %get3A_318 : vector<16xi32> to vector<16xi32>
        %swap3A_320 = arith.constant 48 : index
        %swap3A_321 = tpu.vector_load %arg15[%swap3A_320] {strides = array<i32>} : memref<128xi32, #tpu.memory_space<vmem>>, vector<16xi32>,
        %swap3A_322 = vector.shape_cast %swap3A_321 : vector<16xi32> to vector<16xi32>
        %swap3A_323 = vector.shape_cast %get3A_319 : vector<16xi32> to vector<16xi32>
        tpu.vector_store %arg15[%swap3A_320], %swap3A_323 {strides = array<i32>} : memref<128xi32, #tpu.memory_space<vmem>>, vector<16xi32>,
        %get3A_324 = arith.constant 48 : index
        %get3A_325 = tpu.vector_load %arg10[%get3A_324] {strides = array<i32>} : memref<256xi32, #tpu.memory_space<vmem>>, vector<16xi32>,
        %get3A_326 = vector.shape_cast %get3A_325 : vector<16xi32> to vector<16xi32>
        %swap3A_327 = arith.constant 48 : index
        %swap3A_328 = tpu.vector_load %arg16[%swap3A_327] {strides = array<i32>} : memref<128xi32, #tpu.memory_space<vmem>>, vector<16xi32>,
        %swap3A_329 = vector.shape_cast %swap3A_328 : vector<16xi32> to vector<16xi32>
        %swap3A_330 = vector.shape_cast %get3A_326 : vector<16xi32> to vector<16xi32>
        tpu.vector_store %arg16[%swap3A_327], %swap3A_330 {strides = array<i32>} : memref<128xi32, #tpu.memory_space<vmem>>, vector<16xi32>,
        %get3A_331 = arith.constant 176 : index
        %get3A_332 = tpu.vector_load %arg10[%get3A_331] {strides = array<i32>} : memref<256xi32, #tpu.memory_space<vmem>>, vector<16xi32>,
        %get3A_333 = vector.shape_cast %get3A_332 : vector<16xi32> to vector<16xi32>
        %swap3A_334 = arith.constant 48 : index
        %swap3A_335 = tpu.vector_load %arg17[%swap3A_334] {strides = array<i32>} : memref<128xi32, #tpu.memory_space<vmem>>, vector<16xi32>,
        %swap3A_336 = vector.shape_cast %swap3A_335 : vector<16xi32> to vector<16xi32>
        %swap3A_337 = vector.shape_cast %get3A_333 : vector<16xi32> to vector<16xi32>
        tpu.vector_store %arg17[%swap3A_334], %swap3A_337 {strides = array<i32>} : memref<128xi32, #tpu.memory_space<vmem>>, vector<16xi32>,
        %get3A_338 = arith.constant 64 : index
        %get3A_339 = tpu.vector_load %arg11[%get3A_338] {strides = array<i32>} : memref<256xi32, #tpu.memory_space<vmem>>, vector<16xi32>,
        %get3A_340 = vector.shape_cast %get3A_339 : vector<16xi32> to vector<16xi32>
        %mul3A_341 = arith.constant 8000 : i32
        %mul3A_342 = vector.broadcast %mul3A_341 : i32 to vector<16xi32>
        %mul3A_343 = arith.muli %get3A_340, %mul3A_342 : vector<16xi32>
        %get3A_344 = arith.constant 64 : index
        %get3A_345 = tpu.vector_load %arg9[%get3A_344] {strides = array<i32>} : memref<256xi32, #tpu.memory_space<vmem>>, vector<16xi32>,
        %get3A_346 = vector.shape_cast %get3A_345 : vector<16xi32> to vector<16xi32>
        %add3A_347 = arith.addi %mul3A_343, %get3A_346 : vector<16xi32>
        %swap3A_348 = arith.constant 64 : index
        %swap3A_349 = tpu.vector_load %arg12[%swap3A_348] {strides = array<i32>} : memref<128xi32, #tpu.memory_space<vmem>>, vector<16xi32>,
        %swap3A_350 = vector.shape_cast %swap3A_349 : vector<16xi32> to vector<16xi32>
        %swap3A_351 = vector.shape_cast %add3A_347 : vector<16xi32> to vector<16xi32>
        tpu.vector_store %arg12[%swap3A_348], %swap3A_351 {strides = array<i32>} : memref<128xi32, #tpu.memory_space<vmem>>, vector<16xi32>,
        %get3A_352 = arith.constant 192 : index
        %get3A_353 = tpu.vector_load %arg11[%get3A_352] {strides = array<i32>} : memref<256xi32, #tpu.memory_space<vmem>>, vector<16xi32>,
        %get3A_354 = vector.shape_cast %get3A_353 : vector<16xi32> to vector<16xi32>
        %mul3A_355 = arith.constant 8000 : i32
        %mul3A_356 = vector.broadcast %mul3A_355 : i32 to vector<16xi32>
        %mul3A_357 = arith.muli %get3A_354, %mul3A_356 : vector<16xi32>
        %get3A_358 = arith.constant 192 : index
        %get3A_359 = tpu.vector_load %arg9[%get3A_358] {strides = array<i32>} : memref<256xi32, #tpu.memory_space<vmem>>, vector<16xi32>,
        %get3A_360 = vector.shape_cast %get3A_359 : vector<16xi32> to vector<16xi32>
        %add3A_361 = arith.addi %mul3A_357, %get3A_360 : vector<16xi32>
        %swap3A_362 = arith.constant 64 : index
        %swap3A_363 = tpu.vector_load %arg13[%swap3A_362] {strides = array<i32>} : memref<128xi32, #tpu.memory_space<vmem>>, vector<16xi32>,
        %swap3A_364 = vector.shape_cast %swap3A_363 : vector<16xi32> to vector<16xi32>
        %swap3A_365 = vector.shape_cast %add3A_361 : vector<16xi32> to vector<16xi32>
        tpu.vector_store %arg13[%swap3A_362], %swap3A_365 {strides = array<i32>} : memref<128xi32, #tpu.memory_space<vmem>>, vector<16xi32>,
        %get3A_366 = arith.constant 64 : index
        %get3A_367 = tpu.vector_load %arg9[%get3A_366] {strides = array<i32>} : memref<256xi32, #tpu.memory_space<vmem>>, vector<16xi32>,
        %get3A_368 = vector.shape_cast %get3A_367 : vector<16xi32> to vector<16xi32>
        %swap3A_369 = arith.constant 64 : index
        %swap3A_370 = tpu.vector_load %arg14[%swap3A_369] {strides = array<i32>} : memref<128xi32, #tpu.memory_space<vmem>>, vector<16xi32>,
        %swap3A_371 = vector.shape_cast %swap3A_370 : vector<16xi32> to vector<16xi32>
        %swap3A_372 = vector.shape_cast %get3A_368 : vector<16xi32> to vector<16xi32>
        tpu.vector_store %arg14[%swap3A_369], %swap3A_372 {strides = array<i32>} : memref<128xi32, #tpu.memory_space<vmem>>, vector<16xi32>,
        %get3A_373 = arith.constant 192 : index
        %get3A_374 = tpu.vector_load %arg9[%get3A_373] {strides = array<i32>} : memref<256xi32, #tpu.memory_space<vmem>>, vector<16xi32>,
        %get3A_375 = vector.shape_cast %get3A_374 : vector<16xi32> to vector<16xi32>
        %swap3A_376 = arith.constant 64 : index
        %swap3A_377 = tpu.vector_load %arg15[%swap3A_376] {strides = array<i32>} : memref<128xi32, #tpu.memory_space<vmem>>, vector<16xi32>,
        %swap3A_378 = vector.shape_cast %swap3A_377 : vector<16xi32> to vector<16xi32>
        %swap3A_379 = vector.shape_cast %get3A_375 : vector<16xi32> to vector<16xi32>
        tpu.vector_store %arg15[%swap3A_376], %swap3A_379 {strides = array<i32>} : memref<128xi32, #tpu.memory_space<vmem>>, vector<16xi32>,
        %get3A_380 = arith.constant 64 : index
        %get3A_381 = tpu.vector_load %arg10[%get3A_380] {strides = array<i32>} : memref<256xi32, #tpu.memory_space<vmem>>, vector<16xi32>,
        %get3A_382 = vector.shape_cast %get3A_381 : vector<16xi32> to vector<16xi32>
        %swap3A_383 = arith.constant 64 : index
        %swap3A_384 = tpu.vector_load %arg16[%swap3A_383] {strides = array<i32>} : memref<128xi32, #tpu.memory_space<vmem>>, vector<16xi32>,
        %swap3A_385 = vector.shape_cast %swap3A_384 : vector<16xi32> to vector<16xi32>
        %swap3A_386 = vector.shape_cast %get3A_382 : vector<16xi32> to vector<16xi32>
        tpu.vector_store %arg16[%swap3A_383], %swap3A_386 {strides = array<i32>} : memref<128xi32, #tpu.memory_space<vmem>>, vector<16xi32>,
        %get3A_387 = arith.constant 192 : index
        %get3A_388 = tpu.vector_load %arg10[%get3A_387] {strides = array<i32>} : memref<256xi32, #tpu.memory_space<vmem>>, vector<16xi32>,
        %get3A_389 = vector.shape_cast %get3A_388 : vector<16xi32> to vector<16xi32>
        %swap3A_390 = arith.constant 64 : index
        %swap3A_391 = tpu.vector_load %arg17[%swap3A_390] {strides = array<i32>} : memref<128xi32, #tpu.memory_space<vmem>>, vector<16xi32>,
        %swap3A_392 = vector.shape_cast %swap3A_391 : vector<16xi32> to vector<16xi32>
        %swap3A_393 = vector.shape_cast %get3A_389 : vector<16xi32> to vector<16xi32>
        tpu.vector_store %arg17[%swap3A_390], %swap3A_393 {strides = array<i32>} : memref<128xi32, #tpu.memory_space<vmem>>, vector<16xi32>,
        %get3A_394 = arith.constant 80 : index
        %get3A_395 = tpu.vector_load %arg11[%get3A_394] {strides = array<i32>} : memref<256xi32, #tpu.memory_space<vmem>>, vector<16xi32>,
        %get3A_396 = vector.shape_cast %get3A_395 : vector<16xi32> to vector<16xi32>
        %mul3A_397 = arith.constant 8000 : i32
        %mul3A_398 = vector.broadcast %mul3A_397 : i32 to vector<16xi32>
        %mul3A_399 = arith.muli %get3A_396, %mul3A_398 : vector<16xi32>
        %get3A_400 = arith.constant 80 : index
        %get3A_401 = tpu.vector_load %arg9[%get3A_400] {strides = array<i32>} : memref<256xi32, #tpu.memory_space<vmem>>, vector<16xi32>,
        %get3A_402 = vector.shape_cast %get3A_401 : vector<16xi32> to vector<16xi32>
        %add3A_403 = arith.addi %mul3A_399, %get3A_402 : vector<16xi32>
        %swap3A_404 = arith.constant 80 : index
        %swap3A_405 = tpu.vector_load %arg12[%swap3A_404] {strides = array<i32>} : memref<128xi32, #tpu.memory_space<vmem>>, vector<16xi32>,
        %swap3A_406 = vector.shape_cast %swap3A_405 : vector<16xi32> to vector<16xi32>
        %swap3A_407 = vector.shape_cast %add3A_403 : vector<16xi32> to vector<16xi32>
        tpu.vector_store %arg12[%swap3A_404], %swap3A_407 {strides = array<i32>} : memref<128xi32, #tpu.memory_space<vmem>>, vector<16xi32>,
        %get3A_408 = arith.constant 208 : index
        %get3A_409 = tpu.vector_load %arg11[%get3A_408] {strides = array<i32>} : memref<256xi32, #tpu.memory_space<vmem>>, vector<16xi32>,
        %get3A_410 = vector.shape_cast %get3A_409 : vector<16xi32> to vector<16xi32>
        %mul3A_411 = arith.constant 8000 : i32
        %mul3A_412 = vector.broadcast %mul3A_411 : i32 to vector<16xi32>
        %mul3A_413 = arith.muli %get3A_410, %mul3A_412 : vector<16xi32>
        %get3A_414 = arith.constant 208 : index
        %get3A_415 = tpu.vector_load %arg9[%get3A_414] {strides = array<i32>} : memref<256xi32, #tpu.memory_space<vmem>>, vector<16xi32>,
        %get3A_416 = vector.shape_cast %get3A_415 : vector<16xi32> to vector<16xi32>
        %add3A_417 = arith.addi %mul3A_413, %get3A_416 : vector<16xi32>
        %swap3A_418 = arith.constant 80 : index
        %swap3A_419 = tpu.vector_load %arg13[%swap3A_418] {strides = array<i32>} : memref<128xi32, #tpu.memory_space<vmem>>, vector<16xi32>,
        %swap3A_420 = vector.shape_cast %swap3A_419 : vector<16xi32> to vector<16xi32>
        %swap3A_421 = vector.shape_cast %add3A_417 : vector<16xi32> to vector<16xi32>
        tpu.vector_store %arg13[%swap3A_418], %swap3A_421 {strides = array<i32>} : memref<128xi32, #tpu.memory_space<vmem>>, vector<16xi32>,
        %get3A_422 = arith.constant 80 : index
        %get3A_423 = tpu.vector_load %arg9[%get3A_422] {strides = array<i32>} : memref<256xi32, #tpu.memory_space<vmem>>, vector<16xi32>,
        %get3A_424 = vector.shape_cast %get3A_423 : vector<16xi32> to vector<16xi32>
        %swap3A_425 = arith.constant 80 : index
        %swap3A_426 = tpu.vector_load %arg14[%swap3A_425] {strides = array<i32>} : memref<128xi32, #tpu.memory_space<vmem>>, vector<16xi32>,
        %swap3A_427 = vector.shape_cast %swap3A_426 : vector<16xi32> to vector<16xi32>
        %swap3A_428 = vector.shape_cast %get3A_424 : vector<16xi32> to vector<16xi32>
        tpu.vector_store %arg14[%swap3A_425], %swap3A_428 {strides = array<i32>} : memref<128xi32, #tpu.memory_space<vmem>>, vector<16xi32>,
        %get3A_429 = arith.constant 208 : index
        %get3A_430 = tpu.vector_load %arg9[%get3A_429] {strides = array<i32>} : memref<256xi32, #tpu.memory_space<vmem>>, vector<16xi32>,
        %get3A_431 = vector.shape_cast %get3A_430 : vector<16xi32> to vector<16xi32>
        %swap3A_432 = arith.constant 80 : index
        %swap3A_433 = tpu.vector_load %arg15[%swap3A_432] {strides = array<i32>} : memref<128xi32, #tpu.memory_space<vmem>>, vector<16xi32>,
        %swap3A_434 = vector.shape_cast %swap3A_433 : vector<16xi32> to vector<16xi32>
        %swap3A_435 = vector.shape_cast %get3A_431 : vector<16xi32> to vector<16xi32>
        tpu.vector_store %arg15[%swap3A_432], %swap3A_435 {strides = array<i32>} : memref<128xi32, #tpu.memory_space<vmem>>, vector<16xi32>,
        %get3A_436 = arith.constant 80 : index
        %get3A_437 = tpu.vector_load %arg10[%get3A_436] {strides = array<i32>} : memref<256xi32, #tpu.memory_space<vmem>>, vector<16xi32>,
        %get3A_438 = vector.shape_cast %get3A_437 : vector<16xi32> to vector<16xi32>
        %swap3A_439 = arith.constant 80 : index
        %swap3A_440 = tpu.vector_load %arg16[%swap3A_439] {strides = array<i32>} : memref<128xi32, #tpu.memory_space<vmem>>, vector<16xi32>,
        %swap3A_441 = vector.shape_cast %swap3A_440 : vector<16xi32> to vector<16xi32>
        %swap3A_442 = vector.shape_cast %get3A_438 : vector<16xi32> to vector<16xi32>
        tpu.vector_store %arg16[%swap3A_439], %swap3A_442 {strides = array<i32>} : memref<128xi32, #tpu.memory_space<vmem>>, vector<16xi32>,
        %get3A_443 = arith.constant 208 : index
        %get3A_444 = tpu.vector_load %arg10[%get3A_443] {strides = array<i32>} : memref<256xi32, #tpu.memory_space<vmem>>, vector<16xi32>,
        %get3A_445 = vector.shape_cast %get3A_444 : vector<16xi32> to vector<16xi32>
        %swap3A_446 = arith.constant 80 : index
        %swap3A_447 = tpu.vector_load %arg17[%swap3A_446] {strides = array<i32>} : memref<128xi32, #tpu.memory_space<vmem>>, vector<16xi32>,
        %swap3A_448 = vector.shape_cast %swap3A_447 : vector<16xi32> to vector<16xi32>
        %swap3A_449 = vector.shape_cast %get3A_445 : vector<16xi32> to vector<16xi32>
        tpu.vector_store %arg17[%swap3A_446], %swap3A_449 {strides = array<i32>} : memref<128xi32, #tpu.memory_space<vmem>>, vector<16xi32>,
        %get3A_450 = arith.constant 96 : index
        %get3A_451 = tpu.vector_load %arg11[%get3A_450] {strides = array<i32>} : memref<256xi32, #tpu.memory_space<vmem>>, vector<16xi32>,
        %get3A_452 = vector.shape_cast %get3A_451 : vector<16xi32> to vector<16xi32>
        %mul3A_453 = arith.constant 8000 : i32
        %mul3A_454 = vector.broadcast %mul3A_453 : i32 to vector<16xi32>
        %mul3A_455 = arith.muli %get3A_452, %mul3A_454 : vector<16xi32>
        %get3A_456 = arith.constant 96 : index
        %get3A_457 = tpu.vector_load %arg9[%get3A_456] {strides = array<i32>} : memref<256xi32, #tpu.memory_space<vmem>>, vector<16xi32>,
        %get3A_458 = vector.shape_cast %get3A_457 : vector<16xi32> to vector<16xi32>
        %add3A_459 = arith.addi %mul3A_455, %get3A_458 : vector<16xi32>
        %swap3A_460 = arith.constant 96 : index
        %swap3A_461 = tpu.vector_load %arg12[%swap3A_460] {strides = array<i32>} : memref<128xi32, #tpu.memory_space<vmem>>, vector<16xi32>,
        %swap3A_462 = vector.shape_cast %swap3A_461 : vector<16xi32> to vector<16xi32>
        %swap3A_463 = vector.shape_cast %add3A_459 : vector<16xi32> to vector<16xi32>
        tpu.vector_store %arg12[%swap3A_460], %swap3A_463 {strides = array<i32>} : memref<128xi32, #tpu.memory_space<vmem>>, vector<16xi32>,
        %get3A_464 = arith.constant 224 : index
        %get3A_465 = tpu.vector_load %arg11[%get3A_464] {strides = array<i32>} : memref<256xi32, #tpu.memory_space<vmem>>, vector<16xi32>,
        %get3A_466 = vector.shape_cast %get3A_465 : vector<16xi32> to vector<16xi32>
        %mul3A_467 = arith.constant 8000 : i32
        %mul3A_468 = vector.broadcast %mul3A_467 : i32 to vector<16xi32>
        %mul3A_469 = arith.muli %get3A_466, %mul3A_468 : vector<16xi32>
        %get3A_470 = arith.constant 224 : index
        %get3A_471 = tpu.vector_load %arg9[%get3A_470] {strides = array<i32>} : memref<256xi32, #tpu.memory_space<vmem>>, vector<16xi32>,
        %get3A_472 = vector.shape_cast %get3A_471 : vector<16xi32> to vector<16xi32>
        %add3A_473 = arith.addi %mul3A_469, %get3A_472 : vector<16xi32>
        %swap3A_474 = arith.constant 96 : index
        %swap3A_475 = tpu.vector_load %arg13[%swap3A_474] {strides = array<i32>} : memref<128xi32, #tpu.memory_space<vmem>>, vector<16xi32>,
        %swap3A_476 = vector.shape_cast %swap3A_475 : vector<16xi32> to vector<16xi32>
        %swap3A_477 = vector.shape_cast %add3A_473 : vector<16xi32> to vector<16xi32>
        tpu.vector_store %arg13[%swap3A_474], %swap3A_477 {strides = array<i32>} : memref<128xi32, #tpu.memory_space<vmem>>, vector<16xi32>,
        %get3A_478 = arith.constant 96 : index
        %get3A_479 = tpu.vector_load %arg9[%get3A_478] {strides = array<i32>} : memref<256xi32, #tpu.memory_space<vmem>>, vector<16xi32>,
        %get3A_480 = vector.shape_cast %get3A_479 : vector<16xi32> to vector<16xi32>
        %swap3A_481 = arith.constant 96 : index
        %swap3A_482 = tpu.vector_load %arg14[%swap3A_481] {strides = array<i32>} : memref<128xi32, #tpu.memory_space<vmem>>, vector<16xi32>,
        %swap3A_483 = vector.shape_cast %swap3A_482 : vector<16xi32> to vector<16xi32>
        %swap3A_484 = vector.shape_cast %get3A_480 : vector<16xi32> to vector<16xi32>
        tpu.vector_store %arg14[%swap3A_481], %swap3A_484 {strides = array<i32>} : memref<128xi32, #tpu.memory_space<vmem>>, vector<16xi32>,
        %get3A_485 = arith.constant 224 : index
        %get3A_486 = tpu.vector_load %arg9[%get3A_485] {strides = array<i32>} : memref<256xi32, #tpu.memory_space<vmem>>, vector<16xi32>,
        %get3A_487 = vector.shape_cast %get3A_486 : vector<16xi32> to vector<16xi32>
        %swap3A_488 = arith.constant 96 : index
        %swap3A_489 = tpu.vector_load %arg15[%swap3A_488] {strides = array<i32>} : memref<128xi32, #tpu.memory_space<vmem>>, vector<16xi32>,
        %swap3A_490 = vector.shape_cast %swap3A_489 : vector<16xi32> to vector<16xi32>
        %swap3A_491 = vector.shape_cast %get3A_487 : vector<16xi32> to vector<16xi32>
        tpu.vector_store %arg15[%swap3A_488], %swap3A_491 {strides = array<i32>} : memref<128xi32, #tpu.memory_space<vmem>>, vector<16xi32>,
        %get3A_492 = arith.constant 96 : index
        %get3A_493 = tpu.vector_load %arg10[%get3A_492] {strides = array<i32>} : memref<256xi32, #tpu.memory_space<vmem>>, vector<16xi32>,
        %get3A_494 = vector.shape_cast %get3A_493 : vector<16xi32> to vector<16xi32>
        %swap3A_495 = arith.constant 96 : index
        %swap3A_496 = tpu.vector_load %arg16[%swap3A_495] {strides = array<i32>} : memref<128xi32, #tpu.memory_space<vmem>>, vector<16xi32>,
        %swap3A_497 = vector.shape_cast %swap3A_496 : vector<16xi32> to vector<16xi32>
        %swap3A_498 = vector.shape_cast %get3A_494 : vector<16xi32> to vector<16xi32>
        tpu.vector_store %arg16[%swap3A_495], %swap3A_498 {strides = array<i32>} : memref<128xi32, #tpu.memory_space<vmem>>, vector<16xi32>,
        %get3A_499 = arith.constant 224 : index
        %get3A_500 = tpu.vector_load %arg10[%get3A_499] {strides = array<i32>} : memref<256xi32, #tpu.memory_space<vmem>>, vector<16xi32>,
        %get3A_501 = vector.shape_cast %get3A_500 : vector<16xi32> to vector<16xi32>
        %swap3A_502 = arith.constant 96 : index
        %swap3A_503 = tpu.vector_load %arg17[%swap3A_502] {strides = array<i32>} : memref<128xi32, #tpu.memory_space<vmem>>, vector<16xi32>,
        %swap3A_504 = vector.shape_cast %swap3A_503 : vector<16xi32> to vector<16xi32>
        %swap3A_505 = vector.shape_cast %get3A_501 : vector<16xi32> to vector<16xi32>
        tpu.vector_store %arg17[%swap3A_502], %swap3A_505 {strides = array<i32>} : memref<128xi32, #tpu.memory_space<vmem>>, vector<16xi32>,
        %get3A_506 = arith.constant 112 : index
        %get3A_507 = tpu.vector_load %arg11[%get3A_506] {strides = array<i32>} : memref<256xi32, #tpu.memory_space<vmem>>, vector<16xi32>,
        %get3A_508 = vector.shape_cast %get3A_507 : vector<16xi32> to vector<16xi32>
        %mul3A_509 = arith.constant 8000 : i32
        %mul3A_510 = vector.broadcast %mul3A_509 : i32 to vector<16xi32>
        %mul3A_511 = arith.muli %get3A_508, %mul3A_510 : vector<16xi32>
        %get3A_512 = arith.constant 112 : index
        %get3A_513 = tpu.vector_load %arg9[%get3A_512] {strides = array<i32>} : memref<256xi32, #tpu.memory_space<vmem>>, vector<16xi32>,
        %get3A_514 = vector.shape_cast %get3A_513 : vector<16xi32> to vector<16xi32>
        %add3A_515 = arith.addi %mul3A_511, %get3A_514 : vector<16xi32>
        %swap3A_516 = arith.constant 112 : index
        %swap3A_517 = tpu.vector_load %arg12[%swap3A_516] {strides = array<i32>} : memref<128xi32, #tpu.memory_space<vmem>>, vector<16xi32>,
        %swap3A_518 = vector.shape_cast %swap3A_517 : vector<16xi32> to vector<16xi32>
        %swap3A_519 = vector.shape_cast %add3A_515 : vector<16xi32> to vector<16xi32>
        tpu.vector_store %arg12[%swap3A_516], %swap3A_519 {strides = array<i32>} : memref<128xi32, #tpu.memory_space<vmem>>, vector<16xi32>,
        %get3A_520 = arith.constant 240 : index
        %get3A_521 = tpu.vector_load %arg11[%get3A_520] {strides = array<i32>} : memref<256xi32, #tpu.memory_space<vmem>>, vector<16xi32>,
        %get3A_522 = vector.shape_cast %get3A_521 : vector<16xi32> to vector<16xi32>
        %mul3A_523 = arith.constant 8000 : i32
        %mul3A_524 = vector.broadcast %mul3A_523 : i32 to vector<16xi32>
        %mul3A_525 = arith.muli %get3A_522, %mul3A_524 : vector<16xi32>
        %get3A_526 = arith.constant 240 : index
        %get3A_527 = tpu.vector_load %arg9[%get3A_526] {strides = array<i32>} : memref<256xi32, #tpu.memory_space<vmem>>, vector<16xi32>,
        %get3A_528 = vector.shape_cast %get3A_527 : vector<16xi32> to vector<16xi32>
        %add3A_529 = arith.addi %mul3A_525, %get3A_528 : vector<16xi32>
        %swap3A_530 = arith.constant 112 : index
        %swap3A_531 = tpu.vector_load %arg13[%swap3A_530] {strides = array<i32>} : memref<128xi32, #tpu.memory_space<vmem>>, vector<16xi32>,
        %swap3A_532 = vector.shape_cast %swap3A_531 : vector<16xi32> to vector<16xi32>
        %swap3A_533 = vector.shape_cast %add3A_529 : vector<16xi32> to vector<16xi32>
        tpu.vector_store %arg13[%swap3A_530], %swap3A_533 {strides = array<i32>} : memref<128xi32, #tpu.memory_space<vmem>>, vector<16xi32>,
        %get3A_534 = arith.constant 112 : index
        %get3A_535 = tpu.vector_load %arg9[%get3A_534] {strides = array<i32>} : memref<256xi32, #tpu.memory_space<vmem>>, vector<16xi32>,
        %get3A_536 = vector.shape_cast %get3A_535 : vector<16xi32> to vector<16xi32>
        %swap3A_537 = arith.constant 112 : index
        %swap3A_538 = tpu.vector_load %arg14[%swap3A_537] {strides = array<i32>} : memref<128xi32, #tpu.memory_space<vmem>>, vector<16xi32>,
        %swap3A_539 = vector.shape_cast %swap3A_538 : vector<16xi32> to vector<16xi32>
        %swap3A_540 = vector.shape_cast %get3A_536 : vector<16xi32> to vector<16xi32>
        tpu.vector_store %arg14[%swap3A_537], %swap3A_540 {strides = array<i32>} : memref<128xi32, #tpu.memory_space<vmem>>, vector<16xi32>,
        %get3A_541 = arith.constant 240 : index
        %get3A_542 = tpu.vector_load %arg9[%get3A_541] {strides = array<i32>} : memref<256xi32, #tpu.memory_space<vmem>>, vector<16xi32>,
        %get3A_543 = vector.shape_cast %get3A_542 : vector<16xi32> to vector<16xi32>
        %swap3A_544 = arith.constant 112 : index
        %swap3A_545 = tpu.vector_load %arg15[%swap3A_544] {strides = array<i32>} : memref<128xi32, #tpu.memory_space<vmem>>, vector<16xi32>,
        %swap3A_546 = vector.shape_cast %swap3A_545 : vector<16xi32> to vector<16xi32>
        %swap3A_547 = vector.shape_cast %get3A_543 : vector<16xi32> to vector<16xi32>
        tpu.vector_store %arg15[%swap3A_544], %swap3A_547 {strides = array<i32>} : memref<128xi32, #tpu.memory_space<vmem>>, vector<16xi32>,
        %get3A_548 = arith.constant 112 : index
        %get3A_549 = tpu.vector_load %arg10[%get3A_548] {strides = array<i32>} : memref<256xi32, #tpu.memory_space<vmem>>, vector<16xi32>,
        %get3A_550 = vector.shape_cast %get3A_549 : vector<16xi32> to vector<16xi32>
        %swap3A_551 = arith.constant 112 : index
        %swap3A_552 = tpu.vector_load %arg16[%swap3A_551] {strides = array<i32>} : memref<128xi32, #tpu.memory_space<vmem>>, vector<16xi32>,
        %swap3A_553 = vector.shape_cast %swap3A_552 : vector<16xi32> to vector<16xi32>
        %swap3A_554 = vector.shape_cast %get3A_550 : vector<16xi32> to vector<16xi32>
        tpu.vector_store %arg16[%swap3A_551], %swap3A_554 {strides = array<i32>} : memref<128xi32, #tpu.memory_space<vmem>>, vector<16xi32>,
        %get3A_555 = arith.constant 240 : index
        %get3A_556 = tpu.vector_load %arg10[%get3A_555] {strides = array<i32>} : memref<256xi32, #tpu.memory_space<vmem>>, vector<16xi32>,
        %get3A_557 = vector.shape_cast %get3A_556 : vector<16xi32> to vector<16xi32>
        %swap3A_558 = arith.constant 112 : index
        %swap3A_559 = tpu.vector_load %arg17[%swap3A_558] {strides = array<i32>} : memref<128xi32, #tpu.memory_space<vmem>>, vector<16xi32>,
        %swap3A_560 = vector.shape_cast %swap3A_559 : vector<16xi32> to vector<16xi32>
        %swap3A_561 = vector.shape_cast %get3A_557 : vector<16xi32> to vector<16xi32>
        tpu.vector_store %arg17[%swap3A_558], %swap3A_561 {strides = array<i32>} : memref<128xi32, #tpu.memory_space<vmem>>, vector<16xi32>,
        %dma_start3A_562 = arith.constant 0 : i32
        %dma_start3A_563 = arith.constant 0 : i32
        %dma_start3A_564 = tpu.memref_slice %arg2[%dma_start3A_562, %dma_start3A_563] : memref<80000x256xf32, #tpu.memory_space<hbm>> -> memref<80000x128xf32, #tpu.memory_space<hbm>>
        tpu.enqueue_indirect_dma source(%dma_start3A_564 : memref<80000x128xf32, #tpu.memory_space<hbm>>) target(%arg19 : memref<128x128xf32, #tpu.memory_space<vmem>>) offsets(%arg12 : memref<128xi32, #tpu.memory_space<vmem>>) semaphore(%arg28 : memref<!tpu.dma_semaphore, #tpu.memory_space<semaphore_mem>>)
        %dma_start3A_565 = arith.constant 0 : i32
        %dma_start3A_566 = arith.constant 128 : i32
        %dma_start3A_567 = tpu.memref_slice %arg2[%dma_start3A_565, %dma_start3A_566] : memref<80000x256xf32, #tpu.memory_space<hbm>> -> memref<80000x128xf32, #tpu.memory_space<hbm>>
        tpu.enqueue_indirect_dma source(%dma_start3A_567 : memref<80000x128xf32, #tpu.memory_space<hbm>>) target(%arg20 : memref<128x128xf32, #tpu.memory_space<vmem>>) offsets(%arg12 : memref<128xi32, #tpu.memory_space<vmem>>) semaphore(%arg28 : memref<!tpu.dma_semaphore, #tpu.memory_space<semaphore_mem>>)
        %dma_start3A_568 = arith.constant 0 : i32
        %dma_start3A_569 = arith.constant 0 : i32
        %dma_start3A_570 = tpu.memref_slice %arg2[%dma_start3A_568, %dma_start3A_569] : memref<80000x256xf32, #tpu.memory_space<hbm>> -> memref<80000x128xf32, #tpu.memory_space<hbm>>
        tpu.enqueue_indirect_dma source(%dma_start3A_570 : memref<80000x128xf32, #tpu.memory_space<hbm>>) target(%arg21 : memref<128x128xf32, #tpu.memory_space<vmem>>) offsets(%arg13 : memref<128xi32, #tpu.memory_space<vmem>>) semaphore(%arg28 : memref<!tpu.dma_semaphore, #tpu.memory_space<semaphore_mem>>)
        %dma_start3A_571 = arith.constant 0 : i32
        %dma_start3A_572 = arith.constant 128 : i32
        %dma_start3A_573 = tpu.memref_slice %arg2[%dma_start3A_571, %dma_start3A_572] : memref<80000x256xf32, #tpu.memory_space<hbm>> -> memref<80000x128xf32, #tpu.memory_space<hbm>>
        tpu.enqueue_indirect_dma source(%dma_start3A_573 : memref<80000x128xf32, #tpu.memory_space<hbm>>) target(%arg22 : memref<128x128xf32, #tpu.memory_space<vmem>>) offsets(%arg13 : memref<128xi32, #tpu.memory_space<vmem>>) semaphore(%arg28 : memref<!tpu.dma_semaphore, #tpu.memory_space<semaphore_mem>>)
        %dma_wait3A_574 = arith.constant 0 : i32
        %dma_wait3A_575 = arith.constant 0 : i32
        %dma_wait3A_576 = tpu.memref_slice %arg2[%dma_wait3A_574, %dma_wait3A_575] : memref<80000x256xf32, #tpu.memory_space<hbm>> -> memref<80000x128xf32, #tpu.memory_space<hbm>>
        tpu.wait_indirect_dma semaphore(%arg28 : memref<!tpu.dma_semaphore, #tpu.memory_space<semaphore_mem>>) src(%dma_wait3A_576 : memref<80000x128xf32, #tpu.memory_space<hbm>>) dst(%arg19 : memref<128x128xf32, #tpu.memory_space<vmem>>)
        %dma_wait3A_577 = arith.constant 0 : i32
        %dma_wait3A_578 = arith.constant 128 : i32
        %dma_wait3A_579 = tpu.memref_slice %arg2[%dma_wait3A_577, %dma_wait3A_578] : memref<80000x256xf32, #tpu.memory_space<hbm>> -> memref<80000x128xf32, #tpu.memory_space<hbm>>
        tpu.wait_indirect_dma semaphore(%arg28 : memref<!tpu.dma_semaphore, #tpu.memory_space<semaphore_mem>>) src(%dma_wait3A_579 : memref<80000x128xf32, #tpu.memory_space<hbm>>) dst(%arg20 : memref<128x128xf32, #tpu.memory_space<vmem>>)
        %dma_wait3A_580 = arith.constant 0 : i32
        %dma_wait3A_581 = arith.constant 0 : i32
        %dma_wait3A_582 = tpu.memref_slice %arg2[%dma_wait3A_580, %dma_wait3A_581] : memref<80000x256xf32, #tpu.memory_space<hbm>> -> memref<80000x128xf32, #tpu.memory_space<hbm>>
        tpu.wait_indirect_dma semaphore(%arg28 : memref<!tpu.dma_semaphore, #tpu.memory_space<semaphore_mem>>) src(%dma_wait3A_582 : memref<80000x128xf32, #tpu.memory_space<hbm>>) dst(%arg21 : memref<128x128xf32, #tpu.memory_space<vmem>>)
        %dma_wait3A_583 = arith.constant 0 : i32
        %dma_wait3A_584 = arith.constant 128 : i32
        %dma_wait3A_585 = tpu.memref_slice %arg2[%dma_wait3A_583, %dma_wait3A_584] : memref<80000x256xf32, #tpu.memory_space<hbm>> -> memref<80000x128xf32, #tpu.memory_space<hbm>>
        tpu.wait_indirect_dma semaphore(%arg28 : memref<!tpu.dma_semaphore, #tpu.memory_space<semaphore_mem>>) src(%dma_wait3A_585 : memref<80000x128xf32, #tpu.memory_space<hbm>>) dst(%arg22 : memref<128x128xf32, #tpu.memory_space<vmem>>)
        %dma_start3A_586 = arith.constant 0 : i32
        %dma_start3A_587 = arith.constant 0 : i32
        %dma_start3A_588 = tpu.memref_slice %arg24[%dma_start3A_586, %dma_start3A_587] : memref<2048x128xf32, #tpu.memory_space<vmem_shared>> -> memref<2048x128xf32, #tpu.memory_space<vmem_shared>>
        tpu.enqueue_indirect_dma source(%arg19 : memref<128x128xf32, #tpu.memory_space<vmem>>) target(%dma_start3A_588 : memref<2048x128xf32, #tpu.memory_space<vmem_shared>>) offsets(%arg16 : memref<128xi32, #tpu.memory_space<vmem>>) semaphore(%arg28 : memref<!tpu.dma_semaphore, #tpu.memory_space<semaphore_mem>>) {add = true}
        %dma_start3A_589 = arith.constant 0 : i32
        %dma_start3A_590 = arith.constant 0 : i32
        %dma_start3A_591 = tpu.memref_slice %arg25[%dma_start3A_589, %dma_start3A_590] : memref<2048x128xf32, #tpu.memory_space<vmem_shared>> -> memref<2048x128xf32, #tpu.memory_space<vmem_shared>>
        tpu.enqueue_indirect_dma source(%arg20 : memref<128x128xf32, #tpu.memory_space<vmem>>) target(%dma_start3A_591 : memref<2048x128xf32, #tpu.memory_space<vmem_shared>>) offsets(%arg16 : memref<128xi32, #tpu.memory_space<vmem>>) semaphore(%arg28 : memref<!tpu.dma_semaphore, #tpu.memory_space<semaphore_mem>>) {add = true}
        %dma_start3A_592 = arith.constant 0 : i32
        %dma_start3A_593 = arith.constant 0 : i32
        %dma_start3A_594 = tpu.memref_slice %arg24[%dma_start3A_592, %dma_start3A_593] : memref<2048x128xf32, #tpu.memory_space<vmem_shared>> -> memref<2048x128xf32, #tpu.memory_space<vmem_shared>>
        tpu.enqueue_indirect_dma source(%arg21 : memref<128x128xf32, #tpu.memory_space<vmem>>) target(%dma_start3A_594 : memref<2048x128xf32, #tpu.memory_space<vmem_shared>>) offsets(%arg17 : memref<128xi32, #tpu.memory_space<vmem>>) semaphore(%arg28 : memref<!tpu.dma_semaphore, #tpu.memory_space<semaphore_mem>>) {add = true}
        %dma_start3A_595 = arith.constant 0 : i32
        %dma_start3A_596 = arith.constant 0 : i32
        %dma_start3A_597 = tpu.memref_slice %arg25[%dma_start3A_595, %dma_start3A_596] : memref<2048x128xf32, #tpu.memory_space<vmem_shared>> -> memref<2048x128xf32, #tpu.memory_space<vmem_shared>>
        tpu.enqueue_indirect_dma source(%arg22 : memref<128x128xf32, #tpu.memory_space<vmem>>) target(%dma_start3A_597 : memref<2048x128xf32, #tpu.memory_space<vmem_shared>>) offsets(%arg17 : memref<128xi32, #tpu.memory_space<vmem>>) semaphore(%arg28 : memref<!tpu.dma_semaphore, #tpu.memory_space<semaphore_mem>>) {add = true}
        "tpu.region"() ({
          %run_scoped3A_610 = tpu.sem_alloc : memref<!tpu.dma_semaphore, #tpu.memory_space<semaphore_mem>>
          %dma_start3A_611 = arith.constant 0 : i32
          %dma_start3A_612 = tpu.memref_slice %arg26[%dma_start3A_611] : memref<2048xf32, #tpu.memory_space<vmem_shared>> -> memref<2048xf32, #tpu.memory_space<vmem_shared>>
          tpu.enqueue_indirect_dma source(%arg18 : memref<128xf32, #tpu.memory_space<vmem>>) target(%dma_start3A_612 : memref<2048xf32, #tpu.memory_space<vmem_shared>>) offsets(%arg16 : memref<128xi32, #tpu.memory_space<vmem>>) semaphore(%run_scoped3A_610 : memref<!tpu.dma_semaphore, #tpu.memory_space<semaphore_mem>>) {add = true}
          %dma_wait3A_613 = arith.constant 0 : i32
          %dma_wait3A_614 = tpu.memref_slice %arg26[%dma_wait3A_613] : memref<2048xf32, #tpu.memory_space<vmem_shared>> -> memref<2048xf32, #tpu.memory_space<vmem_shared>>
          tpu.wait_indirect_dma semaphore(%run_scoped3A_610 : memref<!tpu.dma_semaphore, #tpu.memory_space<semaphore_mem>>) src(%arg18 : memref<128xf32, #tpu.memory_space<vmem>>) dst(%dma_wait3A_614 : memref<2048xf32, #tpu.memory_space<vmem_shared>>)
          tpu.yield
        }) : () -> ()
        "tpu.region"() ({
          %run_scoped3A_610 = tpu.sem_alloc : memref<!tpu.dma_semaphore, #tpu.memory_space<semaphore_mem>>
          %dma_start3A_611 = arith.constant 0 : i32
          %dma_start3A_612 = tpu.memref_slice %arg26[%dma_start3A_611] : memref<2048xf32, #tpu.memory_space<vmem_shared>> -> memref<2048xf32, #tpu.memory_space<vmem_shared>>
          tpu.enqueue_indirect_dma source(%arg18 : memref<128xf32, #tpu.memory_space<vmem>>) target(%dma_start3A_612 : memref<2048xf32, #tpu.memory_space<vmem_shared>>) offsets(%arg17 : memref<128xi32, #tpu.memory_space<vmem>>) semaphore(%run_scoped3A_610 : memref<!tpu.dma_semaphore, #tpu.memory_space<semaphore_mem>>) {add = true}
          %dma_wait3A_613 = arith.constant 0 : i32
          %dma_wait3A_614 = tpu.memref_slice %arg26[%dma_wait3A_613] : memref<2048xf32, #tpu.memory_space<vmem_shared>> -> memref<2048xf32, #tpu.memory_space<vmem_shared>>
          tpu.wait_indirect_dma semaphore(%run_scoped3A_610 : memref<!tpu.dma_semaphore, #tpu.memory_space<semaphore_mem>>) src(%arg18 : memref<128xf32, #tpu.memory_space<vmem>>) dst(%dma_wait3A_614 : memref<2048xf32, #tpu.memory_space<vmem_shared>>)
          tpu.yield
        }) : () -> ()
        "tpu.region"() ({
          %run_scoped3A_610 = tpu.sem_alloc : memref<!tpu.dma_semaphore, #tpu.memory_space<semaphore_mem>>
          %dma_start3A_611 = arith.constant 0 : i32
          %dma_start3A_612 = tpu.memref_slice %arg27[%dma_start3A_611] : memref<8192xf32, #tpu.memory_space<vmem_shared>> -> memref<8192xf32, #tpu.memory_space<vmem_shared>>
          tpu.enqueue_indirect_dma source(%arg18 : memref<128xf32, #tpu.memory_space<vmem>>) target(%dma_start3A_612 : memref<8192xf32, #tpu.memory_space<vmem_shared>>) offsets(%arg14 : memref<128xi32, #tpu.memory_space<vmem>>) semaphore(%run_scoped3A_610 : memref<!tpu.dma_semaphore, #tpu.memory_space<semaphore_mem>>) {add = true}
          %dma_wait3A_613 = arith.constant 0 : i32
          %dma_wait3A_614 = tpu.memref_slice %arg27[%dma_wait3A_613] : memref<8192xf32, #tpu.memory_space<vmem_shared>> -> memref<8192xf32, #tpu.memory_space<vmem_shared>>
          tpu.wait_indirect_dma semaphore(%run_scoped3A_610 : memref<!tpu.dma_semaphore, #tpu.memory_space<semaphore_mem>>) src(%arg18 : memref<128xf32, #tpu.memory_space<vmem>>) dst(%dma_wait3A_614 : memref<8192xf32, #tpu.memory_space<vmem_shared>>)
          tpu.yield
        }) : () -> ()
        "tpu.region"() ({
          %run_scoped3A_610 = tpu.sem_alloc : memref<!tpu.dma_semaphore, #tpu.memory_space<semaphore_mem>>
          %dma_start3A_611 = arith.constant 0 : i32
          %dma_start3A_612 = tpu.memref_slice %arg27[%dma_start3A_611] : memref<8192xf32, #tpu.memory_space<vmem_shared>> -> memref<8192xf32, #tpu.memory_space<vmem_shared>>
          tpu.enqueue_indirect_dma source(%arg18 : memref<128xf32, #tpu.memory_space<vmem>>) target(%dma_start3A_612 : memref<8192xf32, #tpu.memory_space<vmem_shared>>) offsets(%arg15 : memref<128xi32, #tpu.memory_space<vmem>>) semaphore(%run_scoped3A_610 : memref<!tpu.dma_semaphore, #tpu.memory_space<semaphore_mem>>) {add = true}
          %dma_wait3A_613 = arith.constant 0 : i32
          %dma_wait3A_614 = tpu.memref_slice %arg27[%dma_wait3A_613] : memref<8192xf32, #tpu.memory_space<vmem_shared>> -> memref<8192xf32, #tpu.memory_space<vmem_shared>>
          tpu.wait_indirect_dma semaphore(%run_scoped3A_610 : memref<!tpu.dma_semaphore, #tpu.memory_space<semaphore_mem>>) src(%arg18 : memref<128xf32, #tpu.memory_space<vmem>>) dst(%dma_wait3A_614 : memref<8192xf32, #tpu.memory_space<vmem_shared>>)
          tpu.yield
        }) : () -> ()
        %dma_wait3A_598 = arith.constant 0 : i32
        %dma_wait3A_599 = arith.constant 0 : i32
        %dma_wait3A_600 = tpu.memref_slice %arg24[%dma_wait3A_598, %dma_wait3A_599] : memref<2048x128xf32, #tpu.memory_space<vmem_shared>> -> memref<2048x128xf32, #tpu.memory_space<vmem_shared>>
        tpu.wait_indirect_dma semaphore(%arg28 : memref<!tpu.dma_semaphore, #tpu.memory_space<semaphore_mem>>) src(%arg19 : memref<128x128xf32, #tpu.memory_space<vmem>>) dst(%dma_wait3A_600 : memref<2048x128xf32, #tpu.memory_space<vmem_shared>>)
        %dma_wait3A_601 = arith.constant 0 : i32
        %dma_wait3A_602 = arith.constant 0 : i32
        %dma_wait3A_603 = tpu.memref_slice %arg25[%dma_wait3A_601, %dma_wait3A_602] : memref<2048x128xf32, #tpu.memory_space<vmem_shared>> -> memref<2048x128xf32, #tpu.memory_space<vmem_shared>>
        tpu.wait_indirect_dma semaphore(%arg28 : memref<!tpu.dma_semaphore, #tpu.memory_space<semaphore_mem>>) src(%arg20 : memref<128x128xf32, #tpu.memory_space<vmem>>) dst(%dma_wait3A_603 : memref<2048x128xf32, #tpu.memory_space<vmem_shared>>)
        %dma_wait3A_604 = arith.constant 0 : i32
        %dma_wait3A_605 = arith.constant 0 : i32
        %dma_wait3A_606 = tpu.memref_slice %arg24[%dma_wait3A_604, %dma_wait3A_605] : memref<2048x128xf32, #tpu.memory_space<vmem_shared>> -> memref<2048x128xf32, #tpu.memory_space<vmem_shared>>
        tpu.wait_indirect_dma semaphore(%arg28 : memref<!tpu.dma_semaphore, #tpu.memory_space<semaphore_mem>>) src(%arg21 : memref<128x128xf32, #tpu.memory_space<vmem>>) dst(%dma_wait3A_606 : memref<2048x128xf32, #tpu.memory_space<vmem_shared>>)
        %dma_wait3A_607 = arith.constant 0 : i32
        %dma_wait3A_608 = arith.constant 0 : i32
        %dma_wait3A_609 = tpu.memref_slice %arg25[%dma_wait3A_607, %dma_wait3A_608] : memref<2048x128xf32, #tpu.memory_space<vmem_shared>> -> memref<2048x128xf32, #tpu.memory_space<vmem_shared>>
        tpu.wait_indirect_dma semaphore(%arg28 : memref<!tpu.dma_semaphore, #tpu.memory_space<semaphore_mem>>) src(%arg22 : memref<128x128xf32, #tpu.memory_space<vmem>>) dst(%dma_wait3A_609 : memref<2048x128xf32, #tpu.memory_space<vmem_shared>>)
      } else {
      }
    }
    %scan3A_79 = arith.constant 20 : i32
    %barrier3A_80 = arith.constant 0 : index
    tpu.barrier barrier_id(%barrier3A_80)
    %mul3A_81 = arith.constant 128 : i32
    %mul3A_82 = arith.muli %arg1, %mul3A_81 : i32
    %mul3A_83 = arith.constant 128 : i32
    %mul3A_84 = arith.muli %arg1, %mul3A_83 : i32
    "tpu.region"() ({
      %run_scoped3A_97 = tpu.sem_alloc : memref<!tpu.dma_semaphore, #tpu.memory_space<semaphore_mem>>
      %dma_start3A = arith.constant 0 : i32
      %dma_start3A_98 = tpu.memref_slice %arg6[%arg0, %mul3A_84, %dma_start3A] : memref<2x2048x256xf32, #tpu.memory_space<hbm>> -> memref<1x128x128xf32, #tpu.memory_space<hbm>>
      %dma_start3A_99 = tpu.memref_squeeze %dma_start3A_98 : memref<1x128x128xf32, #tpu.memory_space<hbm>> -> memref<128x128xf32, #tpu.memory_space<hbm>>
      %dma_start3A_100 = arith.constant 0 : i32
      %dma_start3A_101 = tpu.memref_slice %arg24[%mul3A_82, %dma_start3A_100] : memref<2048x128xf32, #tpu.memory_space<vmem_shared>> -> memref<128x128xf32, #tpu.memory_space<vmem_shared>>
      tpu.enqueue_dma source(%dma_start3A_101 : memref<128x128xf32, #tpu.memory_space<vmem_shared>>) target(%dma_start3A_99 : memref<128x128xf32, #tpu.memory_space<hbm>>) target_semaphore(%run_scoped3A_97 : memref<!tpu.dma_semaphore, #tpu.memory_space<semaphore_mem>>)
      %dma_wait3A = arith.constant 0 : i32
      %dma_wait3A_102 = tpu.memref_slice %arg6[%arg0, %mul3A_84, %dma_wait3A] : memref<2x2048x256xf32, #tpu.memory_space<hbm>> -> memref<1x128x128xf32, #tpu.memory_space<hbm>>
      %dma_wait3A_103 = tpu.memref_squeeze %dma_wait3A_102 : memref<1x128x128xf32, #tpu.memory_space<hbm>> -> memref<128x128xf32, #tpu.memory_space<hbm>>
      %dma_wait3A_104 = arith.constant 0 : i32
      %dma_wait3A_105 = tpu.memref_slice %arg24[%mul3A_82, %dma_wait3A_104] : memref<2048x128xf32, #tpu.memory_space<vmem_shared>> -> memref<128x128xf32, #tpu.memory_space<vmem_shared>>
      tpu.wait_dma2 semaphore(%run_scoped3A_97 : memref<!tpu.dma_semaphore, #tpu.memory_space<semaphore_mem>>) src(%dma_wait3A_105 : memref<128x128xf32, #tpu.memory_space<vmem_shared>>) dst(%dma_wait3A_103 : memref<128x128xf32, #tpu.memory_space<hbm>>)
      tpu.yield
    }) : () -> ()
    %mul3A_85 = arith.constant 128 : i32
    %mul3A_86 = arith.muli %arg1, %mul3A_85 : i32
    %mul3A_87 = arith.constant 128 : i32
    %mul3A_88 = arith.muli %arg1, %mul3A_87 : i32
    "tpu.region"() ({
      %run_scoped3A_97 = tpu.sem_alloc : memref<!tpu.dma_semaphore, #tpu.memory_space<semaphore_mem>>
      %dma_start3A = arith.constant 128 : i32
      %dma_start3A_98 = tpu.memref_slice %arg6[%arg0, %mul3A_88, %dma_start3A] : memref<2x2048x256xf32, #tpu.memory_space<hbm>> -> memref<1x128x128xf32, #tpu.memory_space<hbm>>
      %dma_start3A_99 = tpu.memref_squeeze %dma_start3A_98 : memref<1x128x128xf32, #tpu.memory_space<hbm>> -> memref<128x128xf32, #tpu.memory_space<hbm>>
      %dma_start3A_100 = arith.constant 0 : i32
      %dma_start3A_101 = tpu.memref_slice %arg25[%mul3A_86, %dma_start3A_100] : memref<2048x128xf32, #tpu.memory_space<vmem_shared>> -> memref<128x128xf32, #tpu.memory_space<vmem_shared>>
      tpu.enqueue_dma source(%dma_start3A_101 : memref<128x128xf32, #tpu.memory_space<vmem_shared>>) target(%dma_start3A_99 : memref<128x128xf32, #tpu.memory_space<hbm>>) target_semaphore(%run_scoped3A_97 : memref<!tpu.dma_semaphore, #tpu.memory_space<semaphore_mem>>)
      %dma_wait3A = arith.constant 128 : i32
      %dma_wait3A_102 = tpu.memref_slice %arg6[%arg0, %mul3A_88, %dma_wait3A] : memref<2x2048x256xf32, #tpu.memory_space<hbm>> -> memref<1x128x128xf32, #tpu.memory_space<hbm>>
      %dma_wait3A_103 = tpu.memref_squeeze %dma_wait3A_102 : memref<1x128x128xf32, #tpu.memory_space<hbm>> -> memref<128x128xf32, #tpu.memory_space<hbm>>
      %dma_wait3A_104 = arith.constant 0 : i32
      %dma_wait3A_105 = tpu.memref_slice %arg25[%mul3A_86, %dma_wait3A_104] : memref<2048x128xf32, #tpu.memory_space<vmem_shared>> -> memref<128x128xf32, #tpu.memory_space<vmem_shared>>
      tpu.wait_dma2 semaphore(%run_scoped3A_97 : memref<!tpu.dma_semaphore, #tpu.memory_space<semaphore_mem>>) src(%dma_wait3A_105 : memref<128x128xf32, #tpu.memory_space<vmem_shared>>) dst(%dma_wait3A_103 : memref<128x128xf32, #tpu.memory_space<hbm>>)
      tpu.yield
    }) : () -> ()
    %mul3A_89 = arith.constant 128 : i32
    %mul3A_90 = arith.muli %arg1, %mul3A_89 : i32
    %mul3A_91 = arith.constant 128 : i32
    %mul3A_92 = arith.muli %arg1, %mul3A_91 : i32
    "tpu.region"() ({
      %run_scoped3A_97 = tpu.sem_alloc : memref<!tpu.dma_semaphore, #tpu.memory_space<semaphore_mem>>
      %dma_start3A = tpu.memref_slice %arg7[%arg0, %mul3A_92] : memref<2x2048xf32, #tpu.memory_space<hbm>> -> memref<1x128xf32, #tpu.memory_space<hbm>>
      %dma_start3A_98 = tpu.memref_squeeze %dma_start3A : memref<1x128xf32, #tpu.memory_space<hbm>> -> memref<128xf32, #tpu.memory_space<hbm>>
      %dma_start3A_99 = tpu.memref_slice %arg26[%mul3A_90] : memref<2048xf32, #tpu.memory_space<vmem_shared>> -> memref<128xf32, #tpu.memory_space<vmem_shared>>
      tpu.enqueue_dma source(%dma_start3A_99 : memref<128xf32, #tpu.memory_space<vmem_shared>>) target(%dma_start3A_98 : memref<128xf32, #tpu.memory_space<hbm>>) target_semaphore(%run_scoped3A_97 : memref<!tpu.dma_semaphore, #tpu.memory_space<semaphore_mem>>)
      %dma_wait3A = tpu.memref_slice %arg7[%arg0, %mul3A_92] : memref<2x2048xf32, #tpu.memory_space<hbm>> -> memref<1x128xf32, #tpu.memory_space<hbm>>
      %dma_wait3A_100 = tpu.memref_squeeze %dma_wait3A : memref<1x128xf32, #tpu.memory_space<hbm>> -> memref<128xf32, #tpu.memory_space<hbm>>
      %dma_wait3A_101 = tpu.memref_slice %arg26[%mul3A_90] : memref<2048xf32, #tpu.memory_space<vmem_shared>> -> memref<128xf32, #tpu.memory_space<vmem_shared>>
      tpu.wait_dma2 semaphore(%run_scoped3A_97 : memref<!tpu.dma_semaphore, #tpu.memory_space<semaphore_mem>>) src(%dma_wait3A_101 : memref<128xf32, #tpu.memory_space<vmem_shared>>) dst(%dma_wait3A_100 : memref<128xf32, #tpu.memory_space<hbm>>)
      tpu.yield
    }) : () -> ()
    %mul3A_93 = arith.constant 512 : i32
    %mul3A_94 = arith.muli %arg1, %mul3A_93 : i32
    %mul3A_95 = arith.constant 512 : i32
    %mul3A_96 = arith.muli %arg1, %mul3A_95 : i32
    "tpu.region"() ({
      %run_scoped3A_97 = tpu.sem_alloc : memref<!tpu.dma_semaphore, #tpu.memory_space<semaphore_mem>>
      %dma_start3A = tpu.memref_slice %arg8[%arg0, %mul3A_96] : memref<2x8192xf32, #tpu.memory_space<hbm>> -> memref<1x512xf32, #tpu.memory_space<hbm>>
      %dma_start3A_98 = tpu.memref_squeeze %dma_start3A : memref<1x512xf32, #tpu.memory_space<hbm>> -> memref<512xf32, #tpu.memory_space<hbm>>
      %dma_start3A_99 = tpu.memref_slice %arg27[%mul3A_94] : memref<8192xf32, #tpu.memory_space<vmem_shared>> -> memref<512xf32, #tpu.memory_space<vmem_shared>>
      tpu.enqueue_dma source(%dma_start3A_99 : memref<512xf32, #tpu.memory_space<vmem_shared>>) target(%dma_start3A_98 : memref<512xf32, #tpu.memory_space<hbm>>) target_semaphore(%run_scoped3A_97 : memref<!tpu.dma_semaphore, #tpu.memory_space<semaphore_mem>>)
      %dma_wait3A = tpu.memref_slice %arg8[%arg0, %mul3A_96] : memref<2x8192xf32, #tpu.memory_space<hbm>> -> memref<1x512xf32, #tpu.memory_space<hbm>>
      %dma_wait3A_100 = tpu.memref_squeeze %dma_wait3A : memref<1x512xf32, #tpu.memory_space<hbm>> -> memref<512xf32, #tpu.memory_space<hbm>>
      %dma_wait3A_101 = tpu.memref_slice %arg27[%mul3A_94] : memref<8192xf32, #tpu.memory_space<vmem_shared>> -> memref<512xf32, #tpu.memory_space<vmem_shared>>
      tpu.wait_dma2 semaphore(%run_scoped3A_97 : memref<!tpu.dma_semaphore, #tpu.memory_space<semaphore_mem>>) src(%dma_wait3A_101 : memref<512xf32, #tpu.memory_space<vmem_shared>>) dst(%dma_wait3A_100 : memref<512xf32, #tpu.memory_space<hbm>>)
      tpu.yield
    }) : () -> ()
    return
  }
}

#map = affine_map<(d0, d1) -> (0, 0)>
#map1 = affine_map<(d0, d1) -> (0)>
#map2 = affine_map<(d0, d1) -> (0, 0, 0)>
module attributes {stable_mosaic.version = 14 : i64} {
  func.func @k(%arg0: i32, %arg1: i32, %arg2: memref<20000x256xf32, #tpu.memory_space<hbm>>, %arg3: memref<160000xi32, #tpu.memory_space<hbm>>, %arg4: memref<160000xi32, #tpu.memory_space<hbm>>, %arg5: memref<160000xi32, #tpu.memory_space<hbm>>, %arg6: memref<2x8192x128xf32, #tpu.memory_space<hbm>>, %arg7: memref<256xi32, #tpu.memory_space<vmem>>, %arg8: memref<256xi32, #tpu.memory_space<vmem>>, %arg9: memref<256xi32, #tpu.memory_space<vmem>>, %arg10: memref<128xi32, #tpu.memory_space<vmem>>, %arg11: memref<128xi32, #tpu.memory_space<vmem>>, %arg12: memref<128xi32, #tpu.memory_space<vmem>>, %arg13: memref<128xi32, #tpu.memory_space<vmem>>, %arg14: memref<128x128xf32, #tpu.memory_space<vmem>>, %arg15: memref<128x128xf32, #tpu.memory_space<vmem>>, %arg16: memref<64x128xf32, #tpu.memory_space<vmem>>, %arg17: memref<8192x128xf32, #tpu.memory_space<vmem_shared>>, %arg18: memref<!tpu.dma_semaphore, #tpu.memory_space<semaphore_mem>>) attributes {dimension_semantics = [#tpu.dimension_semantics<core_parallel>, #tpu.dimension_semantics<subcore_parallel>], iteration_bounds = array<i64: 2, 16>, scalar_prefetch = 0 : i64, scratch_operands = 12 : i64, tpu.core_type = #tpu.core_type<sc_vector_subcore>, window_params = [{transform_indices = #map}, {transform_indices = #map1}, {transform_indices = #map1}, {transform_indices = #map1}, {transform_indices = #map2}]} {
    %mul3A = arith.constant 128 : i32
    %mul3A_0 = arith.muli %arg0, %mul3A : i32
    %multiple_of3A = tpu.assume_multiple %mul3A_0, 128 : i32
    %broadcast_in_dim3A = arith.constant 0.000000e+00 : f32
    %broadcast_in_dim3A_1 = vector.broadcast %broadcast_in_dim3A : f32 to vector<16xf32>
    %scan3A = arith.constant 0 : i32
    %scan3A_2 = arith.constant 0 : i32
    %scan3A_3 = arith.constant 64 : i32
    %scan3A_4 = arith.addi %scan3A_2, %scan3A_3 : i32
    %scan3A_5 = arith.constant 1 : i32
    scf.for %scan3A_49 = %scan3A_2 to %scan3A_4 step %scan3A_5  : i32 {
      %swap3A = arith.index_cast %scan3A_49 : i32 to index
      %swap3A_50 = arith.constant 0 : index
      %swap3A_51 = tpu.vector_load %arg16[%swap3A, %swap3A_50] {strides = array<i32>} : memref<64x128xf32, #tpu.memory_space<vmem>>, vector<1x16xf32>,
      %swap3A_52 = vector.shape_cast %swap3A_51 : vector<1x16xf32> to vector<16xf32>
      %swap3A_53 = vector.shape_cast %broadcast_in_dim3A_1 : vector<16xf32> to vector<1x16xf32>
      tpu.vector_store %arg16[%swap3A, %swap3A_50], %swap3A_53 {strides = array<i32>} : memref<64x128xf32, #tpu.memory_space<vmem>>, vector<1x16xf32>,
      %swap3A_54 = arith.index_cast %scan3A_49 : i32 to index
      %swap3A_55 = arith.constant 16 : index
      %swap3A_56 = tpu.vector_load %arg16[%swap3A_54, %swap3A_55] {strides = array<i32>} : memref<64x128xf32, #tpu.memory_space<vmem>>, vector<1x16xf32>,
      %swap3A_57 = vector.shape_cast %swap3A_56 : vector<1x16xf32> to vector<16xf32>
      %swap3A_58 = vector.shape_cast %broadcast_in_dim3A_1 : vector<16xf32> to vector<1x16xf32>
      tpu.vector_store %arg16[%swap3A_54, %swap3A_55], %swap3A_58 {strides = array<i32>} : memref<64x128xf32, #tpu.memory_space<vmem>>, vector<1x16xf32>,
      %swap3A_59 = arith.index_cast %scan3A_49 : i32 to index
      %swap3A_60 = arith.constant 32 : index
      %swap3A_61 = tpu.vector_load %arg16[%swap3A_59, %swap3A_60] {strides = array<i32>} : memref<64x128xf32, #tpu.memory_space<vmem>>, vector<1x16xf32>,
      %swap3A_62 = vector.shape_cast %swap3A_61 : vector<1x16xf32> to vector<16xf32>
      %swap3A_63 = vector.shape_cast %broadcast_in_dim3A_1 : vector<16xf32> to vector<1x16xf32>
      tpu.vector_store %arg16[%swap3A_59, %swap3A_60], %swap3A_63 {strides = array<i32>} : memref<64x128xf32, #tpu.memory_space<vmem>>, vector<1x16xf32>,
      %swap3A_64 = arith.index_cast %scan3A_49 : i32 to index
      %swap3A_65 = arith.constant 48 : index
      %swap3A_66 = tpu.vector_load %arg16[%swap3A_64, %swap3A_65] {strides = array<i32>} : memref<64x128xf32, #tpu.memory_space<vmem>>, vector<1x16xf32>,
      %swap3A_67 = vector.shape_cast %swap3A_66 : vector<1x16xf32> to vector<16xf32>
      %swap3A_68 = vector.shape_cast %broadcast_in_dim3A_1 : vector<16xf32> to vector<1x16xf32>
      tpu.vector_store %arg16[%swap3A_64, %swap3A_65], %swap3A_68 {strides = array<i32>} : memref<64x128xf32, #tpu.memory_space<vmem>>, vector<1x16xf32>,
      %swap3A_69 = arith.index_cast %scan3A_49 : i32 to index
      %swap3A_70 = arith.constant 64 : index
      %swap3A_71 = tpu.vector_load %arg16[%swap3A_69, %swap3A_70] {strides = array<i32>} : memref<64x128xf32, #tpu.memory_space<vmem>>, vector<1x16xf32>,
      %swap3A_72 = vector.shape_cast %swap3A_71 : vector<1x16xf32> to vector<16xf32>
      %swap3A_73 = vector.shape_cast %broadcast_in_dim3A_1 : vector<16xf32> to vector<1x16xf32>
      tpu.vector_store %arg16[%swap3A_69, %swap3A_70], %swap3A_73 {strides = array<i32>} : memref<64x128xf32, #tpu.memory_space<vmem>>, vector<1x16xf32>,
      %swap3A_74 = arith.index_cast %scan3A_49 : i32 to index
      %swap3A_75 = arith.constant 80 : index
      %swap3A_76 = tpu.vector_load %arg16[%swap3A_74, %swap3A_75] {strides = array<i32>} : memref<64x128xf32, #tpu.memory_space<vmem>>, vector<1x16xf32>,
      %swap3A_77 = vector.shape_cast %swap3A_76 : vector<1x16xf32> to vector<16xf32>
      %swap3A_78 = vector.shape_cast %broadcast_in_dim3A_1 : vector<16xf32> to vector<1x16xf32>
      tpu.vector_store %arg16[%swap3A_74, %swap3A_75], %swap3A_78 {strides = array<i32>} : memref<64x128xf32, #tpu.memory_space<vmem>>, vector<1x16xf32>,
      %swap3A_79 = arith.index_cast %scan3A_49 : i32 to index
      %swap3A_80 = arith.constant 96 : index
      %swap3A_81 = tpu.vector_load %arg16[%swap3A_79, %swap3A_80] {strides = array<i32>} : memref<64x128xf32, #tpu.memory_space<vmem>>, vector<1x16xf32>,
      %swap3A_82 = vector.shape_cast %swap3A_81 : vector<1x16xf32> to vector<16xf32>
      %swap3A_83 = vector.shape_cast %broadcast_in_dim3A_1 : vector<16xf32> to vector<1x16xf32>
      tpu.vector_store %arg16[%swap3A_79, %swap3A_80], %swap3A_83 {strides = array<i32>} : memref<64x128xf32, #tpu.memory_space<vmem>>, vector<1x16xf32>,
      %swap3A_84 = arith.index_cast %scan3A_49 : i32 to index
      %swap3A_85 = arith.constant 112 : index
      %swap3A_86 = tpu.vector_load %arg16[%swap3A_84, %swap3A_85] {strides = array<i32>} : memref<64x128xf32, #tpu.memory_space<vmem>>, vector<1x16xf32>,
      %swap3A_87 = vector.shape_cast %swap3A_86 : vector<1x16xf32> to vector<16xf32>
      %swap3A_88 = vector.shape_cast %broadcast_in_dim3A_1 : vector<16xf32> to vector<1x16xf32>
      tpu.vector_store %arg16[%swap3A_84, %swap3A_85], %swap3A_88 {strides = array<i32>} : memref<64x128xf32, #tpu.memory_space<vmem>>, vector<1x16xf32>,
    }
    %scan3A_6 = arith.constant 64 : i32
    %mul3A_7 = arith.constant 512 : i32
    %mul3A_8 = arith.muli %arg1, %mul3A_7 : i32
    %add3A = arith.constant 0 : i32
    %add3A_9 = arith.addi %mul3A_8, %add3A : i32
    "tpu.region"() ({
      %run_scoped3A = tpu.sem_alloc : memref<!tpu.dma_semaphore, #tpu.memory_space<semaphore_mem>>
      %dma_start3A = arith.constant 0 : i32
      %dma_start3A_49 = tpu.memref_slice %arg17[%add3A_9, %dma_start3A] : memref<8192x128xf32, #tpu.memory_space<vmem_shared>> -> memref<64x128xf32, #tpu.memory_space<vmem_shared>>
      %dma_start3A_50 = arith.constant 0 : i32
      %dma_start3A_51 = tpu.memref_slice %arg17[%add3A_9, %dma_start3A_50] : memref<8192x128xf32, #tpu.memory_space<vmem_shared>> -> memref<64x128xf32, #tpu.memory_space<vmem_shared>>
      tpu.enqueue_dma source(%arg16 : memref<64x128xf32, #tpu.memory_space<vmem>>) target(%dma_start3A_51 : memref<64x128xf32, #tpu.memory_space<vmem_shared>>) target_semaphore(%run_scoped3A : memref<!tpu.dma_semaphore, #tpu.memory_space<semaphore_mem>>)
      %dma_wait3A = arith.constant 0 : i32
      %dma_wait3A_52 = tpu.memref_slice %arg17[%add3A_9, %dma_wait3A] : memref<8192x128xf32, #tpu.memory_space<vmem_shared>> -> memref<64x128xf32, #tpu.memory_space<vmem_shared>>
      %dma_wait3A_53 = arith.constant 0 : i32
      %dma_wait3A_54 = tpu.memref_slice %arg17[%add3A_9, %dma_wait3A_53] : memref<8192x128xf32, #tpu.memory_space<vmem_shared>> -> memref<64x128xf32, #tpu.memory_space<vmem_shared>>
      tpu.wait_dma2 semaphore(%run_scoped3A : memref<!tpu.dma_semaphore, #tpu.memory_space<semaphore_mem>>) src(%arg16 : memref<64x128xf32, #tpu.memory_space<vmem>>) dst(%dma_wait3A_54 : memref<64x128xf32, #tpu.memory_space<vmem_shared>>)
      tpu.yield
    }) : () -> ()
    %mul3A_10 = arith.constant 512 : i32
    %mul3A_11 = arith.muli %arg1, %mul3A_10 : i32
    %add3A_12 = arith.constant 64 : i32
    %add3A_13 = arith.addi %mul3A_11, %add3A_12 : i32
    "tpu.region"() ({
      %run_scoped3A = tpu.sem_alloc : memref<!tpu.dma_semaphore, #tpu.memory_space<semaphore_mem>>
      %dma_start3A = arith.constant 0 : i32
      %dma_start3A_49 = tpu.memref_slice %arg17[%add3A_13, %dma_start3A] : memref<8192x128xf32, #tpu.memory_space<vmem_shared>> -> memref<64x128xf32, #tpu.memory_space<vmem_shared>>
      %dma_start3A_50 = arith.constant 0 : i32
      %dma_start3A_51 = tpu.memref_slice %arg17[%add3A_13, %dma_start3A_50] : memref<8192x128xf32, #tpu.memory_space<vmem_shared>> -> memref<64x128xf32, #tpu.memory_space<vmem_shared>>
      tpu.enqueue_dma source(%arg16 : memref<64x128xf32, #tpu.memory_space<vmem>>) target(%dma_start3A_51 : memref<64x128xf32, #tpu.memory_space<vmem_shared>>) target_semaphore(%run_scoped3A : memref<!tpu.dma_semaphore, #tpu.memory_space<semaphore_mem>>)
      %dma_wait3A = arith.constant 0 : i32
      %dma_wait3A_52 = tpu.memref_slice %arg17[%add3A_13, %dma_wait3A] : memref<8192x128xf32, #tpu.memory_space<vmem_shared>> -> memref<64x128xf32, #tpu.memory_space<vmem_shared>>
      %dma_wait3A_53 = arith.constant 0 : i32
      %dma_wait3A_54 = tpu.memref_slice %arg17[%add3A_13, %dma_wait3A_53] : memref<8192x128xf32, #tpu.memory_space<vmem_shared>> -> memref<64x128xf32, #tpu.memory_space<vmem_shared>>
      tpu.wait_dma2 semaphore(%run_scoped3A : memref<!tpu.dma_semaphore, #tpu.memory_space<semaphore_mem>>) src(%arg16 : memref<64x128xf32, #tpu.memory_space<vmem>>) dst(%dma_wait3A_54 : memref<64x128xf32, #tpu.memory_space<vmem_shared>>)
      tpu.yield
    }) : () -> ()
    %mul3A_14 = arith.constant 512 : i32
    %mul3A_15 = arith.muli %arg1, %mul3A_14 : i32
    %add3A_16 = arith.constant 128 : i32
    %add3A_17 = arith.addi %mul3A_15, %add3A_16 : i32
    "tpu.region"() ({
      %run_scoped3A = tpu.sem_alloc : memref<!tpu.dma_semaphore, #tpu.memory_space<semaphore_mem>>
      %dma_start3A = arith.constant 0 : i32
      %dma_start3A_49 = tpu.memref_slice %arg17[%add3A_17, %dma_start3A] : memref<8192x128xf32, #tpu.memory_space<vmem_shared>> -> memref<64x128xf32, #tpu.memory_space<vmem_shared>>
      %dma_start3A_50 = arith.constant 0 : i32
      %dma_start3A_51 = tpu.memref_slice %arg17[%add3A_17, %dma_start3A_50] : memref<8192x128xf32, #tpu.memory_space<vmem_shared>> -> memref<64x128xf32, #tpu.memory_space<vmem_shared>>
      tpu.enqueue_dma source(%arg16 : memref<64x128xf32, #tpu.memory_space<vmem>>) target(%dma_start3A_51 : memref<64x128xf32, #tpu.memory_space<vmem_shared>>) target_semaphore(%run_scoped3A : memref<!tpu.dma_semaphore, #tpu.memory_space<semaphore_mem>>)
      %dma_wait3A = arith.constant 0 : i32
      %dma_wait3A_52 = tpu.memref_slice %arg17[%add3A_17, %dma_wait3A] : memref<8192x128xf32, #tpu.memory_space<vmem_shared>> -> memref<64x128xf32, #tpu.memory_space<vmem_shared>>
      %dma_wait3A_53 = arith.constant 0 : i32
      %dma_wait3A_54 = tpu.memref_slice %arg17[%add3A_17, %dma_wait3A_53] : memref<8192x128xf32, #tpu.memory_space<vmem_shared>> -> memref<64x128xf32, #tpu.memory_space<vmem_shared>>
      tpu.wait_dma2 semaphore(%run_scoped3A : memref<!tpu.dma_semaphore, #tpu.memory_space<semaphore_mem>>) src(%arg16 : memref<64x128xf32, #tpu.memory_space<vmem>>) dst(%dma_wait3A_54 : memref<64x128xf32, #tpu.memory_space<vmem_shared>>)
      tpu.yield
    }) : () -> ()
    %mul3A_18 = arith.constant 512 : i32
    %mul3A_19 = arith.muli %arg1, %mul3A_18 : i32
    %add3A_20 = arith.constant 192 : i32
    %add3A_21 = arith.addi %mul3A_19, %add3A_20 : i32
    "tpu.region"() ({
      %run_scoped3A = tpu.sem_alloc : memref<!tpu.dma_semaphore, #tpu.memory_space<semaphore_mem>>
      %dma_start3A = arith.constant 0 : i32
      %dma_start3A_49 = tpu.memref_slice %arg17[%add3A_21, %dma_start3A] : memref<8192x128xf32, #tpu.memory_space<vmem_shared>> -> memref<64x128xf32, #tpu.memory_space<vmem_shared>>
      %dma_start3A_50 = arith.constant 0 : i32
      %dma_start3A_51 = tpu.memref_slice %arg17[%add3A_21, %dma_start3A_50] : memref<8192x128xf32, #tpu.memory_space<vmem_shared>> -> memref<64x128xf32, #tpu.memory_space<vmem_shared>>
      tpu.enqueue_dma source(%arg16 : memref<64x128xf32, #tpu.memory_space<vmem>>) target(%dma_start3A_51 : memref<64x128xf32, #tpu.memory_space<vmem_shared>>) target_semaphore(%run_scoped3A : memref<!tpu.dma_semaphore, #tpu.memory_space<semaphore_mem>>)
      %dma_wait3A = arith.constant 0 : i32
      %dma_wait3A_52 = tpu.memref_slice %arg17[%add3A_21, %dma_wait3A] : memref<8192x128xf32, #tpu.memory_space<vmem_shared>> -> memref<64x128xf32, #tpu.memory_space<vmem_shared>>
      %dma_wait3A_53 = arith.constant 0 : i32
      %dma_wait3A_54 = tpu.memref_slice %arg17[%add3A_21, %dma_wait3A_53] : memref<8192x128xf32, #tpu.memory_space<vmem_shared>> -> memref<64x128xf32, #tpu.memory_space<vmem_shared>>
      tpu.wait_dma2 semaphore(%run_scoped3A : memref<!tpu.dma_semaphore, #tpu.memory_space<semaphore_mem>>) src(%arg16 : memref<64x128xf32, #tpu.memory_space<vmem>>) dst(%dma_wait3A_54 : memref<64x128xf32, #tpu.memory_space<vmem_shared>>)
      tpu.yield
    }) : () -> ()
    %mul3A_22 = arith.constant 512 : i32
    %mul3A_23 = arith.muli %arg1, %mul3A_22 : i32
    %add3A_24 = arith.constant 256 : i32
    %add3A_25 = arith.addi %mul3A_23, %add3A_24 : i32
    "tpu.region"() ({
      %run_scoped3A = tpu.sem_alloc : memref<!tpu.dma_semaphore, #tpu.memory_space<semaphore_mem>>
      %dma_start3A = arith.constant 0 : i32
      %dma_start3A_49 = tpu.memref_slice %arg17[%add3A_25, %dma_start3A] : memref<8192x128xf32, #tpu.memory_space<vmem_shared>> -> memref<64x128xf32, #tpu.memory_space<vmem_shared>>
      %dma_start3A_50 = arith.constant 0 : i32
      %dma_start3A_51 = tpu.memref_slice %arg17[%add3A_25, %dma_start3A_50] : memref<8192x128xf32, #tpu.memory_space<vmem_shared>> -> memref<64x128xf32, #tpu.memory_space<vmem_shared>>
      tpu.enqueue_dma source(%arg16 : memref<64x128xf32, #tpu.memory_space<vmem>>) target(%dma_start3A_51 : memref<64x128xf32, #tpu.memory_space<vmem_shared>>) target_semaphore(%run_scoped3A : memref<!tpu.dma_semaphore, #tpu.memory_space<semaphore_mem>>)
      %dma_wait3A = arith.constant 0 : i32
      %dma_wait3A_52 = tpu.memref_slice %arg17[%add3A_25, %dma_wait3A] : memref<8192x128xf32, #tpu.memory_space<vmem_shared>> -> memref<64x128xf32, #tpu.memory_space<vmem_shared>>
      %dma_wait3A_53 = arith.constant 0 : i32
      %dma_wait3A_54 = tpu.memref_slice %arg17[%add3A_25, %dma_wait3A_53] : memref<8192x128xf32, #tpu.memory_space<vmem_shared>> -> memref<64x128xf32, #tpu.memory_space<vmem_shared>>
      tpu.wait_dma2 semaphore(%run_scoped3A : memref<!tpu.dma_semaphore, #tpu.memory_space<semaphore_mem>>) src(%arg16 : memref<64x128xf32, #tpu.memory_space<vmem>>) dst(%dma_wait3A_54 : memref<64x128xf32, #tpu.memory_space<vmem_shared>>)
      tpu.yield
    }) : () -> ()
    %mul3A_26 = arith.constant 512 : i32
    %mul3A_27 = arith.muli %arg1, %mul3A_26 : i32
    %add3A_28 = arith.constant 320 : i32
    %add3A_29 = arith.addi %mul3A_27, %add3A_28 : i32
    "tpu.region"() ({
      %run_scoped3A = tpu.sem_alloc : memref<!tpu.dma_semaphore, #tpu.memory_space<semaphore_mem>>
      %dma_start3A = arith.constant 0 : i32
      %dma_start3A_49 = tpu.memref_slice %arg17[%add3A_29, %dma_start3A] : memref<8192x128xf32, #tpu.memory_space<vmem_shared>> -> memref<64x128xf32, #tpu.memory_space<vmem_shared>>
      %dma_start3A_50 = arith.constant 0 : i32
      %dma_start3A_51 = tpu.memref_slice %arg17[%add3A_29, %dma_start3A_50] : memref<8192x128xf32, #tpu.memory_space<vmem_shared>> -> memref<64x128xf32, #tpu.memory_space<vmem_shared>>
      tpu.enqueue_dma source(%arg16 : memref<64x128xf32, #tpu.memory_space<vmem>>) target(%dma_start3A_51 : memref<64x128xf32, #tpu.memory_space<vmem_shared>>) target_semaphore(%run_scoped3A : memref<!tpu.dma_semaphore, #tpu.memory_space<semaphore_mem>>)
      %dma_wait3A = arith.constant 0 : i32
      %dma_wait3A_52 = tpu.memref_slice %arg17[%add3A_29, %dma_wait3A] : memref<8192x128xf32, #tpu.memory_space<vmem_shared>> -> memref<64x128xf32, #tpu.memory_space<vmem_shared>>
      %dma_wait3A_53 = arith.constant 0 : i32
      %dma_wait3A_54 = tpu.memref_slice %arg17[%add3A_29, %dma_wait3A_53] : memref<8192x128xf32, #tpu.memory_space<vmem_shared>> -> memref<64x128xf32, #tpu.memory_space<vmem_shared>>
      tpu.wait_dma2 semaphore(%run_scoped3A : memref<!tpu.dma_semaphore, #tpu.memory_space<semaphore_mem>>) src(%arg16 : memref<64x128xf32, #tpu.memory_space<vmem>>) dst(%dma_wait3A_54 : memref<64x128xf32, #tpu.memory_space<vmem_shared>>)
      tpu.yield
    }) : () -> ()
    %mul3A_30 = arith.constant 512 : i32
    %mul3A_31 = arith.muli %arg1, %mul3A_30 : i32
    %add3A_32 = arith.constant 384 : i32
    %add3A_33 = arith.addi %mul3A_31, %add3A_32 : i32
    "tpu.region"() ({
      %run_scoped3A = tpu.sem_alloc : memref<!tpu.dma_semaphore, #tpu.memory_space<semaphore_mem>>
      %dma_start3A = arith.constant 0 : i32
      %dma_start3A_49 = tpu.memref_slice %arg17[%add3A_33, %dma_start3A] : memref<8192x128xf32, #tpu.memory_space<vmem_shared>> -> memref<64x128xf32, #tpu.memory_space<vmem_shared>>
      %dma_start3A_50 = arith.constant 0 : i32
      %dma_start3A_51 = tpu.memref_slice %arg17[%add3A_33, %dma_start3A_50] : memref<8192x128xf32, #tpu.memory_space<vmem_shared>> -> memref<64x128xf32, #tpu.memory_space<vmem_shared>>
      tpu.enqueue_dma source(%arg16 : memref<64x128xf32, #tpu.memory_space<vmem>>) target(%dma_start3A_51 : memref<64x128xf32, #tpu.memory_space<vmem_shared>>) target_semaphore(%run_scoped3A : memref<!tpu.dma_semaphore, #tpu.memory_space<semaphore_mem>>)
      %dma_wait3A = arith.constant 0 : i32
      %dma_wait3A_52 = tpu.memref_slice %arg17[%add3A_33, %dma_wait3A] : memref<8192x128xf32, #tpu.memory_space<vmem_shared>> -> memref<64x128xf32, #tpu.memory_space<vmem_shared>>
      %dma_wait3A_53 = arith.constant 0 : i32
      %dma_wait3A_54 = tpu.memref_slice %arg17[%add3A_33, %dma_wait3A_53] : memref<8192x128xf32, #tpu.memory_space<vmem_shared>> -> memref<64x128xf32, #tpu.memory_space<vmem_shared>>
      tpu.wait_dma2 semaphore(%run_scoped3A : memref<!tpu.dma_semaphore, #tpu.memory_space<semaphore_mem>>) src(%arg16 : memref<64x128xf32, #tpu.memory_space<vmem>>) dst(%dma_wait3A_54 : memref<64x128xf32, #tpu.memory_space<vmem_shared>>)
      tpu.yield
    }) : () -> ()
    %mul3A_34 = arith.constant 512 : i32
    %mul3A_35 = arith.muli %arg1, %mul3A_34 : i32
    %add3A_36 = arith.constant 448 : i32
    %add3A_37 = arith.addi %mul3A_35, %add3A_36 : i32
    "tpu.region"() ({
      %run_scoped3A = tpu.sem_alloc : memref<!tpu.dma_semaphore, #tpu.memory_space<semaphore_mem>>
      %dma_start3A = arith.constant 0 : i32
      %dma_start3A_49 = tpu.memref_slice %arg17[%add3A_37, %dma_start3A] : memref<8192x128xf32, #tpu.memory_space<vmem_shared>> -> memref<64x128xf32, #tpu.memory_space<vmem_shared>>
      %dma_start3A_50 = arith.constant 0 : i32
      %dma_start3A_51 = tpu.memref_slice %arg17[%add3A_37, %dma_start3A_50] : memref<8192x128xf32, #tpu.memory_space<vmem_shared>> -> memref<64x128xf32, #tpu.memory_space<vmem_shared>>
      tpu.enqueue_dma source(%arg16 : memref<64x128xf32, #tpu.memory_space<vmem>>) target(%dma_start3A_51 : memref<64x128xf32, #tpu.memory_space<vmem_shared>>) target_semaphore(%run_scoped3A : memref<!tpu.dma_semaphore, #tpu.memory_space<semaphore_mem>>)
      %dma_wait3A = arith.constant 0 : i32
      %dma_wait3A_52 = tpu.memref_slice %arg17[%add3A_37, %dma_wait3A] : memref<8192x128xf32, #tpu.memory_space<vmem_shared>> -> memref<64x128xf32, #tpu.memory_space<vmem_shared>>
      %dma_wait3A_53 = arith.constant 0 : i32
      %dma_wait3A_54 = tpu.memref_slice %arg17[%add3A_37, %dma_wait3A_53] : memref<8192x128xf32, #tpu.memory_space<vmem_shared>> -> memref<64x128xf32, #tpu.memory_space<vmem_shared>>
      tpu.wait_dma2 semaphore(%run_scoped3A : memref<!tpu.dma_semaphore, #tpu.memory_space<semaphore_mem>>) src(%arg16 : memref<64x128xf32, #tpu.memory_space<vmem>>) dst(%dma_wait3A_54 : memref<64x128xf32, #tpu.memory_space<vmem_shared>>)
      tpu.yield
    }) : () -> ()
    %barrier3A = arith.constant 0 : index
    tpu.barrier barrier_id(%barrier3A)
    %scan3A_38 = arith.constant 0 : i32
    %scan3A_39 = arith.constant 0 : i32
    %scan3A_40 = arith.constant 40 : i32
    %scan3A_41 = arith.addi %scan3A_39, %scan3A_40 : i32
    %scan3A_42 = arith.constant 1 : i32
    scf.for %scan3A_49 = %scan3A_39 to %scan3A_41 step %scan3A_42  : i32 {
      %mul3A_50 = arith.constant 16 : i32
      %mul3A_51 = arith.muli %scan3A_49, %mul3A_50 : i32
      %add3A_52 = arith.addi %arg1, %mul3A_51 : i32
      %lt3A = arith.constant 625 : i32
      %lt3A_53 = arith.cmpi slt, %add3A_52, %lt3A : i32
      %convert_element_type3A = arith.extui %lt3A_53 : i1 to i32
      %cond3A = arith.constant 0 : i32
      %cond3A_54 = arith.cmpi ne, %convert_element_type3A, %cond3A : i32
      scf.if %cond3A_54 {
        %mul3A_55 = arith.constant 256 : i32
        %mul3A_56 = arith.muli %add3A_52, %mul3A_55 : i32
        %dma_start3A = tpu.memref_slice %arg3[%mul3A_56] : memref<160000xi32, #tpu.memory_space<hbm>> -> memref<256xi32, #tpu.memory_space<hbm>>
        %dma_start3A_57 = tpu.memref_slice %arg3[%mul3A_56] : memref<160000xi32, #tpu.memory_space<hbm>> -> memref<256xi32, #tpu.memory_space<hbm>>
        tpu.enqueue_dma source(%dma_start3A_57 : memref<256xi32, #tpu.memory_space<hbm>>) target(%arg7 : memref<256xi32, #tpu.memory_space<vmem>>) target_semaphore(%arg18 : memref<!tpu.dma_semaphore, #tpu.memory_space<semaphore_mem>>)
        %dma_start3A_58 = tpu.memref_slice %arg4[%mul3A_56] : memref<160000xi32, #tpu.memory_space<hbm>> -> memref<256xi32, #tpu.memory_space<hbm>>
        %dma_start3A_59 = tpu.memref_slice %arg4[%mul3A_56] : memref<160000xi32, #tpu.memory_space<hbm>> -> memref<256xi32, #tpu.memory_space<hbm>>
        tpu.enqueue_dma source(%dma_start3A_59 : memref<256xi32, #tpu.memory_space<hbm>>) target(%arg8 : memref<256xi32, #tpu.memory_space<vmem>>) target_semaphore(%arg18 : memref<!tpu.dma_semaphore, #tpu.memory_space<semaphore_mem>>)
        %dma_start3A_60 = tpu.memref_slice %arg5[%mul3A_56] : memref<160000xi32, #tpu.memory_space<hbm>> -> memref<256xi32, #tpu.memory_space<hbm>>
        %dma_start3A_61 = tpu.memref_slice %arg5[%mul3A_56] : memref<160000xi32, #tpu.memory_space<hbm>> -> memref<256xi32, #tpu.memory_space<hbm>>
        tpu.enqueue_dma source(%dma_start3A_61 : memref<256xi32, #tpu.memory_space<hbm>>) target(%arg9 : memref<256xi32, #tpu.memory_space<vmem>>) target_semaphore(%arg18 : memref<!tpu.dma_semaphore, #tpu.memory_space<semaphore_mem>>)
        %dma_wait3A = tpu.memref_slice %arg3[%mul3A_56] : memref<160000xi32, #tpu.memory_space<hbm>> -> memref<256xi32, #tpu.memory_space<hbm>>
        %dma_wait3A_62 = tpu.memref_slice %arg3[%mul3A_56] : memref<160000xi32, #tpu.memory_space<hbm>> -> memref<256xi32, #tpu.memory_space<hbm>>
        tpu.wait_dma2 semaphore(%arg18 : memref<!tpu.dma_semaphore, #tpu.memory_space<semaphore_mem>>) src(%dma_wait3A_62 : memref<256xi32, #tpu.memory_space<hbm>>) dst(%arg7 : memref<256xi32, #tpu.memory_space<vmem>>)
        %dma_wait3A_63 = tpu.memref_slice %arg4[%mul3A_56] : memref<160000xi32, #tpu.memory_space<hbm>> -> memref<256xi32, #tpu.memory_space<hbm>>
        %dma_wait3A_64 = tpu.memref_slice %arg4[%mul3A_56] : memref<160000xi32, #tpu.memory_space<hbm>> -> memref<256xi32, #tpu.memory_space<hbm>>
        tpu.wait_dma2 semaphore(%arg18 : memref<!tpu.dma_semaphore, #tpu.memory_space<semaphore_mem>>) src(%dma_wait3A_64 : memref<256xi32, #tpu.memory_space<hbm>>) dst(%arg8 : memref<256xi32, #tpu.memory_space<vmem>>)
        %dma_wait3A_65 = tpu.memref_slice %arg5[%mul3A_56] : memref<160000xi32, #tpu.memory_space<hbm>> -> memref<256xi32, #tpu.memory_space<hbm>>
        %dma_wait3A_66 = tpu.memref_slice %arg5[%mul3A_56] : memref<160000xi32, #tpu.memory_space<hbm>> -> memref<256xi32, #tpu.memory_space<hbm>>
        tpu.wait_dma2 semaphore(%arg18 : memref<!tpu.dma_semaphore, #tpu.memory_space<semaphore_mem>>) src(%dma_wait3A_66 : memref<256xi32, #tpu.memory_space<hbm>>) dst(%arg9 : memref<256xi32, #tpu.memory_space<vmem>>)
        %get3A = arith.constant 0 : index
        %get3A_67 = tpu.vector_load %arg9[%get3A] {strides = array<i32>} : memref<256xi32, #tpu.memory_space<vmem>>, vector<16xi32>,
        %get3A_68 = vector.shape_cast %get3A_67 : vector<16xi32> to vector<16xi32>
        %mul3A_69 = arith.constant 2000 : i32
        %mul3A_70 = vector.broadcast %mul3A_69 : i32 to vector<16xi32>
        %mul3A_71 = arith.muli %get3A_68, %mul3A_70 : vector<16xi32>
        %get3A_72 = arith.constant 0 : index
        %get3A_73 = tpu.vector_load %arg8[%get3A_72] {strides = array<i32>} : memref<256xi32, #tpu.memory_space<vmem>>, vector<16xi32>,
        %get3A_74 = vector.shape_cast %get3A_73 : vector<16xi32> to vector<16xi32>
        %add3A_75 = arith.addi %mul3A_71, %get3A_74 : vector<16xi32>
        %swap3A = arith.constant 0 : index
        %swap3A_76 = tpu.vector_load %arg10[%swap3A] {strides = array<i32>} : memref<128xi32, #tpu.memory_space<vmem>>, vector<16xi32>,
        %swap3A_77 = vector.shape_cast %swap3A_76 : vector<16xi32> to vector<16xi32>
        %swap3A_78 = vector.shape_cast %add3A_75 : vector<16xi32> to vector<16xi32>
        tpu.vector_store %arg10[%swap3A], %swap3A_78 {strides = array<i32>} : memref<128xi32, #tpu.memory_space<vmem>>, vector<16xi32>,
        %get3A_79 = arith.constant 128 : index
        %get3A_80 = tpu.vector_load %arg9[%get3A_79] {strides = array<i32>} : memref<256xi32, #tpu.memory_space<vmem>>, vector<16xi32>,
        %get3A_81 = vector.shape_cast %get3A_80 : vector<16xi32> to vector<16xi32>
        %mul3A_82 = arith.constant 2000 : i32
        %mul3A_83 = vector.broadcast %mul3A_82 : i32 to vector<16xi32>
        %mul3A_84 = arith.muli %get3A_81, %mul3A_83 : vector<16xi32>
        %get3A_85 = arith.constant 128 : index
        %get3A_86 = tpu.vector_load %arg8[%get3A_85] {strides = array<i32>} : memref<256xi32, #tpu.memory_space<vmem>>, vector<16xi32>,
        %get3A_87 = vector.shape_cast %get3A_86 : vector<16xi32> to vector<16xi32>
        %add3A_88 = arith.addi %mul3A_84, %get3A_87 : vector<16xi32>
        %swap3A_89 = arith.constant 0 : index
        %swap3A_90 = tpu.vector_load %arg11[%swap3A_89] {strides = array<i32>} : memref<128xi32, #tpu.memory_space<vmem>>, vector<16xi32>,
        %swap3A_91 = vector.shape_cast %swap3A_90 : vector<16xi32> to vector<16xi32>
        %swap3A_92 = vector.shape_cast %add3A_88 : vector<16xi32> to vector<16xi32>
        tpu.vector_store %arg11[%swap3A_89], %swap3A_92 {strides = array<i32>} : memref<128xi32, #tpu.memory_space<vmem>>, vector<16xi32>,
        %get3A_93 = arith.constant 0 : index
        %get3A_94 = tpu.vector_load %arg7[%get3A_93] {strides = array<i32>} : memref<256xi32, #tpu.memory_space<vmem>>, vector<16xi32>,
        %get3A_95 = vector.shape_cast %get3A_94 : vector<16xi32> to vector<16xi32>
        %swap3A_96 = arith.constant 0 : index
        %swap3A_97 = tpu.vector_load %arg12[%swap3A_96] {strides = array<i32>} : memref<128xi32, #tpu.memory_space<vmem>>, vector<16xi32>,
        %swap3A_98 = vector.shape_cast %swap3A_97 : vector<16xi32> to vector<16xi32>
        %swap3A_99 = vector.shape_cast %get3A_95 : vector<16xi32> to vector<16xi32>
        tpu.vector_store %arg12[%swap3A_96], %swap3A_99 {strides = array<i32>} : memref<128xi32, #tpu.memory_space<vmem>>, vector<16xi32>,
        %get3A_100 = arith.constant 128 : index
        %get3A_101 = tpu.vector_load %arg7[%get3A_100] {strides = array<i32>} : memref<256xi32, #tpu.memory_space<vmem>>, vector<16xi32>,
        %get3A_102 = vector.shape_cast %get3A_101 : vector<16xi32> to vector<16xi32>
        %swap3A_103 = arith.constant 0 : index
        %swap3A_104 = tpu.vector_load %arg13[%swap3A_103] {strides = array<i32>} : memref<128xi32, #tpu.memory_space<vmem>>, vector<16xi32>,
        %swap3A_105 = vector.shape_cast %swap3A_104 : vector<16xi32> to vector<16xi32>
        %swap3A_106 = vector.shape_cast %get3A_102 : vector<16xi32> to vector<16xi32>
        tpu.vector_store %arg13[%swap3A_103], %swap3A_106 {strides = array<i32>} : memref<128xi32, #tpu.memory_space<vmem>>, vector<16xi32>,
        %get3A_107 = arith.constant 16 : index
        %get3A_108 = tpu.vector_load %arg9[%get3A_107] {strides = array<i32>} : memref<256xi32, #tpu.memory_space<vmem>>, vector<16xi32>,
        %get3A_109 = vector.shape_cast %get3A_108 : vector<16xi32> to vector<16xi32>
        %mul3A_110 = arith.constant 2000 : i32
        %mul3A_111 = vector.broadcast %mul3A_110 : i32 to vector<16xi32>
        %mul3A_112 = arith.muli %get3A_109, %mul3A_111 : vector<16xi32>
        %get3A_113 = arith.constant 16 : index
        %get3A_114 = tpu.vector_load %arg8[%get3A_113] {strides = array<i32>} : memref<256xi32, #tpu.memory_space<vmem>>, vector<16xi32>,
        %get3A_115 = vector.shape_cast %get3A_114 : vector<16xi32> to vector<16xi32>
        %add3A_116 = arith.addi %mul3A_112, %get3A_115 : vector<16xi32>
        %swap3A_117 = arith.constant 16 : index
        %swap3A_118 = tpu.vector_load %arg10[%swap3A_117] {strides = array<i32>} : memref<128xi32, #tpu.memory_space<vmem>>, vector<16xi32>,
        %swap3A_119 = vector.shape_cast %swap3A_118 : vector<16xi32> to vector<16xi32>
        %swap3A_120 = vector.shape_cast %add3A_116 : vector<16xi32> to vector<16xi32>
        tpu.vector_store %arg10[%swap3A_117], %swap3A_120 {strides = array<i32>} : memref<128xi32, #tpu.memory_space<vmem>>, vector<16xi32>,
        %get3A_121 = arith.constant 144 : index
        %get3A_122 = tpu.vector_load %arg9[%get3A_121] {strides = array<i32>} : memref<256xi32, #tpu.memory_space<vmem>>, vector<16xi32>,
        %get3A_123 = vector.shape_cast %get3A_122 : vector<16xi32> to vector<16xi32>
        %mul3A_124 = arith.constant 2000 : i32
        %mul3A_125 = vector.broadcast %mul3A_124 : i32 to vector<16xi32>
        %mul3A_126 = arith.muli %get3A_123, %mul3A_125 : vector<16xi32>
        %get3A_127 = arith.constant 144 : index
        %get3A_128 = tpu.vector_load %arg8[%get3A_127] {strides = array<i32>} : memref<256xi32, #tpu.memory_space<vmem>>, vector<16xi32>,
        %get3A_129 = vector.shape_cast %get3A_128 : vector<16xi32> to vector<16xi32>
        %add3A_130 = arith.addi %mul3A_126, %get3A_129 : vector<16xi32>
        %swap3A_131 = arith.constant 16 : index
        %swap3A_132 = tpu.vector_load %arg11[%swap3A_131] {strides = array<i32>} : memref<128xi32, #tpu.memory_space<vmem>>, vector<16xi32>,
        %swap3A_133 = vector.shape_cast %swap3A_132 : vector<16xi32> to vector<16xi32>
        %swap3A_134 = vector.shape_cast %add3A_130 : vector<16xi32> to vector<16xi32>
        tpu.vector_store %arg11[%swap3A_131], %swap3A_134 {strides = array<i32>} : memref<128xi32, #tpu.memory_space<vmem>>, vector<16xi32>,
        %get3A_135 = arith.constant 16 : index
        %get3A_136 = tpu.vector_load %arg7[%get3A_135] {strides = array<i32>} : memref<256xi32, #tpu.memory_space<vmem>>, vector<16xi32>,
        %get3A_137 = vector.shape_cast %get3A_136 : vector<16xi32> to vector<16xi32>
        %swap3A_138 = arith.constant 16 : index
        %swap3A_139 = tpu.vector_load %arg12[%swap3A_138] {strides = array<i32>} : memref<128xi32, #tpu.memory_space<vmem>>, vector<16xi32>,
        %swap3A_140 = vector.shape_cast %swap3A_139 : vector<16xi32> to vector<16xi32>
        %swap3A_141 = vector.shape_cast %get3A_137 : vector<16xi32> to vector<16xi32>
        tpu.vector_store %arg12[%swap3A_138], %swap3A_141 {strides = array<i32>} : memref<128xi32, #tpu.memory_space<vmem>>, vector<16xi32>,
        %get3A_142 = arith.constant 144 : index
        %get3A_143 = tpu.vector_load %arg7[%get3A_142] {strides = array<i32>} : memref<256xi32, #tpu.memory_space<vmem>>, vector<16xi32>,
        %get3A_144 = vector.shape_cast %get3A_143 : vector<16xi32> to vector<16xi32>
        %swap3A_145 = arith.constant 16 : index
        %swap3A_146 = tpu.vector_load %arg13[%swap3A_145] {strides = array<i32>} : memref<128xi32, #tpu.memory_space<vmem>>, vector<16xi32>,
        %swap3A_147 = vector.shape_cast %swap3A_146 : vector<16xi32> to vector<16xi32>
        %swap3A_148 = vector.shape_cast %get3A_144 : vector<16xi32> to vector<16xi32>
        tpu.vector_store %arg13[%swap3A_145], %swap3A_148 {strides = array<i32>} : memref<128xi32, #tpu.memory_space<vmem>>, vector<16xi32>,
        %get3A_149 = arith.constant 32 : index
        %get3A_150 = tpu.vector_load %arg9[%get3A_149] {strides = array<i32>} : memref<256xi32, #tpu.memory_space<vmem>>, vector<16xi32>,
        %get3A_151 = vector.shape_cast %get3A_150 : vector<16xi32> to vector<16xi32>
        %mul3A_152 = arith.constant 2000 : i32
        %mul3A_153 = vector.broadcast %mul3A_152 : i32 to vector<16xi32>
        %mul3A_154 = arith.muli %get3A_151, %mul3A_153 : vector<16xi32>
        %get3A_155 = arith.constant 32 : index
        %get3A_156 = tpu.vector_load %arg8[%get3A_155] {strides = array<i32>} : memref<256xi32, #tpu.memory_space<vmem>>, vector<16xi32>,
        %get3A_157 = vector.shape_cast %get3A_156 : vector<16xi32> to vector<16xi32>
        %add3A_158 = arith.addi %mul3A_154, %get3A_157 : vector<16xi32>
        %swap3A_159 = arith.constant 32 : index
        %swap3A_160 = tpu.vector_load %arg10[%swap3A_159] {strides = array<i32>} : memref<128xi32, #tpu.memory_space<vmem>>, vector<16xi32>,
        %swap3A_161 = vector.shape_cast %swap3A_160 : vector<16xi32> to vector<16xi32>
        %swap3A_162 = vector.shape_cast %add3A_158 : vector<16xi32> to vector<16xi32>
        tpu.vector_store %arg10[%swap3A_159], %swap3A_162 {strides = array<i32>} : memref<128xi32, #tpu.memory_space<vmem>>, vector<16xi32>,
        %get3A_163 = arith.constant 160 : index
        %get3A_164 = tpu.vector_load %arg9[%get3A_163] {strides = array<i32>} : memref<256xi32, #tpu.memory_space<vmem>>, vector<16xi32>,
        %get3A_165 = vector.shape_cast %get3A_164 : vector<16xi32> to vector<16xi32>
        %mul3A_166 = arith.constant 2000 : i32
        %mul3A_167 = vector.broadcast %mul3A_166 : i32 to vector<16xi32>
        %mul3A_168 = arith.muli %get3A_165, %mul3A_167 : vector<16xi32>
        %get3A_169 = arith.constant 160 : index
        %get3A_170 = tpu.vector_load %arg8[%get3A_169] {strides = array<i32>} : memref<256xi32, #tpu.memory_space<vmem>>, vector<16xi32>,
        %get3A_171 = vector.shape_cast %get3A_170 : vector<16xi32> to vector<16xi32>
        %add3A_172 = arith.addi %mul3A_168, %get3A_171 : vector<16xi32>
        %swap3A_173 = arith.constant 32 : index
        %swap3A_174 = tpu.vector_load %arg11[%swap3A_173] {strides = array<i32>} : memref<128xi32, #tpu.memory_space<vmem>>, vector<16xi32>,
        %swap3A_175 = vector.shape_cast %swap3A_174 : vector<16xi32> to vector<16xi32>
        %swap3A_176 = vector.shape_cast %add3A_172 : vector<16xi32> to vector<16xi32>
        tpu.vector_store %arg11[%swap3A_173], %swap3A_176 {strides = array<i32>} : memref<128xi32, #tpu.memory_space<vmem>>, vector<16xi32>,
        %get3A_177 = arith.constant 32 : index
        %get3A_178 = tpu.vector_load %arg7[%get3A_177] {strides = array<i32>} : memref<256xi32, #tpu.memory_space<vmem>>, vector<16xi32>,
        %get3A_179 = vector.shape_cast %get3A_178 : vector<16xi32> to vector<16xi32>
        %swap3A_180 = arith.constant 32 : index
        %swap3A_181 = tpu.vector_load %arg12[%swap3A_180] {strides = array<i32>} : memref<128xi32, #tpu.memory_space<vmem>>, vector<16xi32>,
        %swap3A_182 = vector.shape_cast %swap3A_181 : vector<16xi32> to vector<16xi32>
        %swap3A_183 = vector.shape_cast %get3A_179 : vector<16xi32> to vector<16xi32>
        tpu.vector_store %arg12[%swap3A_180], %swap3A_183 {strides = array<i32>} : memref<128xi32, #tpu.memory_space<vmem>>, vector<16xi32>,
        %get3A_184 = arith.constant 160 : index
        %get3A_185 = tpu.vector_load %arg7[%get3A_184] {strides = array<i32>} : memref<256xi32, #tpu.memory_space<vmem>>, vector<16xi32>,
        %get3A_186 = vector.shape_cast %get3A_185 : vector<16xi32> to vector<16xi32>
        %swap3A_187 = arith.constant 32 : index
        %swap3A_188 = tpu.vector_load %arg13[%swap3A_187] {strides = array<i32>} : memref<128xi32, #tpu.memory_space<vmem>>, vector<16xi32>,
        %swap3A_189 = vector.shape_cast %swap3A_188 : vector<16xi32> to vector<16xi32>
        %swap3A_190 = vector.shape_cast %get3A_186 : vector<16xi32> to vector<16xi32>
        tpu.vector_store %arg13[%swap3A_187], %swap3A_190 {strides = array<i32>} : memref<128xi32, #tpu.memory_space<vmem>>, vector<16xi32>,
        %get3A_191 = arith.constant 48 : index
        %get3A_192 = tpu.vector_load %arg9[%get3A_191] {strides = array<i32>} : memref<256xi32, #tpu.memory_space<vmem>>, vector<16xi32>,
        %get3A_193 = vector.shape_cast %get3A_192 : vector<16xi32> to vector<16xi32>
        %mul3A_194 = arith.constant 2000 : i32
        %mul3A_195 = vector.broadcast %mul3A_194 : i32 to vector<16xi32>
        %mul3A_196 = arith.muli %get3A_193, %mul3A_195 : vector<16xi32>
        %get3A_197 = arith.constant 48 : index
        %get3A_198 = tpu.vector_load %arg8[%get3A_197] {strides = array<i32>} : memref<256xi32, #tpu.memory_space<vmem>>, vector<16xi32>,
        %get3A_199 = vector.shape_cast %get3A_198 : vector<16xi32> to vector<16xi32>
        %add3A_200 = arith.addi %mul3A_196, %get3A_199 : vector<16xi32>
        %swap3A_201 = arith.constant 48 : index
        %swap3A_202 = tpu.vector_load %arg10[%swap3A_201] {strides = array<i32>} : memref<128xi32, #tpu.memory_space<vmem>>, vector<16xi32>,
        %swap3A_203 = vector.shape_cast %swap3A_202 : vector<16xi32> to vector<16xi32>
        %swap3A_204 = vector.shape_cast %add3A_200 : vector<16xi32> to vector<16xi32>
        tpu.vector_store %arg10[%swap3A_201], %swap3A_204 {strides = array<i32>} : memref<128xi32, #tpu.memory_space<vmem>>, vector<16xi32>,
        %get3A_205 = arith.constant 176 : index
        %get3A_206 = tpu.vector_load %arg9[%get3A_205] {strides = array<i32>} : memref<256xi32, #tpu.memory_space<vmem>>, vector<16xi32>,
        %get3A_207 = vector.shape_cast %get3A_206 : vector<16xi32> to vector<16xi32>
        %mul3A_208 = arith.constant 2000 : i32
        %mul3A_209 = vector.broadcast %mul3A_208 : i32 to vector<16xi32>
        %mul3A_210 = arith.muli %get3A_207, %mul3A_209 : vector<16xi32>
        %get3A_211 = arith.constant 176 : index
        %get3A_212 = tpu.vector_load %arg8[%get3A_211] {strides = array<i32>} : memref<256xi32, #tpu.memory_space<vmem>>, vector<16xi32>,
        %get3A_213 = vector.shape_cast %get3A_212 : vector<16xi32> to vector<16xi32>
        %add3A_214 = arith.addi %mul3A_210, %get3A_213 : vector<16xi32>
        %swap3A_215 = arith.constant 48 : index
        %swap3A_216 = tpu.vector_load %arg11[%swap3A_215] {strides = array<i32>} : memref<128xi32, #tpu.memory_space<vmem>>, vector<16xi32>,
        %swap3A_217 = vector.shape_cast %swap3A_216 : vector<16xi32> to vector<16xi32>
        %swap3A_218 = vector.shape_cast %add3A_214 : vector<16xi32> to vector<16xi32>
        tpu.vector_store %arg11[%swap3A_215], %swap3A_218 {strides = array<i32>} : memref<128xi32, #tpu.memory_space<vmem>>, vector<16xi32>,
        %get3A_219 = arith.constant 48 : index
        %get3A_220 = tpu.vector_load %arg7[%get3A_219] {strides = array<i32>} : memref<256xi32, #tpu.memory_space<vmem>>, vector<16xi32>,
        %get3A_221 = vector.shape_cast %get3A_220 : vector<16xi32> to vector<16xi32>
        %swap3A_222 = arith.constant 48 : index
        %swap3A_223 = tpu.vector_load %arg12[%swap3A_222] {strides = array<i32>} : memref<128xi32, #tpu.memory_space<vmem>>, vector<16xi32>,
        %swap3A_224 = vector.shape_cast %swap3A_223 : vector<16xi32> to vector<16xi32>
        %swap3A_225 = vector.shape_cast %get3A_221 : vector<16xi32> to vector<16xi32>
        tpu.vector_store %arg12[%swap3A_222], %swap3A_225 {strides = array<i32>} : memref<128xi32, #tpu.memory_space<vmem>>, vector<16xi32>,
        %get3A_226 = arith.constant 176 : index
        %get3A_227 = tpu.vector_load %arg7[%get3A_226] {strides = array<i32>} : memref<256xi32, #tpu.memory_space<vmem>>, vector<16xi32>,
        %get3A_228 = vector.shape_cast %get3A_227 : vector<16xi32> to vector<16xi32>
        %swap3A_229 = arith.constant 48 : index
        %swap3A_230 = tpu.vector_load %arg13[%swap3A_229] {strides = array<i32>} : memref<128xi32, #tpu.memory_space<vmem>>, vector<16xi32>,
        %swap3A_231 = vector.shape_cast %swap3A_230 : vector<16xi32> to vector<16xi32>
        %swap3A_232 = vector.shape_cast %get3A_228 : vector<16xi32> to vector<16xi32>
        tpu.vector_store %arg13[%swap3A_229], %swap3A_232 {strides = array<i32>} : memref<128xi32, #tpu.memory_space<vmem>>, vector<16xi32>,
        %get3A_233 = arith.constant 64 : index
        %get3A_234 = tpu.vector_load %arg9[%get3A_233] {strides = array<i32>} : memref<256xi32, #tpu.memory_space<vmem>>, vector<16xi32>,
        %get3A_235 = vector.shape_cast %get3A_234 : vector<16xi32> to vector<16xi32>
        %mul3A_236 = arith.constant 2000 : i32
        %mul3A_237 = vector.broadcast %mul3A_236 : i32 to vector<16xi32>
        %mul3A_238 = arith.muli %get3A_235, %mul3A_237 : vector<16xi32>
        %get3A_239 = arith.constant 64 : index
        %get3A_240 = tpu.vector_load %arg8[%get3A_239] {strides = array<i32>} : memref<256xi32, #tpu.memory_space<vmem>>, vector<16xi32>,
        %get3A_241 = vector.shape_cast %get3A_240 : vector<16xi32> to vector<16xi32>
        %add3A_242 = arith.addi %mul3A_238, %get3A_241 : vector<16xi32>
        %swap3A_243 = arith.constant 64 : index
        %swap3A_244 = tpu.vector_load %arg10[%swap3A_243] {strides = array<i32>} : memref<128xi32, #tpu.memory_space<vmem>>, vector<16xi32>,
        %swap3A_245 = vector.shape_cast %swap3A_244 : vector<16xi32> to vector<16xi32>
        %swap3A_246 = vector.shape_cast %add3A_242 : vector<16xi32> to vector<16xi32>
        tpu.vector_store %arg10[%swap3A_243], %swap3A_246 {strides = array<i32>} : memref<128xi32, #tpu.memory_space<vmem>>, vector<16xi32>,
        %get3A_247 = arith.constant 192 : index
        %get3A_248 = tpu.vector_load %arg9[%get3A_247] {strides = array<i32>} : memref<256xi32, #tpu.memory_space<vmem>>, vector<16xi32>,
        %get3A_249 = vector.shape_cast %get3A_248 : vector<16xi32> to vector<16xi32>
        %mul3A_250 = arith.constant 2000 : i32
        %mul3A_251 = vector.broadcast %mul3A_250 : i32 to vector<16xi32>
        %mul3A_252 = arith.muli %get3A_249, %mul3A_251 : vector<16xi32>
        %get3A_253 = arith.constant 192 : index
        %get3A_254 = tpu.vector_load %arg8[%get3A_253] {strides = array<i32>} : memref<256xi32, #tpu.memory_space<vmem>>, vector<16xi32>,
        %get3A_255 = vector.shape_cast %get3A_254 : vector<16xi32> to vector<16xi32>
        %add3A_256 = arith.addi %mul3A_252, %get3A_255 : vector<16xi32>
        %swap3A_257 = arith.constant 64 : index
        %swap3A_258 = tpu.vector_load %arg11[%swap3A_257] {strides = array<i32>} : memref<128xi32, #tpu.memory_space<vmem>>, vector<16xi32>,
        %swap3A_259 = vector.shape_cast %swap3A_258 : vector<16xi32> to vector<16xi32>
        %swap3A_260 = vector.shape_cast %add3A_256 : vector<16xi32> to vector<16xi32>
        tpu.vector_store %arg11[%swap3A_257], %swap3A_260 {strides = array<i32>} : memref<128xi32, #tpu.memory_space<vmem>>, vector<16xi32>,
        %get3A_261 = arith.constant 64 : index
        %get3A_262 = tpu.vector_load %arg7[%get3A_261] {strides = array<i32>} : memref<256xi32, #tpu.memory_space<vmem>>, vector<16xi32>,
        %get3A_263 = vector.shape_cast %get3A_262 : vector<16xi32> to vector<16xi32>
        %swap3A_264 = arith.constant 64 : index
        %swap3A_265 = tpu.vector_load %arg12[%swap3A_264] {strides = array<i32>} : memref<128xi32, #tpu.memory_space<vmem>>, vector<16xi32>,
        %swap3A_266 = vector.shape_cast %swap3A_265 : vector<16xi32> to vector<16xi32>
        %swap3A_267 = vector.shape_cast %get3A_263 : vector<16xi32> to vector<16xi32>
        tpu.vector_store %arg12[%swap3A_264], %swap3A_267 {strides = array<i32>} : memref<128xi32, #tpu.memory_space<vmem>>, vector<16xi32>,
        %get3A_268 = arith.constant 192 : index
        %get3A_269 = tpu.vector_load %arg7[%get3A_268] {strides = array<i32>} : memref<256xi32, #tpu.memory_space<vmem>>, vector<16xi32>,
        %get3A_270 = vector.shape_cast %get3A_269 : vector<16xi32> to vector<16xi32>
        %swap3A_271 = arith.constant 64 : index
        %swap3A_272 = tpu.vector_load %arg13[%swap3A_271] {strides = array<i32>} : memref<128xi32, #tpu.memory_space<vmem>>, vector<16xi32>,
        %swap3A_273 = vector.shape_cast %swap3A_272 : vector<16xi32> to vector<16xi32>
        %swap3A_274 = vector.shape_cast %get3A_270 : vector<16xi32> to vector<16xi32>
        tpu.vector_store %arg13[%swap3A_271], %swap3A_274 {strides = array<i32>} : memref<128xi32, #tpu.memory_space<vmem>>, vector<16xi32>,
        %get3A_275 = arith.constant 80 : index
        %get3A_276 = tpu.vector_load %arg9[%get3A_275] {strides = array<i32>} : memref<256xi32, #tpu.memory_space<vmem>>, vector<16xi32>,
        %get3A_277 = vector.shape_cast %get3A_276 : vector<16xi32> to vector<16xi32>
        %mul3A_278 = arith.constant 2000 : i32
        %mul3A_279 = vector.broadcast %mul3A_278 : i32 to vector<16xi32>
        %mul3A_280 = arith.muli %get3A_277, %mul3A_279 : vector<16xi32>
        %get3A_281 = arith.constant 80 : index
        %get3A_282 = tpu.vector_load %arg8[%get3A_281] {strides = array<i32>} : memref<256xi32, #tpu.memory_space<vmem>>, vector<16xi32>,
        %get3A_283 = vector.shape_cast %get3A_282 : vector<16xi32> to vector<16xi32>
        %add3A_284 = arith.addi %mul3A_280, %get3A_283 : vector<16xi32>
        %swap3A_285 = arith.constant 80 : index
        %swap3A_286 = tpu.vector_load %arg10[%swap3A_285] {strides = array<i32>} : memref<128xi32, #tpu.memory_space<vmem>>, vector<16xi32>,
        %swap3A_287 = vector.shape_cast %swap3A_286 : vector<16xi32> to vector<16xi32>
        %swap3A_288 = vector.shape_cast %add3A_284 : vector<16xi32> to vector<16xi32>
        tpu.vector_store %arg10[%swap3A_285], %swap3A_288 {strides = array<i32>} : memref<128xi32, #tpu.memory_space<vmem>>, vector<16xi32>,
        %get3A_289 = arith.constant 208 : index
        %get3A_290 = tpu.vector_load %arg9[%get3A_289] {strides = array<i32>} : memref<256xi32, #tpu.memory_space<vmem>>, vector<16xi32>,
        %get3A_291 = vector.shape_cast %get3A_290 : vector<16xi32> to vector<16xi32>
        %mul3A_292 = arith.constant 2000 : i32
        %mul3A_293 = vector.broadcast %mul3A_292 : i32 to vector<16xi32>
        %mul3A_294 = arith.muli %get3A_291, %mul3A_293 : vector<16xi32>
        %get3A_295 = arith.constant 208 : index
        %get3A_296 = tpu.vector_load %arg8[%get3A_295] {strides = array<i32>} : memref<256xi32, #tpu.memory_space<vmem>>, vector<16xi32>,
        %get3A_297 = vector.shape_cast %get3A_296 : vector<16xi32> to vector<16xi32>
        %add3A_298 = arith.addi %mul3A_294, %get3A_297 : vector<16xi32>
        %swap3A_299 = arith.constant 80 : index
        %swap3A_300 = tpu.vector_load %arg11[%swap3A_299] {strides = array<i32>} : memref<128xi32, #tpu.memory_space<vmem>>, vector<16xi32>,
        %swap3A_301 = vector.shape_cast %swap3A_300 : vector<16xi32> to vector<16xi32>
        %swap3A_302 = vector.shape_cast %add3A_298 : vector<16xi32> to vector<16xi32>
        tpu.vector_store %arg11[%swap3A_299], %swap3A_302 {strides = array<i32>} : memref<128xi32, #tpu.memory_space<vmem>>, vector<16xi32>,
        %get3A_303 = arith.constant 80 : index
        %get3A_304 = tpu.vector_load %arg7[%get3A_303] {strides = array<i32>} : memref<256xi32, #tpu.memory_space<vmem>>, vector<16xi32>,
        %get3A_305 = vector.shape_cast %get3A_304 : vector<16xi32> to vector<16xi32>
        %swap3A_306 = arith.constant 80 : index
        %swap3A_307 = tpu.vector_load %arg12[%swap3A_306] {strides = array<i32>} : memref<128xi32, #tpu.memory_space<vmem>>, vector<16xi32>,
        %swap3A_308 = vector.shape_cast %swap3A_307 : vector<16xi32> to vector<16xi32>
        %swap3A_309 = vector.shape_cast %get3A_305 : vector<16xi32> to vector<16xi32>
        tpu.vector_store %arg12[%swap3A_306], %swap3A_309 {strides = array<i32>} : memref<128xi32, #tpu.memory_space<vmem>>, vector<16xi32>,
        %get3A_310 = arith.constant 208 : index
        %get3A_311 = tpu.vector_load %arg7[%get3A_310] {strides = array<i32>} : memref<256xi32, #tpu.memory_space<vmem>>, vector<16xi32>,
        %get3A_312 = vector.shape_cast %get3A_311 : vector<16xi32> to vector<16xi32>
        %swap3A_313 = arith.constant 80 : index
        %swap3A_314 = tpu.vector_load %arg13[%swap3A_313] {strides = array<i32>} : memref<128xi32, #tpu.memory_space<vmem>>, vector<16xi32>,
        %swap3A_315 = vector.shape_cast %swap3A_314 : vector<16xi32> to vector<16xi32>
        %swap3A_316 = vector.shape_cast %get3A_312 : vector<16xi32> to vector<16xi32>
        tpu.vector_store %arg13[%swap3A_313], %swap3A_316 {strides = array<i32>} : memref<128xi32, #tpu.memory_space<vmem>>, vector<16xi32>,
        %get3A_317 = arith.constant 96 : index
        %get3A_318 = tpu.vector_load %arg9[%get3A_317] {strides = array<i32>} : memref<256xi32, #tpu.memory_space<vmem>>, vector<16xi32>,
        %get3A_319 = vector.shape_cast %get3A_318 : vector<16xi32> to vector<16xi32>
        %mul3A_320 = arith.constant 2000 : i32
        %mul3A_321 = vector.broadcast %mul3A_320 : i32 to vector<16xi32>
        %mul3A_322 = arith.muli %get3A_319, %mul3A_321 : vector<16xi32>
        %get3A_323 = arith.constant 96 : index
        %get3A_324 = tpu.vector_load %arg8[%get3A_323] {strides = array<i32>} : memref<256xi32, #tpu.memory_space<vmem>>, vector<16xi32>,
        %get3A_325 = vector.shape_cast %get3A_324 : vector<16xi32> to vector<16xi32>
        %add3A_326 = arith.addi %mul3A_322, %get3A_325 : vector<16xi32>
        %swap3A_327 = arith.constant 96 : index
        %swap3A_328 = tpu.vector_load %arg10[%swap3A_327] {strides = array<i32>} : memref<128xi32, #tpu.memory_space<vmem>>, vector<16xi32>,
        %swap3A_329 = vector.shape_cast %swap3A_328 : vector<16xi32> to vector<16xi32>
        %swap3A_330 = vector.shape_cast %add3A_326 : vector<16xi32> to vector<16xi32>
        tpu.vector_store %arg10[%swap3A_327], %swap3A_330 {strides = array<i32>} : memref<128xi32, #tpu.memory_space<vmem>>, vector<16xi32>,
        %get3A_331 = arith.constant 224 : index
        %get3A_332 = tpu.vector_load %arg9[%get3A_331] {strides = array<i32>} : memref<256xi32, #tpu.memory_space<vmem>>, vector<16xi32>,
        %get3A_333 = vector.shape_cast %get3A_332 : vector<16xi32> to vector<16xi32>
        %mul3A_334 = arith.constant 2000 : i32
        %mul3A_335 = vector.broadcast %mul3A_334 : i32 to vector<16xi32>
        %mul3A_336 = arith.muli %get3A_333, %mul3A_335 : vector<16xi32>
        %get3A_337 = arith.constant 224 : index
        %get3A_338 = tpu.vector_load %arg8[%get3A_337] {strides = array<i32>} : memref<256xi32, #tpu.memory_space<vmem>>, vector<16xi32>,
        %get3A_339 = vector.shape_cast %get3A_338 : vector<16xi32> to vector<16xi32>
        %add3A_340 = arith.addi %mul3A_336, %get3A_339 : vector<16xi32>
        %swap3A_341 = arith.constant 96 : index
        %swap3A_342 = tpu.vector_load %arg11[%swap3A_341] {strides = array<i32>} : memref<128xi32, #tpu.memory_space<vmem>>, vector<16xi32>,
        %swap3A_343 = vector.shape_cast %swap3A_342 : vector<16xi32> to vector<16xi32>
        %swap3A_344 = vector.shape_cast %add3A_340 : vector<16xi32> to vector<16xi32>
        tpu.vector_store %arg11[%swap3A_341], %swap3A_344 {strides = array<i32>} : memref<128xi32, #tpu.memory_space<vmem>>, vector<16xi32>,
        %get3A_345 = arith.constant 96 : index
        %get3A_346 = tpu.vector_load %arg7[%get3A_345] {strides = array<i32>} : memref<256xi32, #tpu.memory_space<vmem>>, vector<16xi32>,
        %get3A_347 = vector.shape_cast %get3A_346 : vector<16xi32> to vector<16xi32>
        %swap3A_348 = arith.constant 96 : index
        %swap3A_349 = tpu.vector_load %arg12[%swap3A_348] {strides = array<i32>} : memref<128xi32, #tpu.memory_space<vmem>>, vector<16xi32>,
        %swap3A_350 = vector.shape_cast %swap3A_349 : vector<16xi32> to vector<16xi32>
        %swap3A_351 = vector.shape_cast %get3A_347 : vector<16xi32> to vector<16xi32>
        tpu.vector_store %arg12[%swap3A_348], %swap3A_351 {strides = array<i32>} : memref<128xi32, #tpu.memory_space<vmem>>, vector<16xi32>,
        %get3A_352 = arith.constant 224 : index
        %get3A_353 = tpu.vector_load %arg7[%get3A_352] {strides = array<i32>} : memref<256xi32, #tpu.memory_space<vmem>>, vector<16xi32>,
        %get3A_354 = vector.shape_cast %get3A_353 : vector<16xi32> to vector<16xi32>
        %swap3A_355 = arith.constant 96 : index
        %swap3A_356 = tpu.vector_load %arg13[%swap3A_355] {strides = array<i32>} : memref<128xi32, #tpu.memory_space<vmem>>, vector<16xi32>,
        %swap3A_357 = vector.shape_cast %swap3A_356 : vector<16xi32> to vector<16xi32>
        %swap3A_358 = vector.shape_cast %get3A_354 : vector<16xi32> to vector<16xi32>
        tpu.vector_store %arg13[%swap3A_355], %swap3A_358 {strides = array<i32>} : memref<128xi32, #tpu.memory_space<vmem>>, vector<16xi32>,
        %get3A_359 = arith.constant 112 : index
        %get3A_360 = tpu.vector_load %arg9[%get3A_359] {strides = array<i32>} : memref<256xi32, #tpu.memory_space<vmem>>, vector<16xi32>,
        %get3A_361 = vector.shape_cast %get3A_360 : vector<16xi32> to vector<16xi32>
        %mul3A_362 = arith.constant 2000 : i32
        %mul3A_363 = vector.broadcast %mul3A_362 : i32 to vector<16xi32>
        %mul3A_364 = arith.muli %get3A_361, %mul3A_363 : vector<16xi32>
        %get3A_365 = arith.constant 112 : index
        %get3A_366 = tpu.vector_load %arg8[%get3A_365] {strides = array<i32>} : memref<256xi32, #tpu.memory_space<vmem>>, vector<16xi32>,
        %get3A_367 = vector.shape_cast %get3A_366 : vector<16xi32> to vector<16xi32>
        %add3A_368 = arith.addi %mul3A_364, %get3A_367 : vector<16xi32>
        %swap3A_369 = arith.constant 112 : index
        %swap3A_370 = tpu.vector_load %arg10[%swap3A_369] {strides = array<i32>} : memref<128xi32, #tpu.memory_space<vmem>>, vector<16xi32>,
        %swap3A_371 = vector.shape_cast %swap3A_370 : vector<16xi32> to vector<16xi32>
        %swap3A_372 = vector.shape_cast %add3A_368 : vector<16xi32> to vector<16xi32>
        tpu.vector_store %arg10[%swap3A_369], %swap3A_372 {strides = array<i32>} : memref<128xi32, #tpu.memory_space<vmem>>, vector<16xi32>,
        %get3A_373 = arith.constant 240 : index
        %get3A_374 = tpu.vector_load %arg9[%get3A_373] {strides = array<i32>} : memref<256xi32, #tpu.memory_space<vmem>>, vector<16xi32>,
        %get3A_375 = vector.shape_cast %get3A_374 : vector<16xi32> to vector<16xi32>
        %mul3A_376 = arith.constant 2000 : i32
        %mul3A_377 = vector.broadcast %mul3A_376 : i32 to vector<16xi32>
        %mul3A_378 = arith.muli %get3A_375, %mul3A_377 : vector<16xi32>
        %get3A_379 = arith.constant 240 : index
        %get3A_380 = tpu.vector_load %arg8[%get3A_379] {strides = array<i32>} : memref<256xi32, #tpu.memory_space<vmem>>, vector<16xi32>,
        %get3A_381 = vector.shape_cast %get3A_380 : vector<16xi32> to vector<16xi32>
        %add3A_382 = arith.addi %mul3A_378, %get3A_381 : vector<16xi32>
        %swap3A_383 = arith.constant 112 : index
        %swap3A_384 = tpu.vector_load %arg11[%swap3A_383] {strides = array<i32>} : memref<128xi32, #tpu.memory_space<vmem>>, vector<16xi32>,
        %swap3A_385 = vector.shape_cast %swap3A_384 : vector<16xi32> to vector<16xi32>
        %swap3A_386 = vector.shape_cast %add3A_382 : vector<16xi32> to vector<16xi32>
        tpu.vector_store %arg11[%swap3A_383], %swap3A_386 {strides = array<i32>} : memref<128xi32, #tpu.memory_space<vmem>>, vector<16xi32>,
        %get3A_387 = arith.constant 112 : index
        %get3A_388 = tpu.vector_load %arg7[%get3A_387] {strides = array<i32>} : memref<256xi32, #tpu.memory_space<vmem>>, vector<16xi32>,
        %get3A_389 = vector.shape_cast %get3A_388 : vector<16xi32> to vector<16xi32>
        %swap3A_390 = arith.constant 112 : index
        %swap3A_391 = tpu.vector_load %arg12[%swap3A_390] {strides = array<i32>} : memref<128xi32, #tpu.memory_space<vmem>>, vector<16xi32>,
        %swap3A_392 = vector.shape_cast %swap3A_391 : vector<16xi32> to vector<16xi32>
        %swap3A_393 = vector.shape_cast %get3A_389 : vector<16xi32> to vector<16xi32>
        tpu.vector_store %arg12[%swap3A_390], %swap3A_393 {strides = array<i32>} : memref<128xi32, #tpu.memory_space<vmem>>, vector<16xi32>,
        %get3A_394 = arith.constant 240 : index
        %get3A_395 = tpu.vector_load %arg7[%get3A_394] {strides = array<i32>} : memref<256xi32, #tpu.memory_space<vmem>>, vector<16xi32>,
        %get3A_396 = vector.shape_cast %get3A_395 : vector<16xi32> to vector<16xi32>
        %swap3A_397 = arith.constant 112 : index
        %swap3A_398 = tpu.vector_load %arg13[%swap3A_397] {strides = array<i32>} : memref<128xi32, #tpu.memory_space<vmem>>, vector<16xi32>,
        %swap3A_399 = vector.shape_cast %swap3A_398 : vector<16xi32> to vector<16xi32>
        %swap3A_400 = vector.shape_cast %get3A_396 : vector<16xi32> to vector<16xi32>
        tpu.vector_store %arg13[%swap3A_397], %swap3A_400 {strides = array<i32>} : memref<128xi32, #tpu.memory_space<vmem>>, vector<16xi32>,
        %dma_start3A_401 = arith.constant 0 : i32
        %dma_start3A_402 = tpu.memref_slice %arg2[%dma_start3A_401, %multiple_of3A] : memref<20000x256xf32, #tpu.memory_space<hbm>> -> memref<20000x128xf32, #tpu.memory_space<hbm>>
        tpu.enqueue_indirect_dma source(%dma_start3A_402 : memref<20000x128xf32, #tpu.memory_space<hbm>>) target(%arg14 : memref<128x128xf32, #tpu.memory_space<vmem>>) offsets(%arg10 : memref<128xi32, #tpu.memory_space<vmem>>) semaphore(%arg18 : memref<!tpu.dma_semaphore, #tpu.memory_space<semaphore_mem>>)
        %dma_start3A_403 = arith.constant 0 : i32
        %dma_start3A_404 = tpu.memref_slice %arg2[%dma_start3A_403, %multiple_of3A] : memref<20000x256xf32, #tpu.memory_space<hbm>> -> memref<20000x128xf32, #tpu.memory_space<hbm>>
        tpu.enqueue_indirect_dma source(%dma_start3A_404 : memref<20000x128xf32, #tpu.memory_space<hbm>>) target(%arg15 : memref<128x128xf32, #tpu.memory_space<vmem>>) offsets(%arg11 : memref<128xi32, #tpu.memory_space<vmem>>) semaphore(%arg18 : memref<!tpu.dma_semaphore, #tpu.memory_space<semaphore_mem>>)
        %dma_wait3A_405 = arith.constant 0 : i32
        %dma_wait3A_406 = tpu.memref_slice %arg2[%dma_wait3A_405, %multiple_of3A] : memref<20000x256xf32, #tpu.memory_space<hbm>> -> memref<20000x128xf32, #tpu.memory_space<hbm>>
        tpu.wait_indirect_dma semaphore(%arg18 : memref<!tpu.dma_semaphore, #tpu.memory_space<semaphore_mem>>) src(%dma_wait3A_406 : memref<20000x128xf32, #tpu.memory_space<hbm>>) dst(%arg14 : memref<128x128xf32, #tpu.memory_space<vmem>>)
        %dma_wait3A_407 = arith.constant 0 : i32
        %dma_wait3A_408 = tpu.memref_slice %arg2[%dma_wait3A_407, %multiple_of3A] : memref<20000x256xf32, #tpu.memory_space<hbm>> -> memref<20000x128xf32, #tpu.memory_space<hbm>>
        tpu.wait_indirect_dma semaphore(%arg18 : memref<!tpu.dma_semaphore, #tpu.memory_space<semaphore_mem>>) src(%dma_wait3A_408 : memref<20000x128xf32, #tpu.memory_space<hbm>>) dst(%arg15 : memref<128x128xf32, #tpu.memory_space<vmem>>)
        %dma_start3A_409 = arith.constant 0 : i32
        %dma_start3A_410 = arith.constant 0 : i32
        %dma_start3A_411 = tpu.memref_slice %arg17[%dma_start3A_409, %dma_start3A_410] : memref<8192x128xf32, #tpu.memory_space<vmem_shared>> -> memref<8192x128xf32, #tpu.memory_space<vmem_shared>>
        tpu.enqueue_indirect_dma source(%arg14 : memref<128x128xf32, #tpu.memory_space<vmem>>) target(%dma_start3A_411 : memref<8192x128xf32, #tpu.memory_space<vmem_shared>>) offsets(%arg12 : memref<128xi32, #tpu.memory_space<vmem>>) semaphore(%arg18 : memref<!tpu.dma_semaphore, #tpu.memory_space<semaphore_mem>>) {add = true}
        %dma_start3A_412 = arith.constant 0 : i32
        %dma_start3A_413 = arith.constant 0 : i32
        %dma_start3A_414 = tpu.memref_slice %arg17[%dma_start3A_412, %dma_start3A_413] : memref<8192x128xf32, #tpu.memory_space<vmem_shared>> -> memref<8192x128xf32, #tpu.memory_space<vmem_shared>>
        tpu.enqueue_indirect_dma source(%arg15 : memref<128x128xf32, #tpu.memory_space<vmem>>) target(%dma_start3A_414 : memref<8192x128xf32, #tpu.memory_space<vmem_shared>>) offsets(%arg13 : memref<128xi32, #tpu.memory_space<vmem>>) semaphore(%arg18 : memref<!tpu.dma_semaphore, #tpu.memory_space<semaphore_mem>>) {add = true}
        %dma_wait3A_415 = arith.constant 0 : i32
        %dma_wait3A_416 = arith.constant 0 : i32
        %dma_wait3A_417 = tpu.memref_slice %arg17[%dma_wait3A_415, %dma_wait3A_416] : memref<8192x128xf32, #tpu.memory_space<vmem_shared>> -> memref<8192x128xf32, #tpu.memory_space<vmem_shared>>
        tpu.wait_indirect_dma semaphore(%arg18 : memref<!tpu.dma_semaphore, #tpu.memory_space<semaphore_mem>>) src(%arg14 : memref<128x128xf32, #tpu.memory_space<vmem>>) dst(%dma_wait3A_417 : memref<8192x128xf32, #tpu.memory_space<vmem_shared>>)
        %dma_wait3A_418 = arith.constant 0 : i32
        %dma_wait3A_419 = arith.constant 0 : i32
        %dma_wait3A_420 = tpu.memref_slice %arg17[%dma_wait3A_418, %dma_wait3A_419] : memref<8192x128xf32, #tpu.memory_space<vmem_shared>> -> memref<8192x128xf32, #tpu.memory_space<vmem_shared>>
        tpu.wait_indirect_dma semaphore(%arg18 : memref<!tpu.dma_semaphore, #tpu.memory_space<semaphore_mem>>) src(%arg15 : memref<128x128xf32, #tpu.memory_space<vmem>>) dst(%dma_wait3A_420 : memref<8192x128xf32, #tpu.memory_space<vmem_shared>>)
      } else {
      }
    }
    %scan3A_43 = arith.constant 40 : i32
    %barrier3A_44 = arith.constant 0 : index
    tpu.barrier barrier_id(%barrier3A_44)
    %mul3A_45 = arith.constant 512 : i32
    %mul3A_46 = arith.muli %arg1, %mul3A_45 : i32
    %mul3A_47 = arith.constant 512 : i32
    %mul3A_48 = arith.muli %arg1, %mul3A_47 : i32
    "tpu.region"() ({
      %run_scoped3A = tpu.sem_alloc : memref<!tpu.dma_semaphore, #tpu.memory_space<semaphore_mem>>
      %dma_start3A = arith.constant 0 : i32
      %dma_start3A_49 = tpu.memref_slice %arg6[%arg0, %mul3A_48, %dma_start3A] : memref<2x8192x128xf32, #tpu.memory_space<hbm>> -> memref<1x512x128xf32, #tpu.memory_space<hbm>>
      %dma_start3A_50 = tpu.memref_squeeze %dma_start3A_49 : memref<1x512x128xf32, #tpu.memory_space<hbm>> -> memref<512x128xf32, #tpu.memory_space<hbm>>
      %dma_start3A_51 = arith.constant 0 : i32
      %dma_start3A_52 = tpu.memref_slice %arg17[%mul3A_46, %dma_start3A_51] : memref<8192x128xf32, #tpu.memory_space<vmem_shared>> -> memref<512x128xf32, #tpu.memory_space<vmem_shared>>
      tpu.enqueue_dma source(%dma_start3A_52 : memref<512x128xf32, #tpu.memory_space<vmem_shared>>) target(%dma_start3A_50 : memref<512x128xf32, #tpu.memory_space<hbm>>) target_semaphore(%run_scoped3A : memref<!tpu.dma_semaphore, #tpu.memory_space<semaphore_mem>>)
      %dma_wait3A = arith.constant 0 : i32
      %dma_wait3A_53 = tpu.memref_slice %arg6[%arg0, %mul3A_48, %dma_wait3A] : memref<2x8192x128xf32, #tpu.memory_space<hbm>> -> memref<1x512x128xf32, #tpu.memory_space<hbm>>
      %dma_wait3A_54 = tpu.memref_squeeze %dma_wait3A_53 : memref<1x512x128xf32, #tpu.memory_space<hbm>> -> memref<512x128xf32, #tpu.memory_space<hbm>>
      %dma_wait3A_55 = arith.constant 0 : i32
      %dma_wait3A_56 = tpu.memref_slice %arg17[%mul3A_46, %dma_wait3A_55] : memref<8192x128xf32, #tpu.memory_space<vmem_shared>> -> memref<512x128xf32, #tpu.memory_space<vmem_shared>>
      tpu.wait_dma2 semaphore(%run_scoped3A : memref<!tpu.dma_semaphore, #tpu.memory_space<semaphore_mem>>) src(%dma_wait3A_56 : memref<512x128xf32, #tpu.memory_space<vmem_shared>>) dst(%dma_wait3A_54 : memref<512x128xf32, #tpu.memory_space<hbm>>)
      tpu.yield
    }) : () -> ()
    return
  }
}

module attributes {stable_mosaic.version = 14 : i64} {
  func.func @_mm1_body(%arg0: i32, %arg1: i32, %arg2: memref<1000x256xf32, #tpu.memory_space<vmem>>, %arg3: memref<1x256x256xf32, #tpu.memory_space<vmem>>, %arg4: memref<1x1000x256xf32, #tpu.memory_space<vmem>>) attributes {dimension_semantics = [#tpu.dimension_semantics<arbitrary>, #tpu.dimension_semantics<arbitrary>], iteration_bounds = array<i64: 8, 10>, scalar_prefetch = 0 : i64, scratch_operands = 0 : i64, tpu.core_type = #tpu.core_type<tc>, window_params = [{transform_indices = @transform_0, window_bounds = array<i64: 1000, 256>}, {transform_indices = @transform_1, window_bounds = array<i64: 1, 256, 256>}, {transform_indices = @transform_2, window_bounds = array<i64: 1, 1000, 256>}]} {
    %get3A = arith.constant 0 : index
    %get3A_0 = arith.constant 0 : index
    %get3A_1 = vector.load %arg2[%get3A, %get3A_0] : memref<1000x256xf32, #tpu.memory_space<vmem>>, vector<1000x256xf32>
    %get3A_2 = arith.constant 0 : index
    %get3A_3 = arith.constant 0 : index
    %get3A_4 = arith.constant 0 : index
    %get3A_5 = vector.load %arg3[%get3A_2, %get3A_3, %get3A_4] : memref<1x256x256xf32, #tpu.memory_space<vmem>>, vector<1x256x256xf32>
    %get3A_6 = vector.shape_cast %get3A_5 : vector<1x256x256xf32> to vector<256x256xf32>
    %dot_general3A = arith.constant dense<0.000000e+00> : vector<1000x256xf32>
    %dot_general3A_7 = tpu.matmul %get3A_1, %get3A_6, %dot_general3A {dimension_numbers = #tpu.dot_dimension_numbers<[1], [0], [0], [1], [0, 0, 1, 1], [], []>, transpose_lhs_hint = false} : vector<1000x256xf32>, vector<256x256xf32>, vector<1000x256xf32> -> vector<1000x256xf32>
    %swap3A = arith.constant 0 : index
    %swap3A_8 = arith.constant 0 : index
    %swap3A_9 = arith.constant 0 : index
    %swap3A_10 = vector.load %arg4[%swap3A, %swap3A_8, %swap3A_9] : memref<1x1000x256xf32, #tpu.memory_space<vmem>>, vector<1x1000x256xf32>
    %swap3A_11 = vector.shape_cast %swap3A_10 : vector<1x1000x256xf32> to vector<1000x256xf32>
    %swap3A_12 = vector.shape_cast %dot_general3A_7 : vector<1000x256xf32> to vector<1x1000x256xf32>
    tpu.vector_store %arg4[%swap3A, %swap3A_8, %swap3A_9], %swap3A_12 {strides = array<i32>} : memref<1x1000x256xf32, #tpu.memory_space<vmem>>, vector<1x1000x256xf32>,
    return
  }
  func.func @transform_0(%arg0: i32, %arg1: i32) -> (i32, i32) {
    %c0_i32 = arith.constant 0 : i32
    %c0_i32_0 = arith.constant 0 : i32
    return %arg0, %c0_i32 : i32, i32
  }
  func.func @transform_1(%arg0: i32, %arg1: i32) -> (i32, i32, i32) {
    %c0_i32 = arith.constant 0 : i32
    %c0_i32_0 = arith.constant 0 : i32
    %c0_i32_1 = arith.constant 0 : i32
    return %arg1, %c0_i32, %c0_i32_0 : i32, i32, i32
  }
  func.func @transform_2(%arg0: i32, %arg1: i32) -> (i32, i32, i32) {
    %c0_i32 = arith.constant 0 : i32
    %c0_i32_0 = arith.constant 0 : i32
    return %arg1, %arg0, %c0_i32 : i32, i32, i32
  }
}

module attributes {stable_mosaic.version = 14 : i64} {
  func.func @_mm2_body(%arg0: i32, %arg1: i32, %arg2: memref<2x1000x256xf32, #tpu.memory_space<vmem>>, %arg3: memref<2x1000x1xf32, #tpu.memory_space<vmem>>, %arg4: memref<1x256x256xf32, #tpu.memory_space<vmem>>, %arg5: memref<1000x256xf32, #tpu.memory_space<vmem>>, %arg6: memref<1x1000x256xf32, #tpu.memory_space<vmem>>) attributes {dimension_semantics = [#tpu.dimension_semantics<arbitrary>, #tpu.dimension_semantics<arbitrary>], iteration_bounds = array<i64: 2, 10>, scalar_prefetch = 0 : i64, scratch_operands = 0 : i64, tpu.core_type = #tpu.core_type<tc>, window_params = [{transform_indices = @transform_0, window_bounds = array<i64: 2, 1000, 256>}, {transform_indices = @transform_1, window_bounds = array<i64: 2, 1000, 1>}, {transform_indices = @transform_2, window_bounds = array<i64: 1, 256, 256>}, {transform_indices = @transform_3, window_bounds = array<i64: 1000, 256>}, {transform_indices = @transform_4, window_bounds = array<i64: 1, 1000, 256>}]} {
    %get3A = arith.constant 0 : index
    %get3A_0 = arith.constant 0 : index
    %get3A_1 = arith.constant 0 : index
    %get3A_2 = vector.load %arg2[%get3A, %get3A_0, %get3A_1] : memref<2x1000x256xf32, #tpu.memory_space<vmem>>, vector<1x1000x256xf32>
    %get3A_3 = vector.shape_cast %get3A_2 : vector<1x1000x256xf32> to vector<1000x256xf32>
    %get3A_4 = arith.constant 1 : index
    %get3A_5 = arith.constant 0 : index
    %get3A_6 = arith.constant 0 : index
    %get3A_7 = vector.load %arg2[%get3A_4, %get3A_5, %get3A_6] : memref<2x1000x256xf32, #tpu.memory_space<vmem>>, vector<1x1000x256xf32>
    %get3A_8 = vector.shape_cast %get3A_7 : vector<1x1000x256xf32> to vector<1000x256xf32>
    %add3A = arith.addf %get3A_3, %get3A_8 : vector<1000x256xf32>
    %get3A_9 = arith.constant 0 : index
    %get3A_10 = arith.constant 0 : index
    %get3A_11 = arith.constant 0 : index
    %get3A_12 = vector.load %arg3[%get3A_9, %get3A_10, %get3A_11] : memref<2x1000x1xf32, #tpu.memory_space<vmem>>, vector<1x1000x1xf32>
    %get3A_13 = vector.shape_cast %get3A_12 : vector<1x1000x1xf32> to vector<1000x1xf32>
    %get3A_14 = arith.constant 1 : index
    %get3A_15 = arith.constant 0 : index
    %get3A_16 = arith.constant 0 : index
    %get3A_17 = vector.load %arg3[%get3A_14, %get3A_15, %get3A_16] : memref<2x1000x1xf32, #tpu.memory_space<vmem>>, vector<1x1000x1xf32>
    %get3A_18 = vector.shape_cast %get3A_17 : vector<1x1000x1xf32> to vector<1000x1xf32>
    %add3A_19 = arith.addf %get3A_13, %get3A_18 : vector<1000x1xf32>
    %max3A = arith.constant 1.000000e+00 : f32
    %max3A_20 = vector.broadcast %max3A : f32 to vector<1000x1xf32>
    %max3A_21 = arith.maximumf %add3A_19, %max3A_20 : vector<1000x1xf32>
    %div3A = vector.broadcast %max3A_21 : vector<1000x1xf32> to vector<1000x256xf32>
    %div3A_22 = arith.divf %add3A, %div3A : vector<1000x256xf32>
    %swap3A = arith.constant 0 : index
    %swap3A_23 = arith.constant 0 : index
    %swap3A_24 = vector.load %arg5[%swap3A, %swap3A_23] : memref<1000x256xf32, #tpu.memory_space<vmem>>, vector<1000x256xf32>
    tpu.vector_store %arg5[%swap3A, %swap3A_23], %div3A_22 {strides = array<i32>} : memref<1000x256xf32, #tpu.memory_space<vmem>>, vector<1000x256xf32>,
    %get3A_25 = arith.constant 0 : index
    %get3A_26 = arith.constant 0 : index
    %get3A_27 = arith.constant 0 : index
    %get3A_28 = vector.load %arg4[%get3A_25, %get3A_26, %get3A_27] : memref<1x256x256xf32, #tpu.memory_space<vmem>>, vector<1x256x256xf32>
    %get3A_29 = vector.shape_cast %get3A_28 : vector<1x256x256xf32> to vector<256x256xf32>
    %dot_general3A = arith.constant dense<0.000000e+00> : vector<1000x256xf32>
    %dot_general3A_30 = tpu.matmul %div3A_22, %get3A_29, %dot_general3A {dimension_numbers = #tpu.dot_dimension_numbers<[1], [0], [0], [1], [0, 0, 1, 1], [], []>, transpose_lhs_hint = false} : vector<1000x256xf32>, vector<256x256xf32>, vector<1000x256xf32> -> vector<1000x256xf32>
    %swap3A_31 = arith.constant 0 : index
    %swap3A_32 = arith.constant 0 : index
    %swap3A_33 = arith.constant 0 : index
    %swap3A_34 = vector.load %arg6[%swap3A_31, %swap3A_32, %swap3A_33] : memref<1x1000x256xf32, #tpu.memory_space<vmem>>, vector<1x1000x256xf32>
    %swap3A_35 = vector.shape_cast %swap3A_34 : vector<1x1000x256xf32> to vector<1000x256xf32>
    %swap3A_36 = vector.shape_cast %dot_general3A_30 : vector<1000x256xf32> to vector<1x1000x256xf32>
    tpu.vector_store %arg6[%swap3A_31, %swap3A_32, %swap3A_33], %swap3A_36 {strides = array<i32>} : memref<1x1000x256xf32, #tpu.memory_space<vmem>>, vector<1x1000x256xf32>,
    return
  }
  func.func @transform_0(%arg0: i32, %arg1: i32) -> (i32, i32, i32) {
    %c0_i32 = arith.constant 0 : i32
    %c0_i32_0 = arith.constant 0 : i32
    %c0_i32_1 = arith.constant 0 : i32
    return %c0_i32, %arg0, %c0_i32_0 : i32, i32, i32
  }
  func.func @transform_1(%arg0: i32, %arg1: i32) -> (i32, i32, i32) {
    %c0_i32 = arith.constant 0 : i32
    %c0_i32_0 = arith.constant 0 : i32
    %c0_i32_1 = arith.constant 0 : i32
    return %c0_i32, %arg0, %c0_i32_0 : i32, i32, i32
  }
  func.func @transform_2(%arg0: i32, %arg1: i32) -> (i32, i32, i32) {
    %c0_i32 = arith.constant 0 : i32
    %c0_i32_0 = arith.constant 0 : i32
    %c0_i32_1 = arith.constant 0 : i32
    return %arg1, %c0_i32, %c0_i32_0 : i32, i32, i32
  }
  func.func @transform_3(%arg0: i32, %arg1: i32) -> (i32, i32) {
    %c0_i32 = arith.constant 0 : i32
    %c0_i32_0 = arith.constant 0 : i32
    return %arg0, %c0_i32 : i32, i32
  }
  func.func @transform_4(%arg0: i32, %arg1: i32) -> (i32, i32, i32) {
    %c0_i32 = arith.constant 0 : i32
    %c0_i32_0 = arith.constant 0 : i32
    return %arg1, %arg0, %c0_i32 : i32, i32, i32
  }
}

module attributes {stable_mosaic.version = 14 : i64} {
  func.func @_norm_body(%arg0: i32, %arg1: memref<2x1000x128xf32, #tpu.memory_space<vmem>>, %arg2: memref<2x1000x1xf32, #tpu.memory_space<vmem>>, %arg3: memref<1000x256xf32, #tpu.memory_space<vmem>>) attributes {dimension_semantics = [#tpu.dimension_semantics<arbitrary>], iteration_bounds = array<i64: 8>, scalar_prefetch = 0 : i64, scratch_operands = 0 : i64, tpu.core_type = #tpu.core_type<tc>, window_params = [{transform_indices = @transform_0, window_bounds = array<i64: 2, 1000, 128>}, {transform_indices = @transform_1, window_bounds = array<i64: 2, 1000, 1>}, {transform_indices = @transform_2, window_bounds = array<i64: 1000, 256>}]} {
    %get3A = arith.constant 0 : index
    %get3A_0 = arith.constant 0 : index
    %get3A_1 = arith.constant 0 : index
    %get3A_2 = vector.load %arg2[%get3A, %get3A_0, %get3A_1] : memref<2x1000x1xf32, #tpu.memory_space<vmem>>, vector<1x1000x1xf32>
    %get3A_3 = vector.shape_cast %get3A_2 : vector<1x1000x1xf32> to vector<1000x1xf32>
    %get3A_4 = arith.constant 1 : index
    %get3A_5 = arith.constant 0 : index
    %get3A_6 = arith.constant 0 : index
    %get3A_7 = vector.load %arg2[%get3A_4, %get3A_5, %get3A_6] : memref<2x1000x1xf32, #tpu.memory_space<vmem>>, vector<1x1000x1xf32>
    %get3A_8 = vector.shape_cast %get3A_7 : vector<1x1000x1xf32> to vector<1000x1xf32>
    %add3A = arith.addf %get3A_3, %get3A_8 : vector<1000x1xf32>
    %max3A = arith.constant 1.000000e+00 : f32
    %max3A_9 = vector.broadcast %max3A : f32 to vector<1000x1xf32>
    %max3A_10 = arith.maximumf %add3A, %max3A_9 : vector<1000x1xf32>
    %get3A_11 = arith.constant 0 : index
    %get3A_12 = arith.constant 0 : index
    %get3A_13 = arith.constant 0 : index
    %get3A_14 = vector.load %arg1[%get3A_11, %get3A_12, %get3A_13] : memref<2x1000x128xf32, #tpu.memory_space<vmem>>, vector<1x1000x128xf32>
    %get3A_15 = vector.shape_cast %get3A_14 : vector<1x1000x128xf32> to vector<1000x128xf32>
    %div3A = vector.broadcast %max3A_10 : vector<1000x1xf32> to vector<1000x128xf32>
    %div3A_16 = arith.divf %get3A_15, %div3A : vector<1000x128xf32>
    %swap3A = arith.constant 0 : index
    %swap3A_17 = arith.constant 0 : index
    %swap3A_18 = vector.load %arg3[%swap3A, %swap3A_17] : memref<1000x256xf32, #tpu.memory_space<vmem>>, vector<1000x128xf32>
    tpu.vector_store %arg3[%swap3A, %swap3A_17], %div3A_16 {strides = array<i32>} : memref<1000x256xf32, #tpu.memory_space<vmem>>, vector<1000x128xf32>,
    %get3A_19 = arith.constant 1 : index
    %get3A_20 = arith.constant 0 : index
    %get3A_21 = arith.constant 0 : index
    %get3A_22 = vector.load %arg1[%get3A_19, %get3A_20, %get3A_21] : memref<2x1000x128xf32, #tpu.memory_space<vmem>>, vector<1x1000x128xf32>
    %get3A_23 = vector.shape_cast %get3A_22 : vector<1x1000x128xf32> to vector<1000x128xf32>
    %div3A_24 = vector.broadcast %max3A_10 : vector<1000x1xf32> to vector<1000x128xf32>
    %div3A_25 = arith.divf %get3A_23, %div3A_24 : vector<1000x128xf32>
    %swap3A_26 = arith.constant 0 : index
    %swap3A_27 = arith.constant 128 : index
    %swap3A_28 = vector.load %arg3[%swap3A_26, %swap3A_27] : memref<1000x256xf32, #tpu.memory_space<vmem>>, vector<1000x128xf32>
    tpu.vector_store %arg3[%swap3A_26, %swap3A_27], %div3A_25 {strides = array<i32>} : memref<1000x256xf32, #tpu.memory_space<vmem>>, vector<1000x128xf32>,
    return
  }
  func.func @transform_0(%arg0: i32) -> (i32, i32, i32) {
    %c0_i32 = arith.constant 0 : i32
    %c0_i32_0 = arith.constant 0 : i32
    %c0_i32_1 = arith.constant 0 : i32
    return %c0_i32, %arg0, %c0_i32_0 : i32, i32, i32
  }
  func.func @transform_1(%arg0: i32) -> (i32, i32, i32) {
    %c0_i32 = arith.constant 0 : i32
    %c0_i32_0 = arith.constant 0 : i32
    %c0_i32_1 = arith.constant 0 : i32
    return %c0_i32, %arg0, %c0_i32_0 : i32, i32, i32
  }
  func.func @transform_2(%arg0: i32) -> (i32, i32) {
    %c0_i32 = arith.constant 0 : i32
    %c0_i32_0 = arith.constant 0 : i32
    return %arg0, %c0_i32 : i32, i32
  }
}

</mosaic_0001>

<sc_bundles>
// kernel: kernel.10.cloned.1.call-start
scs
__scs_entry_jumppad:
0x0: {  	(pc) =	sbr.rel $0x88, $3  }
0x1: {  	(tag) =	ssettag $0x0;
	lr =	simm.s32 $0x1  }
0x2: {  	[smem:$0x3F9B] =	sst lr;
	_ =	strace $0xD0000000  }
0x3: {  	_ = 	snop  }
0x4: {  	_ = 	snop  }
0x5: {  	_ = 	snop  }
0x6: {  	_ = 	snop  }
0x7: {  	_ = 	snop  }
__scs_overlays_trampoline_lowered:
0x8: {  	[smem:$0x3FAA] =	sst s0  }
0x9: {  	[smem:$0x3FAB] =	sst s1  }
0xa: {  	[smem:$0x3FAC] =	sst s2  }
0xb: {  	[smem:$0x3FAD] =	sst s3  }
0xc: {  	[smem:$0x3FAE] =	sst s4  }
0xd: {  	[smem:$0x3FAF] =	sst s5  }
0xe: {  	[smem:$0x3FB0] =	sst s6  }
0xf: {  	[smem:$0x3FB1] =	sst s7  }
0x10: {  	[smem:$0x3FB2] =	sst s8  }
0x11: {  	[smem:$0x3FB3] =	sst s9;
	s0 =	simm.s32 @!p0 $0x0  }
0x12: {  	s1 =	sld [smem:$0x3F99];
	s0 =	simm.s32 @p0 $0x1  }
0x13: {  	[smem:$0x3FB4] =	sst s0;
	s0 =	simm.s32 @!p1 $0x0  }
0x14: {  	s2 =	sld [smem:$0x3F98];
	s0 =	simm.s32 @p1 $0x1  }
0x15: {  	[smem:$0x3FB5] =	sst s0;
	s0 =	simm.s32 @!p2 $0x0  }
0x16: {  	s3 =	sld [smem:$0x3FDB];
	s0 =	simm.s32 @p2 $0x1  }
0x17: {  	s4 =	simm.s32 $0x1BF5;
	[smem:$0x3FB7] =	sst s0  }
0x18: {  	s0 =	sld [smem:$0x3F9A];
	_ =	swait.ge [sflag:s4], $0x0  }
0x19: {  	s7 =	sld [smem:$0x3F9B]  }
0x1a: {  	s8 =	sadd.s32 $0xFFFFE003, lr  }
0x1b: {  	s9 =	sadd.s32 $0xFFFFFEF7, lr;
	s5 =	simm.s32 $0xFFFFFFFF;
	p2 =	slt.u32 s8, $0xFFFFF086  }
0x1c: {  	p1 =	slt.u32 s9, $0xF7A;
	s5 =	simm.s32 @!p2 $0x0  }
0x1d: {  	s5 =	simm.s32 @p1 $0x1;
	p0 =	seq.s32 s7, s2  }
0x1e: {  	s7 =	smul.u32 @!p0 $0xF7A, s2;
	p2 =	seq.s32 @!p0 s5, $0x0  }
0x1f: {  	s9 =	smul.u32 $0xF7A, s1;
	s8 =	simm.s32 @!p0 $0x1BF5;
	p2 =	por !p2, p0  }
0x20: {  	[sflag:s8] =	ssyncset.s32 @!p0 $0xFFFFF086;
	s6 =	sadd.s32 @!p0 s3, s7;
	s7 =	simm.s32 @!p0 $0x108  }
0x21: {  	s3 =	sadd.s32 s3, s9;
	s6 =	sadd.s32 @!p0 $0x88, s6;
	s7 =	simm.s32 @p2 $0x1082  }
0x22: {  	[simem:s7], [sflag:s8] =	dma.local @!p0 [hbm:s6], $0xF7A  }
0x23: {  	s9 =	sor.u32 $0xD0000000, s2;
	s6 =	simm.s32 $0x108;
	_ =	swait.ge @!p0 [sflag:s8], $0x0  }
0x24: {  	s3 =	sadd.s32 $0x88, s3;
	s6 =	simm.s32 @!p1 $0x1082;
	[sflag:s4] =	ssyncset.s32 $0xFFFFF086  }
0x25: {  	[simem:s6], [sflag:s4] =	dma.local [hbm:s3], $0xF7A  }
0x26: {  	[smem:$0x3F9B] =	sst s1;
	(tag) =	ssettag s2;
	_ =	strace s9  }
0x27: {  	s1 =	sld [smem:$0x3FAB]  }
0x28: {  	s2 =	sld [smem:$0x3FAC]  }
0x29: {  	s4 =	sld [smem:$0x3FAE]  }
0x2a: {  	p0 =	seq.s32 s5, $0x0;
	s5 =	sld [smem:$0x3FAF]  }
0x2b: {  	s6 =	sld [smem:$0x3FB0]  }
0x2c: {  	s7 =	sld [smem:$0x3FB1]  }
0x2d: {  	s3 =	simm.s32 $0x108;
	s8 =	sld [smem:$0x3FB2]  }
0x2e: {  	s3 =	simm.s32 @!p0 $0x1082;
	s9 =	sld [smem:$0x3FB3]  }
0x2f: {  	lr =	sadd.s32 s0, s3;
	s0 =	sld [smem:$0x3FAA]  }
0x30: {  	s3 =	sld [smem:$0x3FAD]  }
0x31: {  	[smem:$0x3FB6] =	sst s10  }
0x32: {  	s10 =	sld [smem:$0x3FB4];
	_ =	sdelay $0x3  }
0x33: {  	p0 =	seq.s32 s10, $0x1;
	s10 =	sld [smem:$0x3FB6];
	_ =	sdelay $0x3  }
0x34: {  	[smem:$0x3FB6] =	sst s10  }
0x35: {  	s10 =	sld [smem:$0x3FB5];
	_ =	sdelay $0x3  }
0x36: {  	p1 =	seq.s32 s10, $0x1;
	s10 =	sld [smem:$0x3FB6];
	_ =	sdelay $0x3  }
0x37: {  	[smem:$0x3FB6] =	sst s10  }
0x38: {  	s10 =	sld [smem:$0x3FB7]  }
0x39: {  	_ = 	snop;
	(pc) =	sbr.ind lr, $3  }
0x3a: {  	_ = 	snop  }
0x3b: {  	_ = 	snop  }
0x3c: {  	p2 =	seq.s32 s10, $0x1;
	s10 =	sld [smem:$0x3FB6]  }
0x3d: {  	_ =	shalt  }
0x3e: {  	_ =	shalt  }
0x3f: {  	_ =	shalt  }
0x40: {  	_ =	shalt  }
0x41: {  	_ =	shalt  }
0x42: {  	_ =	shalt  }
0x43: {  	_ =	shalt  }
0x44: {  	_ =	shalt  }
0x45: {  	_ =	shalt  }
0x46: {  	_ =	shalt  }
0x47: {  	_ =	shalt  }
0x48: {  	_ =	shalt  }
0x49: {  	_ =	shalt  }
0x4a: {  	_ =	shalt  }
0x4b: {  	_ =	shalt  }
0x4c: {  	_ =	shalt  }
0x4d: {  	_ =	shalt  }
0x4e: {  	_ =	shalt  }
0x4f: {  	_ =	shalt  }
0x50: {  	_ =	shalt  }
0x51: {  	_ =	shalt  }
0x52: {  	_ =	shalt  }
0x53: {  	_ =	shalt  }
0x54: {  	_ =	shalt  }
0x55: {  	_ =	shalt  }
0x56: {  	_ =	shalt  }
0x57: {  	_ =	shalt  }
0x58: {  	_ =	shalt  }
0x59: {  	_ =	shalt  }
0x5a: {  	_ =	shalt  }
0x5b: {  	_ =	shalt  }
0x5c: {  	_ =	shalt  }
0x5d: {  	_ =	shalt  }
0x5e: {  	_ =	shalt  }
0x5f: {  	_ =	shalt  }
0x60: {  	_ =	shalt  }
0x61: {  	_ =	shalt  }
0x62: {  	_ =	shalt  }
0x63: {  	_ =	shalt  }
0x64: {  	_ =	shalt  }
0x65: {  	_ =	shalt  }
0x66: {  	_ =	shalt  }
0x67: {  	_ =	shalt  }
0x68: {  	_ =	shalt  }
0x69: {  	_ =	shalt  }
0x6a: {  	_ =	shalt  }
0x6b: {  	_ =	shalt  }
0x6c: {  	_ =	shalt  }
0x6d: {  	_ =	shalt  }
0x6e: {  	_ =	shalt  }
0x6f: {  	_ =	shalt  }
0x70: {  	_ =	shalt  }
0x71: {  	_ =	shalt  }
0x72: {  	_ =	shalt  }
0x73: {  	_ =	shalt  }
0x74: {  	_ =	shalt  }
0x75: {  	_ =	shalt  }
0x76: {  	_ =	shalt  }
0x77: {  	_ =	shalt  }
0x78: {  	_ =	shalt  }
0x79: {  	_ =	shalt  }
0x7a: {  	_ =	shalt  }
0x7b: {  	_ =	shalt  }
0x7c: {  	_ =	shalt  }
0x7d: {  	_ =	shalt  }
0x7e: {  	_ =	shalt  }
0x7f: {  	_ =	shalt  }
0x80: {  	_ =	shalt  }
0x81: {  	_ =	shalt  }
0x82: {  	_ =	shalt  }
0x83: {  	_ =	shalt  }
0x84: {  	_ =	shalt  }
0x85: {  	_ =	shalt  }
0x86: {  	_ =	shalt  }
0x87: {  	_ =	shalt  }
.Lfunc_end0:
.L_simem_size_0:
called_computation.1_lowered:
.L_overlay_start_0:
0x88: {  	s2 =	sld [smem:$0x3FD9]  }
0x89: {  	s3 =	sld [smem:$0x3FFE];
	_ =	sdelay $0x1  }
0x8a: {  	s1 =	srdreg.scid  }
0x8b: {  	s0 =	sand.u32 $0x1, s1  }
0x8c: {  	s17 =	sshll.u32 s0, $0xA;
	s2 =	sadd.s32 s3, s2  }
0x8d: {  	s2 =	sadd.s32 s2, s17  }
0x8e: {  	[smem:$0x3FC2] =	sst s2  }
0x8f: {  	_ = 	snop  }
0x90: {  	s2 =	sld [smem:$0x3FC8]  }
0x91: {  	s18 =	sld [smem:$0x3FC7]  }
0x92: {  	s4 =	sld [smem:$0x3FC6];
	(tm) =	ssettm $0x1  }
0x93: {  	s5 =	sld [smem:$0x3FFB];
	_ =	sdelay $0x3  }
0x94: {  	_ =	strace s5  }
0x95: {  	s5 =	sld [smem:$0x3FFC];
	_ =	sdelay $0x3  }
0x96: {  	_ =	strace s5  }
0x97: {  	s5 =	sld [smem:$0x3FFD];
	_ =	sdelay $0x3  }
0x98: {  	_ =	strace s5  }
0x99: {  	_ =	strace $0x8FFFFFFF  }
0x9a: {  	s19 =	sld [smem:$0x3FDB];
	_ =	sdelay $0x1  }
0x9b: {  	s6 =	simm.s32 $_scs_section_size  }
0x9c: {  	s7 =	simm.s32 $_size__tile_overlayer_lowered;
	s8 =	simm.s32 $_tile_overlayer_lowered  }
0x9d: {  	s22 =	simm.s32 $0x1BFF;
	s21 =	sshll.u32 s8, $0x1;
	s5 =	sadd.s32 s6, s19  }
0x9e: {  	s9 =	simm.s32 $0x0;
	s20 =	sshll.u32 s7, $0x1;
	s7 =	sadd.s32 s21, s5  }
0x9f: {  	[timem:s9], [sflag:s22] =	dma.local [hbm:s7], s20  }
0xa0: {  	_ =	swait.ge [sflag:s22], s20  }
0xa1: {  	s6 =	ssub.s32 $0x0, s20;
	[sflag:s22] =	ssyncset.done $0x0  }
0xa2: {  	[sflag:s22] =	ssyncadd.s32 s6;
	_ =	sdelay $0x1  }
0xa3: {  	s23 =	simm.s32 $0x1B8B  }
0xa4: {  	_ =	swait.ge [sflag:s23], $0x1  }
0xa5: {  	[sflag:s23] =	ssyncset.done $0x0  }
0xa6: {  	s25 =	simm.s32 $0x1B8E;
	s24 =	sld [smem:$0x3FFE];
	[sflag:s23] =	ssyncadd.s32 $0xFFFFFFFF  }
0xa7: {  	s26 =	simm.s32 $execute0_lowered;
	[smem:$0x3FD2] =	sst s25  }
0xa8: {  	s7 =	sshll.u32 s26, $0x1;
	_ =	strace $0x80000049;
	[dreg:$0x1] =	wrdreg $0xFFFFFFFF  }
0xa9: {  	s28 =	simm.s32 $_size_execute0_lowered;
	s5 =	sadd.s32 s5, s7;
	[dreg:$0x0] =	wrdreg $0x0  }
0xaa: {  	s7 =	sshll.u32 s28, $0x1;
	[dreg:$0x2] =	wrdreg s5  }
0xab: {  	[dreg:$0x3] =	wrdreg s7  }
0xac: {  	[dreg:$0x4] =	wrdreg $0xC0  }
0xad: {  	_ =	task [dreg:s9], $0x5FFFF  }
0xae: {  	[dreg:$0x1] =	wrdreg $0xFFFFFFFF  }
0xaf: {  	[dreg:$0x0] =	wrdreg $0x60  }
0xb0: {  	[dreg:$0x2] =	wrdreg s24  }
0xb1: {  	[dreg:$0x3] =	wrdreg s2  }
0xb2: {  	[dreg:$0x4] =	wrdreg s18  }
0xb3: {  	[dreg:$0x5] =	wrdreg s4  }
0xb4: {  	[dreg:$0x6] =	wrdreg $0xA5000  }
0xb5: {  	[dreg:$0x7] =	wrdreg $0x9  }
0xb6: {  	_ =	task.clear_ibuf [dreg:s9], $0x8FFFF;
	_ =	strace $0x90000049  }
0xb7: {  	s29 =	simm.s32 $0x9;
	_ =	strace $0x8000004B  }
0xb8: {  	_ =	swait.ge [sflag:s29], $0x1  }
0xb9: {  	[sflag:s29] =	ssyncadd.s32 $0xFFFFFFFF  }
0xba: {  	_ =	strace $0x9000004B  }
0xbb: {  	_ =	sfence  }
0xbc: {  	s30 =	sld [smem:$0x0];
	_ =	sdelay $0x2  }
0xbd: {  	s31 =	sshll.u32 s1, $0xD;
	s1 =	sshrl.u32 s1, $0x2  }
0xbe: {  	s3 =	sand.u32 $0x4000, s31;
	s1 =	sadd.s32 s1, s30  }
0xbf: {  	s0 =	sor.u32 s3, s0;
	s1 =	sshll.u32 s1, $0x11  }
0xc0: {  	s0 =	sor.u32 s1, s0  }
0xc1: {  	s0 =	sadd.s32 $0x8F2B, s0  }
0xc2: {  	[sflag:s0] =	ssyncadd.remote.s32 $0x1  }
0xc3: {  	_ =	sfence.sel $0xFFFF  }
0xc4: {  	[dreg:$0x0] =	wrdreg $0xFFFFFFFF;
	(pc) =	sbr.abs _section_cstart, $3  }
0xc5: {  	[dreg:$0x1] =	wrdreg $0xFFFFFFFF  }
0xc6: {  	_ =	task.clear_ibuf [dreg:s9], $0x2FFFF;
	_ =	strace $0x9FFFFFFF  }
0xc7: {  	(tm) =	ssettm $0x7FFFFFFF  }
tec
execute0_lowered:
.L_overlay_start_1:
0x0: {  	(tag) =	ssettag $0x1  }
0x1: {  	s0 =	rddreg [dreg:$0x0]  }
0x2: {  	s3 =	rddreg [dreg:$0x1]  }
0x3: {  	s4 =	rddreg [dreg:$0x2]  }
0x4: {  	s5 =	rddreg [dreg:$0x3]  }
0x5: {  	s1 =	rddreg [dreg:$0x4];
	s6 =	srdreg.scid  }
0x6: {  	s2 =	simm.s32 $0x0;
	s11 =	stileid.u32;
	s14 =	simm.s32 $0x4500  }
0x7: {  	s29 =	simm.s32 $0x8080;
	s30 =	simm.s32 $0x7E00;
	s31 =	simm.s32 $0x8000  }
0x8: {  	s13 =	simm.s32 $0x8400;
	s6 =	sand.u32 $0x1, s6;
	[smem:$0x7FF] =	sst s2  }
0x9: {  	s8 =	sshll.u32 s11, $0xD;
	s10 =	sshll.u32 s11, $0x10;
	s26 =	sshll.u32 s11, $0x5  }
0xa: {  	s11 =	simm.s32 $0x8380;
	s7 =	sshll.u32 s6, $0x7;
	_ =	strace $0x8000004A  }
0xb: {  	s9 =	ssub.s32 $0x2, s6;
	s10 =	sadd.s32 s10, s1;
	s6 =	sshll.u32 s6, $0x11  }
0xc: {  	s15 =	sadd.s32 s26, s5;
	s16 =	sadd.s32 s26, s4;
	s17 =	sadd.s32 s26, s3  }
0xd: {  	s3 =	simm.s32 $0x7F00;
	s19 =	sadd.s32 $0x2000, s10;
	[dreg:$0x6] =	wrdreg s10  }
0xe: {  	s5 =	simm.s32 $0x7E80;
	s20 =	sadd.s32 $0x4000, s10;
	[dreg:$0x7] =	wrdreg s19  }
0xf: {  	s4 =	simm.s32 $0x8480;
	s21 =	sadd.s32 $0x6000, s10;
	[dreg:$0x8] =	wrdreg s20  }
0x10: {  	s7 =	sadd.s32 s7, s0;
	s22 =	sadd.s32 $0x8000, s10;
	[dreg:$0x9] =	wrdreg s21  }
0x11: {  	s0 =	sadd.s32 s8, s0;
	s23 =	sadd.s32 $0xA000, s10;
	[dreg:$0xa] =	wrdreg s22  }
0x12: {  	s18 =	sshrl.u32 s9, $0x1;
	s24 =	sadd.s32 $0xC000, s10;
	[dreg:$0xb] =	wrdreg s23  }
0x13: {  	s25 =	sadd.s32 $0xE000, s10;
	s10 =	simm.s32 $0x8300;
	[dreg:$0xc] =	wrdreg s24  }
0x14: {  	v0 =	vimm.f32 $0.0e+00;
	v1 =	vimm.s32 $0x7;
	s8 =	ssub.s32 s9, s18;
	[dreg:$0xd] =	wrdreg s25;
	s12 =	sadd.s32 $0x1A00, s7  }
0x15: {  	v2 =	vimm.s32 $0x1;
	v3 =	vimm.s32 $0x0;
	v4 =	vlaneseq.u32;
	s0 =	sadd.s32 s6, s0;
	s19 =	simm.s32 $0x2;
	s22 =	simm.s32 $0x1  }
.Ltmp0:
0x16: {  	vm0 =	vmmov $0x1;
	v5 =	vimm.s32 $0x2;
	v6 =	vimm.s32 $0x3;
	s23 =	simm.s32 $0x500;
	s6 =	simm.s32 $0x7B80;
	(pc) =	sbr.rel .LBB2_1-.Ltmp0, $4  }
0x17: {  	v7 =	vimm.s32 $0x4;
	v8 =	vimm.s32 $0x5;
	v9 =	vimm.s32 $0x6;
	s7 =	simm.s32 $0x7C00;
	s9 =	simm.s32 $0x7C80;
	s18 =	simm.s32 $0x80  }
0x18: {  	v10 =	vimm.s32 $0x8;
	v11 =	vimm.s32 $0x9;
	v12 =	vimm.s32 $0xA;
	s20 =	simm.s32 $0x400;
	s21 =	simm.s32 $0x480;
	s0 =	sadd.s32 $0x9DE00, s0  }
0x19: {  	v13 =	vimm.s32 $0xB;
	v14 =	vimm.s32 $0xC;
	v15 =	vimm.s32 $0xD;
	s25 =	simm.s32 $0x0;
	s28 =	smax.u32 s8, $0x1;
	[dreg:$0xe] =	wrdreg s0  }
0x1a: {  	v16 =	vimm.s32 $0xE;
	v17 =	vimm.s32 $0xF;
	v4 =	vmul.u32 $0x8, v4;
	s8 =	simm.s32 $0x7D00;
	[dreg:$0xf] =	wrdreg s28;
	s0 =	simm.s32 $0x7F80  }
.LBB2_7:
0x1b: {  	s24 =	stileid.u32;
	[bflag:$0x0] =	sbarrier.arrive $0xFFFF  }
0x1c: {  	s24 =	sshll.u32 s24, $0x6;
	s25 =	rddreg [dreg:$0x6]  }
0x1d: {  	s26 =	rddreg [dreg:$0xe];
	s24 =	sor.u32 $0x1C02, s24;
	s25 =	sshrl.u32 s25, $0x3  }
0x1e: {  	[hbm:s26], [sflag:s24] =	dma.local [spmem:s25], $0x2000  }
0x1f: {  	_ =	swait.ge [sflag:s19], $0x2000  }
0x20: {  	s26 =	rddreg [dreg:$0x10]  }
0x21: {  	s28 =	rddreg [dreg:$0xf];
	s25 =	sadd.s32 $0x1, s26  }
0x22: {  	p0 =	sne.s32 s25, s28  }
.Ltmp1:
0x23: {  	_ = 	snop;
	(pc) =	sbr.rel @!p0 .LBB2_8-.Ltmp1, $3  }
0x24: {  	_ =	sdelay $0x1  }
0x25: {  	[sflag:s19] =	ssyncset.done $0x0  }
0x26: {  	[sflag:s19] =	ssyncadd.s32 $0xFFFFE000  }
.LBB2_1:
0x27: {  	[dreg:$0x10] =	wrdreg s25;
	s24 =	simm.s32 $0x0;
	s25 =	simm.s32 $0x200  }
.LBB2_2:
0x28: {  	p0 =	sne.s32 s25, $0x7E00;
	[tilespmem:s24+$0x8570] =	vst v0  }
0x29: {  	[tilespmem:s24+$0x8500] =	vst v0  }
0x2a: {  	[tilespmem:s24+$0x8510] =	vst v0  }
.Ltmp2:
0x2b: {  	[tilespmem:s24+$0x8520] =	vst v0;
	(pc) =	sbr.rel @p0 .LBB2_2-.Ltmp2, $4  }
0x2c: {  	[tilespmem:s24+$0x8530] =	vst v0  }
0x2d: {  	[tilespmem:s24+$0x8540] =	vst v0  }
0x2e: {  	[tilespmem:s24+$0x8550] =	vst v0  }
0x2f: {  	[tilespmem:s24+$0x8560] =	vst v0;
	s24 =	sshra.s32 s25, $0x2;
	s25 =	sadd.s32 $0x200, s25  }
0x30: {  	[tilespmem:s24+$0x8570] =	vst v0  }
0x31: {  	[tilespmem:s24+$0x8500] =	vst v0  }
0x32: {  	[tilespmem:s24+$0x8510] =	vst v0  }
0x33: {  	[tilespmem:s24+$0x8520] =	vst v0  }
0x34: {  	[tilespmem:s24+$0x8530] =	vst v0  }
0x35: {  	[tilespmem:s24+$0x8540] =	vst v0  }
0x36: {  	[tilespmem:s24+$0x8550] =	vst v0  }
0x37: {  	[tilespmem:s24+$0x8560] =	vst v0;
	s26 =	rddreg [dreg:$0x6];
	s25 =	simm.s32 $0x8500  }
0x38: {  	[spmem:s26] =	stream.linear.scatter [tilespmem:s25], [sflag:$0x2], $0x2000, $0x38;
	[tilespmem:$0x1A500] =	vst v63  }
0x39: {  	_ =	swait.ge [sflag:s19], $0x2000  }
0x3a: {  	[sflag:s19] =	ssyncset.done $0x0  }
0x3b: {  	s28 =	rddreg [dreg:$0x7];
	[sflag:s19] =	ssyncadd.s32 $0xFFFFE000  }
0x3c: {  	[spmem:s28] =	stream.linear.scatter [tilespmem:s25], [sflag:$0x2], $0x2000, $0x38;
	[tilespmem:$0x1A500] =	vst v63  }
0x3d: {  	_ =	swait.ge [sflag:s19], $0x2000  }
0x3e: {  	[sflag:s19] =	ssyncset.done $0x0  }
0x3f: {  	s26 =	rddreg [dreg:$0x8];
	[sflag:s19] =	ssyncadd.s32 $0xFFFFE000  }
0x40: {  	[spmem:s26] =	stream.linear.scatter [tilespmem:s25], [sflag:$0x2], $0x2000, $0x38;
	[tilespmem:$0x1A500] =	vst v63  }
0x41: {  	_ =	swait.ge [sflag:s19], $0x2000  }
0x42: {  	[sflag:s19] =	ssyncset.done $0x0  }
0x43: {  	s28 =	rddreg [dreg:$0x9];
	[sflag:s19] =	ssyncadd.s32 $0xFFFFE000  }
0x44: {  	[spmem:s28] =	stream.linear.scatter [tilespmem:s25], [sflag:$0x2], $0x2000, $0x38;
	[tilespmem:$0x1A500] =	vst v63  }
0x45: {  	_ =	swait.ge [sflag:s19], $0x2000  }
0x46: {  	[sflag:s19] =	ssyncset.done $0x0  }
0x47: {  	s26 =	rddreg [dreg:$0xa];
	[sflag:s19] =	ssyncadd.s32 $0xFFFFE000  }
0x48: {  	[spmem:s26] =	stream.linear.scatter [tilespmem:s25], [sflag:$0x2], $0x2000, $0x38;
	[tilespmem:$0x1A500] =	vst v63  }
0x49: {  	_ =	swait.ge [sflag:s19], $0x2000  }
0x4a: {  	[sflag:s19] =	ssyncset.done $0x0  }
0x4b: {  	s28 =	rddreg [dreg:$0xb];
	[sflag:s19] =	ssyncadd.s32 $0xFFFFE000  }
0x4c: {  	[spmem:s28] =	stream.linear.scatter [tilespmem:s25], [sflag:$0x2], $0x2000, $0x38;
	[tilespmem:$0x1A500] =	vst v63  }
0x4d: {  	_ =	swait.ge [sflag:s19], $0x2000  }
0x4e: {  	[sflag:s19] =	ssyncset.done $0x0  }
0x4f: {  	s26 =	rddreg [dreg:$0xc];
	[sflag:s19] =	ssyncadd.s32 $0xFFFFE000  }
0x50: {  	[spmem:s26] =	stream.linear.scatter [tilespmem:s25], [sflag:$0x2], $0x2000, $0x38;
	[tilespmem:$0x1A500] =	vst v63  }
0x51: {  	_ =	swait.ge [sflag:s19], $0x2000  }
0x52: {  	[sflag:s19] =	ssyncset.done $0x0  }
0x53: {  	s28 =	rddreg [dreg:$0xd];
	[sflag:s19] =	ssyncadd.s32 $0xFFFFE000  }
0x54: {  	[spmem:s28] =	stream.linear.scatter [tilespmem:s25], [sflag:$0x2], $0x2000, $0x38;
	[tilespmem:$0x1A500] =	vst v63  }
.Ltmp3:
0x55: {  	_ =	swait.ge [sflag:s19], $0x2000;
	(pc) =	sbr.rel .LBB2_4-.Ltmp3, $4  }
0x56: {  	[sflag:s19] =	ssyncset.done $0x0  }
0x57: {  	[sflag:s19] =	ssyncadd.s32 $0xFFFFE000  }
0x58: {  	[bflag:$0x0] =	sbarrier.arrive $0xFFFF  }
0x59: {  	s24 =	simm.s32 $0x0;
	s25 =	stileid.u32  }
.LBB2_6:
0x5a: {  	s24 =	sadd.s32 $0x200, s24  }
0x5b: {  	p0 =	sne.s32 s24, $0x5000  }
.Ltmp4:
0x5c: {  	_ = 	snop;
	(pc) =	sbr.rel @!p0 .LBB2_7-.Ltmp4, $2  }
0x5d: {  	_ =	sdelay $0x2  }
0x5e: {  	s25 =	sadd.s32 $0x10, s25  }
.LBB2_4:
0x5f: {  	p0 =	sgt.u32 s25, $0x270  }
.Ltmp5:
0x60: {  	_ = 	snop;
	(pc) =	sbr.rel @p0 .LBB2_6-.Ltmp5, $1  }
0x61: {  	_ =	sdelay $0x3  }
0x62: {  	s26 =	sadd.s32 s24, s17  }
0x63: {  	[tilespmem:s2], [sflag:$0x1] =	stream.linear.gather [hbm4b:s26+s2], $0x100, $0x38;
	[tilespmem:$0x1A500] =	vst v63  }
0x64: {  	s28 =	simm.s32 $0x100;
	s26 =	sadd.s32 s24, s16  }
0x65: {  	[tilespmem:s28], [sflag:$0x1] =	stream.linear.gather [hbm4b:s26+s2], $0x100, $0x38;
	[tilespmem:$0x1A500] =	vst v63  }
0x66: {  	s26 =	sadd.s32 s24, s15;
	s28 =	simm.s32 $0x200  }
0x67: {  	[tilespmem:s28], [sflag:$0x1] =	stream.linear.gather [hbm4b:s26+s2], $0x100, $0x38;
	[tilespmem:$0x1A500] =	vst v63  }
0x68: {  	_ =	swait.ge [sflag:s22], $0x100  }
0x69: {  	[sflag:s22] =	ssyncset.done $0x0  }
0x6a: {  	[sflag:s22] =	ssyncadd.s32 $0xFFFFFF00  }
0x6b: {  	_ =	swait.ge [sflag:s22], $0x100  }
0x6c: {  	[sflag:s22] =	ssyncset.done $0x0  }
0x6d: {  	[sflag:s22] =	ssyncadd.s32 $0xFFFFFF00  }
0x6e: {  	_ =	swait.ge [sflag:s22], $0x100  }
0x6f: {  	[sflag:s22] =	ssyncset.done $0x0  }
0x70: {  	[sflag:s22] =	ssyncadd.s32 $0xFFFFFF00  }
0x71: {  	v18 =	vld [tilespmem:$0x200]  }
0x72: {  	v19 =	vld [tilespmem:$0x100]  }
0x73: {  	v20 =	vld [tilespmem:$0x280]  }
0x74: {  	v21 =	vld [tilespmem:$0x180]  }
0x75: {  	v22 =	vld [tilespmem:$0x0]  }
0x76: {  	v23 =	vld [tilespmem:$0x80]  }
0x77: {  	v24 =	vld [tilespmem:$0x210]  }
0x78: {  	v25 =	vld [tilespmem:$0x110]  }
0x79: {  	v26 =	vld [tilespmem:$0x290]  }
0x7a: {  	v27 =	vld [tilespmem:$0x190]  }
0x7b: {  	v28 =	vld [tilespmem:$0x10]  }
0x7c: {  	v29 =	vld [tilespmem:$0x90]  }
0x7d: {  	v30 =	vld [tilespmem:$0x220]  }
0x7e: {  	v31 =	vld [tilespmem:$0x120]  }
0x7f: {  	v32 =	vld [tilespmem:$0x2A0]  }
0x80: {  	v33 =	vld [tilespmem:$0x1A0]  }
0x81: {  	v34 =	vld [tilespmem:$0x20]  }
0x82: {  	v35 =	vld [tilespmem:$0xA0]  }
0x83: {  	v36 =	vld [tilespmem:$0x230]  }
0x84: {  	v37 =	vld [tilespmem:$0x130]  }
0x85: {  	v38 =	vld [tilespmem:$0x2B0];
	v18 =	vmul.u32 $0x7D0, v18  }
0x86: {  	v39 =	vld [tilespmem:$0x1B0];
	v20 =	vmul.u32 $0x7D0, v20  }
0x87: {  	v60 =	vld [tilespmem:$0xB0];
	v18 =	vadd.s32 v19, v18  }
0x88: {  	v61 =	vld [tilespmem:$0x240];
	[tilespmem:$0x300] =	vst v18;
	v18 =	vadd.s32 v21, v20  }
0x89: {  	v63 =	vld [tilespmem:$0x140];
	[tilespmem:$0x380] =	vst v18;
	v18 =	vmul.u32 $0x7D0, v24  }
0x8a: {  	v40 =	vld [tilespmem:$0x2C0];
	[tilespmem:$0x400] =	vst v22;
	v62 =	vmul.u32 $0x7D0, v26  }
0x8b: {  	v41 =	vld [tilespmem:$0x1C0];
	[tilespmem:$0x480] =	vst v23;
	v18 =	vadd.s32 v25, v18  }
0x8c: {  	v42 =	vld [tilespmem:$0x40];
	[tilespmem:$0x310] =	vst v18;
	v18 =	vadd.s32 v27, v62  }
0x8d: {  	v44 =	vld [tilespmem:$0xC0];
	[tilespmem:$0x390] =	vst v18;
	v18 =	vmul.u32 $0x7D0, v30  }
0x8e: {  	v45 =	vld [tilespmem:$0x250];
	[tilespmem:$0x410] =	vst v28;
	v43 =	vmul.u32 $0x7D0, v32  }
0x8f: {  	v46 =	vld [tilespmem:$0x150];
	[tilespmem:$0x490] =	vst v29;
	v18 =	vadd.s32 v31, v18  }
0x90: {  	v47 =	vld [tilespmem:$0x2D0];
	[tilespmem:$0x320] =	vst v18;
	v18 =	vadd.s32 v33, v43  }
0x91: {  	v19 =	vld [tilespmem:$0x30];
	[tilespmem:$0x3A0] =	vst v18;
	v18 =	vmul.u32 $0x7D0, v36  }
0x92: {  	v49 =	vld [tilespmem:$0x1D0];
	[tilespmem:$0x420] =	vst v34;
	v48 =	vmul.u32 $0x7D0, v38  }
0x93: {  	v50 =	vld [tilespmem:$0x50];
	[tilespmem:$0x4A0] =	vst v35;
	v18 =	vadd.s32 v37, v18  }
0x94: {  	v51 =	vld [tilespmem:$0xD0];
	[tilespmem:$0x330] =	vst v18;
	v18 =	vadd.s32 v39, v48  }
0x95: {  	v52 =	vld [tilespmem:$0x260];
	[tilespmem:$0x3B0] =	vst v18;
	v18 =	vmul.u32 $0x7D0, v61  }
0x96: {  	v53 =	vld [tilespmem:$0x160];
	[tilespmem:$0x430] =	vst v19;
	v19 =	vmul.u32 $0x7D0, v40  }
0x97: {  	v54 =	vld [tilespmem:$0x2E0];
	[tilespmem:$0x4B0] =	vst v60;
	v18 =	vadd.s32 v63, v18  }
0x98: {  	v57 =	vld [tilespmem:$0x60];
	[tilespmem:$0x340] =	vst v18;
	v18 =	vadd.s32 v41, v19  }
0x99: {  	v55 =	vld [tilespmem:$0x300];
	[tilespmem:$0x3C0] =	vst v18;
	v18 =	vmul.u32 $0x7D0, v45  }
0x9a: {  	v58 =	vld [tilespmem:$0xE0];
	[tilespmem:$0x440] =	vst v42;
	v56 =	vmul.u32 $0x7D0, v47  }
0x9b: {  	[tilespmem:$0x4C0] =	vst v44;
	v19 =	vld [tilespmem:$0x1E0];
	v18 =	vadd.s32 v46, v18  }
0x9c: {  	v59 =	vld [tilespmem:$0x270];
	[tilespmem:$0x350] =	vst v18;
	v18 =	vadd.s32 v49, v56  }
0x9d: {  	v60 =	vld [tilespmem:$0x2F0];
	[tilespmem:$0x3D0] =	vst v18;
	v18 =	vmul.u32 $0x7D0, v52  }
0x9e: {  	[tilespmem:$0x450] =	vst v50;
	v20 =	vmul.u32 $0x7D0, v54;
	v62 =	vshll.u32 v55, $0x1;
	v61 =	vld [tilespmem:$0x170]  }
0x9f: {  	[tilespmem:$0x4D0] =	vst v51;
	v22 =	vand.u32 $0x7, v55;
	v28 =	vand.u32 $0xFFFFFFF0, v62;
	v63 =	vld [tilespmem:$0x1F0];
	v18 =	vadd.s32 v53, v18  }
0xa0: {  	[tilespmem:$0x360] =	vst v18;
	v18 =	vadd.s32 v19, v20;
	v19 =	vor.u32 v22, v28  }
0xa1: {  	v30 =	vld [tilespmem:$0x70];
	[tilespmem:$0x3E0] =	vst v18;
	v18 =	vmul.u32 $0x7D0, v59;
	v22 =	vperm.xlane v19, v3  }
0xa2: {  	[tilespmem:$0x460] =	vst v57;
	v21 =	vmul.u32 $0x7D0, v60;
	v31 =	vld [tilespmem:$0xF0]  }
0xa3: {  	[tilespmem:$0x4E0] =	vst v58;
	v32 =	vperm.xlane v19, v2;
	v18 =	vadd.s32 v61, v18;
	v22 =	vadd.s32 v4, v22  }
0xa4: {  	[tilespmem:$0x370] =	vst v18;
	v18 =	vadd.s32 v63, v21  }
0xa5: {  	v33 =	vperm.xlane v19, v5;
	[tilespmem:$0x3F0] =	vst v18;
	v18 =	vadd.s32 v4, v32  }
0xa6: {  	[tilespmem:$0x470] =	vst v30  }
0xa7: {  	[tilespmem:$0x4F0] =	vst v31;
	v35 =	vperm.xlane v19, v6;
	v34 =	vadd.s32 v4, v33  }
0xa8: {  	[tilespmem:s23], [sflag:$0x1] =	stream.indirect_vreg.gather [hbm4b:s12+s2], $0x80, v22, vm0, $0xb8;
	[tilespmem:$0x1A500] =	vst v63  }
0xa9: {  	s28 =	simm.s32 $0x580;
	v36 =	vperm.xlane v19, v7;
	v21 =	vadd.s32 v4, v35  }
0xaa: {  	[tilespmem:s28], [sflag:$0x1] =	stream.indirect_vreg.gather [hbm4b:s12+s2], $0x80, v18, vm0, $0xb8;
	[tilespmem:$0x1A500] =	vst v63  }
0xab: {  	v37 =	vperm.xlane v19, v8;
	v18 =	vadd.s32 v4, v36;
	s28 =	simm.s32 $0x600  }
0xac: {  	[tilespmem:s28], [sflag:$0x1] =	stream.indirect_vreg.gather [hbm4b:s12+s2], $0x80, v34, vm0, $0xb8;
	[tilespmem:$0x1A500] =	vst v63  }
0xad: {  	v39 =	vperm.xlane v19, v9;
	v38 =	vadd.s32 v4, v37;
	s28 =	simm.s32 $0x680  }
0xae: {  	[tilespmem:s28], [sflag:$0x1] =	stream.indirect_vreg.gather [hbm4b:s12+s2], $0x80, v21, vm0, $0xb8;
	[tilespmem:$0x1A500] =	vst v63  }
0xaf: {  	v41 =	vperm.xlane v19, v1;
	v40 =	vadd.s32 v4, v39;
	s28 =	simm.s32 $0x700  }
0xb0: {  	[tilespmem:s28], [sflag:$0x1] =	stream.indirect_vreg.gather [hbm4b:s12+s2], $0x80, v18, vm0, $0xb8;
	[tilespmem:$0x1A500] =	vst v63  }
0xb1: {  	v42 =	vperm.xlane v19, v10;
	v18 =	vadd.s32 v4, v41;
	s28 =	simm.s32 $0x780  }
0xb2: {  	[tilespmem:s28], [sflag:$0x1] =	stream.indirect_vreg.gather [hbm4b:s12+s2], $0x80, v38, vm0, $0xb8;
	[tilespmem:$0x1A500] =	vst v63  }
0xb3: {  	v44 =	vperm.xlane v19, v11;
	v43 =	vadd.s32 v4, v42;
	s28 =	simm.s32 $0x800  }
0xb4: {  	[tilespmem:s28], [sflag:$0x1] =	stream.indirect_vreg.gather [hbm4b:s12+s2], $0x80, v40, vm0, $0xb8;
	[tilespmem:$0x1A500] =	vst v63  }
0xb5: {  	v46 =	vperm.xlane v19, v12;
	v45 =	vadd.s32 v4, v44;
	s28 =	simm.s32 $0x880  }
0xb6: {  	[tilespmem:s28], [sflag:$0x1] =	stream.indirect_vreg.gather [hbm4b:s12+s2], $0x80, v18, vm0, $0xb8;
	[tilespmem:$0x1A500] =	vst v63  }
0xb7: {  	v47 =	vperm.xlane v19, v13;
	v18 =	vadd.s32 v4, v46;
	s28 =	simm.s32 $0x900  }
0xb8: {  	[tilespmem:s28], [sflag:$0x1] =	stream.indirect_vreg.gather [hbm4b:s12+s2], $0x80, v43, vm0, $0xb8;
	[tilespmem:$0x1A500] =	vst v63  }
0xb9: {  	v49 =	vperm.xlane v19, v14;
	v48 =	vadd.s32 v4, v47;
	s28 =	simm.s32 $0x980  }
0xba: {  	[tilespmem:s28], [sflag:$0x1] =	stream.indirect_vreg.gather [hbm4b:s12+s2], $0x80, v45, vm0, $0xb8;
	[tilespmem:$0x1A500] =	vst v63  }
0xbb: {  	v51 =	vperm.xlane v19, v15;
	v50 =	vadd.s32 v4, v49;
	s28 =	simm.s32 $0xA00  }
0xbc: {  	[tilespmem:s28], [sflag:$0x1] =	stream.indirect_vreg.gather [hbm4b:s12+s2], $0x80, v18, vm0, $0xb8;
	[tilespmem:$0x1A500] =	vst v63  }
0xbd: {  	v52 =	vperm.xlane v19, v16;
	v18 =	vadd.s32 v4, v51;
	s28 =	simm.s32 $0xA80  }
0xbe: {  	[tilespmem:s28], [sflag:$0x1] =	stream.indirect_vreg.gather [hbm4b:s12+s2], $0x80, v48, vm0, $0xb8;
	[tilespmem:$0x1A500] =	vst v63  }
0xbf: {  	v19 =	vperm.xlane v19, v17;
	v53 =	vadd.s32 v4, v52;
	s28 =	simm.s32 $0xB00  }
0xc0: {  	[tilespmem:s28], [sflag:$0x1] =	stream.indirect_vreg.gather [hbm4b:s12+s2], $0x80, v50, vm0, $0xb8;
	[tilespmem:$0x1A500] =	vst v63  }
0xc1: {  	v19 =	vadd.s32 v4, v19;
	s28 =	simm.s32 $0xB80  }
0xc2: {  	[tilespmem:s28], [sflag:$0x1] =	stream.indirect_vreg.gather [hbm4b:s12+s2], $0x80, v18, vm0, $0xb8;
	[tilespmem:$0x1A500] =	vst v63  }
0xc3: {  	s28 =	simm.s32 $0xC00  }
0xc4: {  	[tilespmem:s28], [sflag:$0x1] =	stream.indirect_vreg.gather [hbm4b:s12+s2], $0x80, v53, vm0, $0xb8;
	[tilespmem:$0x1A500] =	vst v63  }
0xc5: {  	s28 =	simm.s32 $0xC80  }
0xc6: {  	[tilespmem:s28], [sflag:$0x1] =	stream.indirect_vreg.gather [hbm4b:s12+s2], $0x80, v19, vm0, $0xb8;
	[tilespmem:$0x1A500] =	vst v63  }
0xc7: {  	v18 =	vld [tilespmem:$0x310];
	_ =	sdelay $0x4  }
0xc8: {  	v19 =	vshll.u32 v18, $0x1  }
0xc9: {  	v18 =	vand.u32 $0x7, v18;
	v19 =	vand.u32 $0xFFFFFFF0, v19  }
0xca: {  	v18 =	vor.u32 v18, v19  }
0xcb: {  	v19 =	vperm.xlane v18, v3;
	_ =	sdelay $0x1  }
0xcc: {  	v54 =	vperm.xlane v18, v2;
	v19 =	vadd.s32 v4, v19;
	_ =	sdelay $0x1  }
0xcd: {  	v55 =	vperm.xlane v18, v5;
	v20 =	vadd.s32 v4, v54;
	_ =	sdelay $0x1  }
0xce: {  	s28 =	simm.s32 $0xD00;
	v56 =	vperm.xlane v18, v6;
	v21 =	vadd.s32 v4, v55  }
0xcf: {  	[tilespmem:s28], [sflag:$0x1] =	stream.indirect_vreg.gather [hbm4b:s12+s2], $0x80, v19, vm0, $0xb8;
	[tilespmem:$0x1A500] =	vst v63  }
0xd0: {  	v57 =	vperm.xlane v18, v7;
	v19 =	vadd.s32 v4, v56;
	s28 =	simm.s32 $0xD80  }
0xd1: {  	[tilespmem:s28], [sflag:$0x1] =	stream.indirect_vreg.gather [hbm4b:s12+s2], $0x80, v20, vm0, $0xb8;
	[tilespmem:$0x1A500] =	vst v63  }
0xd2: {  	v59 =	vperm.xlane v18, v8;
	v58 =	vadd.s32 v4, v57;
	s28 =	simm.s32 $0xE00  }
0xd3: {  	[tilespmem:s28], [sflag:$0x1] =	stream.indirect_vreg.gather [hbm4b:s12+s2], $0x80, v21, vm0, $0xb8;
	[tilespmem:$0x1A500] =	vst v63  }
0xd4: {  	v61 =	vperm.xlane v18, v9;
	v60 =	vadd.s32 v4, v59;
	s28 =	simm.s32 $0xE80  }
0xd5: {  	[tilespmem:s28], [sflag:$0x1] =	stream.indirect_vreg.gather [hbm4b:s12+s2], $0x80, v19, vm0, $0xb8;
	[tilespmem:$0x1A500] =	vst v63  }
0xd6: {  	v62 =	vperm.xlane v18, v1;
	v19 =	vadd.s32 v4, v61;
	s28 =	simm.s32 $0xF00  }
0xd7: {  	[tilespmem:s28], [sflag:$0x1] =	stream.indirect_vreg.gather [hbm4b:s12+s2], $0x80, v58, vm0, $0xb8;
	[tilespmem:$0x1A500] =	vst v63  }
0xd8: {  	v24 =	vperm.xlane v18, v10;
	v63 =	vadd.s32 v4, v62;
	s28 =	simm.s32 $0xF80  }
0xd9: {  	[tilespmem:s28], [sflag:$0x1] =	stream.indirect_vreg.gather [hbm4b:s12+s2], $0x80, v60, vm0, $0xb8;
	[tilespmem:$0x1A500] =	vst v63  }
0xda: {  	v26 =	vperm.xlane v18, v11;
	v25 =	vadd.s32 v4, v24;
	s28 =	simm.s32 $0x1000  }
0xdb: {  	[tilespmem:s28], [sflag:$0x1] =	stream.indirect_vreg.gather [hbm4b:s12+s2], $0x80, v19, vm0, $0xb8;
	[tilespmem:$0x1A500] =	vst v63  }
0xdc: {  	v27 =	vperm.xlane v18, v12;
	v19 =	vadd.s32 v4, v26;
	s28 =	simm.s32 $0x1080  }
0xdd: {  	[tilespmem:s28], [sflag:$0x1] =	stream.indirect_vreg.gather [hbm4b:s12+s2], $0x80, v63, vm0, $0xb8;
	[tilespmem:$0x1A500] =	vst v63  }
0xde: {  	v29 =	vperm.xlane v18, v13;
	v28 =	vadd.s32 v4, v27;
	s28 =	simm.s32 $0x1100  }
0xdf: {  	[tilespmem:s28], [sflag:$0x1] =	stream.indirect_vreg.gather [hbm4b:s12+s2], $0x80, v25, vm0, $0xb8;
	[tilespmem:$0x1A500] =	vst v63  }
0xe0: {  	v31 =	vperm.xlane v18, v14;
	v30 =	vadd.s32 v4, v29;
	s28 =	simm.s32 $0x1180  }
0xe1: {  	[tilespmem:s28], [sflag:$0x1] =	stream.indirect_vreg.gather [hbm4b:s12+s2], $0x80, v19, vm0, $0xb8;
	[tilespmem:$0x1A500] =	vst v63  }
0xe2: {  	v32 =	vperm.xlane v18, v15;
	v19 =	vadd.s32 v4, v31;
	s28 =	simm.s32 $0x1200  }
0xe3: {  	[tilespmem:s28], [sflag:$0x1] =	stream.indirect_vreg.gather [hbm4b:s12+s2], $0x80, v28, vm0, $0xb8;
	[tilespmem:$0x1A500] =	vst v63  }
0xe4: {  	v34 =	vperm.xlane v18, v16;
	v33 =	vadd.s32 v4, v32;
	s28 =	simm.s32 $0x1280  }
0xe5: {  	[tilespmem:s28], [sflag:$0x1] =	stream.indirect_vreg.gather [hbm4b:s12+s2], $0x80, v30, vm0, $0xb8;
	[tilespmem:$0x1A500] =	vst v63  }
0xe6: {  	v18 =	vperm.xlane v18, v17;
	v35 =	vadd.s32 v4, v34;
	s28 =	simm.s32 $0x1300  }
0xe7: {  	[tilespmem:s28], [sflag:$0x1] =	stream.indirect_vreg.gather [hbm4b:s12+s2], $0x80, v19, vm0, $0xb8;
	[tilespmem:$0x1A500] =	vst v63  }
0xe8: {  	v18 =	vadd.s32 v4, v18;
	s28 =	simm.s32 $0x1380  }
0xe9: {  	[tilespmem:s28], [sflag:$0x1] =	stream.indirect_vreg.gather [hbm4b:s12+s2], $0x80, v33, vm0, $0xb8;
	[tilespmem:$0x1A500] =	vst v63  }
0xea: {  	s28 =	simm.s32 $0x1400  }
0xeb: {  	[tilespmem:s28], [sflag:$0x1] =	stream.indirect_vreg.gather [hbm4b:s12+s2], $0x80, v35, vm0, $0xb8;
	[tilespmem:$0x1A500] =	vst v63  }
0xec: {  	s28 =	simm.s32 $0x1480  }
0xed: {  	[tilespmem:s28], [sflag:$0x1] =	stream.indirect_vreg.gather [hbm4b:s12+s2], $0x80, v18, vm0, $0xb8;
	[tilespmem:$0x1A500] =	vst v63  }
0xee: {  	v18 =	vld [tilespmem:$0x320];
	_ =	sdelay $0x4  }
0xef: {  	v19 =	vshll.u32 v18, $0x1  }
0xf0: {  	v18 =	vand.u32 $0x7, v18;
	v19 =	vand.u32 $0xFFFFFFF0, v19  }
0xf1: {  	v18 =	vor.u32 v18, v19  }
0xf2: {  	v19 =	vperm.xlane v18, v3;
	_ =	sdelay $0x1  }
0xf3: {  	v36 =	vperm.xlane v18, v2;
	v19 =	vadd.s32 v4, v19;
	_ =	sdelay $0x1  }
0xf4: {  	v37 =	vperm.xlane v18, v5;
	v20 =	vadd.s32 v4, v36;
	_ =	sdelay $0x1  }
0xf5: {  	s28 =	simm.s32 $0x1500;
	v38 =	vperm.xlane v18, v6;
	v21 =	vadd.s32 v4, v37  }
0xf6: {  	[tilespmem:s28], [sflag:$0x1] =	stream.indirect_vreg.gather [hbm4b:s12+s2], $0x80, v19, vm0, $0xb8;
	[tilespmem:$0x1A500] =	vst v63  }
0xf7: {  	v39 =	vperm.xlane v18, v7;
	v19 =	vadd.s32 v4, v38;
	s28 =	simm.s32 $0x1580  }
0xf8: {  	[tilespmem:s28], [sflag:$0x1] =	stream.indirect_vreg.gather [hbm4b:s12+s2], $0x80, v20, vm0, $0xb8;
	[tilespmem:$0x1A500] =	vst v63  }
0xf9: {  	v41 =	vperm.xlane v18, v8;
	v40 =	vadd.s32 v4, v39;
	s28 =	simm.s32 $0x1600  }
0xfa: {  	[tilespmem:s28], [sflag:$0x1] =	stream.indirect_vreg.gather [hbm4b:s12+s2], $0x80, v21, vm0, $0xb8;
	[tilespmem:$0x1A500] =	vst v63  }
0xfb: {  	v43 =	vperm.xlane v18, v9;
	v42 =	vadd.s32 v4, v41;
	s28 =	simm.s32 $0x1680  }
0xfc: {  	[tilespmem:s28], [sflag:$0x1] =	stream.indirect_vreg.gather [hbm4b:s12+s2], $0x80, v19, vm0, $0xb8;
	[tilespmem:$0x1A500] =	vst v63  }
0xfd: {  	v44 =	vperm.xlane v18, v1;
	v19 =	vadd.s32 v4, v43;
	s28 =	simm.s32 $0x1700  }
0xfe: {  	[tilespmem:s28], [sflag:$0x1] =	stream.indirect_vreg.gather [hbm4b:s12+s2], $0x80, v40, vm0, $0xb8;
	[tilespmem:$0x1A500] =	vst v63  }
0xff: {  	v46 =	vperm.xlane v18, v10;
	v45 =	vadd.s32 v4, v44;
	s28 =	simm.s32 $0x1780  }
0x100: {  	[tilespmem:s28], [sflag:$0x1] =	stream.indirect_vreg.gather [hbm4b:s12+s2], $0x80, v42, vm0, $0xb8;
	[tilespmem:$0x1A500] =	vst v63  }
0x101: {  	v48 =	vperm.xlane v18, v11;
	v47 =	vadd.s32 v4, v46;
	s28 =	simm.s32 $0x1800  }
0x102: {  	[tilespmem:s28], [sflag:$0x1] =	stream.indirect_vreg.gather [hbm4b:s12+s2], $0x80, v19, vm0, $0xb8;
	[tilespmem:$0x1A500] =	vst v63  }
0x103: {  	v49 =	vperm.xlane v18, v12;
	v19 =	vadd.s32 v4, v48;
	s28 =	simm.s32 $0x1880  }
0x104: {  	[tilespmem:s28], [sflag:$0x1] =	stream.indirect_vreg.gather [hbm4b:s12+s2], $0x80, v45, vm0, $0xb8;
	[tilespmem:$0x1A500] =	vst v63  }
0x105: {  	v51 =	vperm.xlane v18, v13;
	v50 =	vadd.s32 v4, v49;
	s28 =	simm.s32 $0x1900  }
0x106: {  	[tilespmem:s28], [sflag:$0x1] =	stream.indirect_vreg.gather [hbm4b:s12+s2], $0x80, v47, vm0, $0xb8;
	[tilespmem:$0x1A500] =	vst v63  }
0x107: {  	v53 =	vperm.xlane v18, v14;
	v52 =	vadd.s32 v4, v51;
	s28 =	simm.s32 $0x1980  }
0x108: {  	[tilespmem:s28], [sflag:$0x1] =	stream.indirect_vreg.gather [hbm4b:s12+s2], $0x80, v19, vm0, $0xb8;
	[tilespmem:$0x1A500] =	vst v63  }
0x109: {  	v54 =	vperm.xlane v18, v15;
	v19 =	vadd.s32 v4, v53;
	s28 =	simm.s32 $0x1A00  }
0x10a: {  	[tilespmem:s28], [sflag:$0x1] =	stream.indirect_vreg.gather [hbm4b:s12+s2], $0x80, v50, vm0, $0xb8;
	[tilespmem:$0x1A500] =	vst v63  }
0x10b: {  	v56 =	vperm.xlane v18, v16;
	v55 =	vadd.s32 v4, v54;
	s28 =	simm.s32 $0x1A80  }
0x10c: {  	[tilespmem:s28], [sflag:$0x1] =	stream.indirect_vreg.gather [hbm4b:s12+s2], $0x80, v52, vm0, $0xb8;
	[tilespmem:$0x1A500] =	vst v63  }
0x10d: {  	v18 =	vperm.xlane v18, v17;
	v57 =	vadd.s32 v4, v56;
	s28 =	simm.s32 $0x1B00  }
0x10e: {  	[tilespmem:s28], [sflag:$0x1] =	stream.indirect_vreg.gather [hbm4b:s12+s2], $0x80, v19, vm0, $0xb8;
	[tilespmem:$0x1A500] =	vst v63  }
0x10f: {  	v18 =	vadd.s32 v4, v18;
	s28 =	simm.s32 $0x1B80  }
0x110: {  	[tilespmem:s28], [sflag:$0x1] =	stream.indirect_vreg.gather [hbm4b:s12+s2], $0x80, v55, vm0, $0xb8;
	[tilespmem:$0x1A500] =	vst v63  }
0x111: {  	s28 =	simm.s32 $0x1C00  }
0x112: {  	[tilespmem:s28], [sflag:$0x1] =	stream.indirect_vreg.gather [hbm4b:s12+s2], $0x80, v57, vm0, $0xb8;
	[tilespmem:$0x1A500] =	vst v63  }
0x113: {  	s28 =	simm.s32 $0x1C80  }
0x114: {  	[tilespmem:s28], [sflag:$0x1] =	stream.indirect_vreg.gather [hbm4b:s12+s2], $0x80, v18, vm0, $0xb8;
	[tilespmem:$0x1A500] =	vst v63  }
0x115: {  	v18 =	vld [tilespmem:$0x330];
	_ =	sdelay $0x4  }
0x116: {  	v19 =	vshll.u32 v18, $0x1  }
0x117: {  	v18 =	vand.u32 $0x7, v18;
	v19 =	vand.u32 $0xFFFFFFF0, v19  }
0x118: {  	v18 =	vor.u32 v18, v19  }
0x119: {  	v19 =	vperm.xlane v18, v3;
	_ =	sdelay $0x1  }
0x11a: {  	v58 =	vperm.xlane v18, v2;
	v19 =	vadd.s32 v4, v19;
	_ =	sdelay $0x1  }
0x11b: {  	v59 =	vperm.xlane v18, v5;
	v20 =	vadd.s32 v4, v58;
	_ =	sdelay $0x1  }
0x11c: {  	s28 =	simm.s32 $0x1D00;
	v60 =	vperm.xlane v18, v6;
	v21 =	vadd.s32 v4, v59  }
0x11d: {  	[tilespmem:s28], [sflag:$0x1] =	stream.indirect_vreg.gather [hbm4b:s12+s2], $0x80, v19, vm0, $0xb8;
	[tilespmem:$0x1A500] =	vst v63  }
0x11e: {  	v61 =	vperm.xlane v18, v7;
	v19 =	vadd.s32 v4, v60;
	s28 =	simm.s32 $0x1D80  }
0x11f: {  	[tilespmem:s28], [sflag:$0x1] =	stream.indirect_vreg.gather [hbm4b:s12+s2], $0x80, v20, vm0, $0xb8;
	[tilespmem:$0x1A500] =	vst v63  }
0x120: {  	v63 =	vperm.xlane v18, v8;
	v62 =	vadd.s32 v4, v61;
	s28 =	simm.s32 $0x1E00  }
0x121: {  	[tilespmem:s28], [sflag:$0x1] =	stream.indirect_vreg.gather [hbm4b:s12+s2], $0x80, v21, vm0, $0xb8;
	[tilespmem:$0x1A500] =	vst v63  }
0x122: {  	v25 =	vperm.xlane v18, v9;
	v24 =	vadd.s32 v4, v63;
	s28 =	simm.s32 $0x1E80  }
0x123: {  	[tilespmem:s28], [sflag:$0x1] =	stream.indirect_vreg.gather [hbm4b:s12+s2], $0x80, v19, vm0, $0xb8;
	[tilespmem:$0x1A500] =	vst v63  }
0x124: {  	v26 =	vperm.xlane v18, v1;
	v19 =	vadd.s32 v4, v25;
	s28 =	simm.s32 $0x1F00  }
0x125: {  	[tilespmem:s28], [sflag:$0x1] =	stream.indirect_vreg.gather [hbm4b:s12+s2], $0x80, v62, vm0, $0xb8;
	[tilespmem:$0x1A500] =	vst v63  }
0x126: {  	v28 =	vperm.xlane v18, v10;
	v27 =	vadd.s32 v4, v26;
	s28 =	simm.s32 $0x1F80  }
0x127: {  	[tilespmem:s28], [sflag:$0x1] =	stream.indirect_vreg.gather [hbm4b:s12+s2], $0x80, v24, vm0, $0xb8;
	[tilespmem:$0x1A500] =	vst v63  }
0x128: {  	v30 =	vperm.xlane v18, v11;
	v29 =	vadd.s32 v4, v28;
	s28 =	simm.s32 $0x2000  }
0x129: {  	[tilespmem:s28], [sflag:$0x1] =	stream.indirect_vreg.gather [hbm4b:s12+s2], $0x80, v19, vm0, $0xb8;
	[tilespmem:$0x1A500] =	vst v63  }
0x12a: {  	v31 =	vperm.xlane v18, v12;
	v19 =	vadd.s32 v4, v30;
	s28 =	simm.s32 $0x2080  }
0x12b: {  	[tilespmem:s28], [sflag:$0x1] =	stream.indirect_vreg.gather [hbm4b:s12+s2], $0x80, v27, vm0, $0xb8;
	[tilespmem:$0x1A500] =	vst v63  }
0x12c: {  	v33 =	vperm.xlane v18, v13;
	v32 =	vadd.s32 v4, v31;
	s28 =	simm.s32 $0x2100  }
0x12d: {  	[tilespmem:s28], [sflag:$0x1] =	stream.indirect_vreg.gather [hbm4b:s12+s2], $0x80, v29, vm0, $0xb8;
	[tilespmem:$0x1A500] =	vst v63  }
0x12e: {  	v35 =	vperm.xlane v18, v14;
	v34 =	vadd.s32 v4, v33;
	s28 =	simm.s32 $0x2180  }
0x12f: {  	[tilespmem:s28], [sflag:$0x1] =	stream.indirect_vreg.gather [hbm4b:s12+s2], $0x80, v19, vm0, $0xb8;
	[tilespmem:$0x1A500] =	vst v63  }
0x130: {  	v36 =	vperm.xlane v18, v15;
	v19 =	vadd.s32 v4, v35;
	s28 =	simm.s32 $0x2200  }
0x131: {  	[tilespmem:s28], [sflag:$0x1] =	stream.indirect_vreg.gather [hbm4b:s12+s2], $0x80, v32, vm0, $0xb8;
	[tilespmem:$0x1A500] =	vst v63  }
0x132: {  	v38 =	vperm.xlane v18, v16;
	v37 =	vadd.s32 v4, v36;
	s28 =	simm.s32 $0x2280  }
0x133: {  	[tilespmem:s28], [sflag:$0x1] =	stream.indirect_vreg.gather [hbm4b:s12+s2], $0x80, v34, vm0, $0xb8;
	[tilespmem:$0x1A500] =	vst v63  }
0x134: {  	v18 =	vperm.xlane v18, v17;
	v39 =	vadd.s32 v4, v38;
	s28 =	simm.s32 $0x2300  }
0x135: {  	[tilespmem:s28], [sflag:$0x1] =	stream.indirect_vreg.gather [hbm4b:s12+s2], $0x80, v19, vm0, $0xb8;
	[tilespmem:$0x1A500] =	vst v63  }
0x136: {  	v18 =	vadd.s32 v4, v18;
	s28 =	simm.s32 $0x2380  }
0x137: {  	[tilespmem:s28], [sflag:$0x1] =	stream.indirect_vreg.gather [hbm4b:s12+s2], $0x80, v37, vm0, $0xb8;
	[tilespmem:$0x1A500] =	vst v63  }
0x138: {  	s28 =	simm.s32 $0x2400  }
0x139: {  	[tilespmem:s28], [sflag:$0x1] =	stream.indirect_vreg.gather [hbm4b:s12+s2], $0x80, v39, vm0, $0xb8;
	[tilespmem:$0x1A500] =	vst v63  }
0x13a: {  	s28 =	simm.s32 $0x2480  }
0x13b: {  	[tilespmem:s28], [sflag:$0x1] =	stream.indirect_vreg.gather [hbm4b:s12+s2], $0x80, v18, vm0, $0xb8;
	[tilespmem:$0x1A500] =	vst v63  }
0x13c: {  	v18 =	vld [tilespmem:$0x340];
	_ =	sdelay $0x4  }
0x13d: {  	v19 =	vshll.u32 v18, $0x1  }
0x13e: {  	v18 =	vand.u32 $0x7, v18;
	v19 =	vand.u32 $0xFFFFFFF0, v19  }
0x13f: {  	v18 =	vor.u32 v18, v19  }
0x140: {  	v19 =	vperm.xlane v18, v3;
	_ =	sdelay $0x1  }
0x141: {  	v40 =	vperm.xlane v18, v2;
	v19 =	vadd.s32 v4, v19;
	_ =	sdelay $0x1  }
0x142: {  	v41 =	vperm.xlane v18, v5;
	v20 =	vadd.s32 v4, v40;
	_ =	sdelay $0x1  }
0x143: {  	s28 =	simm.s32 $0x2500;
	v42 =	vperm.xlane v18, v6;
	v21 =	vadd.s32 v4, v41  }
0x144: {  	[tilespmem:s28], [sflag:$0x1] =	stream.indirect_vreg.gather [hbm4b:s12+s2], $0x80, v19, vm0, $0xb8;
	[tilespmem:$0x1A500] =	vst v63  }
0x145: {  	v43 =	vperm.xlane v18, v7;
	v19 =	vadd.s32 v4, v42;
	s28 =	simm.s32 $0x2580  }
0x146: {  	[tilespmem:s28], [sflag:$0x1] =	stream.indirect_vreg.gather [hbm4b:s12+s2], $0x80, v20, vm0, $0xb8;
	[tilespmem:$0x1A500] =	vst v63  }
0x147: {  	v45 =	vperm.xlane v18, v8;
	v44 =	vadd.s32 v4, v43;
	s28 =	simm.s32 $0x2600  }
0x148: {  	[tilespmem:s28], [sflag:$0x1] =	stream.indirect_vreg.gather [hbm4b:s12+s2], $0x80, v21, vm0, $0xb8;
	[tilespmem:$0x1A500] =	vst v63  }
0x149: {  	v47 =	vperm.xlane v18, v9;
	v46 =	vadd.s32 v4, v45;
	s28 =	simm.s32 $0x2680  }
0x14a: {  	[tilespmem:s28], [sflag:$0x1] =	stream.indirect_vreg.gather [hbm4b:s12+s2], $0x80, v19, vm0, $0xb8;
	[tilespmem:$0x1A500] =	vst v63  }
0x14b: {  	v48 =	vperm.xlane v18, v1;
	v19 =	vadd.s32 v4, v47;
	s28 =	simm.s32 $0x2700  }
0x14c: {  	[tilespmem:s28], [sflag:$0x1] =	stream.indirect_vreg.gather [hbm4b:s12+s2], $0x80, v44, vm0, $0xb8;
	[tilespmem:$0x1A500] =	vst v63  }
0x14d: {  	v50 =	vperm.xlane v18, v10;
	v49 =	vadd.s32 v4, v48;
	s28 =	simm.s32 $0x2780  }
0x14e: {  	[tilespmem:s28], [sflag:$0x1] =	stream.indirect_vreg.gather [hbm4b:s12+s2], $0x80, v46, vm0, $0xb8;
	[tilespmem:$0x1A500] =	vst v63  }
0x14f: {  	v52 =	vperm.xlane v18, v11;
	v51 =	vadd.s32 v4, v50;
	s28 =	simm.s32 $0x2800  }
0x150: {  	[tilespmem:s28], [sflag:$0x1] =	stream.indirect_vreg.gather [hbm4b:s12+s2], $0x80, v19, vm0, $0xb8;
	[tilespmem:$0x1A500] =	vst v63  }
0x151: {  	v53 =	vperm.xlane v18, v12;
	v19 =	vadd.s32 v4, v52;
	s28 =	simm.s32 $0x2880  }
0x152: {  	[tilespmem:s28], [sflag:$0x1] =	stream.indirect_vreg.gather [hbm4b:s12+s2], $0x80, v49, vm0, $0xb8;
	[tilespmem:$0x1A500] =	vst v63  }
0x153: {  	v55 =	vperm.xlane v18, v13;
	v54 =	vadd.s32 v4, v53;
	s28 =	simm.s32 $0x2900  }
0x154: {  	[tilespmem:s28], [sflag:$0x1] =	stream.indirect_vreg.gather [hbm4b:s12+s2], $0x80, v51, vm0, $0xb8;
	[tilespmem:$0x1A500] =	vst v63  }
0x155: {  	v57 =	vperm.xlane v18, v14;
	v56 =	vadd.s32 v4, v55;
	s28 =	simm.s32 $0x2980  }
0x156: {  	[tilespmem:s28], [sflag:$0x1] =	stream.indirect_vreg.gather [hbm4b:s12+s2], $0x80, v19, vm0, $0xb8;
	[tilespmem:$0x1A500] =	vst v63  }
0x157: {  	v58 =	vperm.xlane v18, v15;
	v19 =	vadd.s32 v4, v57;
	s28 =	simm.s32 $0x2A00  }
0x158: {  	[tilespmem:s28], [sflag:$0x1] =	stream.indirect_vreg.gather [hbm4b:s12+s2], $0x80, v54, vm0, $0xb8;
	[tilespmem:$0x1A500] =	vst v63  }
0x159: {  	v60 =	vperm.xlane v18, v16;
	v59 =	vadd.s32 v4, v58;
	s28 =	simm.s32 $0x2A80  }
0x15a: {  	[tilespmem:s28], [sflag:$0x1] =	stream.indirect_vreg.gather [hbm4b:s12+s2], $0x80, v56, vm0, $0xb8;
	[tilespmem:$0x1A500] =	vst v63  }
0x15b: {  	v18 =	vperm.xlane v18, v17;
	v61 =	vadd.s32 v4, v60;
	s28 =	simm.s32 $0x2B00  }
0x15c: {  	[tilespmem:s28], [sflag:$0x1] =	stream.indirect_vreg.gather [hbm4b:s12+s2], $0x80, v19, vm0, $0xb8;
	[tilespmem:$0x1A500] =	vst v63  }
0x15d: {  	v18 =	vadd.s32 v4, v18;
	s28 =	simm.s32 $0x2B80  }
0x15e: {  	[tilespmem:s28], [sflag:$0x1] =	stream.indirect_vreg.gather [hbm4b:s12+s2], $0x80, v59, vm0, $0xb8;
	[tilespmem:$0x1A500] =	vst v63  }
0x15f: {  	s28 =	simm.s32 $0x2C00  }
0x160: {  	[tilespmem:s28], [sflag:$0x1] =	stream.indirect_vreg.gather [hbm4b:s12+s2], $0x80, v61, vm0, $0xb8;
	[tilespmem:$0x1A500] =	vst v63  }
0x161: {  	s28 =	simm.s32 $0x2C80  }
0x162: {  	[tilespmem:s28], [sflag:$0x1] =	stream.indirect_vreg.gather [hbm4b:s12+s2], $0x80, v18, vm0, $0xb8;
	[tilespmem:$0x1A500] =	vst v63  }
0x163: {  	v18 =	vld [tilespmem:$0x350];
	_ =	sdelay $0x4  }
0x164: {  	v19 =	vshll.u32 v18, $0x1  }
0x165: {  	v18 =	vand.u32 $0x7, v18;
	v19 =	vand.u32 $0xFFFFFFF0, v19  }
0x166: {  	v18 =	vor.u32 v18, v19  }
0x167: {  	v19 =	vperm.xlane v18, v3;
	_ =	sdelay $0x1  }
0x168: {  	v62 =	vperm.xlane v18, v2;
	v19 =	vadd.s32 v4, v19;
	_ =	sdelay $0x1  }
0x169: {  	v63 =	vperm.xlane v18, v5;
	v20 =	vadd.s32 v4, v62;
	_ =	sdelay $0x1  }
0x16a: {  	s28 =	simm.s32 $0x2D00;
	v24 =	vperm.xlane v18, v6;
	v21 =	vadd.s32 v4, v63  }
0x16b: {  	[tilespmem:s28], [sflag:$0x1] =	stream.indirect_vreg.gather [hbm4b:s12+s2], $0x80, v19, vm0, $0xb8;
	[tilespmem:$0x1A500] =	vst v63  }
0x16c: {  	v25 =	vperm.xlane v18, v7;
	v19 =	vadd.s32 v4, v24;
	s28 =	simm.s32 $0x2D80  }
0x16d: {  	[tilespmem:s28], [sflag:$0x1] =	stream.indirect_vreg.gather [hbm4b:s12+s2], $0x80, v20, vm0, $0xb8;
	[tilespmem:$0x1A500] =	vst v63  }
0x16e: {  	v27 =	vperm.xlane v18, v8;
	v26 =	vadd.s32 v4, v25;
	s28 =	simm.s32 $0x2E00  }
0x16f: {  	[tilespmem:s28], [sflag:$0x1] =	stream.indirect_vreg.gather [hbm4b:s12+s2], $0x80, v21, vm0, $0xb8;
	[tilespmem:$0x1A500] =	vst v63  }
0x170: {  	v29 =	vperm.xlane v18, v9;
	v28 =	vadd.s32 v4, v27;
	s28 =	simm.s32 $0x2E80  }
0x171: {  	[tilespmem:s28], [sflag:$0x1] =	stream.indirect_vreg.gather [hbm4b:s12+s2], $0x80, v19, vm0, $0xb8;
	[tilespmem:$0x1A500] =	vst v63  }
0x172: {  	v30 =	vperm.xlane v18, v1;
	v19 =	vadd.s32 v4, v29;
	s28 =	simm.s32 $0x2F00  }
0x173: {  	[tilespmem:s28], [sflag:$0x1] =	stream.indirect_vreg.gather [hbm4b:s12+s2], $0x80, v26, vm0, $0xb8;
	[tilespmem:$0x1A500] =	vst v63  }
0x174: {  	v32 =	vperm.xlane v18, v10;
	v31 =	vadd.s32 v4, v30;
	s28 =	simm.s32 $0x2F80  }
0x175: {  	[tilespmem:s28], [sflag:$0x1] =	stream.indirect_vreg.gather [hbm4b:s12+s2], $0x80, v28, vm0, $0xb8;
	[tilespmem:$0x1A500] =	vst v63  }
0x176: {  	v34 =	vperm.xlane v18, v11;
	v33 =	vadd.s32 v4, v32;
	s28 =	simm.s32 $0x3000  }
0x177: {  	[tilespmem:s28], [sflag:$0x1] =	stream.indirect_vreg.gather [hbm4b:s12+s2], $0x80, v19, vm0, $0xb8;
	[tilespmem:$0x1A500] =	vst v63  }
0x178: {  	v35 =	vperm.xlane v18, v12;
	v19 =	vadd.s32 v4, v34;
	s28 =	simm.s32 $0x3080  }
0x179: {  	[tilespmem:s28], [sflag:$0x1] =	stream.indirect_vreg.gather [hbm4b:s12+s2], $0x80, v31, vm0, $0xb8;
	[tilespmem:$0x1A500] =	vst v63  }
0x17a: {  	v37 =	vperm.xlane v18, v13;
	v36 =	vadd.s32 v4, v35;
	s28 =	simm.s32 $0x3100  }
0x17b: {  	[tilespmem:s28], [sflag:$0x1] =	stream.indirect_vreg.gather [hbm4b:s12+s2], $0x80, v33, vm0, $0xb8;
	[tilespmem:$0x1A500] =	vst v63  }
0x17c: {  	v39 =	vperm.xlane v18, v14;
	v38 =	vadd.s32 v4, v37;
	s28 =	simm.s32 $0x3180  }
0x17d: {  	[tilespmem:s28], [sflag:$0x1] =	stream.indirect_vreg.gather [hbm4b:s12+s2], $0x80, v19, vm0, $0xb8;
	[tilespmem:$0x1A500] =	vst v63  }
0x17e: {  	v40 =	vperm.xlane v18, v15;
	v19 =	vadd.s32 v4, v39;
	s28 =	simm.s32 $0x3200  }
0x17f: {  	[tilespmem:s28], [sflag:$0x1] =	stream.indirect_vreg.gather [hbm4b:s12+s2], $0x80, v36, vm0, $0xb8;
	[tilespmem:$0x1A500] =	vst v63  }
0x180: {  	v42 =	vperm.xlane v18, v16;
	v41 =	vadd.s32 v4, v40;
	s28 =	simm.s32 $0x3280  }
0x181: {  	[tilespmem:s28], [sflag:$0x1] =	stream.indirect_vreg.gather [hbm4b:s12+s2], $0x80, v38, vm0, $0xb8;
	[tilespmem:$0x1A500] =	vst v63  }
0x182: {  	v18 =	vperm.xlane v18, v17;
	v43 =	vadd.s32 v4, v42;
	s28 =	simm.s32 $0x3300  }
0x183: {  	[tilespmem:s28], [sflag:$0x1] =	stream.indirect_vreg.gather [hbm4b:s12+s2], $0x80, v19, vm0, $0xb8;
	[tilespmem:$0x1A500] =	vst v63  }
0x184: {  	v18 =	vadd.s32 v4, v18;
	s28 =	simm.s32 $0x3380  }
0x185: {  	[tilespmem:s28], [sflag:$0x1] =	stream.indirect_vreg.gather [hbm4b:s12+s2], $0x80, v41, vm0, $0xb8;
	[tilespmem:$0x1A500] =	vst v63  }
0x186: {  	s28 =	simm.s32 $0x3400  }
0x187: {  	[tilespmem:s28], [sflag:$0x1] =	stream.indirect_vreg.gather [hbm4b:s12+s2], $0x80, v43, vm0, $0xb8;
	[tilespmem:$0x1A500] =	vst v63  }
0x188: {  	s28 =	simm.s32 $0x3480  }
0x189: {  	[tilespmem:s28], [sflag:$0x1] =	stream.indirect_vreg.gather [hbm4b:s12+s2], $0x80, v18, vm0, $0xb8;
	[tilespmem:$0x1A500] =	vst v63  }
0x18a: {  	v18 =	vld [tilespmem:$0x360];
	_ =	sdelay $0x4  }
0x18b: {  	v19 =	vshll.u32 v18, $0x1  }
0x18c: {  	v18 =	vand.u32 $0x7, v18;
	v19 =	vand.u32 $0xFFFFFFF0, v19  }
0x18d: {  	v18 =	vor.u32 v18, v19  }
0x18e: {  	v19 =	vperm.xlane v18, v3;
	_ =	sdelay $0x1  }
0x18f: {  	v44 =	vperm.xlane v18, v2;
	v19 =	vadd.s32 v4, v19;
	_ =	sdelay $0x1  }
0x190: {  	v45 =	vperm.xlane v18, v5;
	v20 =	vadd.s32 v4, v44;
	_ =	sdelay $0x1  }
0x191: {  	s28 =	simm.s32 $0x3500;
	v46 =	vperm.xlane v18, v6;
	v21 =	vadd.s32 v4, v45  }
0x192: {  	[tilespmem:s28], [sflag:$0x1] =	stream.indirect_vreg.gather [hbm4b:s12+s2], $0x80, v19, vm0, $0xb8;
	[tilespmem:$0x1A500] =	vst v63  }
0x193: {  	v47 =	vperm.xlane v18, v7;
	v19 =	vadd.s32 v4, v46;
	s28 =	simm.s32 $0x3580  }
0x194: {  	[tilespmem:s28], [sflag:$0x1] =	stream.indirect_vreg.gather [hbm4b:s12+s2], $0x80, v20, vm0, $0xb8;
	[tilespmem:$0x1A500] =	vst v63  }
0x195: {  	v49 =	vperm.xlane v18, v8;
	v48 =	vadd.s32 v4, v47;
	s28 =	simm.s32 $0x3600  }
0x196: {  	[tilespmem:s28], [sflag:$0x1] =	stream.indirect_vreg.gather [hbm4b:s12+s2], $0x80, v21, vm0, $0xb8;
	[tilespmem:$0x1A500] =	vst v63  }
0x197: {  	v51 =	vperm.xlane v18, v9;
	v50 =	vadd.s32 v4, v49;
	s28 =	simm.s32 $0x3680  }
0x198: {  	[tilespmem:s28], [sflag:$0x1] =	stream.indirect_vreg.gather [hbm4b:s12+s2], $0x80, v19, vm0, $0xb8;
	[tilespmem:$0x1A500] =	vst v63  }
0x199: {  	v52 =	vperm.xlane v18, v1;
	v19 =	vadd.s32 v4, v51;
	s28 =	simm.s32 $0x3700  }
0x19a: {  	[tilespmem:s28], [sflag:$0x1] =	stream.indirect_vreg.gather [hbm4b:s12+s2], $0x80, v48, vm0, $0xb8;
	[tilespmem:$0x1A500] =	vst v63  }
0x19b: {  	v54 =	vperm.xlane v18, v10;
	v53 =	vadd.s32 v4, v52;
	s28 =	simm.s32 $0x3780  }
0x19c: {  	[tilespmem:s28], [sflag:$0x1] =	stream.indirect_vreg.gather [hbm4b:s12+s2], $0x80, v50, vm0, $0xb8;
	[tilespmem:$0x1A500] =	vst v63  }
0x19d: {  	v56 =	vperm.xlane v18, v11;
	v55 =	vadd.s32 v4, v54;
	s28 =	simm.s32 $0x3800  }
0x19e: {  	[tilespmem:s28], [sflag:$0x1] =	stream.indirect_vreg.gather [hbm4b:s12+s2], $0x80, v19, vm0, $0xb8;
	[tilespmem:$0x1A500] =	vst v63  }
0x19f: {  	v57 =	vperm.xlane v18, v12;
	v19 =	vadd.s32 v4, v56;
	s28 =	simm.s32 $0x3880  }
0x1a0: {  	[tilespmem:s28], [sflag:$0x1] =	stream.indirect_vreg.gather [hbm4b:s12+s2], $0x80, v53, vm0, $0xb8;
	[tilespmem:$0x1A500] =	vst v63  }
0x1a1: {  	v59 =	vperm.xlane v18, v13;
	v58 =	vadd.s32 v4, v57;
	s28 =	simm.s32 $0x3900  }
0x1a2: {  	[tilespmem:s28], [sflag:$0x1] =	stream.indirect_vreg.gather [hbm4b:s12+s2], $0x80, v55, vm0, $0xb8;
	[tilespmem:$0x1A500] =	vst v63  }
0x1a3: {  	v61 =	vperm.xlane v18, v14;
	v60 =	vadd.s32 v4, v59;
	s28 =	simm.s32 $0x3980  }
0x1a4: {  	[tilespmem:s28], [sflag:$0x1] =	stream.indirect_vreg.gather [hbm4b:s12+s2], $0x80, v19, vm0, $0xb8;
	[tilespmem:$0x1A500] =	vst v63  }
0x1a5: {  	v62 =	vperm.xlane v18, v15;
	v19 =	vadd.s32 v4, v61;
	s28 =	simm.s32 $0x3A00  }
0x1a6: {  	[tilespmem:s28], [sflag:$0x1] =	stream.indirect_vreg.gather [hbm4b:s12+s2], $0x80, v58, vm0, $0xb8;
	[tilespmem:$0x1A500] =	vst v63  }
0x1a7: {  	v24 =	vperm.xlane v18, v16;
	v63 =	vadd.s32 v4, v62;
	s28 =	simm.s32 $0x3A80  }
0x1a8: {  	[tilespmem:s28], [sflag:$0x1] =	stream.indirect_vreg.gather [hbm4b:s12+s2], $0x80, v60, vm0, $0xb8;
	[tilespmem:$0x1A500] =	vst v63  }
0x1a9: {  	v18 =	vperm.xlane v18, v17;
	v25 =	vadd.s32 v4, v24;
	s28 =	simm.s32 $0x3B00  }
0x1aa: {  	[tilespmem:s28], [sflag:$0x1] =	stream.indirect_vreg.gather [hbm4b:s12+s2], $0x80, v19, vm0, $0xb8;
	[tilespmem:$0x1A500] =	vst v63  }
0x1ab: {  	v18 =	vadd.s32 v4, v18;
	s28 =	simm.s32 $0x3B80  }
0x1ac: {  	[tilespmem:s28], [sflag:$0x1] =	stream.indirect_vreg.gather [hbm4b:s12+s2], $0x80, v63, vm0, $0xb8;
	[tilespmem:$0x1A500] =	vst v63  }
0x1ad: {  	s28 =	simm.s32 $0x3C00  }
0x1ae: {  	[tilespmem:s28], [sflag:$0x1] =	stream.indirect_vreg.gather [hbm4b:s12+s2], $0x80, v25, vm0, $0xb8;
	[tilespmem:$0x1A500] =	vst v63  }
0x1af: {  	s28 =	simm.s32 $0x3C80  }
0x1b0: {  	[tilespmem:s28], [sflag:$0x1] =	stream.indirect_vreg.gather [hbm4b:s12+s2], $0x80, v18, vm0, $0xb8;
	[tilespmem:$0x1A500] =	vst v63  }
0x1b1: {  	v18 =	vld [tilespmem:$0x370];
	_ =	sdelay $0x4  }
0x1b2: {  	v19 =	vshll.u32 v18, $0x1  }
0x1b3: {  	v18 =	vand.u32 $0x7, v18;
	v19 =	vand.u32 $0xFFFFFFF0, v19  }
0x1b4: {  	v18 =	vor.u32 v18, v19  }
0x1b5: {  	v19 =	vperm.xlane v18, v3;
	_ =	sdelay $0x1  }
0x1b6: {  	v26 =	vperm.xlane v18, v2;
	v19 =	vadd.s32 v4, v19;
	_ =	sdelay $0x1  }
0x1b7: {  	v27 =	vperm.xlane v18, v5;
	v20 =	vadd.s32 v4, v26;
	_ =	sdelay $0x1  }
0x1b8: {  	s28 =	simm.s32 $0x3D00;
	v28 =	vperm.xlane v18, v6;
	v21 =	vadd.s32 v4, v27  }
0x1b9: {  	[tilespmem:s28], [sflag:$0x1] =	stream.indirect_vreg.gather [hbm4b:s12+s2], $0x80, v19, vm0, $0xb8;
	[tilespmem:$0x1A500] =	vst v63  }
0x1ba: {  	v29 =	vperm.xlane v18, v7;
	v19 =	vadd.s32 v4, v28;
	s28 =	simm.s32 $0x3D80  }
0x1bb: {  	[tilespmem:s28], [sflag:$0x1] =	stream.indirect_vreg.gather [hbm4b:s12+s2], $0x80, v20, vm0, $0xb8;
	[tilespmem:$0x1A500] =	vst v63  }
0x1bc: {  	v31 =	vperm.xlane v18, v8;
	v30 =	vadd.s32 v4, v29;
	s28 =	simm.s32 $0x3E00  }
0x1bd: {  	[tilespmem:s28], [sflag:$0x1] =	stream.indirect_vreg.gather [hbm4b:s12+s2], $0x80, v21, vm0, $0xb8;
	[tilespmem:$0x1A500] =	vst v63  }
0x1be: {  	v33 =	vperm.xlane v18, v9;
	v32 =	vadd.s32 v4, v31;
	s28 =	simm.s32 $0x3E80  }
0x1bf: {  	[tilespmem:s28], [sflag:$0x1] =	stream.indirect_vreg.gather [hbm4b:s12+s2], $0x80, v19, vm0, $0xb8;
	[tilespmem:$0x1A500] =	vst v63  }
0x1c0: {  	v34 =	vperm.xlane v18, v1;
	v19 =	vadd.s32 v4, v33;
	s28 =	simm.s32 $0x3F00  }
0x1c1: {  	[tilespmem:s28], [sflag:$0x1] =	stream.indirect_vreg.gather [hbm4b:s12+s2], $0x80, v30, vm0, $0xb8;
	[tilespmem:$0x1A500] =	vst v63  }
0x1c2: {  	v36 =	vperm.xlane v18, v10;
	v35 =	vadd.s32 v4, v34;
	s28 =	simm.s32 $0x3F80  }
0x1c3: {  	[tilespmem:s28], [sflag:$0x1] =	stream.indirect_vreg.gather [hbm4b:s12+s2], $0x80, v32, vm0, $0xb8;
	[tilespmem:$0x1A500] =	vst v63  }
0x1c4: {  	v38 =	vperm.xlane v18, v11;
	v37 =	vadd.s32 v4, v36;
	s28 =	simm.s32 $0x4000  }
0x1c5: {  	[tilespmem:s28], [sflag:$0x1] =	stream.indirect_vreg.gather [hbm4b:s12+s2], $0x80, v19, vm0, $0xb8;
	[tilespmem:$0x1A500] =	vst v63  }
0x1c6: {  	v39 =	vperm.xlane v18, v12;
	v19 =	vadd.s32 v4, v38;
	s28 =	simm.s32 $0x4080  }
0x1c7: {  	[tilespmem:s28], [sflag:$0x1] =	stream.indirect_vreg.gather [hbm4b:s12+s2], $0x80, v35, vm0, $0xb8;
	[tilespmem:$0x1A500] =	vst v63  }
0x1c8: {  	v41 =	vperm.xlane v18, v13;
	v40 =	vadd.s32 v4, v39;
	s28 =	simm.s32 $0x4100  }
0x1c9: {  	[tilespmem:s28], [sflag:$0x1] =	stream.indirect_vreg.gather [hbm4b:s12+s2], $0x80, v37, vm0, $0xb8;
	[tilespmem:$0x1A500] =	vst v63  }
0x1ca: {  	v43 =	vperm.xlane v18, v14;
	v42 =	vadd.s32 v4, v41;
	s28 =	simm.s32 $0x4180  }
0x1cb: {  	[tilespmem:s28], [sflag:$0x1] =	stream.indirect_vreg.gather [hbm4b:s12+s2], $0x80, v19, vm0, $0xb8;
	[tilespmem:$0x1A500] =	vst v63  }
0x1cc: {  	v44 =	vperm.xlane v18, v15;
	v19 =	vadd.s32 v4, v43;
	s28 =	simm.s32 $0x4200  }
0x1cd: {  	[tilespmem:s28], [sflag:$0x1] =	stream.indirect_vreg.gather [hbm4b:s12+s2], $0x80, v40, vm0, $0xb8;
	[tilespmem:$0x1A500] =	vst v63  }
0x1ce: {  	v46 =	vperm.xlane v18, v16;
	v45 =	vadd.s32 v4, v44;
	s28 =	simm.s32 $0x4280  }
0x1cf: {  	[tilespmem:s28], [sflag:$0x1] =	stream.indirect_vreg.gather [hbm4b:s12+s2], $0x80, v42, vm0, $0xb8;
	[tilespmem:$0x1A500] =	vst v63  }
0x1d0: {  	v18 =	vperm.xlane v18, v17;
	v47 =	vadd.s32 v4, v46;
	s28 =	simm.s32 $0x4300  }
0x1d1: {  	[tilespmem:s28], [sflag:$0x1] =	stream.indirect_vreg.gather [hbm4b:s12+s2], $0x80, v19, vm0, $0xb8;
	[tilespmem:$0x1A500] =	vst v63  }
0x1d2: {  	v18 =	vadd.s32 v4, v18;
	s28 =	simm.s32 $0x4380  }
0x1d3: {  	[tilespmem:s28], [sflag:$0x1] =	stream.indirect_vreg.gather [hbm4b:s12+s2], $0x80, v45, vm0, $0xb8;
	[tilespmem:$0x1A500] =	vst v63  }
0x1d4: {  	s28 =	simm.s32 $0x4400  }
0x1d5: {  	[tilespmem:s28], [sflag:$0x1] =	stream.indirect_vreg.gather [hbm4b:s12+s2], $0x80, v47, vm0, $0xb8;
	[tilespmem:$0x1A500] =	vst v63  }
0x1d6: {  	s28 =	simm.s32 $0x4480  }
0x1d7: {  	[tilespmem:s28], [sflag:$0x1] =	stream.indirect_vreg.gather [hbm4b:s12+s2], $0x80, v18, vm0, $0xb8;
	[tilespmem:$0x1A500] =	vst v63  }
0x1d8: {  	v18 =	vld [tilespmem:$0x380];
	_ =	sdelay $0x4  }
0x1d9: {  	v19 =	vshll.u32 v18, $0x1  }
0x1da: {  	v18 =	vand.u32 $0x7, v18;
	v19 =	vand.u32 $0xFFFFFFF0, v19  }
0x1db: {  	v18 =	vor.u32 v18, v19  }
0x1dc: {  	v19 =	vperm.xlane v18, v3;
	_ =	sdelay $0x1  }
0x1dd: {  	v48 =	vperm.xlane v18, v2;
	v19 =	vadd.s32 v4, v19;
	_ =	sdelay $0x1  }
0x1de: {  	v49 =	vperm.xlane v18, v5;
	v20 =	vadd.s32 v4, v48;
	_ =	sdelay $0x1  }
0x1df: {  	v50 =	vperm.xlane v18, v6;
	v21 =	vadd.s32 v4, v49  }
0x1e0: {  	[tilespmem:s14], [sflag:$0x1] =	stream.indirect_vreg.gather [hbm4b:s12+s2], $0x80, v19, vm0, $0xb8;
	[tilespmem:$0x1A500] =	vst v63  }
0x1e1: {  	s28 =	simm.s32 $0x4580;
	v51 =	vperm.xlane v18, v7;
	v19 =	vadd.s32 v4, v50  }
0x1e2: {  	[tilespmem:s28], [sflag:$0x1] =	stream.indirect_vreg.gather [hbm4b:s12+s2], $0x80, v20, vm0, $0xb8;
	[tilespmem:$0x1A500] =	vst v63  }
0x1e3: {  	v53 =	vperm.xlane v18, v8;
	v52 =	vadd.s32 v4, v51;
	s28 =	simm.s32 $0x4600  }
0x1e4: {  	[tilespmem:s28], [sflag:$0x1] =	stream.indirect_vreg.gather [hbm4b:s12+s2], $0x80, v21, vm0, $0xb8;
	[tilespmem:$0x1A500] =	vst v63  }
0x1e5: {  	v55 =	vperm.xlane v18, v9;
	v54 =	vadd.s32 v4, v53;
	s28 =	simm.s32 $0x4680  }
0x1e6: {  	[tilespmem:s28], [sflag:$0x1] =	stream.indirect_vreg.gather [hbm4b:s12+s2], $0x80, v19, vm0, $0xb8;
	[tilespmem:$0x1A500] =	vst v63  }
0x1e7: {  	v56 =	vperm.xlane v18, v1;
	v19 =	vadd.s32 v4, v55;
	s28 =	simm.s32 $0x4700  }
0x1e8: {  	[tilespmem:s28], [sflag:$0x1] =	stream.indirect_vreg.gather [hbm4b:s12+s2], $0x80, v52, vm0, $0xb8;
	[tilespmem:$0x1A500] =	vst v63  }
0x1e9: {  	v58 =	vperm.xlane v18, v10;
	v57 =	vadd.s32 v4, v56;
	s28 =	simm.s32 $0x4780  }
0x1ea: {  	[tilespmem:s28], [sflag:$0x1] =	stream.indirect_vreg.gather [hbm4b:s12+s2], $0x80, v54, vm0, $0xb8;
	[tilespmem:$0x1A500] =	vst v63  }
0x1eb: {  	v60 =	vperm.xlane v18, v11;
	v59 =	vadd.s32 v4, v58;
	s28 =	simm.s32 $0x4800  }
0x1ec: {  	[tilespmem:s28], [sflag:$0x1] =	stream.indirect_vreg.gather [hbm4b:s12+s2], $0x80, v19, vm0, $0xb8;
	[tilespmem:$0x1A500] =	vst v63  }
0x1ed: {  	v61 =	vperm.xlane v18, v12;
	v19 =	vadd.s32 v4, v60;
	s28 =	simm.s32 $0x4880  }
0x1ee: {  	[tilespmem:s28], [sflag:$0x1] =	stream.indirect_vreg.gather [hbm4b:s12+s2], $0x80, v57, vm0, $0xb8;
	[tilespmem:$0x1A500] =	vst v63  }
0x1ef: {  	v63 =	vperm.xlane v18, v13;
	v62 =	vadd.s32 v4, v61;
	s28 =	simm.s32 $0x4900  }
0x1f0: {  	[tilespmem:s28], [sflag:$0x1] =	stream.indirect_vreg.gather [hbm4b:s12+s2], $0x80, v59, vm0, $0xb8;
	[tilespmem:$0x1A500] =	vst v63  }
0x1f1: {  	v25 =	vperm.xlane v18, v14;
	v24 =	vadd.s32 v4, v63;
	s28 =	simm.s32 $0x4980  }
0x1f2: {  	[tilespmem:s28], [sflag:$0x1] =	stream.indirect_vreg.gather [hbm4b:s12+s2], $0x80, v19, vm0, $0xb8;
	[tilespmem:$0x1A500] =	vst v63  }
0x1f3: {  	v26 =	vperm.xlane v18, v15;
	v19 =	vadd.s32 v4, v25;
	s28 =	simm.s32 $0x4A00  }
0x1f4: {  	[tilespmem:s28], [sflag:$0x1] =	stream.indirect_vreg.gather [hbm4b:s12+s2], $0x80, v62, vm0, $0xb8;
	[tilespmem:$0x1A500] =	vst v63  }
0x1f5: {  	v28 =	vperm.xlane v18, v16;
	v27 =	vadd.s32 v4, v26;
	s28 =	simm.s32 $0x4A80  }
0x1f6: {  	[tilespmem:s28], [sflag:$0x1] =	stream.indirect_vreg.gather [hbm4b:s12+s2], $0x80, v24, vm0, $0xb8;
	[tilespmem:$0x1A500] =	vst v63  }
0x1f7: {  	v18 =	vperm.xlane v18, v17;
	v29 =	vadd.s32 v4, v28;
	s28 =	simm.s32 $0x4B00  }
0x1f8: {  	[tilespmem:s28], [sflag:$0x1] =	stream.indirect_vreg.gather [hbm4b:s12+s2], $0x80, v19, vm0, $0xb8;
	[tilespmem:$0x1A500] =	vst v63  }
0x1f9: {  	v18 =	vadd.s32 v4, v18;
	s28 =	simm.s32 $0x4B80  }
0x1fa: {  	[tilespmem:s28], [sflag:$0x1] =	stream.indirect_vreg.gather [hbm4b:s12+s2], $0x80, v27, vm0, $0xb8;
	[tilespmem:$0x1A500] =	vst v63  }
0x1fb: {  	s28 =	simm.s32 $0x4C00  }
0x1fc: {  	[tilespmem:s28], [sflag:$0x1] =	stream.indirect_vreg.gather [hbm4b:s12+s2], $0x80, v29, vm0, $0xb8;
	[tilespmem:$0x1A500] =	vst v63  }
0x1fd: {  	s28 =	simm.s32 $0x4C80  }
0x1fe: {  	[tilespmem:s28], [sflag:$0x1] =	stream.indirect_vreg.gather [hbm4b:s12+s2], $0x80, v18, vm0, $0xb8;
	[tilespmem:$0x1A500] =	vst v63  }
0x1ff: {  	v18 =	vld [tilespmem:$0x390];
	_ =	sdelay $0x4  }
0x200: {  	v19 =	vshll.u32 v18, $0x1  }
0x201: {  	v18 =	vand.u32 $0x7, v18;
	v19 =	vand.u32 $0xFFFFFFF0, v19  }
0x202: {  	v18 =	vor.u32 v18, v19  }
0x203: {  	v19 =	vperm.xlane v18, v3;
	_ =	sdelay $0x1  }
0x204: {  	v30 =	vperm.xlane v18, v2;
	v19 =	vadd.s32 v4, v19;
	_ =	sdelay $0x1  }
0x205: {  	v31 =	vperm.xlane v18, v5;
	v20 =	vadd.s32 v4, v30;
	_ =	sdelay $0x1  }
0x206: {  	s28 =	simm.s32 $0x4D00;
	v32 =	vperm.xlane v18, v6;
	v21 =	vadd.s32 v4, v31  }
0x207: {  	[tilespmem:s28], [sflag:$0x1] =	stream.indirect_vreg.gather [hbm4b:s12+s2], $0x80, v19, vm0, $0xb8;
	[tilespmem:$0x1A500] =	vst v63  }
0x208: {  	v33 =	vperm.xlane v18, v7;
	v19 =	vadd.s32 v4, v32;
	s28 =	simm.s32 $0x4D80  }
0x209: {  	[tilespmem:s28], [sflag:$0x1] =	stream.indirect_vreg.gather [hbm4b:s12+s2], $0x80, v20, vm0, $0xb8;
	[tilespmem:$0x1A500] =	vst v63  }
0x20a: {  	v35 =	vperm.xlane v18, v8;
	v34 =	vadd.s32 v4, v33;
	s28 =	simm.s32 $0x4E00  }
0x20b: {  	[tilespmem:s28], [sflag:$0x1] =	stream.indirect_vreg.gather [hbm4b:s12+s2], $0x80, v21, vm0, $0xb8;
	[tilespmem:$0x1A500] =	vst v63  }
0x20c: {  	v37 =	vperm.xlane v18, v9;
	v36 =	vadd.s32 v4, v35;
	s28 =	simm.s32 $0x4E80  }
0x20d: {  	[tilespmem:s28], [sflag:$0x1] =	stream.indirect_vreg.gather [hbm4b:s12+s2], $0x80, v19, vm0, $0xb8;
	[tilespmem:$0x1A500] =	vst v63  }
0x20e: {  	v38 =	vperm.xlane v18, v1;
	v19 =	vadd.s32 v4, v37;
	s28 =	simm.s32 $0x4F00  }
0x20f: {  	[tilespmem:s28], [sflag:$0x1] =	stream.indirect_vreg.gather [hbm4b:s12+s2], $0x80, v34, vm0, $0xb8;
	[tilespmem:$0x1A500] =	vst v63  }
0x210: {  	v40 =	vperm.xlane v18, v10;
	v39 =	vadd.s32 v4, v38;
	s28 =	simm.s32 $0x4F80  }
0x211: {  	[tilespmem:s28], [sflag:$0x1] =	stream.indirect_vreg.gather [hbm4b:s12+s2], $0x80, v36, vm0, $0xb8;
	[tilespmem:$0x1A500] =	vst v63  }
0x212: {  	v42 =	vperm.xlane v18, v11;
	v41 =	vadd.s32 v4, v40;
	s28 =	simm.s32 $0x5000  }
0x213: {  	[tilespmem:s28], [sflag:$0x1] =	stream.indirect_vreg.gather [hbm4b:s12+s2], $0x80, v19, vm0, $0xb8;
	[tilespmem:$0x1A500] =	vst v63  }
0x214: {  	v43 =	vperm.xlane v18, v12;
	v19 =	vadd.s32 v4, v42;
	s28 =	simm.s32 $0x5080  }
0x215: {  	[tilespmem:s28], [sflag:$0x1] =	stream.indirect_vreg.gather [hbm4b:s12+s2], $0x80, v39, vm0, $0xb8;
	[tilespmem:$0x1A500] =	vst v63  }
0x216: {  	v45 =	vperm.xlane v18, v13;
	v44 =	vadd.s32 v4, v43;
	s28 =	simm.s32 $0x5100  }
0x217: {  	[tilespmem:s28], [sflag:$0x1] =	stream.indirect_vreg.gather [hbm4b:s12+s2], $0x80, v41, vm0, $0xb8;
	[tilespmem:$0x1A500] =	vst v63  }
0x218: {  	v47 =	vperm.xlane v18, v14;
	v46 =	vadd.s32 v4, v45;
	s28 =	simm.s32 $0x5180  }
0x219: {  	[tilespmem:s28], [sflag:$0x1] =	stream.indirect_vreg.gather [hbm4b:s12+s2], $0x80, v19, vm0, $0xb8;
	[tilespmem:$0x1A500] =	vst v63  }
0x21a: {  	v48 =	vperm.xlane v18, v15;
	v19 =	vadd.s32 v4, v47;
	s28 =	simm.s32 $0x5200  }
0x21b: {  	[tilespmem:s28], [sflag:$0x1] =	stream.indirect_vreg.gather [hbm4b:s12+s2], $0x80, v44, vm0, $0xb8;
	[tilespmem:$0x1A500] =	vst v63  }
0x21c: {  	v50 =	vperm.xlane v18, v16;
	v49 =	vadd.s32 v4, v48;
	s28 =	simm.s32 $0x5280  }
0x21d: {  	[tilespmem:s28], [sflag:$0x1] =	stream.indirect_vreg.gather [hbm4b:s12+s2], $0x80, v46, vm0, $0xb8;
	[tilespmem:$0x1A500] =	vst v63  }
0x21e: {  	v18 =	vperm.xlane v18, v17;
	v51 =	vadd.s32 v4, v50;
	s28 =	simm.s32 $0x5300  }
0x21f: {  	[tilespmem:s28], [sflag:$0x1] =	stream.indirect_vreg.gather [hbm4b:s12+s2], $0x80, v19, vm0, $0xb8;
	[tilespmem:$0x1A500] =	vst v63  }
0x220: {  	v18 =	vadd.s32 v4, v18;
	s28 =	simm.s32 $0x5380  }
0x221: {  	[tilespmem:s28], [sflag:$0x1] =	stream.indirect_vreg.gather [hbm4b:s12+s2], $0x80, v49, vm0, $0xb8;
	[tilespmem:$0x1A500] =	vst v63  }
0x222: {  	s28 =	simm.s32 $0x5400  }
0x223: {  	[tilespmem:s28], [sflag:$0x1] =	stream.indirect_vreg.gather [hbm4b:s12+s2], $0x80, v51, vm0, $0xb8;
	[tilespmem:$0x1A500] =	vst v63  }
0x224: {  	s28 =	simm.s32 $0x5480  }
0x225: {  	[tilespmem:s28], [sflag:$0x1] =	stream.indirect_vreg.gather [hbm4b:s12+s2], $0x80, v18, vm0, $0xb8;
	[tilespmem:$0x1A500] =	vst v63  }
0x226: {  	v18 =	vld [tilespmem:$0x3A0];
	_ =	sdelay $0x4  }
0x227: {  	v19 =	vshll.u32 v18, $0x1  }
0x228: {  	v18 =	vand.u32 $0x7, v18;
	v19 =	vand.u32 $0xFFFFFFF0, v19  }
0x229: {  	v18 =	vor.u32 v18, v19  }
0x22a: {  	v19 =	vperm.xlane v18, v3;
	_ =	sdelay $0x1  }
0x22b: {  	v52 =	vperm.xlane v18, v2;
	v19 =	vadd.s32 v4, v19;
	_ =	sdelay $0x1  }
0x22c: {  	v53 =	vperm.xlane v18, v5;
	v20 =	vadd.s32 v4, v52;
	_ =	sdelay $0x1  }
0x22d: {  	s28 =	simm.s32 $0x5500;
	v54 =	vperm.xlane v18, v6;
	v21 =	vadd.s32 v4, v53  }
0x22e: {  	[tilespmem:s28], [sflag:$0x1] =	stream.indirect_vreg.gather [hbm4b:s12+s2], $0x80, v19, vm0, $0xb8;
	[tilespmem:$0x1A500] =	vst v63  }
0x22f: {  	v55 =	vperm.xlane v18, v7;
	v19 =	vadd.s32 v4, v54;
	s28 =	simm.s32 $0x5580  }
0x230: {  	[tilespmem:s28], [sflag:$0x1] =	stream.indirect_vreg.gather [hbm4b:s12+s2], $0x80, v20, vm0, $0xb8;
	[tilespmem:$0x1A500] =	vst v63  }
0x231: {  	v57 =	vperm.xlane v18, v8;
	v56 =	vadd.s32 v4, v55;
	s28 =	simm.s32 $0x5600  }
0x232: {  	[tilespmem:s28], [sflag:$0x1] =	stream.indirect_vreg.gather [hbm4b:s12+s2], $0x80, v21, vm0, $0xb8;
	[tilespmem:$0x1A500] =	vst v63  }
0x233: {  	v59 =	vperm.xlane v18, v9;
	v58 =	vadd.s32 v4, v57;
	s28 =	simm.s32 $0x5680  }
0x234: {  	[tilespmem:s28], [sflag:$0x1] =	stream.indirect_vreg.gather [hbm4b:s12+s2], $0x80, v19, vm0, $0xb8;
	[tilespmem:$0x1A500] =	vst v63  }
0x235: {  	v60 =	vperm.xlane v18, v1;
	v19 =	vadd.s32 v4, v59;
	s28 =	simm.s32 $0x5700  }
0x236: {  	[tilespmem:s28], [sflag:$0x1] =	stream.indirect_vreg.gather [hbm4b:s12+s2], $0x80, v56, vm0, $0xb8;
	[tilespmem:$0x1A500] =	vst v63  }
0x237: {  	v62 =	vperm.xlane v18, v10;
	v61 =	vadd.s32 v4, v60;
	s28 =	simm.s32 $0x5780  }
0x238: {  	[tilespmem:s28], [sflag:$0x1] =	stream.indirect_vreg.gather [hbm4b:s12+s2], $0x80, v58, vm0, $0xb8;
	[tilespmem:$0x1A500] =	vst v63  }
0x239: {  	v24 =	vperm.xlane v18, v11;
	v63 =	vadd.s32 v4, v62;
	s28 =	simm.s32 $0x5800  }
0x23a: {  	[tilespmem:s28], [sflag:$0x1] =	stream.indirect_vreg.gather [hbm4b:s12+s2], $0x80, v19, vm0, $0xb8;
	[tilespmem:$0x1A500] =	vst v63  }
0x23b: {  	v25 =	vperm.xlane v18, v12;
	v19 =	vadd.s32 v4, v24;
	s28 =	simm.s32 $0x5880  }
0x23c: {  	[tilespmem:s28], [sflag:$0x1] =	stream.indirect_vreg.gather [hbm4b:s12+s2], $0x80, v61, vm0, $0xb8;
	[tilespmem:$0x1A500] =	vst v63  }
0x23d: {  	v27 =	vperm.xlane v18, v13;
	v26 =	vadd.s32 v4, v25;
	s28 =	simm.s32 $0x5900  }
0x23e: {  	[tilespmem:s28], [sflag:$0x1] =	stream.indirect_vreg.gather [hbm4b:s12+s2], $0x80, v63, vm0, $0xb8;
	[tilespmem:$0x1A500] =	vst v63  }
0x23f: {  	v29 =	vperm.xlane v18, v14;
	v28 =	vadd.s32 v4, v27;
	s28 =	simm.s32 $0x5980  }
0x240: {  	[tilespmem:s28], [sflag:$0x1] =	stream.indirect_vreg.gather [hbm4b:s12+s2], $0x80, v19, vm0, $0xb8;
	[tilespmem:$0x1A500] =	vst v63  }
0x241: {  	v30 =	vperm.xlane v18, v15;
	v19 =	vadd.s32 v4, v29;
	s28 =	simm.s32 $0x5A00  }
0x242: {  	[tilespmem:s28], [sflag:$0x1] =	stream.indirect_vreg.gather [hbm4b:s12+s2], $0x80, v26, vm0, $0xb8;
	[tilespmem:$0x1A500] =	vst v63  }
0x243: {  	v32 =	vperm.xlane v18, v16;
	v31 =	vadd.s32 v4, v30;
	s28 =	simm.s32 $0x5A80  }
0x244: {  	[tilespmem:s28], [sflag:$0x1] =	stream.indirect_vreg.gather [hbm4b:s12+s2], $0x80, v28, vm0, $0xb8;
	[tilespmem:$0x1A500] =	vst v63  }
0x245: {  	v18 =	vperm.xlane v18, v17;
	v33 =	vadd.s32 v4, v32;
	s28 =	simm.s32 $0x5B00  }
0x246: {  	[tilespmem:s28], [sflag:$0x1] =	stream.indirect_vreg.gather [hbm4b:s12+s2], $0x80, v19, vm0, $0xb8;
	[tilespmem:$0x1A500] =	vst v63  }
0x247: {  	v18 =	vadd.s32 v4, v18;
	s28 =	simm.s32 $0x5B80  }
0x248: {  	[tilespmem:s28], [sflag:$0x1] =	stream.indirect_vreg.gather [hbm4b:s12+s2], $0x80, v31, vm0, $0xb8;
	[tilespmem:$0x1A500] =	vst v63  }
0x249: {  	s28 =	simm.s32 $0x5C00  }
0x24a: {  	[tilespmem:s28], [sflag:$0x1] =	stream.indirect_vreg.gather [hbm4b:s12+s2], $0x80, v33, vm0, $0xb8;
	[tilespmem:$0x1A500] =	vst v63  }
0x24b: {  	s28 =	simm.s32 $0x5C80  }
0x24c: {  	[tilespmem:s28], [sflag:$0x1] =	stream.indirect_vreg.gather [hbm4b:s12+s2], $0x80, v18, vm0, $0xb8;
	[tilespmem:$0x1A500] =	vst v63  }
0x24d: {  	v18 =	vld [tilespmem:$0x3B0];
	_ =	sdelay $0x4  }
0x24e: {  	v19 =	vshll.u32 v18, $0x1  }
0x24f: {  	v18 =	vand.u32 $0x7, v18;
	v19 =	vand.u32 $0xFFFFFFF0, v19  }
0x250: {  	v18 =	vor.u32 v18, v19  }
0x251: {  	v19 =	vperm.xlane v18, v3;
	_ =	sdelay $0x1  }
0x252: {  	v34 =	vperm.xlane v18, v2;
	v19 =	vadd.s32 v4, v19;
	_ =	sdelay $0x1  }
0x253: {  	v35 =	vperm.xlane v18, v5;
	v20 =	vadd.s32 v4, v34;
	_ =	sdelay $0x1  }
0x254: {  	s28 =	simm.s32 $0x5D00;
	v36 =	vperm.xlane v18, v6;
	v21 =	vadd.s32 v4, v35  }
0x255: {  	[tilespmem:s28], [sflag:$0x1] =	stream.indirect_vreg.gather [hbm4b:s12+s2], $0x80, v19, vm0, $0xb8;
	[tilespmem:$0x1A500] =	vst v63  }
0x256: {  	v37 =	vperm.xlane v18, v7;
	v19 =	vadd.s32 v4, v36;
	s28 =	simm.s32 $0x5D80  }
0x257: {  	[tilespmem:s28], [sflag:$0x1] =	stream.indirect_vreg.gather [hbm4b:s12+s2], $0x80, v20, vm0, $0xb8;
	[tilespmem:$0x1A500] =	vst v63  }
0x258: {  	v39 =	vperm.xlane v18, v8;
	v38 =	vadd.s32 v4, v37;
	s28 =	simm.s32 $0x5E00  }
0x259: {  	[tilespmem:s28], [sflag:$0x1] =	stream.indirect_vreg.gather [hbm4b:s12+s2], $0x80, v21, vm0, $0xb8;
	[tilespmem:$0x1A500] =	vst v63  }
0x25a: {  	v41 =	vperm.xlane v18, v9;
	v40 =	vadd.s32 v4, v39;
	s28 =	simm.s32 $0x5E80  }
0x25b: {  	[tilespmem:s28], [sflag:$0x1] =	stream.indirect_vreg.gather [hbm4b:s12+s2], $0x80, v19, vm0, $0xb8;
	[tilespmem:$0x1A500] =	vst v63  }
0x25c: {  	v42 =	vperm.xlane v18, v1;
	v19 =	vadd.s32 v4, v41;
	s28 =	simm.s32 $0x5F00  }
0x25d: {  	[tilespmem:s28], [sflag:$0x1] =	stream.indirect_vreg.gather [hbm4b:s12+s2], $0x80, v38, vm0, $0xb8;
	[tilespmem:$0x1A500] =	vst v63  }
0x25e: {  	v44 =	vperm.xlane v18, v10;
	v43 =	vadd.s32 v4, v42;
	s28 =	simm.s32 $0x5F80  }
0x25f: {  	[tilespmem:s28], [sflag:$0x1] =	stream.indirect_vreg.gather [hbm4b:s12+s2], $0x80, v40, vm0, $0xb8;
	[tilespmem:$0x1A500] =	vst v63  }
0x260: {  	v46 =	vperm.xlane v18, v11;
	v45 =	vadd.s32 v4, v44;
	s28 =	simm.s32 $0x6000  }
0x261: {  	[tilespmem:s28], [sflag:$0x1] =	stream.indirect_vreg.gather [hbm4b:s12+s2], $0x80, v19, vm0, $0xb8;
	[tilespmem:$0x1A500] =	vst v63  }
0x262: {  	v47 =	vperm.xlane v18, v12;
	v19 =	vadd.s32 v4, v46;
	s28 =	simm.s32 $0x6080  }
0x263: {  	[tilespmem:s28], [sflag:$0x1] =	stream.indirect_vreg.gather [hbm4b:s12+s2], $0x80, v43, vm0, $0xb8;
	[tilespmem:$0x1A500] =	vst v63  }
0x264: {  	v49 =	vperm.xlane v18, v13;
	v48 =	vadd.s32 v4, v47;
	s28 =	simm.s32 $0x6100  }
0x265: {  	[tilespmem:s28], [sflag:$0x1] =	stream.indirect_vreg.gather [hbm4b:s12+s2], $0x80, v45, vm0, $0xb8;
	[tilespmem:$0x1A500] =	vst v63  }
0x266: {  	v51 =	vperm.xlane v18, v14;
	v50 =	vadd.s32 v4, v49;
	s28 =	simm.s32 $0x6180  }
0x267: {  	[tilespmem:s28], [sflag:$0x1] =	stream.indirect_vreg.gather [hbm4b:s12+s2], $0x80, v19, vm0, $0xb8;
	[tilespmem:$0x1A500] =	vst v63  }
0x268: {  	v52 =	vperm.xlane v18, v15;
	v19 =	vadd.s32 v4, v51;
	s28 =	simm.s32 $0x6200  }
0x269: {  	[tilespmem:s28], [sflag:$0x1] =	stream.indirect_vreg.gather [hbm4b:s12+s2], $0x80, v48, vm0, $0xb8;
	[tilespmem:$0x1A500] =	vst v63  }
0x26a: {  	v54 =	vperm.xlane v18, v16;
	v53 =	vadd.s32 v4, v52;
	s28 =	simm.s32 $0x6280  }
0x26b: {  	[tilespmem:s28], [sflag:$0x1] =	stream.indirect_vreg.gather [hbm4b:s12+s2], $0x80, v50, vm0, $0xb8;
	[tilespmem:$0x1A500] =	vst v63  }
0x26c: {  	v18 =	vperm.xlane v18, v17;
	v55 =	vadd.s32 v4, v54;
	s28 =	simm.s32 $0x6300  }
0x26d: {  	[tilespmem:s28], [sflag:$0x1] =	stream.indirect_vreg.gather [hbm4b:s12+s2], $0x80, v19, vm0, $0xb8;
	[tilespmem:$0x1A500] =	vst v63  }
0x26e: {  	v18 =	vadd.s32 v4, v18;
	s28 =	simm.s32 $0x6380  }
0x26f: {  	[tilespmem:s28], [sflag:$0x1] =	stream.indirect_vreg.gather [hbm4b:s12+s2], $0x80, v53, vm0, $0xb8;
	[tilespmem:$0x1A500] =	vst v63  }
0x270: {  	s28 =	simm.s32 $0x6400  }
0x271: {  	[tilespmem:s28], [sflag:$0x1] =	stream.indirect_vreg.gather [hbm4b:s12+s2], $0x80, v55, vm0, $0xb8;
	[tilespmem:$0x1A500] =	vst v63  }
0x272: {  	s28 =	simm.s32 $0x6480  }
0x273: {  	[tilespmem:s28], [sflag:$0x1] =	stream.indirect_vreg.gather [hbm4b:s12+s2], $0x80, v18, vm0, $0xb8;
	[tilespmem:$0x1A500] =	vst v63  }
0x274: {  	v18 =	vld [tilespmem:$0x3C0];
	_ =	sdelay $0x4  }
0x275: {  	v19 =	vshll.u32 v18, $0x1  }
0x276: {  	v18 =	vand.u32 $0x7, v18;
	v19 =	vand.u32 $0xFFFFFFF0, v19  }
0x277: {  	v18 =	vor.u32 v18, v19  }
0x278: {  	v19 =	vperm.xlane v18, v3;
	_ =	sdelay $0x1  }
0x279: {  	v56 =	vperm.xlane v18, v2;
	v19 =	vadd.s32 v4, v19;
	_ =	sdelay $0x1  }
0x27a: {  	v57 =	vperm.xlane v18, v5;
	v20 =	vadd.s32 v4, v56;
	_ =	sdelay $0x1  }
0x27b: {  	s28 =	simm.s32 $0x6500;
	v58 =	vperm.xlane v18, v6;
	v21 =	vadd.s32 v4, v57  }
0x27c: {  	[tilespmem:s28], [sflag:$0x1] =	stream.indirect_vreg.gather [hbm4b:s12+s2], $0x80, v19, vm0, $0xb8;
	[tilespmem:$0x1A500] =	vst v63  }
0x27d: {  	v59 =	vperm.xlane v18, v7;
	v19 =	vadd.s32 v4, v58;
	s28 =	simm.s32 $0x6580  }
0x27e: {  	[tilespmem:s28], [sflag:$0x1] =	stream.indirect_vreg.gather [hbm4b:s12+s2], $0x80, v20, vm0, $0xb8;
	[tilespmem:$0x1A500] =	vst v63  }
0x27f: {  	v61 =	vperm.xlane v18, v8;
	v60 =	vadd.s32 v4, v59;
	s28 =	simm.s32 $0x6600  }
0x280: {  	[tilespmem:s28], [sflag:$0x1] =	stream.indirect_vreg.gather [hbm4b:s12+s2], $0x80, v21, vm0, $0xb8;
	[tilespmem:$0x1A500] =	vst v63  }
0x281: {  	v63 =	vperm.xlane v18, v9;
	v62 =	vadd.s32 v4, v61;
	s28 =	simm.s32 $0x6680  }
0x282: {  	[tilespmem:s28], [sflag:$0x1] =	stream.indirect_vreg.gather [hbm4b:s12+s2], $0x80, v19, vm0, $0xb8;
	[tilespmem:$0x1A500] =	vst v63  }
0x283: {  	v24 =	vperm.xlane v18, v1;
	v19 =	vadd.s32 v4, v63;
	s28 =	simm.s32 $0x6700  }
0x284: {  	[tilespmem:s28], [sflag:$0x1] =	stream.indirect_vreg.gather [hbm4b:s12+s2], $0x80, v60, vm0, $0xb8;
	[tilespmem:$0x1A500] =	vst v63  }
0x285: {  	v26 =	vperm.xlane v18, v10;
	v25 =	vadd.s32 v4, v24;
	s28 =	simm.s32 $0x6780  }
0x286: {  	[tilespmem:s28], [sflag:$0x1] =	stream.indirect_vreg.gather [hbm4b:s12+s2], $0x80, v62, vm0, $0xb8;
	[tilespmem:$0x1A500] =	vst v63  }
0x287: {  	v28 =	vperm.xlane v18, v11;
	v27 =	vadd.s32 v4, v26;
	s28 =	simm.s32 $0x6800  }
0x288: {  	[tilespmem:s28], [sflag:$0x1] =	stream.indirect_vreg.gather [hbm4b:s12+s2], $0x80, v19, vm0, $0xb8;
	[tilespmem:$0x1A500] =	vst v63  }
0x289: {  	v29 =	vperm.xlane v18, v12;
	v19 =	vadd.s32 v4, v28;
	s28 =	simm.s32 $0x6880  }
0x28a: {  	[tilespmem:s28], [sflag:$0x1] =	stream.indirect_vreg.gather [hbm4b:s12+s2], $0x80, v25, vm0, $0xb8;
	[tilespmem:$0x1A500] =	vst v63  }
0x28b: {  	v31 =	vperm.xlane v18, v13;
	v30 =	vadd.s32 v4, v29;
	s28 =	simm.s32 $0x6900  }
0x28c: {  	[tilespmem:s28], [sflag:$0x1] =	stream.indirect_vreg.gather [hbm4b:s12+s2], $0x80, v27, vm0, $0xb8;
	[tilespmem:$0x1A500] =	vst v63  }
0x28d: {  	v33 =	vperm.xlane v18, v14;
	v32 =	vadd.s32 v4, v31;
	s28 =	simm.s32 $0x6980  }
0x28e: {  	[tilespmem:s28], [sflag:$0x1] =	stream.indirect_vreg.gather [hbm4b:s12+s2], $0x80, v19, vm0, $0xb8;
	[tilespmem:$0x1A500] =	vst v63  }
0x28f: {  	v34 =	vperm.xlane v18, v15;
	v19 =	vadd.s32 v4, v33;
	s28 =	simm.s32 $0x6A00  }
0x290: {  	[tilespmem:s28], [sflag:$0x1] =	stream.indirect_vreg.gather [hbm4b:s12+s2], $0x80, v30, vm0, $0xb8;
	[tilespmem:$0x1A500] =	vst v63  }
0x291: {  	v36 =	vperm.xlane v18, v16;
	v35 =	vadd.s32 v4, v34;
	s28 =	simm.s32 $0x6A80  }
0x292: {  	[tilespmem:s28], [sflag:$0x1] =	stream.indirect_vreg.gather [hbm4b:s12+s2], $0x80, v32, vm0, $0xb8;
	[tilespmem:$0x1A500] =	vst v63  }
0x293: {  	v18 =	vperm.xlane v18, v17;
	v37 =	vadd.s32 v4, v36;
	s28 =	simm.s32 $0x6B00  }
0x294: {  	[tilespmem:s28], [sflag:$0x1] =	stream.indirect_vreg.gather [hbm4b:s12+s2], $0x80, v19, vm0, $0xb8;
	[tilespmem:$0x1A500] =	vst v63  }
0x295: {  	v18 =	vadd.s32 v4, v18;
	s28 =	simm.s32 $0x6B80  }
0x296: {  	[tilespmem:s28], [sflag:$0x1] =	stream.indirect_vreg.gather [hbm4b:s12+s2], $0x80, v35, vm0, $0xb8;
	[tilespmem:$0x1A500] =	vst v63  }
0x297: {  	s28 =	simm.s32 $0x6C00  }
0x298: {  	[tilespmem:s28], [sflag:$0x1] =	stream.indirect_vreg.gather [hbm4b:s12+s2], $0x80, v37, vm0, $0xb8;
	[tilespmem:$0x1A500] =	vst v63  }
0x299: {  	s28 =	simm.s32 $0x6C80  }
0x29a: {  	[tilespmem:s28], [sflag:$0x1] =	stream.indirect_vreg.gather [hbm4b:s12+s2], $0x80, v18, vm0, $0xb8;
	[tilespmem:$0x1A500] =	vst v63  }
0x29b: {  	v18 =	vld [tilespmem:$0x3D0];
	_ =	sdelay $0x4  }
0x29c: {  	v19 =	vshll.u32 v18, $0x1  }
0x29d: {  	v18 =	vand.u32 $0x7, v18;
	v19 =	vand.u32 $0xFFFFFFF0, v19  }
0x29e: {  	v18 =	vor.u32 v18, v19  }
0x29f: {  	v19 =	vperm.xlane v18, v3;
	_ =	sdelay $0x1  }
0x2a0: {  	v38 =	vperm.xlane v18, v2;
	v19 =	vadd.s32 v4, v19;
	_ =	sdelay $0x1  }
0x2a1: {  	v39 =	vperm.xlane v18, v5;
	v20 =	vadd.s32 v4, v38;
	_ =	sdelay $0x1  }
0x2a2: {  	s28 =	simm.s32 $0x6D00;
	v40 =	vperm.xlane v18, v6;
	v21 =	vadd.s32 v4, v39  }
0x2a3: {  	[tilespmem:s28], [sflag:$0x1] =	stream.indirect_vreg.gather [hbm4b:s12+s2], $0x80, v19, vm0, $0xb8;
	[tilespmem:$0x1A500] =	vst v63  }
0x2a4: {  	v41 =	vperm.xlane v18, v7;
	v19 =	vadd.s32 v4, v40;
	s28 =	simm.s32 $0x6D80  }
0x2a5: {  	[tilespmem:s28], [sflag:$0x1] =	stream.indirect_vreg.gather [hbm4b:s12+s2], $0x80, v20, vm0, $0xb8;
	[tilespmem:$0x1A500] =	vst v63  }
0x2a6: {  	v43 =	vperm.xlane v18, v8;
	v42 =	vadd.s32 v4, v41;
	s28 =	simm.s32 $0x6E00  }
0x2a7: {  	[tilespmem:s28], [sflag:$0x1] =	stream.indirect_vreg.gather [hbm4b:s12+s2], $0x80, v21, vm0, $0xb8;
	[tilespmem:$0x1A500] =	vst v63  }
0x2a8: {  	v45 =	vperm.xlane v18, v9;
	v44 =	vadd.s32 v4, v43;
	s28 =	simm.s32 $0x6E80  }
0x2a9: {  	[tilespmem:s28], [sflag:$0x1] =	stream.indirect_vreg.gather [hbm4b:s12+s2], $0x80, v19, vm0, $0xb8;
	[tilespmem:$0x1A500] =	vst v63  }
0x2aa: {  	v46 =	vperm.xlane v18, v1;
	v19 =	vadd.s32 v4, v45;
	s28 =	simm.s32 $0x6F00  }
0x2ab: {  	[tilespmem:s28], [sflag:$0x1] =	stream.indirect_vreg.gather [hbm4b:s12+s2], $0x80, v42, vm0, $0xb8;
	[tilespmem:$0x1A500] =	vst v63  }
0x2ac: {  	v48 =	vperm.xlane v18, v10;
	v47 =	vadd.s32 v4, v46;
	s28 =	simm.s32 $0x6F80  }
0x2ad: {  	[tilespmem:s28], [sflag:$0x1] =	stream.indirect_vreg.gather [hbm4b:s12+s2], $0x80, v44, vm0, $0xb8;
	[tilespmem:$0x1A500] =	vst v63  }
0x2ae: {  	v50 =	vperm.xlane v18, v11;
	v49 =	vadd.s32 v4, v48;
	s28 =	simm.s32 $0x7000  }
0x2af: {  	[tilespmem:s28], [sflag:$0x1] =	stream.indirect_vreg.gather [hbm4b:s12+s2], $0x80, v19, vm0, $0xb8;
	[tilespmem:$0x1A500] =	vst v63  }
0x2b0: {  	v51 =	vperm.xlane v18, v12;
	v19 =	vadd.s32 v4, v50;
	s28 =	simm.s32 $0x7080  }
0x2b1: {  	[tilespmem:s28], [sflag:$0x1] =	stream.indirect_vreg.gather [hbm4b:s12+s2], $0x80, v47, vm0, $0xb8;
	[tilespmem:$0x1A500] =	vst v63  }
0x2b2: {  	v53 =	vperm.xlane v18, v13;
	v52 =	vadd.s32 v4, v51;
	s28 =	simm.s32 $0x7100  }
0x2b3: {  	[tilespmem:s28], [sflag:$0x1] =	stream.indirect_vreg.gather [hbm4b:s12+s2], $0x80, v49, vm0, $0xb8;
	[tilespmem:$0x1A500] =	vst v63  }
0x2b4: {  	v55 =	vperm.xlane v18, v14;
	v54 =	vadd.s32 v4, v53;
	s28 =	simm.s32 $0x7180  }
0x2b5: {  	[tilespmem:s28], [sflag:$0x1] =	stream.indirect_vreg.gather [hbm4b:s12+s2], $0x80, v19, vm0, $0xb8;
	[tilespmem:$0x1A500] =	vst v63  }
0x2b6: {  	v56 =	vperm.xlane v18, v15;
	v19 =	vadd.s32 v4, v55;
	s28 =	simm.s32 $0x7200  }
0x2b7: {  	[tilespmem:s28], [sflag:$0x1] =	stream.indirect_vreg.gather [hbm4b:s12+s2], $0x80, v52, vm0, $0xb8;
	[tilespmem:$0x1A500] =	vst v63  }
0x2b8: {  	v58 =	vperm.xlane v18, v16;
	v57 =	vadd.s32 v4, v56;
	s28 =	simm.s32 $0x7280  }
0x2b9: {  	[tilespmem:s28], [sflag:$0x1] =	stream.indirect_vreg.gather [hbm4b:s12+s2], $0x80, v54, vm0, $0xb8;
	[tilespmem:$0x1A500] =	vst v63  }
0x2ba: {  	v18 =	vperm.xlane v18, v17;
	v59 =	vadd.s32 v4, v58;
	s28 =	simm.s32 $0x7300  }
0x2bb: {  	[tilespmem:s28], [sflag:$0x1] =	stream.indirect_vreg.gather [hbm4b:s12+s2], $0x80, v19, vm0, $0xb8;
	[tilespmem:$0x1A500] =	vst v63  }
0x2bc: {  	v18 =	vadd.s32 v4, v18;
	s28 =	simm.s32 $0x7380  }
0x2bd: {  	[tilespmem:s28], [sflag:$0x1] =	stream.indirect_vreg.gather [hbm4b:s12+s2], $0x80, v57, vm0, $0xb8;
	[tilespmem:$0x1A500] =	vst v63  }
0x2be: {  	s28 =	simm.s32 $0x7400  }
0x2bf: {  	[tilespmem:s28], [sflag:$0x1] =	stream.indirect_vreg.gather [hbm4b:s12+s2], $0x80, v59, vm0, $0xb8;
	[tilespmem:$0x1A500] =	vst v63  }
0x2c0: {  	s28 =	simm.s32 $0x7480  }
0x2c1: {  	[tilespmem:s28], [sflag:$0x1] =	stream.indirect_vreg.gather [hbm4b:s12+s2], $0x80, v18, vm0, $0xb8;
	[tilespmem:$0x1A500] =	vst v63  }
0x2c2: {  	v18 =	vld [tilespmem:$0x3E0];
	_ =	sdelay $0x4  }
0x2c3: {  	v19 =	vshll.u32 v18, $0x1  }
0x2c4: {  	v18 =	vand.u32 $0x7, v18;
	v19 =	vand.u32 $0xFFFFFFF0, v19  }
0x2c5: {  	v18 =	vor.u32 v18, v19  }
0x2c6: {  	v19 =	vperm.xlane v18, v3;
	_ =	sdelay $0x1  }
0x2c7: {  	v60 =	vperm.xlane v18, v2;
	v19 =	vadd.s32 v4, v19;
	_ =	sdelay $0x1  }
0x2c8: {  	v61 =	vperm.xlane v18, v5;
	v20 =	vadd.s32 v4, v60;
	_ =	sdelay $0x1  }
0x2c9: {  	s28 =	simm.s32 $0x7500;
	v62 =	vperm.xlane v18, v6;
	v21 =	vadd.s32 v4, v61  }
0x2ca: {  	[tilespmem:s28], [sflag:$0x1] =	stream.indirect_vreg.gather [hbm4b:s12+s2], $0x80, v19, vm0, $0xb8;
	[tilespmem:$0x1A500] =	vst v63  }
0x2cb: {  	v63 =	vperm.xlane v18, v7;
	v19 =	vadd.s32 v4, v62;
	s28 =	simm.s32 $0x7580  }
0x2cc: {  	[tilespmem:s28], [sflag:$0x1] =	stream.indirect_vreg.gather [hbm4b:s12+s2], $0x80, v20, vm0, $0xb8;
	[tilespmem:$0x1A500] =	vst v63  }
0x2cd: {  	v25 =	vperm.xlane v18, v8;
	v24 =	vadd.s32 v4, v63;
	s28 =	simm.s32 $0x7600  }
0x2ce: {  	[tilespmem:s28], [sflag:$0x1] =	stream.indirect_vreg.gather [hbm4b:s12+s2], $0x80, v21, vm0, $0xb8;
	[tilespmem:$0x1A500] =	vst v63  }
0x2cf: {  	v27 =	vperm.xlane v18, v9;
	v26 =	vadd.s32 v4, v25;
	s28 =	simm.s32 $0x7680  }
0x2d0: {  	[tilespmem:s28], [sflag:$0x1] =	stream.indirect_vreg.gather [hbm4b:s12+s2], $0x80, v19, vm0, $0xb8;
	[tilespmem:$0x1A500] =	vst v63  }
0x2d1: {  	v28 =	vperm.xlane v18, v1;
	v19 =	vadd.s32 v4, v27;
	s28 =	simm.s32 $0x7700  }
0x2d2: {  	[tilespmem:s28], [sflag:$0x1] =	stream.indirect_vreg.gather [hbm4b:s12+s2], $0x80, v24, vm0, $0xb8;
	[tilespmem:$0x1A500] =	vst v63  }
0x2d3: {  	v30 =	vperm.xlane v18, v10;
	v29 =	vadd.s32 v4, v28;
	s28 =	simm.s32 $0x7780  }
0x2d4: {  	[tilespmem:s28], [sflag:$0x1] =	stream.indirect_vreg.gather [hbm4b:s12+s2], $0x80, v26, vm0, $0xb8;
	[tilespmem:$0x1A500] =	vst v63  }
0x2d5: {  	v32 =	vperm.xlane v18, v11;
	v31 =	vadd.s32 v4, v30;
	s28 =	simm.s32 $0x7800  }
0x2d6: {  	[tilespmem:s28], [sflag:$0x1] =	stream.indirect_vreg.gather [hbm4b:s12+s2], $0x80, v19, vm0, $0xb8;
	[tilespmem:$0x1A500] =	vst v63  }
0x2d7: {  	v33 =	vperm.xlane v18, v12;
	v19 =	vadd.s32 v4, v32;
	s28 =	simm.s32 $0x7880  }
0x2d8: {  	[tilespmem:s28], [sflag:$0x1] =	stream.indirect_vreg.gather [hbm4b:s12+s2], $0x80, v29, vm0, $0xb8;
	[tilespmem:$0x1A500] =	vst v63  }
0x2d9: {  	v35 =	vperm.xlane v18, v13;
	v34 =	vadd.s32 v4, v33;
	s28 =	simm.s32 $0x7900  }
0x2da: {  	[tilespmem:s28], [sflag:$0x1] =	stream.indirect_vreg.gather [hbm4b:s12+s2], $0x80, v31, vm0, $0xb8;
	[tilespmem:$0x1A500] =	vst v63  }
0x2db: {  	v37 =	vperm.xlane v18, v14;
	v36 =	vadd.s32 v4, v35;
	s28 =	simm.s32 $0x7980  }
0x2dc: {  	[tilespmem:s28], [sflag:$0x1] =	stream.indirect_vreg.gather [hbm4b:s12+s2], $0x80, v19, vm0, $0xb8;
	[tilespmem:$0x1A500] =	vst v63  }
0x2dd: {  	v38 =	vperm.xlane v18, v15;
	v19 =	vadd.s32 v4, v37;
	s28 =	simm.s32 $0x7A00  }
0x2de: {  	[tilespmem:s28], [sflag:$0x1] =	stream.indirect_vreg.gather [hbm4b:s12+s2], $0x80, v34, vm0, $0xb8;
	[tilespmem:$0x1A500] =	vst v63  }
0x2df: {  	v40 =	vperm.xlane v18, v16;
	v39 =	vadd.s32 v4, v38;
	s28 =	simm.s32 $0x7A80  }
0x2e0: {  	[tilespmem:s28], [sflag:$0x1] =	stream.indirect_vreg.gather [hbm4b:s12+s2], $0x80, v36, vm0, $0xb8;
	[tilespmem:$0x1A500] =	vst v63  }
0x2e1: {  	v18 =	vperm.xlane v18, v17;
	v41 =	vadd.s32 v4, v40;
	s28 =	simm.s32 $0x7B00  }
0x2e2: {  	[tilespmem:s28], [sflag:$0x1] =	stream.indirect_vreg.gather [hbm4b:s12+s2], $0x80, v19, vm0, $0xb8;
	[tilespmem:$0x1A500] =	vst v63  }
0x2e3: {  	v18 =	vadd.s32 v4, v18  }
0x2e4: {  	[tilespmem:s6], [sflag:$0x1] =	stream.indirect_vreg.gather [hbm4b:s12+s2], $0x80, v39, vm0, $0xb8;
	[tilespmem:$0x1A500] =	vst v63  }
0x2e5: {  	_ = 	snop  }
0x2e6: {  	[tilespmem:s7], [sflag:$0x1] =	stream.indirect_vreg.gather [hbm4b:s12+s2], $0x80, v41, vm0, $0xb8;
	[tilespmem:$0x1A500] =	vst v63  }
0x2e7: {  	_ = 	snop  }
0x2e8: {  	[tilespmem:s9], [sflag:$0x1] =	stream.indirect_vreg.gather [hbm4b:s12+s2], $0x80, v18, vm0, $0xb8;
	[tilespmem:$0x1A500] =	vst v63  }
0x2e9: {  	v18 =	vld [tilespmem:$0x3F0];
	_ =	sdelay $0x4  }
0x2ea: {  	v19 =	vshll.u32 v18, $0x1  }
0x2eb: {  	v18 =	vand.u32 $0x7, v18;
	v19 =	vand.u32 $0xFFFFFFF0, v19  }
0x2ec: {  	v18 =	vor.u32 v18, v19  }
0x2ed: {  	v19 =	vperm.xlane v18, v3;
	_ =	sdelay $0x1  }
0x2ee: {  	v42 =	vperm.xlane v18, v2;
	v19 =	vadd.s32 v4, v19;
	_ =	sdelay $0x1  }
0x2ef: {  	v43 =	vperm.xlane v18, v5;
	v20 =	vadd.s32 v4, v42;
	_ =	sdelay $0x1  }
0x2f0: {  	v44 =	vperm.xlane v18, v6;
	v21 =	vadd.s32 v4, v43  }
0x2f1: {  	[tilespmem:s8], [sflag:$0x1] =	stream.indirect_vreg.gather [hbm4b:s12+s2], $0x80, v19, vm0, $0xb8;
	[tilespmem:$0x1A500] =	vst v63  }
0x2f2: {  	s28 =	simm.s32 $0x7D80;
	v45 =	vperm.xlane v18, v7;
	v19 =	vadd.s32 v4, v44  }
0x2f3: {  	[tilespmem:s28], [sflag:$0x1] =	stream.indirect_vreg.gather [hbm4b:s12+s2], $0x80, v20, vm0, $0xb8;
	[tilespmem:$0x1A500] =	vst v63  }
0x2f4: {  	v47 =	vperm.xlane v18, v8;
	v46 =	vadd.s32 v4, v45  }
0x2f5: {  	[tilespmem:s30], [sflag:$0x1] =	stream.indirect_vreg.gather [hbm4b:s12+s2], $0x80, v21, vm0, $0xb8;
	[tilespmem:$0x1A500] =	vst v63  }
0x2f6: {  	v49 =	vperm.xlane v18, v9;
	v48 =	vadd.s32 v4, v47  }
0x2f7: {  	[tilespmem:s5], [sflag:$0x1] =	stream.indirect_vreg.gather [hbm4b:s12+s2], $0x80, v19, vm0, $0xb8;
	[tilespmem:$0x1A500] =	vst v63  }
0x2f8: {  	v50 =	vperm.xlane v18, v1;
	v19 =	vadd.s32 v4, v49  }
0x2f9: {  	[tilespmem:s3], [sflag:$0x1] =	stream.indirect_vreg.gather [hbm4b:s12+s2], $0x80, v46, vm0, $0xb8;
	[tilespmem:$0x1A500] =	vst v63  }
0x2fa: {  	v52 =	vperm.xlane v18, v10;
	v51 =	vadd.s32 v4, v50  }
0x2fb: {  	[tilespmem:s0], [sflag:$0x1] =	stream.indirect_vreg.gather [hbm4b:s12+s2], $0x80, v48, vm0, $0xb8;
	[tilespmem:$0x1A500] =	vst v63  }
0x2fc: {  	v54 =	vperm.xlane v18, v11;
	v53 =	vadd.s32 v4, v52  }
0x2fd: {  	[tilespmem:s31], [sflag:$0x1] =	stream.indirect_vreg.gather [hbm4b:s12+s2], $0x80, v19, vm0, $0xb8;
	[tilespmem:$0x1A500] =	vst v63  }
0x2fe: {  	v55 =	vperm.xlane v18, v12;
	v19 =	vadd.s32 v4, v54  }
0x2ff: {  	[tilespmem:s29], [sflag:$0x1] =	stream.indirect_vreg.gather [hbm4b:s12+s2], $0x80, v51, vm0, $0xb8;
	[tilespmem:$0x1A500] =	vst v63  }
0x300: {  	v57 =	vperm.xlane v18, v13;
	v56 =	vadd.s32 v4, v55;
	s28 =	simm.s32 $0x8100  }
0x301: {  	[tilespmem:s28], [sflag:$0x1] =	stream.indirect_vreg.gather [hbm4b:s12+s2], $0x80, v53, vm0, $0xb8;
	[tilespmem:$0x1A500] =	vst v63  }
0x302: {  	v59 =	vperm.xlane v18, v14;
	v58 =	vadd.s32 v4, v57;
	s28 =	simm.s32 $0x8180  }
0x303: {  	[tilespmem:s28], [sflag:$0x1] =	stream.indirect_vreg.gather [hbm4b:s12+s2], $0x80, v19, vm0, $0xb8;
	[tilespmem:$0x1A500] =	vst v63  }
0x304: {  	v60 =	vperm.xlane v18, v15;
	v19 =	vadd.s32 v4, v59;
	s28 =	simm.s32 $0x8200  }
0x305: {  	[tilespmem:s28], [sflag:$0x1] =	stream.indirect_vreg.gather [hbm4b:s12+s2], $0x80, v56, vm0, $0xb8;
	[tilespmem:$0x1A500] =	vst v63  }
0x306: {  	v62 =	vperm.xlane v18, v16;
	v61 =	vadd.s32 v4, v60;
	s28 =	simm.s32 $0x8280  }
0x307: {  	[tilespmem:s28], [sflag:$0x1] =	stream.indirect_vreg.gather [hbm4b:s12+s2], $0x80, v58, vm0, $0xb8;
	[tilespmem:$0x1A500] =	vst v63  }
0x308: {  	v18 =	vperm.xlane v18, v17;
	v63 =	vadd.s32 v4, v62  }
0x309: {  	[tilespmem:s10], [sflag:$0x1] =	stream.indirect_vreg.gather [hbm4b:s12+s2], $0x80, v19, vm0, $0xb8;
	[tilespmem:$0x1A500] =	vst v63  }
0x30a: {  	v18 =	vadd.s32 v4, v18  }
0x30b: {  	[tilespmem:s11], [sflag:$0x1] =	stream.indirect_vreg.gather [hbm4b:s12+s2], $0x80, v61, vm0, $0xb8;
	[tilespmem:$0x1A500] =	vst v63  }
0x30c: {  	_ = 	snop  }
0x30d: {  	[tilespmem:s13], [sflag:$0x1] =	stream.indirect_vreg.gather [hbm4b:s12+s2], $0x80, v63, vm0, $0xb8;
	[tilespmem:$0x1A500] =	vst v63  }
0x30e: {  	_ = 	snop  }
0x30f: {  	[tilespmem:s4], [sflag:$0x1] =	stream.indirect_vreg.gather [hbm4b:s12+s2], $0x80, v18, vm0, $0xb8;
	[tilespmem:$0x1A500] =	vst v63  }
0x310: {  	_ =	swait.ge [sflag:s22], $0x4000  }
0x311: {  	[sflag:s22] =	ssyncset.done $0x0  }
0x312: {  	[sflag:s22] =	ssyncadd.s32 $0xFFFFC000  }
0x313: {  	_ =	swait.ge [sflag:s22], $0x4000  }
0x314: {  	[sflag:s22] =	ssyncset.done $0x0  }
0x315: {  	[sflag:s22] =	ssyncadd.s32 $0xFFFFC000  }
0x316: {  	[spmem:s1] =	stream.indirect.scatter.add.f32 [tilespmem:s23], [sflag:$0x1], $0x80, s20, s18, $0xb8;
	[tilespmem:$0x1A500] =	vst v63  }
0x317: {  	_ = 	snop  }
0x318: {  	[spmem:s1] =	stream.indirect.scatter.add.f32 [tilespmem:s14], [sflag:$0x1], $0x80, s21, s18, $0xb8;
	[tilespmem:$0x1A500] =	vst v63  }
0x319: {  	_ =	swait.ge [sflag:s22], $0x4000  }
.Ltmp6:
0x31a: {  	[sflag:s22] =	ssyncset.done $0x0;
	(pc) =	sbr.rel .LBB2_6-.Ltmp6, $4  }
0x31b: {  	[sflag:s22] =	ssyncadd.s32 $0xFFFFC000  }
0x31c: {  	_ =	swait.ge [sflag:s22], $0x4000  }
0x31d: {  	[sflag:s22] =	ssyncset.done $0x0  }
0x31e: {  	[sflag:s22] =	ssyncadd.s32 $0xFFFFC000  }
.LBB2_8:
0x31f: {  	_ =	sfence.sel $0x180000  }
0x320: {  	[bflag:$0x0] =	sbarrier.arrive $0xFFFF  }
0x321: {  	_ =	strace $0x9000004A  }
0x322: {  	s0 =	stileid.u32;
	[bflag:$0x2] =	sbarrier.arrive $0xFFFF  }
0x323: {  	p0 =	sne.s32 s0, $0x0;
	s0 =	rddreg [dreg:$0x5]  }
0x324: {  	s0 =	sadd.s32 @!p0 $0x100000, s0  }
0x325: {  	[sflag:s0] =	ssyncadd.tile.s32 @!p0 $0x1;
	_ =	shalt  }
.Lfunc_end2:
_tile_overlayer_lowered:
.L_overlay_start_2:
0x326: {  	(tag) =	ssettag $0x2  }
0x327: {  	s0 =	rddreg [dreg:$0x0];
	s2 =	stileid.u32  }
0x328: {  	s1 =	rddreg [dreg:$0x1];
	p0 =	sne.s32 s2, $0x0  }
0x329: {  	s3 =	rddreg [dreg:$0x2];
	[bflag:$0x3] =	sbarrier.arrive $0xFFFF;
	s2 =	simm.s32 @!p0 $0x1C02  }
0x32a: {  	[timem:s3], [sflag:s2] =	dma.local @!p0 [hbm:s0], s1  }
0x32b: {  	s0 =	simm.s32 @!p0 $0x2  }
0x32c: {  	_ =	swait.ge @!p0 [sflag:s0], s1  }
0x32d: {  	s1 =	ssub.s32 @!p0 $0x0, s1;
	[sflag:s0] =	ssyncset.done @!p0 $0x0  }
0x32e: {  	[sflag:s0] =	ssyncadd.s32 @!p0 s1  }
0x32f: {  	[bflag:$0x3] =	sbarrier.arrive $0xFFFF  }
0x330: {  	_ =	shalt  }

// kernel: kernel.7.cloned.1.call-start
scs
__scs_entry_jumppad:
0x0: {  	(pc) =	sbr.rel $0x88, $3  }
0x1: {  	(tag) =	ssettag $0x0;
	lr =	simm.s32 $0x1  }
0x2: {  	[smem:$0x3F9B] =	sst lr;
	_ =	strace $0xD0000000  }
0x3: {  	_ = 	snop  }
0x4: {  	_ = 	snop  }
0x5: {  	_ = 	snop  }
0x6: {  	_ = 	snop  }
0x7: {  	_ = 	snop  }
__scs_overlays_trampoline_lowered:
0x8: {  	[smem:$0x3FAA] =	sst s0  }
0x9: {  	[smem:$0x3FAB] =	sst s1  }
0xa: {  	[smem:$0x3FAC] =	sst s2  }
0xb: {  	[smem:$0x3FAD] =	sst s3  }
0xc: {  	[smem:$0x3FAE] =	sst s4  }
0xd: {  	[smem:$0x3FAF] =	sst s5  }
0xe: {  	[smem:$0x3FB0] =	sst s6  }
0xf: {  	[smem:$0x3FB1] =	sst s7  }
0x10: {  	[smem:$0x3FB2] =	sst s8  }
0x11: {  	[smem:$0x3FB3] =	sst s9;
	s0 =	simm.s32 @!p0 $0x0  }
0x12: {  	s1 =	sld [smem:$0x3F99];
	s0 =	simm.s32 @p0 $0x1  }
0x13: {  	[smem:$0x3FB4] =	sst s0;
	s0 =	simm.s32 @!p1 $0x0  }
0x14: {  	s2 =	sld [smem:$0x3F98];
	s0 =	simm.s32 @p1 $0x1  }
0x15: {  	[smem:$0x3FB5] =	sst s0;
	s0 =	simm.s32 @!p2 $0x0  }
0x16: {  	s3 =	sld [smem:$0x3FDB];
	s0 =	simm.s32 @p2 $0x1  }
0x17: {  	s4 =	simm.s32 $0x1BF5;
	[smem:$0x3FB7] =	sst s0  }
0x18: {  	s0 =	sld [smem:$0x3F9A];
	_ =	swait.ge [sflag:s4], $0x0  }
0x19: {  	s7 =	sld [smem:$0x3F9B]  }
0x1a: {  	s8 =	sadd.s32 $0xFFFFE003, lr  }
0x1b: {  	s9 =	sadd.s32 $0xFFFFFEF7, lr;
	s5 =	simm.s32 $0xFFFFFFFF;
	p2 =	slt.u32 s8, $0xFFFFF086  }
0x1c: {  	p1 =	slt.u32 s9, $0xF7A;
	s5 =	simm.s32 @!p2 $0x0  }
0x1d: {  	s5 =	simm.s32 @p1 $0x1;
	p0 =	seq.s32 s7, s2  }
0x1e: {  	s7 =	smul.u32 @!p0 $0xF7A, s2;
	p2 =	seq.s32 @!p0 s5, $0x0  }
0x1f: {  	s9 =	smul.u32 $0xF7A, s1;
	s8 =	simm.s32 @!p0 $0x1BF5;
	p2 =	por !p2, p0  }
0x20: {  	[sflag:s8] =	ssyncset.s32 @!p0 $0xFFFFF086;
	s6 =	sadd.s32 @!p0 s3, s7;
	s7 =	simm.s32 @!p0 $0x108  }
0x21: {  	s3 =	sadd.s32 s3, s9;
	s6 =	sadd.s32 @!p0 $0x88, s6;
	s7 =	simm.s32 @p2 $0x1082  }
0x22: {  	[simem:s7], [sflag:s8] =	dma.local @!p0 [hbm:s6], $0xF7A  }
0x23: {  	s9 =	sor.u32 $0xD0000000, s2;
	s6 =	simm.s32 $0x108;
	_ =	swait.ge @!p0 [sflag:s8], $0x0  }
0x24: {  	s3 =	sadd.s32 $0x88, s3;
	s6 =	simm.s32 @!p1 $0x1082;
	[sflag:s4] =	ssyncset.s32 $0xFFFFF086  }
0x25: {  	[simem:s6], [sflag:s4] =	dma.local [hbm:s3], $0xF7A  }
0x26: {  	[smem:$0x3F9B] =	sst s1;
	(tag) =	ssettag s2;
	_ =	strace s9  }
0x27: {  	s1 =	sld [smem:$0x3FAB]  }
0x28: {  	s2 =	sld [smem:$0x3FAC]  }
0x29: {  	s4 =	sld [smem:$0x3FAE]  }
0x2a: {  	p0 =	seq.s32 s5, $0x0;
	s5 =	sld [smem:$0x3FAF]  }
0x2b: {  	s6 =	sld [smem:$0x3FB0]  }
0x2c: {  	s7 =	sld [smem:$0x3FB1]  }
0x2d: {  	s3 =	simm.s32 $0x108;
	s8 =	sld [smem:$0x3FB2]  }
0x2e: {  	s3 =	simm.s32 @!p0 $0x1082;
	s9 =	sld [smem:$0x3FB3]  }
0x2f: {  	lr =	sadd.s32 s0, s3;
	s0 =	sld [smem:$0x3FAA]  }
0x30: {  	s3 =	sld [smem:$0x3FAD]  }
0x31: {  	[smem:$0x3FB6] =	sst s10  }
0x32: {  	s10 =	sld [smem:$0x3FB4];
	_ =	sdelay $0x3  }
0x33: {  	p0 =	seq.s32 s10, $0x1;
	s10 =	sld [smem:$0x3FB6];
	_ =	sdelay $0x3  }
0x34: {  	[smem:$0x3FB6] =	sst s10  }
0x35: {  	s10 =	sld [smem:$0x3FB5];
	_ =	sdelay $0x3  }
0x36: {  	p1 =	seq.s32 s10, $0x1;
	s10 =	sld [smem:$0x3FB6];
	_ =	sdelay $0x3  }
0x37: {  	[smem:$0x3FB6] =	sst s10  }
0x38: {  	s10 =	sld [smem:$0x3FB7]  }
0x39: {  	_ = 	snop;
	(pc) =	sbr.ind lr, $3  }
0x3a: {  	_ = 	snop  }
0x3b: {  	_ = 	snop  }
0x3c: {  	p2 =	seq.s32 s10, $0x1;
	s10 =	sld [smem:$0x3FB6]  }
0x3d: {  	_ =	shalt  }
0x3e: {  	_ =	shalt  }
0x3f: {  	_ =	shalt  }
0x40: {  	_ =	shalt  }
0x41: {  	_ =	shalt  }
0x42: {  	_ =	shalt  }
0x43: {  	_ =	shalt  }
0x44: {  	_ =	shalt  }
0x45: {  	_ =	shalt  }
0x46: {  	_ =	shalt  }
0x47: {  	_ =	shalt  }
0x48: {  	_ =	shalt  }
0x49: {  	_ =	shalt  }
0x4a: {  	_ =	shalt  }
0x4b: {  	_ =	shalt  }
0x4c: {  	_ =	shalt  }
0x4d: {  	_ =	shalt  }
0x4e: {  	_ =	shalt  }
0x4f: {  	_ =	shalt  }
0x50: {  	_ =	shalt  }
0x51: {  	_ =	shalt  }
0x52: {  	_ =	shalt  }
0x53: {  	_ =	shalt  }
0x54: {  	_ =	shalt  }
0x55: {  	_ =	shalt  }
0x56: {  	_ =	shalt  }
0x57: {  	_ =	shalt  }
0x58: {  	_ =	shalt  }
0x59: {  	_ =	shalt  }
0x5a: {  	_ =	shalt  }
0x5b: {  	_ =	shalt  }
0x5c: {  	_ =	shalt  }
0x5d: {  	_ =	shalt  }
0x5e: {  	_ =	shalt  }
0x5f: {  	_ =	shalt  }
0x60: {  	_ =	shalt  }
0x61: {  	_ =	shalt  }
0x62: {  	_ =	shalt  }
0x63: {  	_ =	shalt  }
0x64: {  	_ =	shalt  }
0x65: {  	_ =	shalt  }
0x66: {  	_ =	shalt  }
0x67: {  	_ =	shalt  }
0x68: {  	_ =	shalt  }
0x69: {  	_ =	shalt  }
0x6a: {  	_ =	shalt  }
0x6b: {  	_ =	shalt  }
0x6c: {  	_ =	shalt  }
0x6d: {  	_ =	shalt  }
0x6e: {  	_ =	shalt  }
0x6f: {  	_ =	shalt  }
0x70: {  	_ =	shalt  }
0x71: {  	_ =	shalt  }
0x72: {  	_ =	shalt  }
0x73: {  	_ =	shalt  }
0x74: {  	_ =	shalt  }
0x75: {  	_ =	shalt  }
0x76: {  	_ =	shalt  }
0x77: {  	_ =	shalt  }
0x78: {  	_ =	shalt  }
0x79: {  	_ =	shalt  }
0x7a: {  	_ =	shalt  }
0x7b: {  	_ =	shalt  }
0x7c: {  	_ =	shalt  }
0x7d: {  	_ =	shalt  }
0x7e: {  	_ =	shalt  }
0x7f: {  	_ =	shalt  }
0x80: {  	_ =	shalt  }
0x81: {  	_ =	shalt  }
0x82: {  	_ =	shalt  }
0x83: {  	_ =	shalt  }
0x84: {  	_ =	shalt  }
0x85: {  	_ =	shalt  }
0x86: {  	_ =	shalt  }
0x87: {  	_ =	shalt  }
.Lfunc_end0:
.L_simem_size_0:
called_computation_lowered:
.L_overlay_start_0:
0x88: {  	s2 =	sld [smem:$0x3FD9]  }
0x89: {  	s3 =	sld [smem:$0x3FFE];
	_ =	sdelay $0x1  }
0x8a: {  	s1 =	srdreg.scid  }
0x8b: {  	s0 =	sand.u32 $0x1, s1  }
0x8c: {  	s14 =	sshll.u32 s0, $0xA;
	s2 =	sadd.s32 s3, s2  }
0x8d: {  	s2 =	sadd.s32 s2, s14  }
0x8e: {  	[smem:$0x3FC2] =	sst s2  }
0x8f: {  	_ = 	snop  }
0x90: {  	s2 =	sld [smem:$0x3FD0]  }
0x91: {  	s15 =	sld [smem:$0x3FC8]  }
0x92: {  	s4 =	sld [smem:$0x3FC7]  }
0x93: {  	s6 =	simm.s32 $0xA;
	s7 =	simm.s32 $0x10;
	s5 =	sld [smem:$0x3FC6]  }
0x94: {  	[smem:s7], [sflag:s6] =	dma.local [hbm:s2], $0x1  }
0x95: {  	_ =	swait.eq [sflag:s6], $0x1  }
0x96: {  	[sflag:s6] =	ssyncset.done $0x0  }
0x97: {  	s16 =	sld [smem:$0x10];
	[sflag:s6] =	ssyncadd.s32 $0xFFFFFFFF  }
0x98: {  	s17 =	sld [smem:$0x11];
	(tm) =	ssettm $0x1  }
0x99: {  	s18 =	sld [smem:$0x3FFB];
	_ =	sdelay $0x3  }
0x9a: {  	_ =	strace s18  }
0x9b: {  	s7 =	sld [smem:$0x3FFC];
	_ =	sdelay $0x3  }
0x9c: {  	_ =	strace s7  }
0x9d: {  	s7 =	sld [smem:$0x3FFD];
	_ =	sdelay $0x3  }
0x9e: {  	_ =	strace s7  }
0x9f: {  	_ =	strace $0x8FFFFFFF  }
0xa0: {  	s19 =	sld [smem:$0x3FDB];
	_ =	sdelay $0x1  }
0xa1: {  	s8 =	simm.s32 $_scs_section_size  }
0xa2: {  	s9 =	simm.s32 $_size__tile_overlayer_lowered;
	s10 =	simm.s32 $_tile_overlayer_lowered  }
0xa3: {  	s22 =	simm.s32 $0x1BFF;
	s21 =	sshll.u32 s10, $0x1;
	s7 =	sadd.s32 s8, s19  }
0xa4: {  	s11 =	simm.s32 $0x0;
	s20 =	sshll.u32 s9, $0x1;
	s9 =	sadd.s32 s21, s7  }
0xa5: {  	[timem:s11], [sflag:s22] =	dma.local [hbm:s9], s20  }
0xa6: {  	_ =	swait.ge [sflag:s22], s20  }
0xa7: {  	s8 =	ssub.s32 $0x0, s20;
	[sflag:s22] =	ssyncset.done $0x0  }
0xa8: {  	[sflag:s22] =	ssyncadd.s32 s8;
	_ =	sdelay $0x1  }
0xa9: {  	s23 =	simm.s32 $0x1B8B  }
0xaa: {  	_ =	swait.ge [sflag:s23], $0x1  }
0xab: {  	[sflag:s23] =	ssyncset.done $0x0  }
0xac: {  	s25 =	simm.s32 $0x1B8E;
	s24 =	sld [smem:$0x3FFE];
	[sflag:s23] =	ssyncadd.s32 $0xFFFFFFFF  }
0xad: {  	s26 =	simm.s32 $execute0_lowered;
	[smem:$0x3FD2] =	sst s25  }
0xae: {  	s9 =	sshll.u32 s26, $0x1;
	_ =	strace $0x80000046;
	[dreg:$0x1] =	wrdreg $0xFFFFFFFF  }
0xaf: {  	s28 =	simm.s32 $_size_execute0_lowered;
	s7 =	sadd.s32 s7, s9;
	[dreg:$0x0] =	wrdreg $0x0  }
0xb0: {  	s9 =	sshll.u32 s28, $0x1;
	[dreg:$0x2] =	wrdreg s7  }
0xb1: {  	[dreg:$0x3] =	wrdreg s9  }
0xb2: {  	[dreg:$0x4] =	wrdreg $0xC0  }
0xb3: {  	_ =	task [dreg:s11], $0x5FFFF  }
0xb4: {  	[dreg:$0x1] =	wrdreg $0xFFFFFFFF  }
0xb5: {  	[dreg:$0x0] =	wrdreg $0x60  }
0xb6: {  	[dreg:$0x2] =	wrdreg s24  }
0xb7: {  	[dreg:$0x3] =	wrdreg s15  }
0xb8: {  	[dreg:$0x4] =	wrdreg s4  }
0xb9: {  	[dreg:$0x5] =	wrdreg s5  }
0xba: {  	[dreg:$0x6] =	wrdreg s17  }
0xbb: {  	[dreg:$0x7] =	wrdreg s16  }
0xbc: {  	[dreg:$0x8] =	wrdreg $0x126800  }
0xbd: {  	[dreg:$0x9] =	wrdreg $0x166800  }
0xbe: {  	[dreg:$0xa] =	wrdreg $0x1A6800  }
0xbf: {  	[dreg:$0xb] =	wrdreg $0x1A7000  }
0xc0: {  	[dreg:$0xc] =	wrdreg $0x9  }
0xc1: {  	_ =	task.clear_ibuf [dreg:s11], $0xDFFFF;
	_ =	strace $0x90000046  }
0xc2: {  	s29 =	simm.s32 $0x9;
	_ =	strace $0x80000048  }
0xc3: {  	_ =	swait.ge [sflag:s29], $0x1  }
0xc4: {  	[sflag:s29] =	ssyncadd.s32 $0xFFFFFFFF  }
0xc5: {  	_ =	strace $0x90000048  }
0xc6: {  	_ =	sfence  }
0xc7: {  	s30 =	sld [smem:$0x0];
	_ =	sdelay $0x2  }
0xc8: {  	s31 =	sshll.u32 s1, $0xD;
	s1 =	sshrl.u32 s1, $0x2  }
0xc9: {  	s3 =	sand.u32 $0x4000, s31;
	s1 =	sadd.s32 s1, s30  }
0xca: {  	s0 =	sor.u32 s3, s0;
	s1 =	sshll.u32 s1, $0x11  }
0xcb: {  	s0 =	sor.u32 s1, s0  }
0xcc: {  	s0 =	sadd.s32 $0x8F2B, s0  }
0xcd: {  	[sflag:s0] =	ssyncadd.remote.s32 $0x1  }
0xce: {  	_ =	sfence.sel $0xFFFF  }
0xcf: {  	[dreg:$0x0] =	wrdreg $0xFFFFFFFF;
	(pc) =	sbr.abs _section_cstart, $3  }
0xd0: {  	[dreg:$0x1] =	wrdreg $0xFFFFFFFF  }
0xd1: {  	_ =	task.clear_ibuf [dreg:s11], $0x2FFFF;
	_ =	strace $0x9FFFFFFF  }
0xd2: {  	(tm) =	ssettm $0x7FFFFFFF  }
0xd3: {  	_ =	shalt  }
tec
execute0_lowered:
.L_overlay_start_1:
0x0: {  	(tag) =	ssettag $0x1  }
0x1: {  	s0 =	rddreg [dreg:$0x0]  }
0x2: {  	s4 =	rddreg [dreg:$0x1]  }
0x3: {  	s8 =	rddreg [dreg:$0x2]  }
0x4: {  	s9 =	rddreg [dreg:$0x3]  }
0x5: {  	s10 =	rddreg [dreg:$0x4]  }
0x6: {  	s11 =	rddreg [dreg:$0x5]  }
0x7: {  	s1 =	rddreg [dreg:$0x6]  }
0x8: {  	s2 =	rddreg [dreg:$0x7]  }
0x9: {  	s3 =	rddreg [dreg:$0x8]  }
0xa: {  	s5 =	rddreg [dreg:$0x9];
	s7 =	srdreg.scid  }
0xb: {  	s6 =	simm.s32 $0x0;
	s23 =	stileid.u32;
	s29 =	simm.s32 $0x2  }
0xc: {  	s30 =	simm.s32 $0xF780;
	s31 =	simm.s32 $0x80;
	s28 =	simm.s32 $0x10000  }
0xd: {  	s12 =	sand.u32 $0x1, s7;
	[smem:$0x7FF] =	sst s6;
	s21 =	sshll.u32 s23, $0xA  }
0xe: {  	s7 =	sadd.s32 $0x1A00, s0;
	s22 =	sshll.u32 s23, $0xE;
	s25 =	sshll.u32 s23, $0xC  }
0xf: {  	s26 =	sshll.u32 s23, $0x8;
	s13 =	sshll.u32 s12, $0x7;
	_ =	strace $0x80000047  }
0x10: {  	s15 =	ssub.s32 $0x2, s12;
	s17 =	sshll.u32 s12, $0x4;
	s18 =	sadd.s32 s22, s1  }
0x11: {  	s24 =	sor.u32 $0x2000, s22;
	s20 =	sshll.u32 s12, $0x10;
	s12 =	sshll.u32 s12, $0x9  }
0x12: {  	s14 =	sor.u32 s13, s21;
	s16 =	sshrl.u32 s15, $0x1;
	[dreg:$0xb] =	wrdreg s18  }
0x13: {  	s19 =	sadd.s32 s24, s1;
	s21 =	sshll.u32 s23, $0x9;
	s13 =	sor.u32 s13, s26  }
0x14: {  	s18 =	sadd.s32 s24, s2;
	s9 =	sadd.s32 s12, s9;
	s26 =	sshll.u32 s23, $0x5  }
0x15: {  	s8 =	sadd.s32 s12, s8;
	s4 =	sadd.s32 s12, s4;
	s14 =	sshrl.u32 s14, $0x3  }
0x16: {  	s15 =	ssub.s32 s15, s16;
	[dreg:$0xc] =	wrdreg s19;
	s19 =	sor.u32 s25, s20  }
0x17: {  	s16 =	sadd.s32 s22, s2;
	s20 =	sshrl.u32 s21, $0x2;
	[dreg:$0xe] =	wrdreg s18  }
0x18: {  	s22 =	sadd.s32 s21, s5;
	s24 =	sshrl.u32 s13, $0x3;
	s18 =	sadd.s32 s26, s9  }
0x19: {  	s9 =	simm.s32 $0x10080;
	s14 =	sadd.s32 s14, s0;
	[dreg:$0xd] =	wrdreg s16  }
0x1a: {  	s16 =	sadd.s32 s20, s3;
	s21 =	sadd.s32 s10, s19;
	[dreg:$0x10] =	wrdreg s22  }
0x1b: {  	s25 =	sadd.s32 $0x80, s22;
	s10 =	sadd.s32 s11, s24;
	[dreg:$0xf] =	wrdreg s16  }
0x1c: {  	s12 =	sadd.s32 $0x100, s22;
	s19 =	sadd.s32 s26, s8;
	[dreg:$0x12] =	wrdreg s25  }
0x1d: {  	s20 =	sadd.s32 s26, s4;
	s13 =	sadd.s32 $0x180, s22;
	[dreg:$0x13] =	wrdreg s10  }
0x1e: {  	s22 =	sadd.s32 $0x1A80, s0;
	s24 =	smax.u32 s15, $0x1;
	[dreg:$0x14] =	wrdreg s12  }
0x1f: {  	s0 =	simm.s32 $0x1;
	s4 =	simm.s32 $0x680;
	[dreg:$0x15] =	wrdreg s13  }
0x20: {  	v0 =	vimm.f32 $0.0e+00;
	v1 =	vimm.f32 $1.000000000e+00;
	v2 =	vimm.s32 $0x7;
	s8 =	simm.s32 $0xC680;
	s15 =	simm.s32 $0x0;
	[dreg:$0x17] =	wrdreg s24  }
0x21: {  	v3 =	vimm.s32 $0x1;
	v4 =	vimm.s32 $0x0;
	v5 =	vlaneseq.u32;
	s16 =	sadd.s32 $0x272A00, s14;
	s25 =	sor.u32 s17, s23;
	[dreg:$0x11] =	wrdreg s21  }
.Ltmp0:
0x22: {  	vm0 =	vmmov $0x1;
	v6 =	vimm.s32 $0x2;
	v7 =	vimm.s32 $0x3;
	s26 =	sadd.s32 $0x80, s21;
	s21 =	simm.s32 $0x100;
	(pc) =	sbr.rel .LBB2_1-.Ltmp0, $4  }
0x23: {  	v8 =	vimm.s32 $0x4;
	v9 =	vimm.s32 $0x5;
	v10 =	vimm.s32 $0x6;
	s23 =	simm.s32 $0x200;
	s24 =	simm.s32 $0x600;
	[dreg:$0x16] =	wrdreg s16  }
0x24: {  	v11 =	vimm.s32 $0x8;
	v12 =	vimm.s32 $0x9;
	v13 =	vimm.s32 $0xA;
	s14 =	simm.s32 $0x580;
	s12 =	simm.s32 $0x500;
	[dreg:$0x18] =	wrdreg s25  }
0x25: {  	v14 =	vimm.s32 $0xB;
	v15 =	vimm.s32 $0xC;
	v16 =	vimm.s32 $0xD;
	s10 =	simm.s32 $0xFF00;
	s13 =	simm.s32 $0xFF80;
	[dreg:$0x19] =	wrdreg s26  }
0x26: {  	v17 =	vimm.s32 $0xE;
	v18 =	vimm.s32 $0xF;
	v5 =	vmul.u32 $0x8, v5;
	s26 =	simm.s32 $0x4680;
	s16 =	simm.s32 $0x8680;
	s25 =	simm.s32 $0xFE80  }
.LBB2_7:
0x27: {  	s11 =	stileid.u32;
	[bflag:$0x0] =	sbarrier.arrive $0xFFFF;
	s23 =	simm.s32 $0x100  }
0x28: {  	s30 =	simm.s32 $0x8;
	s11 =	sshll.u32 s11, $0x6;
	s15 =	rddreg [dreg:$0xb]  }
0x29: {  	s17 =	rddreg [dreg:$0x11];
	s11 =	sor.u32 $0x1C02, s11;
	s15 =	sshrl.u32 s15, $0x3  }
0x2a: {  	[hbm:s17@s23], [sflag:s11] =	dma.strided [spmem:s15@s31], $0x800, s30, $0x10   }
0x2b: {  	_ =	swait.ge [sflag:s29], $0x800  }
0x2c: {  	[sflag:s29] =	ssyncset.done $0x0;
	s25 =	rddreg [dreg:$0xd]  }
0x2d: {  	s10 =	rddreg [dreg:$0x19];
	[sflag:s29] =	ssyncadd.s32 $0xFFFFF800;
	s15 =	sshrl.u32 s25, $0x3  }
0x2e: {  	[hbm:s10@s23], [sflag:s11] =	dma.strided [spmem:s15@s31], $0x800, s30, $0x10   }
0x2f: {  	_ =	swait.ge [sflag:s29], $0x800  }
0x30: {  	[sflag:s29] =	ssyncset.done $0x0;
	s17 =	rddreg [dreg:$0xf]  }
0x31: {  	s25 =	rddreg [dreg:$0x13];
	[sflag:s29] =	ssyncadd.s32 $0xFFFFF800;
	s15 =	sshrl.u32 s17, $0x3  }
0x32: {  	[hbm:s25], [sflag:s11] =	dma.local [spmem:s15], $0x10  }
0x33: {  	_ =	swait.ge [sflag:s29], $0x10  }
0x34: {  	s10 =	rddreg [dreg:$0x10]  }
0x35: {  	s25 =	simm.s32 $0x20;
	[sflag:s29] =	ssyncset.done $0x0;
	s17 =	rddreg [dreg:$0x16]  }
0x36: {  	[sflag:s29] =	ssyncadd.s32 $0xFFFFFFF0;
	s15 =	sshrl.u32 s10, $0x3;
	s10 =	simm.s32 $0x10  }
0x37: {  	[hbm:s17@s25], [sflag:s11] =	dma.strided [spmem:s15@s10], $0x40, s0, $0x10   }
0x38: {  	_ =	swait.ge [sflag:s29], $0x40  }
0x39: {  	s11 =	rddreg [dreg:$0x1a]  }
0x3a: {  	s17 =	rddreg [dreg:$0x17];
	s15 =	sadd.s32 $0x1, s11  }
0x3b: {  	p0 =	sne.s32 s15, s17  }
.Ltmp1:
0x3c: {  	_ = 	snop;
	(pc) =	sbr.rel @!p0 .LBB2_8-.Ltmp1, $4  }
0x3d: {  	_ = 	snop  }
0x3e: {  	s21 =	simm.s32 $0x100  }
0x3f: {  	s30 =	simm.s32 $0xF780;
	s23 =	simm.s32 $0x200;
	[sflag:s29] =	ssyncset.done $0x0  }
0x40: {  	s10 =	simm.s32 $0xFF00;
	s25 =	simm.s32 $0xFE80;
	[sflag:s29] =	ssyncadd.s32 $0xFFFFFFC0  }
.LBB2_1:
0x41: {  	[dreg:$0x1a] =	wrdreg s15;
	s11 =	simm.s32 $0x0;
	s15 =	simm.s32 $0x200  }
.LBB2_2:
0x42: {  	p0 =	sne.s32 s15, $0x7E00;
	[tilespmem:s11+$0x106F0] =	vst v0  }
0x43: {  	[tilespmem:s11+$0x10680] =	vst v0  }
0x44: {  	[tilespmem:s11+$0x10690] =	vst v0  }
.Ltmp2:
0x45: {  	[tilespmem:s11+$0x106A0] =	vst v0;
	(pc) =	sbr.rel @p0 .LBB2_2-.Ltmp2, $4  }
0x46: {  	[tilespmem:s11+$0x106B0] =	vst v0  }
0x47: {  	[tilespmem:s11+$0x106C0] =	vst v0  }
0x48: {  	[tilespmem:s11+$0x106D0] =	vst v0  }
0x49: {  	[tilespmem:s11+$0x106E0] =	vst v0;
	s11 =	sshra.s32 s15, $0x2;
	s15 =	sadd.s32 $0x200, s15  }
0x4a: {  	[tilespmem:s11+$0x106F0] =	vst v0  }
0x4b: {  	[tilespmem:s11+$0x10680] =	vst v0  }
0x4c: {  	[tilespmem:s11+$0x10690] =	vst v0  }
0x4d: {  	[tilespmem:s11+$0x106A0] =	vst v0  }
0x4e: {  	[tilespmem:s11+$0x106B0] =	vst v0  }
0x4f: {  	[tilespmem:s11+$0x106C0] =	vst v0  }
0x50: {  	[tilespmem:s11+$0x106D0] =	vst v0  }
0x51: {  	[tilespmem:s11+$0x106E0] =	vst v0  }
0x52: {  	[tilespmem:$0x600] =	vst v1  }
0x53: {  	[tilespmem:$0x610] =	vst v1  }
0x54: {  	[tilespmem:$0x620] =	vst v1  }
0x55: {  	[tilespmem:$0x630] =	vst v1  }
0x56: {  	[tilespmem:$0x640] =	vst v1  }
0x57: {  	[tilespmem:$0x650] =	vst v1  }
0x58: {  	[tilespmem:$0x660] =	vst v1  }
0x59: {  	s17 =	rddreg [dreg:$0xb];
	s15 =	simm.s32 $0x10680;
	[tilespmem:$0x670] =	vst v1  }
0x5a: {  	[spmem:s17] =	stream.linear.scatter [tilespmem:s15], [sflag:$0x2], $0x2000, $0x38;
	[tilespmem:$0x1A900] =	vst v63  }
0x5b: {  	_ =	swait.ge [sflag:s29], $0x2000  }
0x5c: {  	[sflag:s29] =	ssyncset.done $0x0  }
0x5d: {  	s17 =	rddreg [dreg:$0xc];
	[sflag:s29] =	ssyncadd.s32 $0xFFFFE000  }
0x5e: {  	[spmem:s17] =	stream.linear.scatter [tilespmem:s15], [sflag:$0x2], $0x2000, $0x38;
	[tilespmem:$0x1A900] =	vst v63  }
0x5f: {  	_ =	swait.ge [sflag:s29], $0x2000  }
0x60: {  	[sflag:s29] =	ssyncset.done $0x0  }
0x61: {  	s17 =	rddreg [dreg:$0xd];
	[sflag:s29] =	ssyncadd.s32 $0xFFFFE000  }
0x62: {  	[spmem:s17] =	stream.linear.scatter [tilespmem:s15], [sflag:$0x2], $0x2000, $0x38;
	[tilespmem:$0x1A900] =	vst v63  }
0x63: {  	_ =	swait.ge [sflag:s29], $0x2000  }
0x64: {  	[sflag:s29] =	ssyncset.done $0x0  }
0x65: {  	s17 =	rddreg [dreg:$0xe];
	[sflag:s29] =	ssyncadd.s32 $0xFFFFE000  }
0x66: {  	[spmem:s17] =	stream.linear.scatter [tilespmem:s15], [sflag:$0x2], $0x2000, $0x38;
	[tilespmem:$0x1A900] =	vst v63  }
0x67: {  	_ =	swait.ge [sflag:s29], $0x2000  }
0x68: {  	[sflag:s29] =	ssyncset.done $0x0  }
0x69: {  	s17 =	rddreg [dreg:$0xf];
	[sflag:s29] =	ssyncadd.s32 $0xFFFFE000  }
0x6a: {  	[spmem:s17] =	stream.linear.scatter [tilespmem:s15], [sflag:$0x2], $0x80, $0x38;
	[tilespmem:$0x1A900] =	vst v63  }
0x6b: {  	_ =	swait.ge [sflag:s29], $0x80  }
0x6c: {  	[sflag:s29] =	ssyncset.done $0x0  }
0x6d: {  	s17 =	rddreg [dreg:$0x10];
	[sflag:s29] =	ssyncadd.s32 $0xFFFFFF80  }
0x6e: {  	[spmem:s17] =	stream.linear.scatter [tilespmem:s15], [sflag:$0x2], $0x80, $0x38;
	[tilespmem:$0x1A900] =	vst v63  }
0x6f: {  	_ =	swait.ge [sflag:s29], $0x80  }
0x70: {  	[sflag:s29] =	ssyncset.done $0x0  }
0x71: {  	s17 =	simm.s32 $0x10700;
	s15 =	rddreg [dreg:$0x12];
	[sflag:s29] =	ssyncadd.s32 $0xFFFFFF80  }
0x72: {  	[spmem:s15] =	stream.linear.scatter [tilespmem:s17], [sflag:$0x2], $0x80, $0x38;
	[tilespmem:$0x1A900] =	vst v63  }
0x73: {  	_ =	swait.ge [sflag:s29], $0x80  }
0x74: {  	[sflag:s29] =	ssyncset.done $0x0  }
0x75: {  	s17 =	simm.s32 $0x10780;
	s15 =	rddreg [dreg:$0x14];
	[sflag:s29] =	ssyncadd.s32 $0xFFFFFF80  }
0x76: {  	[spmem:s15] =	stream.linear.scatter [tilespmem:s17], [sflag:$0x2], $0x80, $0x38;
	[tilespmem:$0x1A900] =	vst v63  }
0x77: {  	_ =	swait.ge [sflag:s29], $0x80  }
0x78: {  	[sflag:s29] =	ssyncset.done $0x0  }
0x79: {  	s17 =	simm.s32 $0x10800;
	s15 =	rddreg [dreg:$0x15];
	[sflag:s29] =	ssyncadd.s32 $0xFFFFFF80  }
0x7a: {  	[spmem:s15] =	stream.linear.scatter [tilespmem:s17], [sflag:$0x2], $0x80, $0x38;
	[tilespmem:$0x1A900] =	vst v63  }
.Ltmp3:
0x7b: {  	_ =	swait.ge [sflag:s29], $0x80;
	(pc) =	sbr.rel .LBB2_4-.Ltmp3, $4  }
0x7c: {  	[sflag:s29] =	ssyncset.done $0x0  }
0x7d: {  	[sflag:s29] =	ssyncadd.s32 $0xFFFFFF80  }
0x7e: {  	[bflag:$0x0] =	sbarrier.arrive $0xFFFF  }
0x7f: {  	s11 =	simm.s32 $0x0;
	s15 =	rddreg [dreg:$0x18]  }
.LBB2_6:
0x80: {  	s11 =	sadd.s32 $0x400, s11  }
0x81: {  	p0 =	sne.s32 s11, $0x5000  }
.Ltmp4:
0x82: {  	_ = 	snop;
	(pc) =	sbr.rel @!p0 .LBB2_7-.Ltmp4, $2  }
0x83: {  	_ =	sdelay $0x2  }
0x84: {  	s15 =	sadd.s32 $0x20, s15  }
.LBB2_4:
0x85: {  	p0 =	sgt.u32 s15, $0x270  }
.Ltmp5:
0x86: {  	_ = 	snop;
	(pc) =	sbr.rel @p0 .LBB2_6-.Ltmp5, $1  }
0x87: {  	_ =	sdelay $0x3  }
0x88: {  	s17 =	sadd.s32 s11, s20  }
0x89: {  	[tilespmem:s6], [sflag:$0x1] =	stream.linear.gather [hbm4b:s17+s6], $0x100, $0x38;
	[tilespmem:$0x1A900] =	vst v63  }
0x8a: {  	s17 =	sadd.s32 s11, s19  }
0x8b: {  	[tilespmem:s21], [sflag:$0x1] =	stream.linear.gather [hbm4b:s17+s6], $0x100, $0x38;
	[tilespmem:$0x1A900] =	vst v63  }
0x8c: {  	s17 =	sadd.s32 s11, s18  }
0x8d: {  	[tilespmem:s23], [sflag:$0x1] =	stream.linear.gather [hbm4b:s17+s6], $0x100, $0x38;
	[tilespmem:$0x1A900] =	vst v63  }
0x8e: {  	_ =	swait.ge [sflag:s0], $0x100  }
0x8f: {  	[sflag:s0] =	ssyncset.done $0x0  }
0x90: {  	[sflag:s0] =	ssyncadd.s32 $0xFFFFFF00  }
0x91: {  	_ =	swait.ge [sflag:s0], $0x100  }
0x92: {  	[sflag:s0] =	ssyncset.done $0x0  }
0x93: {  	[sflag:s0] =	ssyncadd.s32 $0xFFFFFF00  }
0x94: {  	_ =	swait.ge [sflag:s0], $0x100  }
0x95: {  	[sflag:s0] =	ssyncset.done $0x0  }
0x96: {  	[sflag:s0] =	ssyncadd.s32 $0xFFFFFF00  }
0x97: {  	v19 =	vld [tilespmem:$0x200]  }
0x98: {  	v20 =	vld [tilespmem:$0x0]  }
0x99: {  	v21 =	vld [tilespmem:$0x280]  }
0x9a: {  	v22 =	vld [tilespmem:$0x80]  }
0x9b: {  	v23 =	vld [tilespmem:$0x0]  }
0x9c: {  	v24 =	vld [tilespmem:$0x80]  }
0x9d: {  	v25 =	vld [tilespmem:$0x100]  }
0x9e: {  	v26 =	vld [tilespmem:$0x180]  }
0x9f: {  	v27 =	vld [tilespmem:$0x210]  }
0xa0: {  	v28 =	vld [tilespmem:$0x10]  }
0xa1: {  	v29 =	vld [tilespmem:$0x290]  }
0xa2: {  	v30 =	vld [tilespmem:$0x90]  }
0xa3: {  	v31 =	vld [tilespmem:$0x10]  }
0xa4: {  	v32 =	vld [tilespmem:$0x90]  }
0xa5: {  	v33 =	vld [tilespmem:$0x110]  }
0xa6: {  	v34 =	vld [tilespmem:$0x190]  }
0xa7: {  	v35 =	vld [tilespmem:$0x220]  }
0xa8: {  	v36 =	vld [tilespmem:$0x20]  }
0xa9: {  	v37 =	vld [tilespmem:$0x2A0]  }
0xaa: {  	v38 =	vld [tilespmem:$0xA0]  }
0xab: {  	v39 =	vld [tilespmem:$0x20]  }
0xac: {  	v40 =	vld [tilespmem:$0xA0]  }
0xad: {  	v52 =	vld [tilespmem:$0x1A0]  }
0xae: {  	v53 =	vld [tilespmem:$0x30];
	[tilespmem:$0x400] =	vst v23  }
0xaf: {  	v55 =	vld [tilespmem:$0x2B0];
	[tilespmem:$0x480] =	vst v24  }
0xb0: {  	v57 =	vld [tilespmem:$0xB0];
	[tilespmem:$0x500] =	vst v25  }
0xb1: {  	v58 =	vld [tilespmem:$0x30];
	[tilespmem:$0x580] =	vst v26  }
0xb2: {  	v60 =	vld [tilespmem:$0xB0];
	[tilespmem:$0x410] =	vst v31  }
0xb3: {  	v61 =	vld [tilespmem:$0x130];
	[tilespmem:$0x490] =	vst v32  }
0xb4: {  	v62 =	vld [tilespmem:$0x1B0];
	[tilespmem:$0x510] =	vst v33  }
0xb5: {  	v41 =	vld [tilespmem:$0x240];
	[tilespmem:$0x590] =	vst v34  }
0xb6: {  	v43 =	vld [tilespmem:$0x40];
	[tilespmem:$0x420] =	vst v39  }
0xb7: {  	v44 =	vld [tilespmem:$0x2C0];
	[tilespmem:$0x4A0] =	vst v40  }
0xb8: {  	v47 =	vld [tilespmem:$0x40];
	[tilespmem:$0x5A0] =	vst v52  }
0xb9: {  	v48 =	vld [tilespmem:$0xC0];
	[tilespmem:$0x430] =	vst v58  }
0xba: {  	v46 =	vld [tilespmem:$0xC0];
	[tilespmem:$0x4B0] =	vst v60  }
0xbb: {  	v49 =	vld [tilespmem:$0x140];
	[tilespmem:$0x530] =	vst v61  }
0xbc: {  	v50 =	vld [tilespmem:$0x1C0];
	v19 =	vmul.u32 $0x1F40, v19;
	[tilespmem:$0x5B0] =	vst v62  }
0xbd: {  	v51 =	vld [tilespmem:$0x250];
	v21 =	vmul.u32 $0x1F40, v21;
	[tilespmem:$0x440] =	vst v47  }
0xbe: {  	v52 =	vld [tilespmem:$0xD0];
	[tilespmem:$0x4C0] =	vst v48;
	v19 =	vadd.s32 v20, v19  }
0xbf: {  	v58 =	vld [tilespmem:$0x1D0];
	[tilespmem:$0x300] =	vst v19;
	v19 =	vadd.s32 v22, v21  }
0xc0: {  	v54 =	vmul.u32 $0x1F40, v27;
	[tilespmem:$0x380] =	vst v19;
	v19 =	vld [tilespmem:$0x230]  }
0xc1: {  	v56 =	vmul.u32 $0x1F40, v29;
	[tilespmem:$0x540] =	vst v49;
	v20 =	vld [tilespmem:$0x120]  }
0xc2: {  	v63 =	vmul.u32 $0x1F40, v35;
	v60 =	vld [tilespmem:$0x60];
	[tilespmem:$0x5C0] =	vst v50;
	v23 =	vadd.s32 v28, v54  }
0xc3: {  	v61 =	vld [tilespmem:$0x2E0];
	v59 =	vadd.s32 v30, v56;
	[tilespmem:$0x310] =	vst v23  }
0xc4: {  	v42 =	vmul.u32 $0x1F40, v37;
	v62 =	vld [tilespmem:$0xE0];
	v29 =	vadd.s32 v36, v63;
	[tilespmem:$0x390] =	vst v59  }
0xc5: {  	v32 =	vld [tilespmem:$0x1E0];
	[tilespmem:$0x320] =	vst v29;
	v19 =	vmul.u32 $0x1F40, v19  }
0xc6: {  	v45 =	vadd.s32 v38, v42;
	v54 =	vld [tilespmem:$0x50];
	[tilespmem:$0x520] =	vst v20;
	v20 =	vmul.u32 $0x1F40, v55  }
0xc7: {  	v56 =	vld [tilespmem:$0xD0];
	[tilespmem:$0x3A0] =	vst v45;
	v19 =	vadd.s32 v53, v19  }
0xc8: {  	v63 =	vld [tilespmem:$0x60];
	[tilespmem:$0x330] =	vst v19;
	v19 =	vadd.s32 v57, v20  }
0xc9: {  	[tilespmem:$0x3B0] =	vst v19;
	v19 =	vld [tilespmem:$0x2D0]  }
0xca: {  	[tilespmem:$0x5D0] =	vst v58;
	v20 =	vld [tilespmem:$0x50]  }
0xcb: {  	v35 =	vld [tilespmem:$0x270];
	[tilespmem:$0x5E0] =	vst v32  }
0xcc: {  	v59 =	vld [tilespmem:$0x260];
	v55 =	vmul.u32 $0x1F40, v44;
	[tilespmem:$0x450] =	vst v54  }
0xcd: {  	v42 =	vld [tilespmem:$0xF0];
	v21 =	vmul.u32 $0x1F40, v51;
	[tilespmem:$0x4D0] =	vst v56  }
0xce: {  	v36 =	vld [tilespmem:$0x2F0];
	[tilespmem:$0x460] =	vst v63;
	v23 =	vadd.s32 v46, v55;
	v19 =	vmul.u32 $0x1F40, v19  }
0xcf: {  	v33 =	vld [tilespmem:$0x300];
	[tilespmem:$0x3C0] =	vst v23;
	v20 =	vadd.s32 v20, v21  }
0xd0: {  	v34 =	vmul.u32 $0x1F40, v61;
	[tilespmem:$0x350] =	vst v20;
	v20 =	vld [tilespmem:$0xE0];
	v19 =	vadd.s32 v52, v19  }
0xd1: {  	v23 =	vmul.u32 $0x1F40, v59;
	[tilespmem:$0x3D0] =	vst v19;
	v19 =	vld [tilespmem:$0x160]  }
0xd2: {  	v38 =	vld [tilespmem:$0x70];
	v37 =	vadd.s32 v62, v34;
	[tilespmem:$0x4F0] =	vst v42  }
0xd3: {  	v39 =	vld [tilespmem:$0xF0];
	[tilespmem:$0x3E0] =	vst v37;
	v23 =	vadd.s32 v60, v23  }
0xd4: {  	v40 =	vshll.u32 v33, $0x1;
	v53 =	vmul.u32 $0x1F40, v41;
	[tilespmem:$0x360] =	vst v23  }
0xd5: {  	v24 =	vand.u32 $0x7, v33;
	v41 =	vld [tilespmem:$0x70];
	v21 =	vand.u32 $0xFFFFFFF0, v40;
	[tilespmem:$0x4E0] =	vst v20;
	v20 =	vmul.u32 $0x1F40, v35  }
0xd6: {  	v57 =	vld [tilespmem:$0x150];
	v25 =	vadd.s32 v43, v53;
	v21 =	vor.u32 v24, v21;
	[tilespmem:$0x560] =	vst v19;
	v19 =	vmul.u32 $0x1F40, v36  }
0xd7: {  	v43 =	vld [tilespmem:$0x170];
	[tilespmem:$0x340] =	vst v25;
	v44 =	vperm.xlane v21, v4;
	v20 =	vadd.s32 v38, v20  }
0xd8: {  	[tilespmem:$0x370] =	vst v20;
	v20 =	vld [tilespmem:$0x1F0];
	v19 =	vadd.s32 v39, v19  }
0xd9: {  	v45 =	vperm.xlane v21, v3;
	[tilespmem:$0x3F0] =	vst v19;
	v19 =	vadd.s32 v5, v44  }
0xda: {  	[tilespmem:$0x470] =	vst v41  }
0xdb: {  	[tilespmem:$0x550] =	vst v57;
	v46 =	vperm.xlane v21, v6;
	v23 =	vadd.s32 v5, v45  }
0xdc: {  	[tilespmem:$0x570] =	vst v43  }
0xdd: {  	v47 =	vperm.xlane v21, v7;
	[tilespmem:$0x5F0] =	vst v20;
	v20 =	vadd.s32 v5, v46  }
0xde: {  	[tilespmem:s4], [sflag:$0x1] =	stream.indirect_vreg.gather [hbm4b:s7+s6], $0x80, v19, vm0, $0xb8;
	[tilespmem:$0x1A900] =	vst v63  }
0xdf: {  	s17 =	simm.s32 $0x700;
	v48 =	vperm.xlane v21, v8;
	v19 =	vadd.s32 v5, v47  }
0xe0: {  	[tilespmem:s17], [sflag:$0x1] =	stream.indirect_vreg.gather [hbm4b:s7+s6], $0x80, v23, vm0, $0xb8;
	[tilespmem:$0x1A900] =	vst v63  }
0xe1: {  	v49 =	vperm.xlane v21, v9;
	v22 =	vadd.s32 v5, v48;
	s17 =	simm.s32 $0x780  }
0xe2: {  	[tilespmem:s17], [sflag:$0x1] =	stream.indirect_vreg.gather [hbm4b:s7+s6], $0x80, v20, vm0, $0xb8;
	[tilespmem:$0x1A900] =	vst v63  }
0xe3: {  	v50 =	vperm.xlane v21, v10;
	v20 =	vadd.s32 v5, v49;
	s17 =	simm.s32 $0x800  }
0xe4: {  	[tilespmem:s17], [sflag:$0x1] =	stream.indirect_vreg.gather [hbm4b:s7+s6], $0x80, v19, vm0, $0xb8;
	[tilespmem:$0x1A900] =	vst v63  }
0xe5: {  	v51 =	vperm.xlane v21, v2;
	v19 =	vadd.s32 v5, v50;
	s17 =	simm.s32 $0x880  }
0xe6: {  	[tilespmem:s17], [sflag:$0x1] =	stream.indirect_vreg.gather [hbm4b:s7+s6], $0x80, v22, vm0, $0xb8;
	[tilespmem:$0x1A900] =	vst v63  }
0xe7: {  	v53 =	vperm.xlane v21, v11;
	v52 =	vadd.s32 v5, v51;
	s17 =	simm.s32 $0x900  }
0xe8: {  	[tilespmem:s17], [sflag:$0x1] =	stream.indirect_vreg.gather [hbm4b:s7+s6], $0x80, v20, vm0, $0xb8;
	[tilespmem:$0x1A900] =	vst v63  }
0xe9: {  	v54 =	vperm.xlane v21, v12;
	v20 =	vadd.s32 v5, v53;
	s17 =	simm.s32 $0x980  }
0xea: {  	[tilespmem:s17], [sflag:$0x1] =	stream.indirect_vreg.gather [hbm4b:s7+s6], $0x80, v19, vm0, $0xb8;
	[tilespmem:$0x1A900] =	vst v63  }
0xeb: {  	v55 =	vperm.xlane v21, v13;
	v19 =	vadd.s32 v5, v54;
	s17 =	simm.s32 $0xA00  }
0xec: {  	[tilespmem:s17], [sflag:$0x1] =	stream.indirect_vreg.gather [hbm4b:s7+s6], $0x80, v52, vm0, $0xb8;
	[tilespmem:$0x1A900] =	vst v63  }
0xed: {  	v57 =	vperm.xlane v21, v14;
	v56 =	vadd.s32 v5, v55;
	s17 =	simm.s32 $0xA80  }
0xee: {  	[tilespmem:s17], [sflag:$0x1] =	stream.indirect_vreg.gather [hbm4b:s7+s6], $0x80, v20, vm0, $0xb8;
	[tilespmem:$0x1A900] =	vst v63  }
0xef: {  	v58 =	vperm.xlane v21, v15;
	v20 =	vadd.s32 v5, v57;
	s17 =	simm.s32 $0xB00  }
0xf0: {  	[tilespmem:s17], [sflag:$0x1] =	stream.indirect_vreg.gather [hbm4b:s7+s6], $0x80, v19, vm0, $0xb8;
	[tilespmem:$0x1A900] =	vst v63  }
0xf1: {  	v59 =	vperm.xlane v21, v16;
	v19 =	vadd.s32 v5, v58;
	s17 =	simm.s32 $0xB80  }
0xf2: {  	[tilespmem:s17], [sflag:$0x1] =	stream.indirect_vreg.gather [hbm4b:s7+s6], $0x80, v56, vm0, $0xb8;
	[tilespmem:$0x1A900] =	vst v63  }
0xf3: {  	v61 =	vperm.xlane v21, v17;
	v60 =	vadd.s32 v5, v59;
	s17 =	simm.s32 $0xC00  }
0xf4: {  	[tilespmem:s17], [sflag:$0x1] =	stream.indirect_vreg.gather [hbm4b:s7+s6], $0x80, v20, vm0, $0xb8;
	[tilespmem:$0x1A900] =	vst v63  }
0xf5: {  	v21 =	vperm.xlane v21, v18;
	v20 =	vadd.s32 v5, v61;
	s17 =	simm.s32 $0xC80  }
0xf6: {  	[tilespmem:s17], [sflag:$0x1] =	stream.indirect_vreg.gather [hbm4b:s7+s6], $0x80, v19, vm0, $0xb8;
	[tilespmem:$0x1A900] =	vst v63  }
0xf7: {  	v19 =	vadd.s32 v5, v21;
	s17 =	simm.s32 $0xD00  }
0xf8: {  	[tilespmem:s17], [sflag:$0x1] =	stream.indirect_vreg.gather [hbm4b:s7+s6], $0x80, v60, vm0, $0xb8;
	[tilespmem:$0x1A900] =	vst v63  }
0xf9: {  	s17 =	simm.s32 $0xD80  }
0xfa: {  	[tilespmem:s17], [sflag:$0x1] =	stream.indirect_vreg.gather [hbm4b:s7+s6], $0x80, v20, vm0, $0xb8;
	[tilespmem:$0x1A900] =	vst v63  }
0xfb: {  	s17 =	simm.s32 $0xE00  }
0xfc: {  	[tilespmem:s17], [sflag:$0x1] =	stream.indirect_vreg.gather [hbm4b:s7+s6], $0x80, v19, vm0, $0xb8;
	[tilespmem:$0x1A900] =	vst v63  }
0xfd: {  	v19 =	vld [tilespmem:$0x310];
	_ =	sdelay $0x4  }
0xfe: {  	v20 =	vshll.u32 v19, $0x1  }
0xff: {  	v19 =	vand.u32 $0x7, v19;
	v20 =	vand.u32 $0xFFFFFFF0, v20  }
0x100: {  	v19 =	vor.u32 v19, v20  }
0x101: {  	v20 =	vperm.xlane v19, v4;
	_ =	sdelay $0x1  }
0x102: {  	v62 =	vperm.xlane v19, v3;
	v20 =	vadd.s32 v5, v20;
	_ =	sdelay $0x1  }
0x103: {  	v63 =	vperm.xlane v19, v6;
	v21 =	vadd.s32 v5, v62;
	_ =	sdelay $0x1  }
0x104: {  	s17 =	simm.s32 $0xE80;
	v24 =	vperm.xlane v19, v7;
	v22 =	vadd.s32 v5, v63  }
0x105: {  	[tilespmem:s17], [sflag:$0x1] =	stream.indirect_vreg.gather [hbm4b:s7+s6], $0x80, v20, vm0, $0xb8;
	[tilespmem:$0x1A900] =	vst v63  }
0x106: {  	v25 =	vperm.xlane v19, v8;
	v20 =	vadd.s32 v5, v24;
	s17 =	simm.s32 $0xF00  }
0x107: {  	[tilespmem:s17], [sflag:$0x1] =	stream.indirect_vreg.gather [hbm4b:s7+s6], $0x80, v21, vm0, $0xb8;
	[tilespmem:$0x1A900] =	vst v63  }
0x108: {  	v27 =	vperm.xlane v19, v9;
	v26 =	vadd.s32 v5, v25;
	s17 =	simm.s32 $0xF80  }
0x109: {  	[tilespmem:s17], [sflag:$0x1] =	stream.indirect_vreg.gather [hbm4b:s7+s6], $0x80, v22, vm0, $0xb8;
	[tilespmem:$0x1A900] =	vst v63  }
0x10a: {  	v29 =	vperm.xlane v19, v10;
	v28 =	vadd.s32 v5, v27;
	s17 =	simm.s32 $0x1000  }
0x10b: {  	[tilespmem:s17], [sflag:$0x1] =	stream.indirect_vreg.gather [hbm4b:s7+s6], $0x80, v20, vm0, $0xb8;
	[tilespmem:$0x1A900] =	vst v63  }
0x10c: {  	v30 =	vperm.xlane v19, v2;
	v20 =	vadd.s32 v5, v29;
	s17 =	simm.s32 $0x1080  }
0x10d: {  	[tilespmem:s17], [sflag:$0x1] =	stream.indirect_vreg.gather [hbm4b:s7+s6], $0x80, v26, vm0, $0xb8;
	[tilespmem:$0x1A900] =	vst v63  }
0x10e: {  	v32 =	vperm.xlane v19, v11;
	v31 =	vadd.s32 v5, v30;
	s17 =	simm.s32 $0x1100  }
0x10f: {  	[tilespmem:s17], [sflag:$0x1] =	stream.indirect_vreg.gather [hbm4b:s7+s6], $0x80, v28, vm0, $0xb8;
	[tilespmem:$0x1A900] =	vst v63  }
0x110: {  	v34 =	vperm.xlane v19, v12;
	v33 =	vadd.s32 v5, v32;
	s17 =	simm.s32 $0x1180  }
0x111: {  	[tilespmem:s17], [sflag:$0x1] =	stream.indirect_vreg.gather [hbm4b:s7+s6], $0x80, v20, vm0, $0xb8;
	[tilespmem:$0x1A900] =	vst v63  }
0x112: {  	v35 =	vperm.xlane v19, v13;
	v20 =	vadd.s32 v5, v34;
	s17 =	simm.s32 $0x1200  }
0x113: {  	[tilespmem:s17], [sflag:$0x1] =	stream.indirect_vreg.gather [hbm4b:s7+s6], $0x80, v31, vm0, $0xb8;
	[tilespmem:$0x1A900] =	vst v63  }
0x114: {  	v37 =	vperm.xlane v19, v14;
	v36 =	vadd.s32 v5, v35;
	s17 =	simm.s32 $0x1280  }
0x115: {  	[tilespmem:s17], [sflag:$0x1] =	stream.indirect_vreg.gather [hbm4b:s7+s6], $0x80, v33, vm0, $0xb8;
	[tilespmem:$0x1A900] =	vst v63  }
0x116: {  	v39 =	vperm.xlane v19, v15;
	v38 =	vadd.s32 v5, v37;
	s17 =	simm.s32 $0x1300  }
0x117: {  	[tilespmem:s17], [sflag:$0x1] =	stream.indirect_vreg.gather [hbm4b:s7+s6], $0x80, v20, vm0, $0xb8;
	[tilespmem:$0x1A900] =	vst v63  }
0x118: {  	v40 =	vperm.xlane v19, v16;
	v20 =	vadd.s32 v5, v39;
	s17 =	simm.s32 $0x1380  }
0x119: {  	[tilespmem:s17], [sflag:$0x1] =	stream.indirect_vreg.gather [hbm4b:s7+s6], $0x80, v36, vm0, $0xb8;
	[tilespmem:$0x1A900] =	vst v63  }
0x11a: {  	v42 =	vperm.xlane v19, v17;
	v41 =	vadd.s32 v5, v40;
	s17 =	simm.s32 $0x1400  }
0x11b: {  	[tilespmem:s17], [sflag:$0x1] =	stream.indirect_vreg.gather [hbm4b:s7+s6], $0x80, v38, vm0, $0xb8;
	[tilespmem:$0x1A900] =	vst v63  }
0x11c: {  	v19 =	vperm.xlane v19, v18;
	v43 =	vadd.s32 v5, v42;
	s17 =	simm.s32 $0x1480  }
0x11d: {  	[tilespmem:s17], [sflag:$0x1] =	stream.indirect_vreg.gather [hbm4b:s7+s6], $0x80, v20, vm0, $0xb8;
	[tilespmem:$0x1A900] =	vst v63  }
0x11e: {  	v19 =	vadd.s32 v5, v19;
	s17 =	simm.s32 $0x1500  }
0x11f: {  	[tilespmem:s17], [sflag:$0x1] =	stream.indirect_vreg.gather [hbm4b:s7+s6], $0x80, v41, vm0, $0xb8;
	[tilespmem:$0x1A900] =	vst v63  }
0x120: {  	s17 =	simm.s32 $0x1580  }
0x121: {  	[tilespmem:s17], [sflag:$0x1] =	stream.indirect_vreg.gather [hbm4b:s7+s6], $0x80, v43, vm0, $0xb8;
	[tilespmem:$0x1A900] =	vst v63  }
0x122: {  	s17 =	simm.s32 $0x1600  }
0x123: {  	[tilespmem:s17], [sflag:$0x1] =	stream.indirect_vreg.gather [hbm4b:s7+s6], $0x80, v19, vm0, $0xb8;
	[tilespmem:$0x1A900] =	vst v63  }
0x124: {  	v19 =	vld [tilespmem:$0x320];
	_ =	sdelay $0x4  }
0x125: {  	v20 =	vshll.u32 v19, $0x1  }
0x126: {  	v19 =	vand.u32 $0x7, v19;
	v20 =	vand.u32 $0xFFFFFFF0, v20  }
0x127: {  	v19 =	vor.u32 v19, v20  }
0x128: {  	v20 =	vperm.xlane v19, v4;
	_ =	sdelay $0x1  }
0x129: {  	v44 =	vperm.xlane v19, v3;
	v20 =	vadd.s32 v5, v20;
	_ =	sdelay $0x1  }
0x12a: {  	v45 =	vperm.xlane v19, v6;
	v21 =	vadd.s32 v5, v44;
	_ =	sdelay $0x1  }
0x12b: {  	s17 =	simm.s32 $0x1680;
	v46 =	vperm.xlane v19, v7;
	v22 =	vadd.s32 v5, v45  }
0x12c: {  	[tilespmem:s17], [sflag:$0x1] =	stream.indirect_vreg.gather [hbm4b:s7+s6], $0x80, v20, vm0, $0xb8;
	[tilespmem:$0x1A900] =	vst v63  }
0x12d: {  	v47 =	vperm.xlane v19, v8;
	v20 =	vadd.s32 v5, v46;
	s17 =	simm.s32 $0x1700  }
0x12e: {  	[tilespmem:s17], [sflag:$0x1] =	stream.indirect_vreg.gather [hbm4b:s7+s6], $0x80, v21, vm0, $0xb8;
	[tilespmem:$0x1A900] =	vst v63  }
0x12f: {  	v49 =	vperm.xlane v19, v9;
	v48 =	vadd.s32 v5, v47;
	s17 =	simm.s32 $0x1780  }
0x130: {  	[tilespmem:s17], [sflag:$0x1] =	stream.indirect_vreg.gather [hbm4b:s7+s6], $0x80, v22, vm0, $0xb8;
	[tilespmem:$0x1A900] =	vst v63  }
0x131: {  	v51 =	vperm.xlane v19, v10;
	v50 =	vadd.s32 v5, v49;
	s17 =	simm.s32 $0x1800  }
0x132: {  	[tilespmem:s17], [sflag:$0x1] =	stream.indirect_vreg.gather [hbm4b:s7+s6], $0x80, v20, vm0, $0xb8;
	[tilespmem:$0x1A900] =	vst v63  }
0x133: {  	v52 =	vperm.xlane v19, v2;
	v20 =	vadd.s32 v5, v51;
	s17 =	simm.s32 $0x1880  }
0x134: {  	[tilespmem:s17], [sflag:$0x1] =	stream.indirect_vreg.gather [hbm4b:s7+s6], $0x80, v48, vm0, $0xb8;
	[tilespmem:$0x1A900] =	vst v63  }
0x135: {  	v54 =	vperm.xlane v19, v11;
	v53 =	vadd.s32 v5, v52;
	s17 =	simm.s32 $0x1900  }
0x136: {  	[tilespmem:s17], [sflag:$0x1] =	stream.indirect_vreg.gather [hbm4b:s7+s6], $0x80, v50, vm0, $0xb8;
	[tilespmem:$0x1A900] =	vst v63  }
0x137: {  	v56 =	vperm.xlane v19, v12;
	v55 =	vadd.s32 v5, v54;
	s17 =	simm.s32 $0x1980  }
0x138: {  	[tilespmem:s17], [sflag:$0x1] =	stream.indirect_vreg.gather [hbm4b:s7+s6], $0x80, v20, vm0, $0xb8;
	[tilespmem:$0x1A900] =	vst v63  }
0x139: {  	v57 =	vperm.xlane v19, v13;
	v20 =	vadd.s32 v5, v56;
	s17 =	simm.s32 $0x1A00  }
0x13a: {  	[tilespmem:s17], [sflag:$0x1] =	stream.indirect_vreg.gather [hbm4b:s7+s6], $0x80, v53, vm0, $0xb8;
	[tilespmem:$0x1A900] =	vst v63  }
0x13b: {  	v59 =	vperm.xlane v19, v14;
	v58 =	vadd.s32 v5, v57;
	s17 =	simm.s32 $0x1A80  }
0x13c: {  	[tilespmem:s17], [sflag:$0x1] =	stream.indirect_vreg.gather [hbm4b:s7+s6], $0x80, v55, vm0, $0xb8;
	[tilespmem:$0x1A900] =	vst v63  }
0x13d: {  	v61 =	vperm.xlane v19, v15;
	v60 =	vadd.s32 v5, v59;
	s17 =	simm.s32 $0x1B00  }
0x13e: {  	[tilespmem:s17], [sflag:$0x1] =	stream.indirect_vreg.gather [hbm4b:s7+s6], $0x80, v20, vm0, $0xb8;
	[tilespmem:$0x1A900] =	vst v63  }
0x13f: {  	v62 =	vperm.xlane v19, v16;
	v20 =	vadd.s32 v5, v61;
	s17 =	simm.s32 $0x1B80  }
0x140: {  	[tilespmem:s17], [sflag:$0x1] =	stream.indirect_vreg.gather [hbm4b:s7+s6], $0x80, v58, vm0, $0xb8;
	[tilespmem:$0x1A900] =	vst v63  }
0x141: {  	v24 =	vperm.xlane v19, v17;
	v63 =	vadd.s32 v5, v62;
	s17 =	simm.s32 $0x1C00  }
0x142: {  	[tilespmem:s17], [sflag:$0x1] =	stream.indirect_vreg.gather [hbm4b:s7+s6], $0x80, v60, vm0, $0xb8;
	[tilespmem:$0x1A900] =	vst v63  }
0x143: {  	v19 =	vperm.xlane v19, v18;
	v25 =	vadd.s32 v5, v24;
	s17 =	simm.s32 $0x1C80  }
0x144: {  	[tilespmem:s17], [sflag:$0x1] =	stream.indirect_vreg.gather [hbm4b:s7+s6], $0x80, v20, vm0, $0xb8;
	[tilespmem:$0x1A900] =	vst v63  }
0x145: {  	v19 =	vadd.s32 v5, v19;
	s17 =	simm.s32 $0x1D00  }
0x146: {  	[tilespmem:s17], [sflag:$0x1] =	stream.indirect_vreg.gather [hbm4b:s7+s6], $0x80, v63, vm0, $0xb8;
	[tilespmem:$0x1A900] =	vst v63  }
0x147: {  	s17 =	simm.s32 $0x1D80  }
0x148: {  	[tilespmem:s17], [sflag:$0x1] =	stream.indirect_vreg.gather [hbm4b:s7+s6], $0x80, v25, vm0, $0xb8;
	[tilespmem:$0x1A900] =	vst v63  }
0x149: {  	s17 =	simm.s32 $0x1E00  }
0x14a: {  	[tilespmem:s17], [sflag:$0x1] =	stream.indirect_vreg.gather [hbm4b:s7+s6], $0x80, v19, vm0, $0xb8;
	[tilespmem:$0x1A900] =	vst v63  }
0x14b: {  	v19 =	vld [tilespmem:$0x330];
	_ =	sdelay $0x4  }
0x14c: {  	v20 =	vshll.u32 v19, $0x1  }
0x14d: {  	v19 =	vand.u32 $0x7, v19;
	v20 =	vand.u32 $0xFFFFFFF0, v20  }
0x14e: {  	v19 =	vor.u32 v19, v20  }
0x14f: {  	v20 =	vperm.xlane v19, v4;
	_ =	sdelay $0x1  }
0x150: {  	v26 =	vperm.xlane v19, v3;
	v20 =	vadd.s32 v5, v20;
	_ =	sdelay $0x1  }
0x151: {  	v27 =	vperm.xlane v19, v6;
	v21 =	vadd.s32 v5, v26;
	_ =	sdelay $0x1  }
0x152: {  	s17 =	simm.s32 $0x1E80;
	v28 =	vperm.xlane v19, v7;
	v22 =	vadd.s32 v5, v27  }
0x153: {  	[tilespmem:s17], [sflag:$0x1] =	stream.indirect_vreg.gather [hbm4b:s7+s6], $0x80, v20, vm0, $0xb8;
	[tilespmem:$0x1A900] =	vst v63  }
0x154: {  	v29 =	vperm.xlane v19, v8;
	v20 =	vadd.s32 v5, v28;
	s17 =	simm.s32 $0x1F00  }
0x155: {  	[tilespmem:s17], [sflag:$0x1] =	stream.indirect_vreg.gather [hbm4b:s7+s6], $0x80, v21, vm0, $0xb8;
	[tilespmem:$0x1A900] =	vst v63  }
0x156: {  	v31 =	vperm.xlane v19, v9;
	v30 =	vadd.s32 v5, v29;
	s17 =	simm.s32 $0x1F80  }
0x157: {  	[tilespmem:s17], [sflag:$0x1] =	stream.indirect_vreg.gather [hbm4b:s7+s6], $0x80, v22, vm0, $0xb8;
	[tilespmem:$0x1A900] =	vst v63  }
0x158: {  	v33 =	vperm.xlane v19, v10;
	v32 =	vadd.s32 v5, v31;
	s17 =	simm.s32 $0x2000  }
0x159: {  	[tilespmem:s17], [sflag:$0x1] =	stream.indirect_vreg.gather [hbm4b:s7+s6], $0x80, v20, vm0, $0xb8;
	[tilespmem:$0x1A900] =	vst v63  }
0x15a: {  	v34 =	vperm.xlane v19, v2;
	v20 =	vadd.s32 v5, v33;
	s17 =	simm.s32 $0x2080  }
0x15b: {  	[tilespmem:s17], [sflag:$0x1] =	stream.indirect_vreg.gather [hbm4b:s7+s6], $0x80, v30, vm0, $0xb8;
	[tilespmem:$0x1A900] =	vst v63  }
0x15c: {  	v36 =	vperm.xlane v19, v11;
	v35 =	vadd.s32 v5, v34;
	s17 =	simm.s32 $0x2100  }
0x15d: {  	[tilespmem:s17], [sflag:$0x1] =	stream.indirect_vreg.gather [hbm4b:s7+s6], $0x80, v32, vm0, $0xb8;
	[tilespmem:$0x1A900] =	vst v63  }
0x15e: {  	v38 =	vperm.xlane v19, v12;
	v37 =	vadd.s32 v5, v36;
	s17 =	simm.s32 $0x2180  }
0x15f: {  	[tilespmem:s17], [sflag:$0x1] =	stream.indirect_vreg.gather [hbm4b:s7+s6], $0x80, v20, vm0, $0xb8;
	[tilespmem:$0x1A900] =	vst v63  }
0x160: {  	v39 =	vperm.xlane v19, v13;
	v20 =	vadd.s32 v5, v38;
	s17 =	simm.s32 $0x2200  }
0x161: {  	[tilespmem:s17], [sflag:$0x1] =	stream.indirect_vreg.gather [hbm4b:s7+s6], $0x80, v35, vm0, $0xb8;
	[tilespmem:$0x1A900] =	vst v63  }
0x162: {  	v41 =	vperm.xlane v19, v14;
	v40 =	vadd.s32 v5, v39;
	s17 =	simm.s32 $0x2280  }
0x163: {  	[tilespmem:s17], [sflag:$0x1] =	stream.indirect_vreg.gather [hbm4b:s7+s6], $0x80, v37, vm0, $0xb8;
	[tilespmem:$0x1A900] =	vst v63  }
0x164: {  	v43 =	vperm.xlane v19, v15;
	v42 =	vadd.s32 v5, v41;
	s17 =	simm.s32 $0x2300  }
0x165: {  	[tilespmem:s17], [sflag:$0x1] =	stream.indirect_vreg.gather [hbm4b:s7+s6], $0x80, v20, vm0, $0xb8;
	[tilespmem:$0x1A900] =	vst v63  }
0x166: {  	v44 =	vperm.xlane v19, v16;
	v20 =	vadd.s32 v5, v43;
	s17 =	simm.s32 $0x2380  }
0x167: {  	[tilespmem:s17], [sflag:$0x1] =	stream.indirect_vreg.gather [hbm4b:s7+s6], $0x80, v40, vm0, $0xb8;
	[tilespmem:$0x1A900] =	vst v63  }
0x168: {  	v46 =	vperm.xlane v19, v17;
	v45 =	vadd.s32 v5, v44;
	s17 =	simm.s32 $0x2400  }
0x169: {  	[tilespmem:s17], [sflag:$0x1] =	stream.indirect_vreg.gather [hbm4b:s7+s6], $0x80, v42, vm0, $0xb8;
	[tilespmem:$0x1A900] =	vst v63  }
0x16a: {  	v19 =	vperm.xlane v19, v18;
	v47 =	vadd.s32 v5, v46;
	s17 =	simm.s32 $0x2480  }
0x16b: {  	[tilespmem:s17], [sflag:$0x1] =	stream.indirect_vreg.gather [hbm4b:s7+s6], $0x80, v20, vm0, $0xb8;
	[tilespmem:$0x1A900] =	vst v63  }
0x16c: {  	v19 =	vadd.s32 v5, v19;
	s17 =	simm.s32 $0x2500  }
0x16d: {  	[tilespmem:s17], [sflag:$0x1] =	stream.indirect_vreg.gather [hbm4b:s7+s6], $0x80, v45, vm0, $0xb8;
	[tilespmem:$0x1A900] =	vst v63  }
0x16e: {  	s17 =	simm.s32 $0x2580  }
0x16f: {  	[tilespmem:s17], [sflag:$0x1] =	stream.indirect_vreg.gather [hbm4b:s7+s6], $0x80, v47, vm0, $0xb8;
	[tilespmem:$0x1A900] =	vst v63  }
0x170: {  	s17 =	simm.s32 $0x2600  }
0x171: {  	[tilespmem:s17], [sflag:$0x1] =	stream.indirect_vreg.gather [hbm4b:s7+s6], $0x80, v19, vm0, $0xb8;
	[tilespmem:$0x1A900] =	vst v63  }
0x172: {  	v19 =	vld [tilespmem:$0x340];
	_ =	sdelay $0x4  }
0x173: {  	v20 =	vshll.u32 v19, $0x1  }
0x174: {  	v19 =	vand.u32 $0x7, v19;
	v20 =	vand.u32 $0xFFFFFFF0, v20  }
0x175: {  	v19 =	vor.u32 v19, v20  }
0x176: {  	v20 =	vperm.xlane v19, v4;
	_ =	sdelay $0x1  }
0x177: {  	v48 =	vperm.xlane v19, v3;
	v20 =	vadd.s32 v5, v20;
	_ =	sdelay $0x1  }
0x178: {  	v49 =	vperm.xlane v19, v6;
	v21 =	vadd.s32 v5, v48;
	_ =	sdelay $0x1  }
0x179: {  	s17 =	simm.s32 $0x2680;
	v50 =	vperm.xlane v19, v7;
	v22 =	vadd.s32 v5, v49  }
0x17a: {  	[tilespmem:s17], [sflag:$0x1] =	stream.indirect_vreg.gather [hbm4b:s7+s6], $0x80, v20, vm0, $0xb8;
	[tilespmem:$0x1A900] =	vst v63  }
0x17b: {  	v51 =	vperm.xlane v19, v8;
	v20 =	vadd.s32 v5, v50;
	s17 =	simm.s32 $0x2700  }
0x17c: {  	[tilespmem:s17], [sflag:$0x1] =	stream.indirect_vreg.gather [hbm4b:s7+s6], $0x80, v21, vm0, $0xb8;
	[tilespmem:$0x1A900] =	vst v63  }
0x17d: {  	v53 =	vperm.xlane v19, v9;
	v52 =	vadd.s32 v5, v51;
	s17 =	simm.s32 $0x2780  }
0x17e: {  	[tilespmem:s17], [sflag:$0x1] =	stream.indirect_vreg.gather [hbm4b:s7+s6], $0x80, v22, vm0, $0xb8;
	[tilespmem:$0x1A900] =	vst v63  }
0x17f: {  	v55 =	vperm.xlane v19, v10;
	v54 =	vadd.s32 v5, v53;
	s17 =	simm.s32 $0x2800  }
0x180: {  	[tilespmem:s17], [sflag:$0x1] =	stream.indirect_vreg.gather [hbm4b:s7+s6], $0x80, v20, vm0, $0xb8;
	[tilespmem:$0x1A900] =	vst v63  }
0x181: {  	v56 =	vperm.xlane v19, v2;
	v20 =	vadd.s32 v5, v55;
	s17 =	simm.s32 $0x2880  }
0x182: {  	[tilespmem:s17], [sflag:$0x1] =	stream.indirect_vreg.gather [hbm4b:s7+s6], $0x80, v52, vm0, $0xb8;
	[tilespmem:$0x1A900] =	vst v63  }
0x183: {  	v58 =	vperm.xlane v19, v11;
	v57 =	vadd.s32 v5, v56;
	s17 =	simm.s32 $0x2900  }
0x184: {  	[tilespmem:s17], [sflag:$0x1] =	stream.indirect_vreg.gather [hbm4b:s7+s6], $0x80, v54, vm0, $0xb8;
	[tilespmem:$0x1A900] =	vst v63  }
0x185: {  	v60 =	vperm.xlane v19, v12;
	v59 =	vadd.s32 v5, v58;
	s17 =	simm.s32 $0x2980  }
0x186: {  	[tilespmem:s17], [sflag:$0x1] =	stream.indirect_vreg.gather [hbm4b:s7+s6], $0x80, v20, vm0, $0xb8;
	[tilespmem:$0x1A900] =	vst v63  }
0x187: {  	v61 =	vperm.xlane v19, v13;
	v20 =	vadd.s32 v5, v60;
	s17 =	simm.s32 $0x2A00  }
0x188: {  	[tilespmem:s17], [sflag:$0x1] =	stream.indirect_vreg.gather [hbm4b:s7+s6], $0x80, v57, vm0, $0xb8;
	[tilespmem:$0x1A900] =	vst v63  }
0x189: {  	v63 =	vperm.xlane v19, v14;
	v62 =	vadd.s32 v5, v61;
	s17 =	simm.s32 $0x2A80  }
0x18a: {  	[tilespmem:s17], [sflag:$0x1] =	stream.indirect_vreg.gather [hbm4b:s7+s6], $0x80, v59, vm0, $0xb8;
	[tilespmem:$0x1A900] =	vst v63  }
0x18b: {  	v25 =	vperm.xlane v19, v15;
	v24 =	vadd.s32 v5, v63;
	s17 =	simm.s32 $0x2B00  }
0x18c: {  	[tilespmem:s17], [sflag:$0x1] =	stream.indirect_vreg.gather [hbm4b:s7+s6], $0x80, v20, vm0, $0xb8;
	[tilespmem:$0x1A900] =	vst v63  }
0x18d: {  	v26 =	vperm.xlane v19, v16;
	v20 =	vadd.s32 v5, v25;
	s17 =	simm.s32 $0x2B80  }
0x18e: {  	[tilespmem:s17], [sflag:$0x1] =	stream.indirect_vreg.gather [hbm4b:s7+s6], $0x80, v62, vm0, $0xb8;
	[tilespmem:$0x1A900] =	vst v63  }
0x18f: {  	v28 =	vperm.xlane v19, v17;
	v27 =	vadd.s32 v5, v26;
	s17 =	simm.s32 $0x2C00  }
0x190: {  	[tilespmem:s17], [sflag:$0x1] =	stream.indirect_vreg.gather [hbm4b:s7+s6], $0x80, v24, vm0, $0xb8;
	[tilespmem:$0x1A900] =	vst v63  }
0x191: {  	v19 =	vperm.xlane v19, v18;
	v29 =	vadd.s32 v5, v28;
	s17 =	simm.s32 $0x2C80  }
0x192: {  	[tilespmem:s17], [sflag:$0x1] =	stream.indirect_vreg.gather [hbm4b:s7+s6], $0x80, v20, vm0, $0xb8;
	[tilespmem:$0x1A900] =	vst v63  }
0x193: {  	v19 =	vadd.s32 v5, v19;
	s17 =	simm.s32 $0x2D00  }
0x194: {  	[tilespmem:s17], [sflag:$0x1] =	stream.indirect_vreg.gather [hbm4b:s7+s6], $0x80, v27, vm0, $0xb8;
	[tilespmem:$0x1A900] =	vst v63  }
0x195: {  	s17 =	simm.s32 $0x2D80  }
0x196: {  	[tilespmem:s17], [sflag:$0x1] =	stream.indirect_vreg.gather [hbm4b:s7+s6], $0x80, v29, vm0, $0xb8;
	[tilespmem:$0x1A900] =	vst v63  }
0x197: {  	s17 =	simm.s32 $0x2E00  }
0x198: {  	[tilespmem:s17], [sflag:$0x1] =	stream.indirect_vreg.gather [hbm4b:s7+s6], $0x80, v19, vm0, $0xb8;
	[tilespmem:$0x1A900] =	vst v63  }
0x199: {  	v19 =	vld [tilespmem:$0x350];
	_ =	sdelay $0x4  }
0x19a: {  	v20 =	vshll.u32 v19, $0x1  }
0x19b: {  	v19 =	vand.u32 $0x7, v19;
	v20 =	vand.u32 $0xFFFFFFF0, v20  }
0x19c: {  	v19 =	vor.u32 v19, v20  }
0x19d: {  	v20 =	vperm.xlane v19, v4;
	_ =	sdelay $0x1  }
0x19e: {  	v30 =	vperm.xlane v19, v3;
	v20 =	vadd.s32 v5, v20;
	_ =	sdelay $0x1  }
0x19f: {  	v31 =	vperm.xlane v19, v6;
	v21 =	vadd.s32 v5, v30;
	_ =	sdelay $0x1  }
0x1a0: {  	s17 =	simm.s32 $0x2E80;
	v32 =	vperm.xlane v19, v7;
	v22 =	vadd.s32 v5, v31  }
0x1a1: {  	[tilespmem:s17], [sflag:$0x1] =	stream.indirect_vreg.gather [hbm4b:s7+s6], $0x80, v20, vm0, $0xb8;
	[tilespmem:$0x1A900] =	vst v63  }
0x1a2: {  	v33 =	vperm.xlane v19, v8;
	v20 =	vadd.s32 v5, v32;
	s17 =	simm.s32 $0x2F00  }
0x1a3: {  	[tilespmem:s17], [sflag:$0x1] =	stream.indirect_vreg.gather [hbm4b:s7+s6], $0x80, v21, vm0, $0xb8;
	[tilespmem:$0x1A900] =	vst v63  }
0x1a4: {  	v35 =	vperm.xlane v19, v9;
	v34 =	vadd.s32 v5, v33;
	s17 =	simm.s32 $0x2F80  }
0x1a5: {  	[tilespmem:s17], [sflag:$0x1] =	stream.indirect_vreg.gather [hbm4b:s7+s6], $0x80, v22, vm0, $0xb8;
	[tilespmem:$0x1A900] =	vst v63  }
0x1a6: {  	v37 =	vperm.xlane v19, v10;
	v36 =	vadd.s32 v5, v35;
	s17 =	simm.s32 $0x3000  }
0x1a7: {  	[tilespmem:s17], [sflag:$0x1] =	stream.indirect_vreg.gather [hbm4b:s7+s6], $0x80, v20, vm0, $0xb8;
	[tilespmem:$0x1A900] =	vst v63  }
0x1a8: {  	v38 =	vperm.xlane v19, v2;
	v20 =	vadd.s32 v5, v37;
	s17 =	simm.s32 $0x3080  }
0x1a9: {  	[tilespmem:s17], [sflag:$0x1] =	stream.indirect_vreg.gather [hbm4b:s7+s6], $0x80, v34, vm0, $0xb8;
	[tilespmem:$0x1A900] =	vst v63  }
0x1aa: {  	v40 =	vperm.xlane v19, v11;
	v39 =	vadd.s32 v5, v38;
	s17 =	simm.s32 $0x3100  }
0x1ab: {  	[tilespmem:s17], [sflag:$0x1] =	stream.indirect_vreg.gather [hbm4b:s7+s6], $0x80, v36, vm0, $0xb8;
	[tilespmem:$0x1A900] =	vst v63  }
0x1ac: {  	v42 =	vperm.xlane v19, v12;
	v41 =	vadd.s32 v5, v40;
	s17 =	simm.s32 $0x3180  }
0x1ad: {  	[tilespmem:s17], [sflag:$0x1] =	stream.indirect_vreg.gather [hbm4b:s7+s6], $0x80, v20, vm0, $0xb8;
	[tilespmem:$0x1A900] =	vst v63  }
0x1ae: {  	v43 =	vperm.xlane v19, v13;
	v20 =	vadd.s32 v5, v42;
	s17 =	simm.s32 $0x3200  }
0x1af: {  	[tilespmem:s17], [sflag:$0x1] =	stream.indirect_vreg.gather [hbm4b:s7+s6], $0x80, v39, vm0, $0xb8;
	[tilespmem:$0x1A900] =	vst v63  }
0x1b0: {  	v45 =	vperm.xlane v19, v14;
	v44 =	vadd.s32 v5, v43;
	s17 =	simm.s32 $0x3280  }
0x1b1: {  	[tilespmem:s17], [sflag:$0x1] =	stream.indirect_vreg.gather [hbm4b:s7+s6], $0x80, v41, vm0, $0xb8;
	[tilespmem:$0x1A900] =	vst v63  }
0x1b2: {  	v47 =	vperm.xlane v19, v15;
	v46 =	vadd.s32 v5, v45;
	s17 =	simm.s32 $0x3300  }
0x1b3: {  	[tilespmem:s17], [sflag:$0x1] =	stream.indirect_vreg.gather [hbm4b:s7+s6], $0x80, v20, vm0, $0xb8;
	[tilespmem:$0x1A900] =	vst v63  }
0x1b4: {  	v48 =	vperm.xlane v19, v16;
	v20 =	vadd.s32 v5, v47;
	s17 =	simm.s32 $0x3380  }
0x1b5: {  	[tilespmem:s17], [sflag:$0x1] =	stream.indirect_vreg.gather [hbm4b:s7+s6], $0x80, v44, vm0, $0xb8;
	[tilespmem:$0x1A900] =	vst v63  }
0x1b6: {  	v50 =	vperm.xlane v19, v17;
	v49 =	vadd.s32 v5, v48;
	s17 =	simm.s32 $0x3400  }
0x1b7: {  	[tilespmem:s17], [sflag:$0x1] =	stream.indirect_vreg.gather [hbm4b:s7+s6], $0x80, v46, vm0, $0xb8;
	[tilespmem:$0x1A900] =	vst v63  }
0x1b8: {  	v19 =	vperm.xlane v19, v18;
	v51 =	vadd.s32 v5, v50;
	s17 =	simm.s32 $0x3480  }
0x1b9: {  	[tilespmem:s17], [sflag:$0x1] =	stream.indirect_vreg.gather [hbm4b:s7+s6], $0x80, v20, vm0, $0xb8;
	[tilespmem:$0x1A900] =	vst v63  }
0x1ba: {  	v19 =	vadd.s32 v5, v19;
	s17 =	simm.s32 $0x3500  }
0x1bb: {  	[tilespmem:s17], [sflag:$0x1] =	stream.indirect_vreg.gather [hbm4b:s7+s6], $0x80, v49, vm0, $0xb8;
	[tilespmem:$0x1A900] =	vst v63  }
0x1bc: {  	s17 =	simm.s32 $0x3580  }
0x1bd: {  	[tilespmem:s17], [sflag:$0x1] =	stream.indirect_vreg.gather [hbm4b:s7+s6], $0x80, v51, vm0, $0xb8;
	[tilespmem:$0x1A900] =	vst v63  }
0x1be: {  	s17 =	simm.s32 $0x3600  }
0x1bf: {  	[tilespmem:s17], [sflag:$0x1] =	stream.indirect_vreg.gather [hbm4b:s7+s6], $0x80, v19, vm0, $0xb8;
	[tilespmem:$0x1A900] =	vst v63  }
0x1c0: {  	v19 =	vld [tilespmem:$0x360];
	_ =	sdelay $0x4  }
0x1c1: {  	v20 =	vshll.u32 v19, $0x1  }
0x1c2: {  	v19 =	vand.u32 $0x7, v19;
	v20 =	vand.u32 $0xFFFFFFF0, v20  }
0x1c3: {  	v19 =	vor.u32 v19, v20  }
0x1c4: {  	v20 =	vperm.xlane v19, v4;
	_ =	sdelay $0x1  }
0x1c5: {  	v52 =	vperm.xlane v19, v3;
	v20 =	vadd.s32 v5, v20;
	_ =	sdelay $0x1  }
0x1c6: {  	v53 =	vperm.xlane v19, v6;
	v21 =	vadd.s32 v5, v52;
	_ =	sdelay $0x1  }
0x1c7: {  	s17 =	simm.s32 $0x3680;
	v54 =	vperm.xlane v19, v7;
	v22 =	vadd.s32 v5, v53  }
0x1c8: {  	[tilespmem:s17], [sflag:$0x1] =	stream.indirect_vreg.gather [hbm4b:s7+s6], $0x80, v20, vm0, $0xb8;
	[tilespmem:$0x1A900] =	vst v63  }
0x1c9: {  	v55 =	vperm.xlane v19, v8;
	v20 =	vadd.s32 v5, v54;
	s17 =	simm.s32 $0x3700  }
0x1ca: {  	[tilespmem:s17], [sflag:$0x1] =	stream.indirect_vreg.gather [hbm4b:s7+s6], $0x80, v21, vm0, $0xb8;
	[tilespmem:$0x1A900] =	vst v63  }
0x1cb: {  	v57 =	vperm.xlane v19, v9;
	v56 =	vadd.s32 v5, v55;
	s17 =	simm.s32 $0x3780  }
0x1cc: {  	[tilespmem:s17], [sflag:$0x1] =	stream.indirect_vreg.gather [hbm4b:s7+s6], $0x80, v22, vm0, $0xb8;
	[tilespmem:$0x1A900] =	vst v63  }
0x1cd: {  	v59 =	vperm.xlane v19, v10;
	v58 =	vadd.s32 v5, v57;
	s17 =	simm.s32 $0x3800  }
0x1ce: {  	[tilespmem:s17], [sflag:$0x1] =	stream.indirect_vreg.gather [hbm4b:s7+s6], $0x80, v20, vm0, $0xb8;
	[tilespmem:$0x1A900] =	vst v63  }
0x1cf: {  	v60 =	vperm.xlane v19, v2;
	v20 =	vadd.s32 v5, v59;
	s17 =	simm.s32 $0x3880  }
0x1d0: {  	[tilespmem:s17], [sflag:$0x1] =	stream.indirect_vreg.gather [hbm4b:s7+s6], $0x80, v56, vm0, $0xb8;
	[tilespmem:$0x1A900] =	vst v63  }
0x1d1: {  	v62 =	vperm.xlane v19, v11;
	v61 =	vadd.s32 v5, v60;
	s17 =	simm.s32 $0x3900  }
0x1d2: {  	[tilespmem:s17], [sflag:$0x1] =	stream.indirect_vreg.gather [hbm4b:s7+s6], $0x80, v58, vm0, $0xb8;
	[tilespmem:$0x1A900] =	vst v63  }
0x1d3: {  	v24 =	vperm.xlane v19, v12;
	v63 =	vadd.s32 v5, v62;
	s17 =	simm.s32 $0x3980  }
0x1d4: {  	[tilespmem:s17], [sflag:$0x1] =	stream.indirect_vreg.gather [hbm4b:s7+s6], $0x80, v20, vm0, $0xb8;
	[tilespmem:$0x1A900] =	vst v63  }
0x1d5: {  	v25 =	vperm.xlane v19, v13;
	v20 =	vadd.s32 v5, v24;
	s17 =	simm.s32 $0x3A00  }
0x1d6: {  	[tilespmem:s17], [sflag:$0x1] =	stream.indirect_vreg.gather [hbm4b:s7+s6], $0x80, v61, vm0, $0xb8;
	[tilespmem:$0x1A900] =	vst v63  }
0x1d7: {  	v27 =	vperm.xlane v19, v14;
	v26 =	vadd.s32 v5, v25;
	s17 =	simm.s32 $0x3A80  }
0x1d8: {  	[tilespmem:s17], [sflag:$0x1] =	stream.indirect_vreg.gather [hbm4b:s7+s6], $0x80, v63, vm0, $0xb8;
	[tilespmem:$0x1A900] =	vst v63  }
0x1d9: {  	v29 =	vperm.xlane v19, v15;
	v28 =	vadd.s32 v5, v27;
	s17 =	simm.s32 $0x3B00  }
0x1da: {  	[tilespmem:s17], [sflag:$0x1] =	stream.indirect_vreg.gather [hbm4b:s7+s6], $0x80, v20, vm0, $0xb8;
	[tilespmem:$0x1A900] =	vst v63  }
0x1db: {  	v30 =	vperm.xlane v19, v16;
	v20 =	vadd.s32 v5, v29;
	s17 =	simm.s32 $0x3B80  }
0x1dc: {  	[tilespmem:s17], [sflag:$0x1] =	stream.indirect_vreg.gather [hbm4b:s7+s6], $0x80, v26, vm0, $0xb8;
	[tilespmem:$0x1A900] =	vst v63  }
0x1dd: {  	v32 =	vperm.xlane v19, v17;
	v31 =	vadd.s32 v5, v30;
	s17 =	simm.s32 $0x3C00  }
0x1de: {  	[tilespmem:s17], [sflag:$0x1] =	stream.indirect_vreg.gather [hbm4b:s7+s6], $0x80, v28, vm0, $0xb8;
	[tilespmem:$0x1A900] =	vst v63  }
0x1df: {  	v19 =	vperm.xlane v19, v18;
	v33 =	vadd.s32 v5, v32;
	s17 =	simm.s32 $0x3C80  }
0x1e0: {  	[tilespmem:s17], [sflag:$0x1] =	stream.indirect_vreg.gather [hbm4b:s7+s6], $0x80, v20, vm0, $0xb8;
	[tilespmem:$0x1A900] =	vst v63  }
0x1e1: {  	v19 =	vadd.s32 v5, v19;
	s17 =	simm.s32 $0x3D00  }
0x1e2: {  	[tilespmem:s17], [sflag:$0x1] =	stream.indirect_vreg.gather [hbm4b:s7+s6], $0x80, v31, vm0, $0xb8;
	[tilespmem:$0x1A900] =	vst v63  }
0x1e3: {  	s17 =	simm.s32 $0x3D80  }
0x1e4: {  	[tilespmem:s17], [sflag:$0x1] =	stream.indirect_vreg.gather [hbm4b:s7+s6], $0x80, v33, vm0, $0xb8;
	[tilespmem:$0x1A900] =	vst v63  }
0x1e5: {  	s17 =	simm.s32 $0x3E00  }
0x1e6: {  	[tilespmem:s17], [sflag:$0x1] =	stream.indirect_vreg.gather [hbm4b:s7+s6], $0x80, v19, vm0, $0xb8;
	[tilespmem:$0x1A900] =	vst v63  }
0x1e7: {  	v19 =	vld [tilespmem:$0x370];
	_ =	sdelay $0x4  }
0x1e8: {  	v20 =	vshll.u32 v19, $0x1  }
0x1e9: {  	v19 =	vand.u32 $0x7, v19;
	v20 =	vand.u32 $0xFFFFFFF0, v20  }
0x1ea: {  	v19 =	vor.u32 v19, v20  }
0x1eb: {  	v20 =	vperm.xlane v19, v4;
	_ =	sdelay $0x1  }
0x1ec: {  	v34 =	vperm.xlane v19, v3;
	v20 =	vadd.s32 v5, v20;
	_ =	sdelay $0x1  }
0x1ed: {  	v35 =	vperm.xlane v19, v6;
	v21 =	vadd.s32 v5, v34;
	_ =	sdelay $0x1  }
0x1ee: {  	s17 =	simm.s32 $0x3E80;
	v36 =	vperm.xlane v19, v7;
	v22 =	vadd.s32 v5, v35  }
0x1ef: {  	[tilespmem:s17], [sflag:$0x1] =	stream.indirect_vreg.gather [hbm4b:s7+s6], $0x80, v20, vm0, $0xb8;
	[tilespmem:$0x1A900] =	vst v63  }
0x1f0: {  	v37 =	vperm.xlane v19, v8;
	v20 =	vadd.s32 v5, v36;
	s17 =	simm.s32 $0x3F00  }
0x1f1: {  	[tilespmem:s17], [sflag:$0x1] =	stream.indirect_vreg.gather [hbm4b:s7+s6], $0x80, v21, vm0, $0xb8;
	[tilespmem:$0x1A900] =	vst v63  }
0x1f2: {  	v39 =	vperm.xlane v19, v9;
	v38 =	vadd.s32 v5, v37;
	s17 =	simm.s32 $0x3F80  }
0x1f3: {  	[tilespmem:s17], [sflag:$0x1] =	stream.indirect_vreg.gather [hbm4b:s7+s6], $0x80, v22, vm0, $0xb8;
	[tilespmem:$0x1A900] =	vst v63  }
0x1f4: {  	v41 =	vperm.xlane v19, v10;
	v40 =	vadd.s32 v5, v39;
	s17 =	simm.s32 $0x4000  }
0x1f5: {  	[tilespmem:s17], [sflag:$0x1] =	stream.indirect_vreg.gather [hbm4b:s7+s6], $0x80, v20, vm0, $0xb8;
	[tilespmem:$0x1A900] =	vst v63  }
0x1f6: {  	v42 =	vperm.xlane v19, v2;
	v20 =	vadd.s32 v5, v41;
	s17 =	simm.s32 $0x4080  }
0x1f7: {  	[tilespmem:s17], [sflag:$0x1] =	stream.indirect_vreg.gather [hbm4b:s7+s6], $0x80, v38, vm0, $0xb8;
	[tilespmem:$0x1A900] =	vst v63  }
0x1f8: {  	v44 =	vperm.xlane v19, v11;
	v43 =	vadd.s32 v5, v42;
	s17 =	simm.s32 $0x4100  }
0x1f9: {  	[tilespmem:s17], [sflag:$0x1] =	stream.indirect_vreg.gather [hbm4b:s7+s6], $0x80, v40, vm0, $0xb8;
	[tilespmem:$0x1A900] =	vst v63  }
0x1fa: {  	v46 =	vperm.xlane v19, v12;
	v45 =	vadd.s32 v5, v44;
	s17 =	simm.s32 $0x4180  }
0x1fb: {  	[tilespmem:s17], [sflag:$0x1] =	stream.indirect_vreg.gather [hbm4b:s7+s6], $0x80, v20, vm0, $0xb8;
	[tilespmem:$0x1A900] =	vst v63  }
0x1fc: {  	v47 =	vperm.xlane v19, v13;
	v20 =	vadd.s32 v5, v46;
	s17 =	simm.s32 $0x4200  }
0x1fd: {  	[tilespmem:s17], [sflag:$0x1] =	stream.indirect_vreg.gather [hbm4b:s7+s6], $0x80, v43, vm0, $0xb8;
	[tilespmem:$0x1A900] =	vst v63  }
0x1fe: {  	v49 =	vperm.xlane v19, v14;
	v48 =	vadd.s32 v5, v47;
	s17 =	simm.s32 $0x4280  }
0x1ff: {  	[tilespmem:s17], [sflag:$0x1] =	stream.indirect_vreg.gather [hbm4b:s7+s6], $0x80, v45, vm0, $0xb8;
	[tilespmem:$0x1A900] =	vst v63  }
0x200: {  	v51 =	vperm.xlane v19, v15;
	v50 =	vadd.s32 v5, v49;
	s17 =	simm.s32 $0x4300  }
0x201: {  	[tilespmem:s17], [sflag:$0x1] =	stream.indirect_vreg.gather [hbm4b:s7+s6], $0x80, v20, vm0, $0xb8;
	[tilespmem:$0x1A900] =	vst v63  }
0x202: {  	v52 =	vperm.xlane v19, v16;
	v20 =	vadd.s32 v5, v51;
	s17 =	simm.s32 $0x4380  }
0x203: {  	[tilespmem:s17], [sflag:$0x1] =	stream.indirect_vreg.gather [hbm4b:s7+s6], $0x80, v48, vm0, $0xb8;
	[tilespmem:$0x1A900] =	vst v63  }
0x204: {  	v54 =	vperm.xlane v19, v17;
	v53 =	vadd.s32 v5, v52;
	s17 =	simm.s32 $0x4400  }
0x205: {  	[tilespmem:s17], [sflag:$0x1] =	stream.indirect_vreg.gather [hbm4b:s7+s6], $0x80, v50, vm0, $0xb8;
	[tilespmem:$0x1A900] =	vst v63  }
0x206: {  	v19 =	vperm.xlane v19, v18;
	v55 =	vadd.s32 v5, v54;
	s17 =	simm.s32 $0x4480  }
0x207: {  	[tilespmem:s17], [sflag:$0x1] =	stream.indirect_vreg.gather [hbm4b:s7+s6], $0x80, v20, vm0, $0xb8;
	[tilespmem:$0x1A900] =	vst v63  }
0x208: {  	v19 =	vadd.s32 v5, v19;
	s17 =	simm.s32 $0x4500  }
0x209: {  	[tilespmem:s17], [sflag:$0x1] =	stream.indirect_vreg.gather [hbm4b:s7+s6], $0x80, v53, vm0, $0xb8;
	[tilespmem:$0x1A900] =	vst v63  }
0x20a: {  	s17 =	simm.s32 $0x4580  }
0x20b: {  	[tilespmem:s17], [sflag:$0x1] =	stream.indirect_vreg.gather [hbm4b:s7+s6], $0x80, v55, vm0, $0xb8;
	[tilespmem:$0x1A900] =	vst v63  }
0x20c: {  	s17 =	simm.s32 $0x4600  }
0x20d: {  	[tilespmem:s17], [sflag:$0x1] =	stream.indirect_vreg.gather [hbm4b:s7+s6], $0x80, v19, vm0, $0xb8;
	[tilespmem:$0x1A900] =	vst v63  }
0x20e: {  	v19 =	vld [tilespmem:$0x300];
	_ =	sdelay $0x4  }
0x20f: {  	v20 =	vshll.u32 v19, $0x1  }
0x210: {  	v19 =	vand.u32 $0x7, v19;
	v20 =	vand.u32 $0xFFFFFFF0, v20  }
0x211: {  	v19 =	vor.u32 v19, v20  }
0x212: {  	v20 =	vperm.xlane v19, v4;
	_ =	sdelay $0x1  }
0x213: {  	v56 =	vperm.xlane v19, v3;
	v20 =	vadd.s32 v5, v20;
	_ =	sdelay $0x1  }
0x214: {  	v57 =	vperm.xlane v19, v6;
	v21 =	vadd.s32 v5, v56;
	_ =	sdelay $0x1  }
0x215: {  	v58 =	vperm.xlane v19, v7;
	v22 =	vadd.s32 v5, v57  }
0x216: {  	[tilespmem:s26], [sflag:$0x1] =	stream.indirect_vreg.gather [hbm4b:s22+s6], $0x80, v20, vm0, $0xb8;
	[tilespmem:$0x1A900] =	vst v63  }
0x217: {  	s17 =	simm.s32 $0x4700;
	v59 =	vperm.xlane v19, v8;
	v20 =	vadd.s32 v5, v58  }
0x218: {  	[tilespmem:s17], [sflag:$0x1] =	stream.indirect_vreg.gather [hbm4b:s22+s6], $0x80, v21, vm0, $0xb8;
	[tilespmem:$0x1A900] =	vst v63  }
0x219: {  	v61 =	vperm.xlane v19, v9;
	v60 =	vadd.s32 v5, v59;
	s17 =	simm.s32 $0x4780  }
0x21a: {  	[tilespmem:s17], [sflag:$0x1] =	stream.indirect_vreg.gather [hbm4b:s22+s6], $0x80, v22, vm0, $0xb8;
	[tilespmem:$0x1A900] =	vst v63  }
0x21b: {  	v63 =	vperm.xlane v19, v10;
	v62 =	vadd.s32 v5, v61;
	s17 =	simm.s32 $0x4800  }
0x21c: {  	[tilespmem:s17], [sflag:$0x1] =	stream.indirect_vreg.gather [hbm4b:s22+s6], $0x80, v20, vm0, $0xb8;
	[tilespmem:$0x1A900] =	vst v63  }
0x21d: {  	v24 =	vperm.xlane v19, v2;
	v20 =	vadd.s32 v5, v63;
	s17 =	simm.s32 $0x4880  }
0x21e: {  	[tilespmem:s17], [sflag:$0x1] =	stream.indirect_vreg.gather [hbm4b:s22+s6], $0x80, v60, vm0, $0xb8;
	[tilespmem:$0x1A900] =	vst v63  }
0x21f: {  	v26 =	vperm.xlane v19, v11;
	v25 =	vadd.s32 v5, v24;
	s17 =	simm.s32 $0x4900  }
0x220: {  	[tilespmem:s17], [sflag:$0x1] =	stream.indirect_vreg.gather [hbm4b:s22+s6], $0x80, v62, vm0, $0xb8;
	[tilespmem:$0x1A900] =	vst v63  }
0x221: {  	v28 =	vperm.xlane v19, v12;
	v27 =	vadd.s32 v5, v26;
	s17 =	simm.s32 $0x4980  }
0x222: {  	[tilespmem:s17], [sflag:$0x1] =	stream.indirect_vreg.gather [hbm4b:s22+s6], $0x80, v20, vm0, $0xb8;
	[tilespmem:$0x1A900] =	vst v63  }
0x223: {  	v29 =	vperm.xlane v19, v13;
	v20 =	vadd.s32 v5, v28;
	s17 =	simm.s32 $0x4A00  }
0x224: {  	[tilespmem:s17], [sflag:$0x1] =	stream.indirect_vreg.gather [hbm4b:s22+s6], $0x80, v25, vm0, $0xb8;
	[tilespmem:$0x1A900] =	vst v63  }
0x225: {  	v31 =	vperm.xlane v19, v14;
	v30 =	vadd.s32 v5, v29;
	s17 =	simm.s32 $0x4A80  }
0x226: {  	[tilespmem:s17], [sflag:$0x1] =	stream.indirect_vreg.gather [hbm4b:s22+s6], $0x80, v27, vm0, $0xb8;
	[tilespmem:$0x1A900] =	vst v63  }
0x227: {  	v33 =	vperm.xlane v19, v15;
	v32 =	vadd.s32 v5, v31;
	s17 =	simm.s32 $0x4B00  }
0x228: {  	[tilespmem:s17], [sflag:$0x1] =	stream.indirect_vreg.gather [hbm4b:s22+s6], $0x80, v20, vm0, $0xb8;
	[tilespmem:$0x1A900] =	vst v63  }
0x229: {  	v34 =	vperm.xlane v19, v16;
	v20 =	vadd.s32 v5, v33;
	s17 =	simm.s32 $0x4B80  }
0x22a: {  	[tilespmem:s17], [sflag:$0x1] =	stream.indirect_vreg.gather [hbm4b:s22+s6], $0x80, v30, vm0, $0xb8;
	[tilespmem:$0x1A900] =	vst v63  }
0x22b: {  	v36 =	vperm.xlane v19, v17;
	v35 =	vadd.s32 v5, v34;
	s17 =	simm.s32 $0x4C00  }
0x22c: {  	[tilespmem:s17], [sflag:$0x1] =	stream.indirect_vreg.gather [hbm4b:s22+s6], $0x80, v32, vm0, $0xb8;
	[tilespmem:$0x1A900] =	vst v63  }
0x22d: {  	v19 =	vperm.xlane v19, v18;
	v37 =	vadd.s32 v5, v36;
	s17 =	simm.s32 $0x4C80  }
0x22e: {  	[tilespmem:s17], [sflag:$0x1] =	stream.indirect_vreg.gather [hbm4b:s22+s6], $0x80, v20, vm0, $0xb8;
	[tilespmem:$0x1A900] =	vst v63  }
0x22f: {  	v19 =	vadd.s32 v5, v19;
	s17 =	simm.s32 $0x4D00  }
0x230: {  	[tilespmem:s17], [sflag:$0x1] =	stream.indirect_vreg.gather [hbm4b:s22+s6], $0x80, v35, vm0, $0xb8;
	[tilespmem:$0x1A900] =	vst v63  }
0x231: {  	s17 =	simm.s32 $0x4D80  }
0x232: {  	[tilespmem:s17], [sflag:$0x1] =	stream.indirect_vreg.gather [hbm4b:s22+s6], $0x80, v37, vm0, $0xb8;
	[tilespmem:$0x1A900] =	vst v63  }
0x233: {  	s17 =	simm.s32 $0x4E00  }
0x234: {  	[tilespmem:s17], [sflag:$0x1] =	stream.indirect_vreg.gather [hbm4b:s22+s6], $0x80, v19, vm0, $0xb8;
	[tilespmem:$0x1A900] =	vst v63  }
0x235: {  	v19 =	vld [tilespmem:$0x310];
	_ =	sdelay $0x4  }
0x236: {  	v20 =	vshll.u32 v19, $0x1  }
0x237: {  	v19 =	vand.u32 $0x7, v19;
	v20 =	vand.u32 $0xFFFFFFF0, v20  }
0x238: {  	v19 =	vor.u32 v19, v20  }
0x239: {  	v20 =	vperm.xlane v19, v4;
	_ =	sdelay $0x1  }
0x23a: {  	v38 =	vperm.xlane v19, v3;
	v20 =	vadd.s32 v5, v20;
	_ =	sdelay $0x1  }
0x23b: {  	v39 =	vperm.xlane v19, v6;
	v21 =	vadd.s32 v5, v38;
	_ =	sdelay $0x1  }
0x23c: {  	s17 =	simm.s32 $0x4E80;
	v40 =	vperm.xlane v19, v7;
	v22 =	vadd.s32 v5, v39  }
0x23d: {  	[tilespmem:s17], [sflag:$0x1] =	stream.indirect_vreg.gather [hbm4b:s22+s6], $0x80, v20, vm0, $0xb8;
	[tilespmem:$0x1A900] =	vst v63  }
0x23e: {  	v41 =	vperm.xlane v19, v8;
	v20 =	vadd.s32 v5, v40;
	s17 =	simm.s32 $0x4F00  }
0x23f: {  	[tilespmem:s17], [sflag:$0x1] =	stream.indirect_vreg.gather [hbm4b:s22+s6], $0x80, v21, vm0, $0xb8;
	[tilespmem:$0x1A900] =	vst v63  }
0x240: {  	v43 =	vperm.xlane v19, v9;
	v42 =	vadd.s32 v5, v41;
	s17 =	simm.s32 $0x4F80  }
0x241: {  	[tilespmem:s17], [sflag:$0x1] =	stream.indirect_vreg.gather [hbm4b:s22+s6], $0x80, v22, vm0, $0xb8;
	[tilespmem:$0x1A900] =	vst v63  }
0x242: {  	v45 =	vperm.xlane v19, v10;
	v44 =	vadd.s32 v5, v43;
	s17 =	simm.s32 $0x5000  }
0x243: {  	[tilespmem:s17], [sflag:$0x1] =	stream.indirect_vreg.gather [hbm4b:s22+s6], $0x80, v20, vm0, $0xb8;
	[tilespmem:$0x1A900] =	vst v63  }
0x244: {  	v46 =	vperm.xlane v19, v2;
	v20 =	vadd.s32 v5, v45;
	s17 =	simm.s32 $0x5080  }
0x245: {  	[tilespmem:s17], [sflag:$0x1] =	stream.indirect_vreg.gather [hbm4b:s22+s6], $0x80, v42, vm0, $0xb8;
	[tilespmem:$0x1A900] =	vst v63  }
0x246: {  	v48 =	vperm.xlane v19, v11;
	v47 =	vadd.s32 v5, v46;
	s17 =	simm.s32 $0x5100  }
0x247: {  	[tilespmem:s17], [sflag:$0x1] =	stream.indirect_vreg.gather [hbm4b:s22+s6], $0x80, v44, vm0, $0xb8;
	[tilespmem:$0x1A900] =	vst v63  }
0x248: {  	v50 =	vperm.xlane v19, v12;
	v49 =	vadd.s32 v5, v48;
	s17 =	simm.s32 $0x5180  }
0x249: {  	[tilespmem:s17], [sflag:$0x1] =	stream.indirect_vreg.gather [hbm4b:s22+s6], $0x80, v20, vm0, $0xb8;
	[tilespmem:$0x1A900] =	vst v63  }
0x24a: {  	v51 =	vperm.xlane v19, v13;
	v20 =	vadd.s32 v5, v50;
	s17 =	simm.s32 $0x5200  }
0x24b: {  	[tilespmem:s17], [sflag:$0x1] =	stream.indirect_vreg.gather [hbm4b:s22+s6], $0x80, v47, vm0, $0xb8;
	[tilespmem:$0x1A900] =	vst v63  }
0x24c: {  	v53 =	vperm.xlane v19, v14;
	v52 =	vadd.s32 v5, v51;
	s17 =	simm.s32 $0x5280  }
0x24d: {  	[tilespmem:s17], [sflag:$0x1] =	stream.indirect_vreg.gather [hbm4b:s22+s6], $0x80, v49, vm0, $0xb8;
	[tilespmem:$0x1A900] =	vst v63  }
0x24e: {  	v55 =	vperm.xlane v19, v15;
	v54 =	vadd.s32 v5, v53;
	s17 =	simm.s32 $0x5300  }
0x24f: {  	[tilespmem:s17], [sflag:$0x1] =	stream.indirect_vreg.gather [hbm4b:s22+s6], $0x80, v20, vm0, $0xb8;
	[tilespmem:$0x1A900] =	vst v63  }
0x250: {  	v56 =	vperm.xlane v19, v16;
	v20 =	vadd.s32 v5, v55;
	s17 =	simm.s32 $0x5380  }
0x251: {  	[tilespmem:s17], [sflag:$0x1] =	stream.indirect_vreg.gather [hbm4b:s22+s6], $0x80, v52, vm0, $0xb8;
	[tilespmem:$0x1A900] =	vst v63  }
0x252: {  	v58 =	vperm.xlane v19, v17;
	v57 =	vadd.s32 v5, v56;
	s17 =	simm.s32 $0x5400  }
0x253: {  	[tilespmem:s17], [sflag:$0x1] =	stream.indirect_vreg.gather [hbm4b:s22+s6], $0x80, v54, vm0, $0xb8;
	[tilespmem:$0x1A900] =	vst v63  }
0x254: {  	v19 =	vperm.xlane v19, v18;
	v59 =	vadd.s32 v5, v58;
	s17 =	simm.s32 $0x5480  }
0x255: {  	[tilespmem:s17], [sflag:$0x1] =	stream.indirect_vreg.gather [hbm4b:s22+s6], $0x80, v20, vm0, $0xb8;
	[tilespmem:$0x1A900] =	vst v63  }
0x256: {  	v19 =	vadd.s32 v5, v19;
	s17 =	simm.s32 $0x5500  }
0x257: {  	[tilespmem:s17], [sflag:$0x1] =	stream.indirect_vreg.gather [hbm4b:s22+s6], $0x80, v57, vm0, $0xb8;
	[tilespmem:$0x1A900] =	vst v63  }
0x258: {  	s17 =	simm.s32 $0x5580  }
0x259: {  	[tilespmem:s17], [sflag:$0x1] =	stream.indirect_vreg.gather [hbm4b:s22+s6], $0x80, v59, vm0, $0xb8;
	[tilespmem:$0x1A900] =	vst v63  }
0x25a: {  	s17 =	simm.s32 $0x5600  }
0x25b: {  	[tilespmem:s17], [sflag:$0x1] =	stream.indirect_vreg.gather [hbm4b:s22+s6], $0x80, v19, vm0, $0xb8;
	[tilespmem:$0x1A900] =	vst v63  }
0x25c: {  	v19 =	vld [tilespmem:$0x320];
	_ =	sdelay $0x4  }
0x25d: {  	v20 =	vshll.u32 v19, $0x1  }
0x25e: {  	v19 =	vand.u32 $0x7, v19;
	v20 =	vand.u32 $0xFFFFFFF0, v20  }
0x25f: {  	v19 =	vor.u32 v19, v20  }
0x260: {  	v20 =	vperm.xlane v19, v4;
	_ =	sdelay $0x1  }
0x261: {  	v60 =	vperm.xlane v19, v3;
	v20 =	vadd.s32 v5, v20;
	_ =	sdelay $0x1  }
0x262: {  	v61 =	vperm.xlane v19, v6;
	v21 =	vadd.s32 v5, v60;
	_ =	sdelay $0x1  }
0x263: {  	s17 =	simm.s32 $0x5680;
	v62 =	vperm.xlane v19, v7;
	v22 =	vadd.s32 v5, v61  }
0x264: {  	[tilespmem:s17], [sflag:$0x1] =	stream.indirect_vreg.gather [hbm4b:s22+s6], $0x80, v20, vm0, $0xb8;
	[tilespmem:$0x1A900] =	vst v63  }
0x265: {  	v63 =	vperm.xlane v19, v8;
	v20 =	vadd.s32 v5, v62;
	s17 =	simm.s32 $0x5700  }
0x266: {  	[tilespmem:s17], [sflag:$0x1] =	stream.indirect_vreg.gather [hbm4b:s22+s6], $0x80, v21, vm0, $0xb8;
	[tilespmem:$0x1A900] =	vst v63  }
0x267: {  	v25 =	vperm.xlane v19, v9;
	v24 =	vadd.s32 v5, v63;
	s17 =	simm.s32 $0x5780  }
0x268: {  	[tilespmem:s17], [sflag:$0x1] =	stream.indirect_vreg.gather [hbm4b:s22+s6], $0x80, v22, vm0, $0xb8;
	[tilespmem:$0x1A900] =	vst v63  }
0x269: {  	v27 =	vperm.xlane v19, v10;
	v26 =	vadd.s32 v5, v25;
	s17 =	simm.s32 $0x5800  }
0x26a: {  	[tilespmem:s17], [sflag:$0x1] =	stream.indirect_vreg.gather [hbm4b:s22+s6], $0x80, v20, vm0, $0xb8;
	[tilespmem:$0x1A900] =	vst v63  }
0x26b: {  	v28 =	vperm.xlane v19, v2;
	v20 =	vadd.s32 v5, v27;
	s17 =	simm.s32 $0x5880  }
0x26c: {  	[tilespmem:s17], [sflag:$0x1] =	stream.indirect_vreg.gather [hbm4b:s22+s6], $0x80, v24, vm0, $0xb8;
	[tilespmem:$0x1A900] =	vst v63  }
0x26d: {  	v30 =	vperm.xlane v19, v11;
	v29 =	vadd.s32 v5, v28;
	s17 =	simm.s32 $0x5900  }
0x26e: {  	[tilespmem:s17], [sflag:$0x1] =	stream.indirect_vreg.gather [hbm4b:s22+s6], $0x80, v26, vm0, $0xb8;
	[tilespmem:$0x1A900] =	vst v63  }
0x26f: {  	v32 =	vperm.xlane v19, v12;
	v31 =	vadd.s32 v5, v30;
	s17 =	simm.s32 $0x5980  }
0x270: {  	[tilespmem:s17], [sflag:$0x1] =	stream.indirect_vreg.gather [hbm4b:s22+s6], $0x80, v20, vm0, $0xb8;
	[tilespmem:$0x1A900] =	vst v63  }
0x271: {  	v33 =	vperm.xlane v19, v13;
	v20 =	vadd.s32 v5, v32;
	s17 =	simm.s32 $0x5A00  }
0x272: {  	[tilespmem:s17], [sflag:$0x1] =	stream.indirect_vreg.gather [hbm4b:s22+s6], $0x80, v29, vm0, $0xb8;
	[tilespmem:$0x1A900] =	vst v63  }
0x273: {  	v35 =	vperm.xlane v19, v14;
	v34 =	vadd.s32 v5, v33;
	s17 =	simm.s32 $0x5A80  }
0x274: {  	[tilespmem:s17], [sflag:$0x1] =	stream.indirect_vreg.gather [hbm4b:s22+s6], $0x80, v31, vm0, $0xb8;
	[tilespmem:$0x1A900] =	vst v63  }
0x275: {  	v37 =	vperm.xlane v19, v15;
	v36 =	vadd.s32 v5, v35;
	s17 =	simm.s32 $0x5B00  }
0x276: {  	[tilespmem:s17], [sflag:$0x1] =	stream.indirect_vreg.gather [hbm4b:s22+s6], $0x80, v20, vm0, $0xb8;
	[tilespmem:$0x1A900] =	vst v63  }
0x277: {  	v38 =	vperm.xlane v19, v16;
	v20 =	vadd.s32 v5, v37;
	s17 =	simm.s32 $0x5B80  }
0x278: {  	[tilespmem:s17], [sflag:$0x1] =	stream.indirect_vreg.gather [hbm4b:s22+s6], $0x80, v34, vm0, $0xb8;
	[tilespmem:$0x1A900] =	vst v63  }
0x279: {  	v40 =	vperm.xlane v19, v17;
	v39 =	vadd.s32 v5, v38;
	s17 =	simm.s32 $0x5C00  }
0x27a: {  	[tilespmem:s17], [sflag:$0x1] =	stream.indirect_vreg.gather [hbm4b:s22+s6], $0x80, v36, vm0, $0xb8;
	[tilespmem:$0x1A900] =	vst v63  }
0x27b: {  	v19 =	vperm.xlane v19, v18;
	v41 =	vadd.s32 v5, v40;
	s17 =	simm.s32 $0x5C80  }
0x27c: {  	[tilespmem:s17], [sflag:$0x1] =	stream.indirect_vreg.gather [hbm4b:s22+s6], $0x80, v20, vm0, $0xb8;
	[tilespmem:$0x1A900] =	vst v63  }
0x27d: {  	v19 =	vadd.s32 v5, v19;
	s17 =	simm.s32 $0x5D00  }
0x27e: {  	[tilespmem:s17], [sflag:$0x1] =	stream.indirect_vreg.gather [hbm4b:s22+s6], $0x80, v39, vm0, $0xb8;
	[tilespmem:$0x1A900] =	vst v63  }
0x27f: {  	s17 =	simm.s32 $0x5D80  }
0x280: {  	[tilespmem:s17], [sflag:$0x1] =	stream.indirect_vreg.gather [hbm4b:s22+s6], $0x80, v41, vm0, $0xb8;
	[tilespmem:$0x1A900] =	vst v63  }
0x281: {  	s17 =	simm.s32 $0x5E00  }
0x282: {  	[tilespmem:s17], [sflag:$0x1] =	stream.indirect_vreg.gather [hbm4b:s22+s6], $0x80, v19, vm0, $0xb8;
	[tilespmem:$0x1A900] =	vst v63  }
0x283: {  	v19 =	vld [tilespmem:$0x330];
	_ =	sdelay $0x4  }
0x284: {  	v20 =	vshll.u32 v19, $0x1  }
0x285: {  	v19 =	vand.u32 $0x7, v19;
	v20 =	vand.u32 $0xFFFFFFF0, v20  }
0x286: {  	v19 =	vor.u32 v19, v20  }
0x287: {  	v20 =	vperm.xlane v19, v4;
	_ =	sdelay $0x1  }
0x288: {  	v42 =	vperm.xlane v19, v3;
	v20 =	vadd.s32 v5, v20;
	_ =	sdelay $0x1  }
0x289: {  	v43 =	vperm.xlane v19, v6;
	v21 =	vadd.s32 v5, v42;
	_ =	sdelay $0x1  }
0x28a: {  	s17 =	simm.s32 $0x5E80;
	v44 =	vperm.xlane v19, v7;
	v22 =	vadd.s32 v5, v43  }
0x28b: {  	[tilespmem:s17], [sflag:$0x1] =	stream.indirect_vreg.gather [hbm4b:s22+s6], $0x80, v20, vm0, $0xb8;
	[tilespmem:$0x1A900] =	vst v63  }
0x28c: {  	v45 =	vperm.xlane v19, v8;
	v20 =	vadd.s32 v5, v44;
	s17 =	simm.s32 $0x5F00  }
0x28d: {  	[tilespmem:s17], [sflag:$0x1] =	stream.indirect_vreg.gather [hbm4b:s22+s6], $0x80, v21, vm0, $0xb8;
	[tilespmem:$0x1A900] =	vst v63  }
0x28e: {  	v47 =	vperm.xlane v19, v9;
	v46 =	vadd.s32 v5, v45;
	s17 =	simm.s32 $0x5F80  }
0x28f: {  	[tilespmem:s17], [sflag:$0x1] =	stream.indirect_vreg.gather [hbm4b:s22+s6], $0x80, v22, vm0, $0xb8;
	[tilespmem:$0x1A900] =	vst v63  }
0x290: {  	v49 =	vperm.xlane v19, v10;
	v48 =	vadd.s32 v5, v47;
	s17 =	simm.s32 $0x6000  }
0x291: {  	[tilespmem:s17], [sflag:$0x1] =	stream.indirect_vreg.gather [hbm4b:s22+s6], $0x80, v20, vm0, $0xb8;
	[tilespmem:$0x1A900] =	vst v63  }
0x292: {  	v50 =	vperm.xlane v19, v2;
	v20 =	vadd.s32 v5, v49;
	s17 =	simm.s32 $0x6080  }
0x293: {  	[tilespmem:s17], [sflag:$0x1] =	stream.indirect_vreg.gather [hbm4b:s22+s6], $0x80, v46, vm0, $0xb8;
	[tilespmem:$0x1A900] =	vst v63  }
0x294: {  	v52 =	vperm.xlane v19, v11;
	v51 =	vadd.s32 v5, v50;
	s17 =	simm.s32 $0x6100  }
0x295: {  	[tilespmem:s17], [sflag:$0x1] =	stream.indirect_vreg.gather [hbm4b:s22+s6], $0x80, v48, vm0, $0xb8;
	[tilespmem:$0x1A900] =	vst v63  }
0x296: {  	v54 =	vperm.xlane v19, v12;
	v53 =	vadd.s32 v5, v52;
	s17 =	simm.s32 $0x6180  }
0x297: {  	[tilespmem:s17], [sflag:$0x1] =	stream.indirect_vreg.gather [hbm4b:s22+s6], $0x80, v20, vm0, $0xb8;
	[tilespmem:$0x1A900] =	vst v63  }
0x298: {  	v55 =	vperm.xlane v19, v13;
	v20 =	vadd.s32 v5, v54;
	s17 =	simm.s32 $0x6200  }
0x299: {  	[tilespmem:s17], [sflag:$0x1] =	stream.indirect_vreg.gather [hbm4b:s22+s6], $0x80, v51, vm0, $0xb8;
	[tilespmem:$0x1A900] =	vst v63  }
0x29a: {  	v57 =	vperm.xlane v19, v14;
	v56 =	vadd.s32 v5, v55;
	s17 =	simm.s32 $0x6280  }
0x29b: {  	[tilespmem:s17], [sflag:$0x1] =	stream.indirect_vreg.gather [hbm4b:s22+s6], $0x80, v53, vm0, $0xb8;
	[tilespmem:$0x1A900] =	vst v63  }
0x29c: {  	v59 =	vperm.xlane v19, v15;
	v58 =	vadd.s32 v5, v57;
	s17 =	simm.s32 $0x6300  }
0x29d: {  	[tilespmem:s17], [sflag:$0x1] =	stream.indirect_vreg.gather [hbm4b:s22+s6], $0x80, v20, vm0, $0xb8;
	[tilespmem:$0x1A900] =	vst v63  }
0x29e: {  	v60 =	vperm.xlane v19, v16;
	v20 =	vadd.s32 v5, v59;
	s17 =	simm.s32 $0x6380  }
0x29f: {  	[tilespmem:s17], [sflag:$0x1] =	stream.indirect_vreg.gather [hbm4b:s22+s6], $0x80, v56, vm0, $0xb8;
	[tilespmem:$0x1A900] =	vst v63  }
0x2a0: {  	v62 =	vperm.xlane v19, v17;
	v61 =	vadd.s32 v5, v60;
	s17 =	simm.s32 $0x6400  }
0x2a1: {  	[tilespmem:s17], [sflag:$0x1] =	stream.indirect_vreg.gather [hbm4b:s22+s6], $0x80, v58, vm0, $0xb8;
	[tilespmem:$0x1A900] =	vst v63  }
0x2a2: {  	v19 =	vperm.xlane v19, v18;
	v63 =	vadd.s32 v5, v62;
	s17 =	simm.s32 $0x6480  }
0x2a3: {  	[tilespmem:s17], [sflag:$0x1] =	stream.indirect_vreg.gather [hbm4b:s22+s6], $0x80, v20, vm0, $0xb8;
	[tilespmem:$0x1A900] =	vst v63  }
0x2a4: {  	v19 =	vadd.s32 v5, v19;
	s17 =	simm.s32 $0x6500  }
0x2a5: {  	[tilespmem:s17], [sflag:$0x1] =	stream.indirect_vreg.gather [hbm4b:s22+s6], $0x80, v61, vm0, $0xb8;
	[tilespmem:$0x1A900] =	vst v63  }
0x2a6: {  	s17 =	simm.s32 $0x6580  }
0x2a7: {  	[tilespmem:s17], [sflag:$0x1] =	stream.indirect_vreg.gather [hbm4b:s22+s6], $0x80, v63, vm0, $0xb8;
	[tilespmem:$0x1A900] =	vst v63  }
0x2a8: {  	s17 =	simm.s32 $0x6600  }
0x2a9: {  	[tilespmem:s17], [sflag:$0x1] =	stream.indirect_vreg.gather [hbm4b:s22+s6], $0x80, v19, vm0, $0xb8;
	[tilespmem:$0x1A900] =	vst v63  }
0x2aa: {  	v19 =	vld [tilespmem:$0x340];
	_ =	sdelay $0x4  }
0x2ab: {  	v20 =	vshll.u32 v19, $0x1  }
0x2ac: {  	v19 =	vand.u32 $0x7, v19;
	v20 =	vand.u32 $0xFFFFFFF0, v20  }
0x2ad: {  	v19 =	vor.u32 v19, v20  }
0x2ae: {  	v20 =	vperm.xlane v19, v4;
	_ =	sdelay $0x1  }
0x2af: {  	v24 =	vperm.xlane v19, v3;
	v20 =	vadd.s32 v5, v20;
	_ =	sdelay $0x1  }
0x2b0: {  	v25 =	vperm.xlane v19, v6;
	v21 =	vadd.s32 v5, v24;
	_ =	sdelay $0x1  }
0x2b1: {  	s17 =	simm.s32 $0x6680;
	v26 =	vperm.xlane v19, v7;
	v22 =	vadd.s32 v5, v25  }
0x2b2: {  	[tilespmem:s17], [sflag:$0x1] =	stream.indirect_vreg.gather [hbm4b:s22+s6], $0x80, v20, vm0, $0xb8;
	[tilespmem:$0x1A900] =	vst v63  }
0x2b3: {  	v27 =	vperm.xlane v19, v8;
	v20 =	vadd.s32 v5, v26;
	s17 =	simm.s32 $0x6700  }
0x2b4: {  	[tilespmem:s17], [sflag:$0x1] =	stream.indirect_vreg.gather [hbm4b:s22+s6], $0x80, v21, vm0, $0xb8;
	[tilespmem:$0x1A900] =	vst v63  }
0x2b5: {  	v29 =	vperm.xlane v19, v9;
	v28 =	vadd.s32 v5, v27;
	s17 =	simm.s32 $0x6780  }
0x2b6: {  	[tilespmem:s17], [sflag:$0x1] =	stream.indirect_vreg.gather [hbm4b:s22+s6], $0x80, v22, vm0, $0xb8;
	[tilespmem:$0x1A900] =	vst v63  }
0x2b7: {  	v31 =	vperm.xlane v19, v10;
	v30 =	vadd.s32 v5, v29;
	s17 =	simm.s32 $0x6800  }
0x2b8: {  	[tilespmem:s17], [sflag:$0x1] =	stream.indirect_vreg.gather [hbm4b:s22+s6], $0x80, v20, vm0, $0xb8;
	[tilespmem:$0x1A900] =	vst v63  }
0x2b9: {  	v32 =	vperm.xlane v19, v2;
	v20 =	vadd.s32 v5, v31;
	s17 =	simm.s32 $0x6880  }
0x2ba: {  	[tilespmem:s17], [sflag:$0x1] =	stream.indirect_vreg.gather [hbm4b:s22+s6], $0x80, v28, vm0, $0xb8;
	[tilespmem:$0x1A900] =	vst v63  }
0x2bb: {  	v34 =	vperm.xlane v19, v11;
	v33 =	vadd.s32 v5, v32;
	s17 =	simm.s32 $0x6900  }
0x2bc: {  	[tilespmem:s17], [sflag:$0x1] =	stream.indirect_vreg.gather [hbm4b:s22+s6], $0x80, v30, vm0, $0xb8;
	[tilespmem:$0x1A900] =	vst v63  }
0x2bd: {  	v36 =	vperm.xlane v19, v12;
	v35 =	vadd.s32 v5, v34;
	s17 =	simm.s32 $0x6980  }
0x2be: {  	[tilespmem:s17], [sflag:$0x1] =	stream.indirect_vreg.gather [hbm4b:s22+s6], $0x80, v20, vm0, $0xb8;
	[tilespmem:$0x1A900] =	vst v63  }
0x2bf: {  	v37 =	vperm.xlane v19, v13;
	v20 =	vadd.s32 v5, v36;
	s17 =	simm.s32 $0x6A00  }
0x2c0: {  	[tilespmem:s17], [sflag:$0x1] =	stream.indirect_vreg.gather [hbm4b:s22+s6], $0x80, v33, vm0, $0xb8;
	[tilespmem:$0x1A900] =	vst v63  }
0x2c1: {  	v39 =	vperm.xlane v19, v14;
	v38 =	vadd.s32 v5, v37;
	s17 =	simm.s32 $0x6A80  }
0x2c2: {  	[tilespmem:s17], [sflag:$0x1] =	stream.indirect_vreg.gather [hbm4b:s22+s6], $0x80, v35, vm0, $0xb8;
	[tilespmem:$0x1A900] =	vst v63  }
0x2c3: {  	v41 =	vperm.xlane v19, v15;
	v40 =	vadd.s32 v5, v39;
	s17 =	simm.s32 $0x6B00  }
0x2c4: {  	[tilespmem:s17], [sflag:$0x1] =	stream.indirect_vreg.gather [hbm4b:s22+s6], $0x80, v20, vm0, $0xb8;
	[tilespmem:$0x1A900] =	vst v63  }
0x2c5: {  	v42 =	vperm.xlane v19, v16;
	v20 =	vadd.s32 v5, v41;
	s17 =	simm.s32 $0x6B80  }
0x2c6: {  	[tilespmem:s17], [sflag:$0x1] =	stream.indirect_vreg.gather [hbm4b:s22+s6], $0x80, v38, vm0, $0xb8;
	[tilespmem:$0x1A900] =	vst v63  }
0x2c7: {  	v44 =	vperm.xlane v19, v17;
	v43 =	vadd.s32 v5, v42;
	s17 =	simm.s32 $0x6C00  }
0x2c8: {  	[tilespmem:s17], [sflag:$0x1] =	stream.indirect_vreg.gather [hbm4b:s22+s6], $0x80, v40, vm0, $0xb8;
	[tilespmem:$0x1A900] =	vst v63  }
0x2c9: {  	v19 =	vperm.xlane v19, v18;
	v45 =	vadd.s32 v5, v44;
	s17 =	simm.s32 $0x6C80  }
0x2ca: {  	[tilespmem:s17], [sflag:$0x1] =	stream.indirect_vreg.gather [hbm4b:s22+s6], $0x80, v20, vm0, $0xb8;
	[tilespmem:$0x1A900] =	vst v63  }
0x2cb: {  	v19 =	vadd.s32 v5, v19;
	s17 =	simm.s32 $0x6D00  }
0x2cc: {  	[tilespmem:s17], [sflag:$0x1] =	stream.indirect_vreg.gather [hbm4b:s22+s6], $0x80, v43, vm0, $0xb8;
	[tilespmem:$0x1A900] =	vst v63  }
0x2cd: {  	s17 =	simm.s32 $0x6D80  }
0x2ce: {  	[tilespmem:s17], [sflag:$0x1] =	stream.indirect_vreg.gather [hbm4b:s22+s6], $0x80, v45, vm0, $0xb8;
	[tilespmem:$0x1A900] =	vst v63  }
0x2cf: {  	s17 =	simm.s32 $0x6E00  }
0x2d0: {  	[tilespmem:s17], [sflag:$0x1] =	stream.indirect_vreg.gather [hbm4b:s22+s6], $0x80, v19, vm0, $0xb8;
	[tilespmem:$0x1A900] =	vst v63  }
0x2d1: {  	v19 =	vld [tilespmem:$0x350];
	_ =	sdelay $0x4  }
0x2d2: {  	v20 =	vshll.u32 v19, $0x1  }
0x2d3: {  	v19 =	vand.u32 $0x7, v19;
	v20 =	vand.u32 $0xFFFFFFF0, v20  }
0x2d4: {  	v19 =	vor.u32 v19, v20  }
0x2d5: {  	v20 =	vperm.xlane v19, v4;
	_ =	sdelay $0x1  }
0x2d6: {  	v46 =	vperm.xlane v19, v3;
	v20 =	vadd.s32 v5, v20;
	_ =	sdelay $0x1  }
0x2d7: {  	v47 =	vperm.xlane v19, v6;
	v21 =	vadd.s32 v5, v46;
	_ =	sdelay $0x1  }
0x2d8: {  	s17 =	simm.s32 $0x6E80;
	v48 =	vperm.xlane v19, v7;
	v22 =	vadd.s32 v5, v47  }
0x2d9: {  	[tilespmem:s17], [sflag:$0x1] =	stream.indirect_vreg.gather [hbm4b:s22+s6], $0x80, v20, vm0, $0xb8;
	[tilespmem:$0x1A900] =	vst v63  }
0x2da: {  	v49 =	vperm.xlane v19, v8;
	v20 =	vadd.s32 v5, v48;
	s17 =	simm.s32 $0x6F00  }
0x2db: {  	[tilespmem:s17], [sflag:$0x1] =	stream.indirect_vreg.gather [hbm4b:s22+s6], $0x80, v21, vm0, $0xb8;
	[tilespmem:$0x1A900] =	vst v63  }
0x2dc: {  	v51 =	vperm.xlane v19, v9;
	v50 =	vadd.s32 v5, v49;
	s17 =	simm.s32 $0x6F80  }
0x2dd: {  	[tilespmem:s17], [sflag:$0x1] =	stream.indirect_vreg.gather [hbm4b:s22+s6], $0x80, v22, vm0, $0xb8;
	[tilespmem:$0x1A900] =	vst v63  }
0x2de: {  	v53 =	vperm.xlane v19, v10;
	v52 =	vadd.s32 v5, v51;
	s17 =	simm.s32 $0x7000  }
0x2df: {  	[tilespmem:s17], [sflag:$0x1] =	stream.indirect_vreg.gather [hbm4b:s22+s6], $0x80, v20, vm0, $0xb8;
	[tilespmem:$0x1A900] =	vst v63  }
0x2e0: {  	v54 =	vperm.xlane v19, v2;
	v20 =	vadd.s32 v5, v53;
	s17 =	simm.s32 $0x7080  }
0x2e1: {  	[tilespmem:s17], [sflag:$0x1] =	stream.indirect_vreg.gather [hbm4b:s22+s6], $0x80, v50, vm0, $0xb8;
	[tilespmem:$0x1A900] =	vst v63  }
0x2e2: {  	v56 =	vperm.xlane v19, v11;
	v55 =	vadd.s32 v5, v54;
	s17 =	simm.s32 $0x7100  }
0x2e3: {  	[tilespmem:s17], [sflag:$0x1] =	stream.indirect_vreg.gather [hbm4b:s22+s6], $0x80, v52, vm0, $0xb8;
	[tilespmem:$0x1A900] =	vst v63  }
0x2e4: {  	v58 =	vperm.xlane v19, v12;
	v57 =	vadd.s32 v5, v56;
	s17 =	simm.s32 $0x7180  }
0x2e5: {  	[tilespmem:s17], [sflag:$0x1] =	stream.indirect_vreg.gather [hbm4b:s22+s6], $0x80, v20, vm0, $0xb8;
	[tilespmem:$0x1A900] =	vst v63  }
0x2e6: {  	v59 =	vperm.xlane v19, v13;
	v20 =	vadd.s32 v5, v58;
	s17 =	simm.s32 $0x7200  }
0x2e7: {  	[tilespmem:s17], [sflag:$0x1] =	stream.indirect_vreg.gather [hbm4b:s22+s6], $0x80, v55, vm0, $0xb8;
	[tilespmem:$0x1A900] =	vst v63  }
0x2e8: {  	v61 =	vperm.xlane v19, v14;
	v60 =	vadd.s32 v5, v59;
	s17 =	simm.s32 $0x7280  }
0x2e9: {  	[tilespmem:s17], [sflag:$0x1] =	stream.indirect_vreg.gather [hbm4b:s22+s6], $0x80, v57, vm0, $0xb8;
	[tilespmem:$0x1A900] =	vst v63  }
0x2ea: {  	v63 =	vperm.xlane v19, v15;
	v62 =	vadd.s32 v5, v61;
	s17 =	simm.s32 $0x7300  }
0x2eb: {  	[tilespmem:s17], [sflag:$0x1] =	stream.indirect_vreg.gather [hbm4b:s22+s6], $0x80, v20, vm0, $0xb8;
	[tilespmem:$0x1A900] =	vst v63  }
0x2ec: {  	v24 =	vperm.xlane v19, v16;
	v20 =	vadd.s32 v5, v63;
	s17 =	simm.s32 $0x7380  }
0x2ed: {  	[tilespmem:s17], [sflag:$0x1] =	stream.indirect_vreg.gather [hbm4b:s22+s6], $0x80, v60, vm0, $0xb8;
	[tilespmem:$0x1A900] =	vst v63  }
0x2ee: {  	v26 =	vperm.xlane v19, v17;
	v25 =	vadd.s32 v5, v24;
	s17 =	simm.s32 $0x7400  }
0x2ef: {  	[tilespmem:s17], [sflag:$0x1] =	stream.indirect_vreg.gather [hbm4b:s22+s6], $0x80, v62, vm0, $0xb8;
	[tilespmem:$0x1A900] =	vst v63  }
0x2f0: {  	v19 =	vperm.xlane v19, v18;
	v27 =	vadd.s32 v5, v26;
	s17 =	simm.s32 $0x7480  }
0x2f1: {  	[tilespmem:s17], [sflag:$0x1] =	stream.indirect_vreg.gather [hbm4b:s22+s6], $0x80, v20, vm0, $0xb8;
	[tilespmem:$0x1A900] =	vst v63  }
0x2f2: {  	v19 =	vadd.s32 v5, v19;
	s17 =	simm.s32 $0x7500  }
0x2f3: {  	[tilespmem:s17], [sflag:$0x1] =	stream.indirect_vreg.gather [hbm4b:s22+s6], $0x80, v25, vm0, $0xb8;
	[tilespmem:$0x1A900] =	vst v63  }
0x2f4: {  	s17 =	simm.s32 $0x7580  }
0x2f5: {  	[tilespmem:s17], [sflag:$0x1] =	stream.indirect_vreg.gather [hbm4b:s22+s6], $0x80, v27, vm0, $0xb8;
	[tilespmem:$0x1A900] =	vst v63  }
0x2f6: {  	s17 =	simm.s32 $0x7600  }
0x2f7: {  	[tilespmem:s17], [sflag:$0x1] =	stream.indirect_vreg.gather [hbm4b:s22+s6], $0x80, v19, vm0, $0xb8;
	[tilespmem:$0x1A900] =	vst v63  }
0x2f8: {  	v19 =	vld [tilespmem:$0x360];
	_ =	sdelay $0x4  }
0x2f9: {  	v20 =	vshll.u32 v19, $0x1  }
0x2fa: {  	v19 =	vand.u32 $0x7, v19;
	v20 =	vand.u32 $0xFFFFFFF0, v20  }
0x2fb: {  	v19 =	vor.u32 v19, v20  }
0x2fc: {  	v20 =	vperm.xlane v19, v4;
	_ =	sdelay $0x1  }
0x2fd: {  	v28 =	vperm.xlane v19, v3;
	v20 =	vadd.s32 v5, v20;
	_ =	sdelay $0x1  }
0x2fe: {  	v29 =	vperm.xlane v19, v6;
	v21 =	vadd.s32 v5, v28;
	_ =	sdelay $0x1  }
0x2ff: {  	s17 =	simm.s32 $0x7680;
	v30 =	vperm.xlane v19, v7;
	v22 =	vadd.s32 v5, v29  }
0x300: {  	[tilespmem:s17], [sflag:$0x1] =	stream.indirect_vreg.gather [hbm4b:s22+s6], $0x80, v20, vm0, $0xb8;
	[tilespmem:$0x1A900] =	vst v63  }
0x301: {  	v31 =	vperm.xlane v19, v8;
	v20 =	vadd.s32 v5, v30;
	s17 =	simm.s32 $0x7700  }
0x302: {  	[tilespmem:s17], [sflag:$0x1] =	stream.indirect_vreg.gather [hbm4b:s22+s6], $0x80, v21, vm0, $0xb8;
	[tilespmem:$0x1A900] =	vst v63  }
0x303: {  	v33 =	vperm.xlane v19, v9;
	v32 =	vadd.s32 v5, v31;
	s17 =	simm.s32 $0x7780  }
0x304: {  	[tilespmem:s17], [sflag:$0x1] =	stream.indirect_vreg.gather [hbm4b:s22+s6], $0x80, v22, vm0, $0xb8;
	[tilespmem:$0x1A900] =	vst v63  }
0x305: {  	v35 =	vperm.xlane v19, v10;
	v34 =	vadd.s32 v5, v33;
	s17 =	simm.s32 $0x7800  }
0x306: {  	[tilespmem:s17], [sflag:$0x1] =	stream.indirect_vreg.gather [hbm4b:s22+s6], $0x80, v20, vm0, $0xb8;
	[tilespmem:$0x1A900] =	vst v63  }
0x307: {  	v36 =	vperm.xlane v19, v2;
	v20 =	vadd.s32 v5, v35;
	s17 =	simm.s32 $0x7880  }
0x308: {  	[tilespmem:s17], [sflag:$0x1] =	stream.indirect_vreg.gather [hbm4b:s22+s6], $0x80, v32, vm0, $0xb8;
	[tilespmem:$0x1A900] =	vst v63  }
0x309: {  	v38 =	vperm.xlane v19, v11;
	v37 =	vadd.s32 v5, v36;
	s17 =	simm.s32 $0x7900  }
0x30a: {  	[tilespmem:s17], [sflag:$0x1] =	stream.indirect_vreg.gather [hbm4b:s22+s6], $0x80, v34, vm0, $0xb8;
	[tilespmem:$0x1A900] =	vst v63  }
0x30b: {  	v40 =	vperm.xlane v19, v12;
	v39 =	vadd.s32 v5, v38;
	s17 =	simm.s32 $0x7980  }
0x30c: {  	[tilespmem:s17], [sflag:$0x1] =	stream.indirect_vreg.gather [hbm4b:s22+s6], $0x80, v20, vm0, $0xb8;
	[tilespmem:$0x1A900] =	vst v63  }
0x30d: {  	v41 =	vperm.xlane v19, v13;
	v20 =	vadd.s32 v5, v40;
	s17 =	simm.s32 $0x7A00  }
0x30e: {  	[tilespmem:s17], [sflag:$0x1] =	stream.indirect_vreg.gather [hbm4b:s22+s6], $0x80, v37, vm0, $0xb8;
	[tilespmem:$0x1A900] =	vst v63  }
0x30f: {  	v43 =	vperm.xlane v19, v14;
	v42 =	vadd.s32 v5, v41;
	s17 =	simm.s32 $0x7A80  }
0x310: {  	[tilespmem:s17], [sflag:$0x1] =	stream.indirect_vreg.gather [hbm4b:s22+s6], $0x80, v39, vm0, $0xb8;
	[tilespmem:$0x1A900] =	vst v63  }
0x311: {  	v45 =	vperm.xlane v19, v15;
	v44 =	vadd.s32 v5, v43;
	s17 =	simm.s32 $0x7B00  }
0x312: {  	[tilespmem:s17], [sflag:$0x1] =	stream.indirect_vreg.gather [hbm4b:s22+s6], $0x80, v20, vm0, $0xb8;
	[tilespmem:$0x1A900] =	vst v63  }
0x313: {  	v46 =	vperm.xlane v19, v16;
	v20 =	vadd.s32 v5, v45;
	s17 =	simm.s32 $0x7B80  }
0x314: {  	[tilespmem:s17], [sflag:$0x1] =	stream.indirect_vreg.gather [hbm4b:s22+s6], $0x80, v42, vm0, $0xb8;
	[tilespmem:$0x1A900] =	vst v63  }
0x315: {  	v48 =	vperm.xlane v19, v17;
	v47 =	vadd.s32 v5, v46;
	s17 =	simm.s32 $0x7C00  }
0x316: {  	[tilespmem:s17], [sflag:$0x1] =	stream.indirect_vreg.gather [hbm4b:s22+s6], $0x80, v44, vm0, $0xb8;
	[tilespmem:$0x1A900] =	vst v63  }
0x317: {  	v19 =	vperm.xlane v19, v18;
	v49 =	vadd.s32 v5, v48;
	s17 =	simm.s32 $0x7C80  }
0x318: {  	[tilespmem:s17], [sflag:$0x1] =	stream.indirect_vreg.gather [hbm4b:s22+s6], $0x80, v20, vm0, $0xb8;
	[tilespmem:$0x1A900] =	vst v63  }
0x319: {  	v19 =	vadd.s32 v5, v19;
	s17 =	simm.s32 $0x7D00  }
0x31a: {  	[tilespmem:s17], [sflag:$0x1] =	stream.indirect_vreg.gather [hbm4b:s22+s6], $0x80, v47, vm0, $0xb8;
	[tilespmem:$0x1A900] =	vst v63  }
0x31b: {  	s17 =	simm.s32 $0x7D80  }
0x31c: {  	[tilespmem:s17], [sflag:$0x1] =	stream.indirect_vreg.gather [hbm4b:s22+s6], $0x80, v49, vm0, $0xb8;
	[tilespmem:$0x1A900] =	vst v63  }
0x31d: {  	s17 =	simm.s32 $0x7E00  }
0x31e: {  	[tilespmem:s17], [sflag:$0x1] =	stream.indirect_vreg.gather [hbm4b:s22+s6], $0x80, v19, vm0, $0xb8;
	[tilespmem:$0x1A900] =	vst v63  }
0x31f: {  	v19 =	vld [tilespmem:$0x370];
	_ =	sdelay $0x4  }
0x320: {  	v20 =	vshll.u32 v19, $0x1  }
0x321: {  	v19 =	vand.u32 $0x7, v19;
	v20 =	vand.u32 $0xFFFFFFF0, v20  }
0x322: {  	v19 =	vor.u32 v19, v20  }
0x323: {  	v20 =	vperm.xlane v19, v4;
	_ =	sdelay $0x1  }
0x324: {  	v50 =	vperm.xlane v19, v3;
	v20 =	vadd.s32 v5, v20;
	_ =	sdelay $0x1  }
0x325: {  	v51 =	vperm.xlane v19, v6;
	v21 =	vadd.s32 v5, v50;
	_ =	sdelay $0x1  }
0x326: {  	s17 =	simm.s32 $0x7E80;
	v52 =	vperm.xlane v19, v7;
	v22 =	vadd.s32 v5, v51  }
0x327: {  	[tilespmem:s17], [sflag:$0x1] =	stream.indirect_vreg.gather [hbm4b:s22+s6], $0x80, v20, vm0, $0xb8;
	[tilespmem:$0x1A900] =	vst v63  }
0x328: {  	v53 =	vperm.xlane v19, v8;
	v20 =	vadd.s32 v5, v52;
	s17 =	simm.s32 $0x7F00  }
0x329: {  	[tilespmem:s17], [sflag:$0x1] =	stream.indirect_vreg.gather [hbm4b:s22+s6], $0x80, v21, vm0, $0xb8;
	[tilespmem:$0x1A900] =	vst v63  }
0x32a: {  	v55 =	vperm.xlane v19, v9;
	v54 =	vadd.s32 v5, v53;
	s17 =	simm.s32 $0x7F80  }
0x32b: {  	[tilespmem:s17], [sflag:$0x1] =	stream.indirect_vreg.gather [hbm4b:s22+s6], $0x80, v22, vm0, $0xb8;
	[tilespmem:$0x1A900] =	vst v63  }
0x32c: {  	v57 =	vperm.xlane v19, v10;
	v56 =	vadd.s32 v5, v55;
	s17 =	simm.s32 $0x8000  }
0x32d: {  	[tilespmem:s17], [sflag:$0x1] =	stream.indirect_vreg.gather [hbm4b:s22+s6], $0x80, v20, vm0, $0xb8;
	[tilespmem:$0x1A900] =	vst v63  }
0x32e: {  	v58 =	vperm.xlane v19, v2;
	v20 =	vadd.s32 v5, v57;
	s17 =	simm.s32 $0x8080  }
0x32f: {  	[tilespmem:s17], [sflag:$0x1] =	stream.indirect_vreg.gather [hbm4b:s22+s6], $0x80, v54, vm0, $0xb8;
	[tilespmem:$0x1A900] =	vst v63  }
0x330: {  	v60 =	vperm.xlane v19, v11;
	v59 =	vadd.s32 v5, v58;
	s17 =	simm.s32 $0x8100  }
0x331: {  	[tilespmem:s17], [sflag:$0x1] =	stream.indirect_vreg.gather [hbm4b:s22+s6], $0x80, v56, vm0, $0xb8;
	[tilespmem:$0x1A900] =	vst v63  }
0x332: {  	v62 =	vperm.xlane v19, v12;
	v61 =	vadd.s32 v5, v60;
	s17 =	simm.s32 $0x8180  }
0x333: {  	[tilespmem:s17], [sflag:$0x1] =	stream.indirect_vreg.gather [hbm4b:s22+s6], $0x80, v20, vm0, $0xb8;
	[tilespmem:$0x1A900] =	vst v63  }
0x334: {  	v63 =	vperm.xlane v19, v13;
	v20 =	vadd.s32 v5, v62;
	s17 =	simm.s32 $0x8200  }
0x335: {  	[tilespmem:s17], [sflag:$0x1] =	stream.indirect_vreg.gather [hbm4b:s22+s6], $0x80, v59, vm0, $0xb8;
	[tilespmem:$0x1A900] =	vst v63  }
0x336: {  	v25 =	vperm.xlane v19, v14;
	v24 =	vadd.s32 v5, v63;
	s17 =	simm.s32 $0x8280  }
0x337: {  	[tilespmem:s17], [sflag:$0x1] =	stream.indirect_vreg.gather [hbm4b:s22+s6], $0x80, v61, vm0, $0xb8;
	[tilespmem:$0x1A900] =	vst v63  }
0x338: {  	v27 =	vperm.xlane v19, v15;
	v26 =	vadd.s32 v5, v25;
	s17 =	simm.s32 $0x8300  }
0x339: {  	[tilespmem:s17], [sflag:$0x1] =	stream.indirect_vreg.gather [hbm4b:s22+s6], $0x80, v20, vm0, $0xb8;
	[tilespmem:$0x1A900] =	vst v63  }
0x33a: {  	v28 =	vperm.xlane v19, v16;
	v20 =	vadd.s32 v5, v27;
	s17 =	simm.s32 $0x8380  }
0x33b: {  	[tilespmem:s17], [sflag:$0x1] =	stream.indirect_vreg.gather [hbm4b:s22+s6], $0x80, v24, vm0, $0xb8;
	[tilespmem:$0x1A900] =	vst v63  }
0x33c: {  	v30 =	vperm.xlane v19, v17;
	v29 =	vadd.s32 v5, v28;
	s17 =	simm.s32 $0x8400  }
0x33d: {  	[tilespmem:s17], [sflag:$0x1] =	stream.indirect_vreg.gather [hbm4b:s22+s6], $0x80, v26, vm0, $0xb8;
	[tilespmem:$0x1A900] =	vst v63  }
0x33e: {  	v19 =	vperm.xlane v19, v18;
	v31 =	vadd.s32 v5, v30;
	s17 =	simm.s32 $0x8480  }
0x33f: {  	[tilespmem:s17], [sflag:$0x1] =	stream.indirect_vreg.gather [hbm4b:s22+s6], $0x80, v20, vm0, $0xb8;
	[tilespmem:$0x1A900] =	vst v63  }
0x340: {  	v19 =	vadd.s32 v5, v19;
	s17 =	simm.s32 $0x8500  }
0x341: {  	[tilespmem:s17], [sflag:$0x1] =	stream.indirect_vreg.gather [hbm4b:s22+s6], $0x80, v29, vm0, $0xb8;
	[tilespmem:$0x1A900] =	vst v63  }
0x342: {  	s17 =	simm.s32 $0x8580  }
0x343: {  	[tilespmem:s17], [sflag:$0x1] =	stream.indirect_vreg.gather [hbm4b:s22+s6], $0x80, v31, vm0, $0xb8;
	[tilespmem:$0x1A900] =	vst v63  }
0x344: {  	s17 =	simm.s32 $0x8600  }
0x345: {  	[tilespmem:s17], [sflag:$0x1] =	stream.indirect_vreg.gather [hbm4b:s22+s6], $0x80, v19, vm0, $0xb8;
	[tilespmem:$0x1A900] =	vst v63  }
0x346: {  	v19 =	vld [tilespmem:$0x380];
	_ =	sdelay $0x4  }
0x347: {  	v20 =	vshll.u32 v19, $0x1  }
0x348: {  	v19 =	vand.u32 $0x7, v19;
	v20 =	vand.u32 $0xFFFFFFF0, v20  }
0x349: {  	v19 =	vor.u32 v19, v20  }
0x34a: {  	v20 =	vperm.xlane v19, v4;
	_ =	sdelay $0x1  }
0x34b: {  	v32 =	vperm.xlane v19, v3;
	v20 =	vadd.s32 v5, v20;
	_ =	sdelay $0x1  }
0x34c: {  	v33 =	vperm.xlane v19, v6;
	v21 =	vadd.s32 v5, v32;
	_ =	sdelay $0x1  }
0x34d: {  	v34 =	vperm.xlane v19, v7;
	v22 =	vadd.s32 v5, v33  }
0x34e: {  	[tilespmem:s16], [sflag:$0x1] =	stream.indirect_vreg.gather [hbm4b:s7+s6], $0x80, v20, vm0, $0xb8;
	[tilespmem:$0x1A900] =	vst v63  }
0x34f: {  	s17 =	simm.s32 $0x8700;
	v35 =	vperm.xlane v19, v8;
	v20 =	vadd.s32 v5, v34  }
0x350: {  	[tilespmem:s17], [sflag:$0x1] =	stream.indirect_vreg.gather [hbm4b:s7+s6], $0x80, v21, vm0, $0xb8;
	[tilespmem:$0x1A900] =	vst v63  }
0x351: {  	v37 =	vperm.xlane v19, v9;
	v36 =	vadd.s32 v5, v35;
	s17 =	simm.s32 $0x8780  }
0x352: {  	[tilespmem:s17], [sflag:$0x1] =	stream.indirect_vreg.gather [hbm4b:s7+s6], $0x80, v22, vm0, $0xb8;
	[tilespmem:$0x1A900] =	vst v63  }
0x353: {  	v39 =	vperm.xlane v19, v10;
	v38 =	vadd.s32 v5, v37;
	s17 =	simm.s32 $0x8800  }
0x354: {  	[tilespmem:s17], [sflag:$0x1] =	stream.indirect_vreg.gather [hbm4b:s7+s6], $0x80, v20, vm0, $0xb8;
	[tilespmem:$0x1A900] =	vst v63  }
0x355: {  	v40 =	vperm.xlane v19, v2;
	v20 =	vadd.s32 v5, v39;
	s17 =	simm.s32 $0x8880  }
0x356: {  	[tilespmem:s17], [sflag:$0x1] =	stream.indirect_vreg.gather [hbm4b:s7+s6], $0x80, v36, vm0, $0xb8;
	[tilespmem:$0x1A900] =	vst v63  }
0x357: {  	v42 =	vperm.xlane v19, v11;
	v41 =	vadd.s32 v5, v40;
	s17 =	simm.s32 $0x8900  }
0x358: {  	[tilespmem:s17], [sflag:$0x1] =	stream.indirect_vreg.gather [hbm4b:s7+s6], $0x80, v38, vm0, $0xb8;
	[tilespmem:$0x1A900] =	vst v63  }
0x359: {  	v44 =	vperm.xlane v19, v12;
	v43 =	vadd.s32 v5, v42;
	s17 =	simm.s32 $0x8980  }
0x35a: {  	[tilespmem:s17], [sflag:$0x1] =	stream.indirect_vreg.gather [hbm4b:s7+s6], $0x80, v20, vm0, $0xb8;
	[tilespmem:$0x1A900] =	vst v63  }
0x35b: {  	v45 =	vperm.xlane v19, v13;
	v20 =	vadd.s32 v5, v44;
	s17 =	simm.s32 $0x8A00  }
0x35c: {  	[tilespmem:s17], [sflag:$0x1] =	stream.indirect_vreg.gather [hbm4b:s7+s6], $0x80, v41, vm0, $0xb8;
	[tilespmem:$0x1A900] =	vst v63  }
0x35d: {  	v47 =	vperm.xlane v19, v14;
	v46 =	vadd.s32 v5, v45;
	s17 =	simm.s32 $0x8A80  }
0x35e: {  	[tilespmem:s17], [sflag:$0x1] =	stream.indirect_vreg.gather [hbm4b:s7+s6], $0x80, v43, vm0, $0xb8;
	[tilespmem:$0x1A900] =	vst v63  }
0x35f: {  	v49 =	vperm.xlane v19, v15;
	v48 =	vadd.s32 v5, v47;
	s17 =	simm.s32 $0x8B00  }
0x360: {  	[tilespmem:s17], [sflag:$0x1] =	stream.indirect_vreg.gather [hbm4b:s7+s6], $0x80, v20, vm0, $0xb8;
	[tilespmem:$0x1A900] =	vst v63  }
0x361: {  	v50 =	vperm.xlane v19, v16;
	v20 =	vadd.s32 v5, v49;
	s17 =	simm.s32 $0x8B80  }
0x362: {  	[tilespmem:s17], [sflag:$0x1] =	stream.indirect_vreg.gather [hbm4b:s7+s6], $0x80, v46, vm0, $0xb8;
	[tilespmem:$0x1A900] =	vst v63  }
0x363: {  	v52 =	vperm.xlane v19, v17;
	v51 =	vadd.s32 v5, v50;
	s17 =	simm.s32 $0x8C00  }
0x364: {  	[tilespmem:s17], [sflag:$0x1] =	stream.indirect_vreg.gather [hbm4b:s7+s6], $0x80, v48, vm0, $0xb8;
	[tilespmem:$0x1A900] =	vst v63  }
0x365: {  	v19 =	vperm.xlane v19, v18;
	v53 =	vadd.s32 v5, v52;
	s17 =	simm.s32 $0x8C80  }
0x366: {  	[tilespmem:s17], [sflag:$0x1] =	stream.indirect_vreg.gather [hbm4b:s7+s6], $0x80, v20, vm0, $0xb8;
	[tilespmem:$0x1A900] =	vst v63  }
0x367: {  	v19 =	vadd.s32 v5, v19;
	s17 =	simm.s32 $0x8D00  }
0x368: {  	[tilespmem:s17], [sflag:$0x1] =	stream.indirect_vreg.gather [hbm4b:s7+s6], $0x80, v51, vm0, $0xb8;
	[tilespmem:$0x1A900] =	vst v63  }
0x369: {  	s17 =	simm.s32 $0x8D80  }
0x36a: {  	[tilespmem:s17], [sflag:$0x1] =	stream.indirect_vreg.gather [hbm4b:s7+s6], $0x80, v53, vm0, $0xb8;
	[tilespmem:$0x1A900] =	vst v63  }
0x36b: {  	s17 =	simm.s32 $0x8E00  }
0x36c: {  	[tilespmem:s17], [sflag:$0x1] =	stream.indirect_vreg.gather [hbm4b:s7+s6], $0x80, v19, vm0, $0xb8;
	[tilespmem:$0x1A900] =	vst v63  }
0x36d: {  	v19 =	vld [tilespmem:$0x390];
	_ =	sdelay $0x4  }
0x36e: {  	v20 =	vshll.u32 v19, $0x1  }
0x36f: {  	v19 =	vand.u32 $0x7, v19;
	v20 =	vand.u32 $0xFFFFFFF0, v20  }
0x370: {  	v19 =	vor.u32 v19, v20  }
0x371: {  	v20 =	vperm.xlane v19, v4;
	_ =	sdelay $0x1  }
0x372: {  	v54 =	vperm.xlane v19, v3;
	v20 =	vadd.s32 v5, v20;
	_ =	sdelay $0x1  }
0x373: {  	v55 =	vperm.xlane v19, v6;
	v21 =	vadd.s32 v5, v54;
	_ =	sdelay $0x1  }
0x374: {  	s17 =	simm.s32 $0x8E80;
	v56 =	vperm.xlane v19, v7;
	v22 =	vadd.s32 v5, v55  }
0x375: {  	[tilespmem:s17], [sflag:$0x1] =	stream.indirect_vreg.gather [hbm4b:s7+s6], $0x80, v20, vm0, $0xb8;
	[tilespmem:$0x1A900] =	vst v63  }
0x376: {  	v57 =	vperm.xlane v19, v8;
	v20 =	vadd.s32 v5, v56;
	s17 =	simm.s32 $0x8F00  }
0x377: {  	[tilespmem:s17], [sflag:$0x1] =	stream.indirect_vreg.gather [hbm4b:s7+s6], $0x80, v21, vm0, $0xb8;
	[tilespmem:$0x1A900] =	vst v63  }
0x378: {  	v59 =	vperm.xlane v19, v9;
	v58 =	vadd.s32 v5, v57;
	s17 =	simm.s32 $0x8F80  }
0x379: {  	[tilespmem:s17], [sflag:$0x1] =	stream.indirect_vreg.gather [hbm4b:s7+s6], $0x80, v22, vm0, $0xb8;
	[tilespmem:$0x1A900] =	vst v63  }
0x37a: {  	v61 =	vperm.xlane v19, v10;
	v60 =	vadd.s32 v5, v59;
	s17 =	simm.s32 $0x9000  }
0x37b: {  	[tilespmem:s17], [sflag:$0x1] =	stream.indirect_vreg.gather [hbm4b:s7+s6], $0x80, v20, vm0, $0xb8;
	[tilespmem:$0x1A900] =	vst v63  }
0x37c: {  	v62 =	vperm.xlane v19, v2;
	v20 =	vadd.s32 v5, v61;
	s17 =	simm.s32 $0x9080  }
0x37d: {  	[tilespmem:s17], [sflag:$0x1] =	stream.indirect_vreg.gather [hbm4b:s7+s6], $0x80, v58, vm0, $0xb8;
	[tilespmem:$0x1A900] =	vst v63  }
0x37e: {  	v24 =	vperm.xlane v19, v11;
	v63 =	vadd.s32 v5, v62;
	s17 =	simm.s32 $0x9100  }
0x37f: {  	[tilespmem:s17], [sflag:$0x1] =	stream.indirect_vreg.gather [hbm4b:s7+s6], $0x80, v60, vm0, $0xb8;
	[tilespmem:$0x1A900] =	vst v63  }
0x380: {  	v26 =	vperm.xlane v19, v12;
	v25 =	vadd.s32 v5, v24;
	s17 =	simm.s32 $0x9180  }
0x381: {  	[tilespmem:s17], [sflag:$0x1] =	stream.indirect_vreg.gather [hbm4b:s7+s6], $0x80, v20, vm0, $0xb8;
	[tilespmem:$0x1A900] =	vst v63  }
0x382: {  	v27 =	vperm.xlane v19, v13;
	v20 =	vadd.s32 v5, v26;
	s17 =	simm.s32 $0x9200  }
0x383: {  	[tilespmem:s17], [sflag:$0x1] =	stream.indirect_vreg.gather [hbm4b:s7+s6], $0x80, v63, vm0, $0xb8;
	[tilespmem:$0x1A900] =	vst v63  }
0x384: {  	v29 =	vperm.xlane v19, v14;
	v28 =	vadd.s32 v5, v27;
	s17 =	simm.s32 $0x9280  }
0x385: {  	[tilespmem:s17], [sflag:$0x1] =	stream.indirect_vreg.gather [hbm4b:s7+s6], $0x80, v25, vm0, $0xb8;
	[tilespmem:$0x1A900] =	vst v63  }
0x386: {  	v31 =	vperm.xlane v19, v15;
	v30 =	vadd.s32 v5, v29;
	s17 =	simm.s32 $0x9300  }
0x387: {  	[tilespmem:s17], [sflag:$0x1] =	stream.indirect_vreg.gather [hbm4b:s7+s6], $0x80, v20, vm0, $0xb8;
	[tilespmem:$0x1A900] =	vst v63  }
0x388: {  	v32 =	vperm.xlane v19, v16;
	v20 =	vadd.s32 v5, v31;
	s17 =	simm.s32 $0x9380  }
0x389: {  	[tilespmem:s17], [sflag:$0x1] =	stream.indirect_vreg.gather [hbm4b:s7+s6], $0x80, v28, vm0, $0xb8;
	[tilespmem:$0x1A900] =	vst v63  }
0x38a: {  	v34 =	vperm.xlane v19, v17;
	v33 =	vadd.s32 v5, v32;
	s17 =	simm.s32 $0x9400  }
0x38b: {  	[tilespmem:s17], [sflag:$0x1] =	stream.indirect_vreg.gather [hbm4b:s7+s6], $0x80, v30, vm0, $0xb8;
	[tilespmem:$0x1A900] =	vst v63  }
0x38c: {  	v19 =	vperm.xlane v19, v18;
	v35 =	vadd.s32 v5, v34;
	s17 =	simm.s32 $0x9480  }
0x38d: {  	[tilespmem:s17], [sflag:$0x1] =	stream.indirect_vreg.gather [hbm4b:s7+s6], $0x80, v20, vm0, $0xb8;
	[tilespmem:$0x1A900] =	vst v63  }
0x38e: {  	v19 =	vadd.s32 v5, v19;
	s17 =	simm.s32 $0x9500  }
0x38f: {  	[tilespmem:s17], [sflag:$0x1] =	stream.indirect_vreg.gather [hbm4b:s7+s6], $0x80, v33, vm0, $0xb8;
	[tilespmem:$0x1A900] =	vst v63  }
0x390: {  	s17 =	simm.s32 $0x9580  }
0x391: {  	[tilespmem:s17], [sflag:$0x1] =	stream.indirect_vreg.gather [hbm4b:s7+s6], $0x80, v35, vm0, $0xb8;
	[tilespmem:$0x1A900] =	vst v63  }
0x392: {  	s17 =	simm.s32 $0x9600  }
0x393: {  	[tilespmem:s17], [sflag:$0x1] =	stream.indirect_vreg.gather [hbm4b:s7+s6], $0x80, v19, vm0, $0xb8;
	[tilespmem:$0x1A900] =	vst v63  }
0x394: {  	v19 =	vld [tilespmem:$0x3A0];
	_ =	sdelay $0x4  }
0x395: {  	v20 =	vshll.u32 v19, $0x1  }
0x396: {  	v19 =	vand.u32 $0x7, v19;
	v20 =	vand.u32 $0xFFFFFFF0, v20  }
0x397: {  	v19 =	vor.u32 v19, v20  }
0x398: {  	v20 =	vperm.xlane v19, v4;
	_ =	sdelay $0x1  }
0x399: {  	v36 =	vperm.xlane v19, v3;
	v20 =	vadd.s32 v5, v20;
	_ =	sdelay $0x1  }
0x39a: {  	v37 =	vperm.xlane v19, v6;
	v21 =	vadd.s32 v5, v36;
	_ =	sdelay $0x1  }
0x39b: {  	s17 =	simm.s32 $0x9680;
	v38 =	vperm.xlane v19, v7;
	v22 =	vadd.s32 v5, v37  }
0x39c: {  	[tilespmem:s17], [sflag:$0x1] =	stream.indirect_vreg.gather [hbm4b:s7+s6], $0x80, v20, vm0, $0xb8;
	[tilespmem:$0x1A900] =	vst v63  }
0x39d: {  	v39 =	vperm.xlane v19, v8;
	v20 =	vadd.s32 v5, v38;
	s17 =	simm.s32 $0x9700  }
0x39e: {  	[tilespmem:s17], [sflag:$0x1] =	stream.indirect_vreg.gather [hbm4b:s7+s6], $0x80, v21, vm0, $0xb8;
	[tilespmem:$0x1A900] =	vst v63  }
0x39f: {  	v41 =	vperm.xlane v19, v9;
	v40 =	vadd.s32 v5, v39;
	s17 =	simm.s32 $0x9780  }
0x3a0: {  	[tilespmem:s17], [sflag:$0x1] =	stream.indirect_vreg.gather [hbm4b:s7+s6], $0x80, v22, vm0, $0xb8;
	[tilespmem:$0x1A900] =	vst v63  }
0x3a1: {  	v43 =	vperm.xlane v19, v10;
	v42 =	vadd.s32 v5, v41;
	s17 =	simm.s32 $0x9800  }
0x3a2: {  	[tilespmem:s17], [sflag:$0x1] =	stream.indirect_vreg.gather [hbm4b:s7+s6], $0x80, v20, vm0, $0xb8;
	[tilespmem:$0x1A900] =	vst v63  }
0x3a3: {  	v44 =	vperm.xlane v19, v2;
	v20 =	vadd.s32 v5, v43;
	s17 =	simm.s32 $0x9880  }
0x3a4: {  	[tilespmem:s17], [sflag:$0x1] =	stream.indirect_vreg.gather [hbm4b:s7+s6], $0x80, v40, vm0, $0xb8;
	[tilespmem:$0x1A900] =	vst v63  }
0x3a5: {  	v46 =	vperm.xlane v19, v11;
	v45 =	vadd.s32 v5, v44;
	s17 =	simm.s32 $0x9900  }
0x3a6: {  	[tilespmem:s17], [sflag:$0x1] =	stream.indirect_vreg.gather [hbm4b:s7+s6], $0x80, v42, vm0, $0xb8;
	[tilespmem:$0x1A900] =	vst v63  }
0x3a7: {  	v48 =	vperm.xlane v19, v12;
	v47 =	vadd.s32 v5, v46;
	s17 =	simm.s32 $0x9980  }
0x3a8: {  	[tilespmem:s17], [sflag:$0x1] =	stream.indirect_vreg.gather [hbm4b:s7+s6], $0x80, v20, vm0, $0xb8;
	[tilespmem:$0x1A900] =	vst v63  }
0x3a9: {  	v49 =	vperm.xlane v19, v13;
	v20 =	vadd.s32 v5, v48;
	s17 =	simm.s32 $0x9A00  }
0x3aa: {  	[tilespmem:s17], [sflag:$0x1] =	stream.indirect_vreg.gather [hbm4b:s7+s6], $0x80, v45, vm0, $0xb8;
	[tilespmem:$0x1A900] =	vst v63  }
0x3ab: {  	v51 =	vperm.xlane v19, v14;
	v50 =	vadd.s32 v5, v49;
	s17 =	simm.s32 $0x9A80  }
0x3ac: {  	[tilespmem:s17], [sflag:$0x1] =	stream.indirect_vreg.gather [hbm4b:s7+s6], $0x80, v47, vm0, $0xb8;
	[tilespmem:$0x1A900] =	vst v63  }
0x3ad: {  	v53 =	vperm.xlane v19, v15;
	v52 =	vadd.s32 v5, v51;
	s17 =	simm.s32 $0x9B00  }
0x3ae: {  	[tilespmem:s17], [sflag:$0x1] =	stream.indirect_vreg.gather [hbm4b:s7+s6], $0x80, v20, vm0, $0xb8;
	[tilespmem:$0x1A900] =	vst v63  }
0x3af: {  	v54 =	vperm.xlane v19, v16;
	v20 =	vadd.s32 v5, v53;
	s17 =	simm.s32 $0x9B80  }
0x3b0: {  	[tilespmem:s17], [sflag:$0x1] =	stream.indirect_vreg.gather [hbm4b:s7+s6], $0x80, v50, vm0, $0xb8;
	[tilespmem:$0x1A900] =	vst v63  }
0x3b1: {  	v56 =	vperm.xlane v19, v17;
	v55 =	vadd.s32 v5, v54;
	s17 =	simm.s32 $0x9C00  }
0x3b2: {  	[tilespmem:s17], [sflag:$0x1] =	stream.indirect_vreg.gather [hbm4b:s7+s6], $0x80, v52, vm0, $0xb8;
	[tilespmem:$0x1A900] =	vst v63  }
0x3b3: {  	v19 =	vperm.xlane v19, v18;
	v57 =	vadd.s32 v5, v56;
	s17 =	simm.s32 $0x9C80  }
0x3b4: {  	[tilespmem:s17], [sflag:$0x1] =	stream.indirect_vreg.gather [hbm4b:s7+s6], $0x80, v20, vm0, $0xb8;
	[tilespmem:$0x1A900] =	vst v63  }
0x3b5: {  	v19 =	vadd.s32 v5, v19;
	s17 =	simm.s32 $0x9D00  }
0x3b6: {  	[tilespmem:s17], [sflag:$0x1] =	stream.indirect_vreg.gather [hbm4b:s7+s6], $0x80, v55, vm0, $0xb8;
	[tilespmem:$0x1A900] =	vst v63  }
0x3b7: {  	s17 =	simm.s32 $0x9D80  }
0x3b8: {  	[tilespmem:s17], [sflag:$0x1] =	stream.indirect_vreg.gather [hbm4b:s7+s6], $0x80, v57, vm0, $0xb8;
	[tilespmem:$0x1A900] =	vst v63  }
0x3b9: {  	s17 =	simm.s32 $0x9E00  }
0x3ba: {  	[tilespmem:s17], [sflag:$0x1] =	stream.indirect_vreg.gather [hbm4b:s7+s6], $0x80, v19, vm0, $0xb8;
	[tilespmem:$0x1A900] =	vst v63  }
0x3bb: {  	v19 =	vld [tilespmem:$0x3B0];
	_ =	sdelay $0x4  }
0x3bc: {  	v20 =	vshll.u32 v19, $0x1  }
0x3bd: {  	v19 =	vand.u32 $0x7, v19;
	v20 =	vand.u32 $0xFFFFFFF0, v20  }
0x3be: {  	v19 =	vor.u32 v19, v20  }
0x3bf: {  	v20 =	vperm.xlane v19, v4;
	_ =	sdelay $0x1  }
0x3c0: {  	v58 =	vperm.xlane v19, v3;
	v20 =	vadd.s32 v5, v20;
	_ =	sdelay $0x1  }
0x3c1: {  	v59 =	vperm.xlane v19, v6;
	v21 =	vadd.s32 v5, v58;
	_ =	sdelay $0x1  }
0x3c2: {  	s17 =	simm.s32 $0x9E80;
	v60 =	vperm.xlane v19, v7;
	v22 =	vadd.s32 v5, v59  }
0x3c3: {  	[tilespmem:s17], [sflag:$0x1] =	stream.indirect_vreg.gather [hbm4b:s7+s6], $0x80, v20, vm0, $0xb8;
	[tilespmem:$0x1A900] =	vst v63  }
0x3c4: {  	v61 =	vperm.xlane v19, v8;
	v20 =	vadd.s32 v5, v60;
	s17 =	simm.s32 $0x9F00  }
0x3c5: {  	[tilespmem:s17], [sflag:$0x1] =	stream.indirect_vreg.gather [hbm4b:s7+s6], $0x80, v21, vm0, $0xb8;
	[tilespmem:$0x1A900] =	vst v63  }
0x3c6: {  	v63 =	vperm.xlane v19, v9;
	v62 =	vadd.s32 v5, v61;
	s17 =	simm.s32 $0x9F80  }
0x3c7: {  	[tilespmem:s17], [sflag:$0x1] =	stream.indirect_vreg.gather [hbm4b:s7+s6], $0x80, v22, vm0, $0xb8;
	[tilespmem:$0x1A900] =	vst v63  }
0x3c8: {  	v25 =	vperm.xlane v19, v10;
	v24 =	vadd.s32 v5, v63;
	s17 =	simm.s32 $0xA000  }
0x3c9: {  	[tilespmem:s17], [sflag:$0x1] =	stream.indirect_vreg.gather [hbm4b:s7+s6], $0x80, v20, vm0, $0xb8;
	[tilespmem:$0x1A900] =	vst v63  }
0x3ca: {  	v26 =	vperm.xlane v19, v2;
	v20 =	vadd.s32 v5, v25;
	s17 =	simm.s32 $0xA080  }
0x3cb: {  	[tilespmem:s17], [sflag:$0x1] =	stream.indirect_vreg.gather [hbm4b:s7+s6], $0x80, v62, vm0, $0xb8;
	[tilespmem:$0x1A900] =	vst v63  }
0x3cc: {  	v28 =	vperm.xlane v19, v11;
	v27 =	vadd.s32 v5, v26;
	s17 =	simm.s32 $0xA100  }
0x3cd: {  	[tilespmem:s17], [sflag:$0x1] =	stream.indirect_vreg.gather [hbm4b:s7+s6], $0x80, v24, vm0, $0xb8;
	[tilespmem:$0x1A900] =	vst v63  }
0x3ce: {  	v30 =	vperm.xlane v19, v12;
	v29 =	vadd.s32 v5, v28;
	s17 =	simm.s32 $0xA180  }
0x3cf: {  	[tilespmem:s17], [sflag:$0x1] =	stream.indirect_vreg.gather [hbm4b:s7+s6], $0x80, v20, vm0, $0xb8;
	[tilespmem:$0x1A900] =	vst v63  }
0x3d0: {  	v31 =	vperm.xlane v19, v13;
	v20 =	vadd.s32 v5, v30;
	s17 =	simm.s32 $0xA200  }
0x3d1: {  	[tilespmem:s17], [sflag:$0x1] =	stream.indirect_vreg.gather [hbm4b:s7+s6], $0x80, v27, vm0, $0xb8;
	[tilespmem:$0x1A900] =	vst v63  }
0x3d2: {  	v33 =	vperm.xlane v19, v14;
	v32 =	vadd.s32 v5, v31;
	s17 =	simm.s32 $0xA280  }
0x3d3: {  	[tilespmem:s17], [sflag:$0x1] =	stream.indirect_vreg.gather [hbm4b:s7+s6], $0x80, v29, vm0, $0xb8;
	[tilespmem:$0x1A900] =	vst v63  }
0x3d4: {  	v35 =	vperm.xlane v19, v15;
	v34 =	vadd.s32 v5, v33;
	s17 =	simm.s32 $0xA300  }
0x3d5: {  	[tilespmem:s17], [sflag:$0x1] =	stream.indirect_vreg.gather [hbm4b:s7+s6], $0x80, v20, vm0, $0xb8;
	[tilespmem:$0x1A900] =	vst v63  }
0x3d6: {  	v36 =	vperm.xlane v19, v16;
	v20 =	vadd.s32 v5, v35;
	s17 =	simm.s32 $0xA380  }
0x3d7: {  	[tilespmem:s17], [sflag:$0x1] =	stream.indirect_vreg.gather [hbm4b:s7+s6], $0x80, v32, vm0, $0xb8;
	[tilespmem:$0x1A900] =	vst v63  }
0x3d8: {  	v38 =	vperm.xlane v19, v17;
	v37 =	vadd.s32 v5, v36;
	s17 =	simm.s32 $0xA400  }
0x3d9: {  	[tilespmem:s17], [sflag:$0x1] =	stream.indirect_vreg.gather [hbm4b:s7+s6], $0x80, v34, vm0, $0xb8;
	[tilespmem:$0x1A900] =	vst v63  }
0x3da: {  	v19 =	vperm.xlane v19, v18;
	v39 =	vadd.s32 v5, v38;
	s17 =	simm.s32 $0xA480  }
0x3db: {  	[tilespmem:s17], [sflag:$0x1] =	stream.indirect_vreg.gather [hbm4b:s7+s6], $0x80, v20, vm0, $0xb8;
	[tilespmem:$0x1A900] =	vst v63  }
0x3dc: {  	v19 =	vadd.s32 v5, v19;
	s17 =	simm.s32 $0xA500  }
0x3dd: {  	[tilespmem:s17], [sflag:$0x1] =	stream.indirect_vreg.gather [hbm4b:s7+s6], $0x80, v37, vm0, $0xb8;
	[tilespmem:$0x1A900] =	vst v63  }
0x3de: {  	s17 =	simm.s32 $0xA580  }
0x3df: {  	[tilespmem:s17], [sflag:$0x1] =	stream.indirect_vreg.gather [hbm4b:s7+s6], $0x80, v39, vm0, $0xb8;
	[tilespmem:$0x1A900] =	vst v63  }
0x3e0: {  	s17 =	simm.s32 $0xA600  }
0x3e1: {  	[tilespmem:s17], [sflag:$0x1] =	stream.indirect_vreg.gather [hbm4b:s7+s6], $0x80, v19, vm0, $0xb8;
	[tilespmem:$0x1A900] =	vst v63  }
0x3e2: {  	v19 =	vld [tilespmem:$0x3C0];
	_ =	sdelay $0x4  }
0x3e3: {  	v20 =	vshll.u32 v19, $0x1  }
0x3e4: {  	v19 =	vand.u32 $0x7, v19;
	v20 =	vand.u32 $0xFFFFFFF0, v20  }
0x3e5: {  	v19 =	vor.u32 v19, v20  }
0x3e6: {  	v20 =	vperm.xlane v19, v4;
	_ =	sdelay $0x1  }
0x3e7: {  	v40 =	vperm.xlane v19, v3;
	v20 =	vadd.s32 v5, v20;
	_ =	sdelay $0x1  }
0x3e8: {  	v41 =	vperm.xlane v19, v6;
	v21 =	vadd.s32 v5, v40;
	_ =	sdelay $0x1  }
0x3e9: {  	s17 =	simm.s32 $0xA680;
	v42 =	vperm.xlane v19, v7;
	v22 =	vadd.s32 v5, v41  }
0x3ea: {  	[tilespmem:s17], [sflag:$0x1] =	stream.indirect_vreg.gather [hbm4b:s7+s6], $0x80, v20, vm0, $0xb8;
	[tilespmem:$0x1A900] =	vst v63  }
0x3eb: {  	v43 =	vperm.xlane v19, v8;
	v20 =	vadd.s32 v5, v42;
	s17 =	simm.s32 $0xA700  }
0x3ec: {  	[tilespmem:s17], [sflag:$0x1] =	stream.indirect_vreg.gather [hbm4b:s7+s6], $0x80, v21, vm0, $0xb8;
	[tilespmem:$0x1A900] =	vst v63  }
0x3ed: {  	v45 =	vperm.xlane v19, v9;
	v44 =	vadd.s32 v5, v43;
	s17 =	simm.s32 $0xA780  }
0x3ee: {  	[tilespmem:s17], [sflag:$0x1] =	stream.indirect_vreg.gather [hbm4b:s7+s6], $0x80, v22, vm0, $0xb8;
	[tilespmem:$0x1A900] =	vst v63  }
0x3ef: {  	v47 =	vperm.xlane v19, v10;
	v46 =	vadd.s32 v5, v45;
	s17 =	simm.s32 $0xA800  }
0x3f0: {  	[tilespmem:s17], [sflag:$0x1] =	stream.indirect_vreg.gather [hbm4b:s7+s6], $0x80, v20, vm0, $0xb8;
	[tilespmem:$0x1A900] =	vst v63  }
0x3f1: {  	v48 =	vperm.xlane v19, v2;
	v20 =	vadd.s32 v5, v47;
	s17 =	simm.s32 $0xA880  }
0x3f2: {  	[tilespmem:s17], [sflag:$0x1] =	stream.indirect_vreg.gather [hbm4b:s7+s6], $0x80, v44, vm0, $0xb8;
	[tilespmem:$0x1A900] =	vst v63  }
0x3f3: {  	v50 =	vperm.xlane v19, v11;
	v49 =	vadd.s32 v5, v48;
	s17 =	simm.s32 $0xA900  }
0x3f4: {  	[tilespmem:s17], [sflag:$0x1] =	stream.indirect_vreg.gather [hbm4b:s7+s6], $0x80, v46, vm0, $0xb8;
	[tilespmem:$0x1A900] =	vst v63  }
0x3f5: {  	v52 =	vperm.xlane v19, v12;
	v51 =	vadd.s32 v5, v50;
	s17 =	simm.s32 $0xA980  }
0x3f6: {  	[tilespmem:s17], [sflag:$0x1] =	stream.indirect_vreg.gather [hbm4b:s7+s6], $0x80, v20, vm0, $0xb8;
	[tilespmem:$0x1A900] =	vst v63  }
0x3f7: {  	v53 =	vperm.xlane v19, v13;
	v20 =	vadd.s32 v5, v52;
	s17 =	simm.s32 $0xAA00  }
0x3f8: {  	[tilespmem:s17], [sflag:$0x1] =	stream.indirect_vreg.gather [hbm4b:s7+s6], $0x80, v49, vm0, $0xb8;
	[tilespmem:$0x1A900] =	vst v63  }
0x3f9: {  	v55 =	vperm.xlane v19, v14;
	v54 =	vadd.s32 v5, v53;
	s17 =	simm.s32 $0xAA80  }
0x3fa: {  	[tilespmem:s17], [sflag:$0x1] =	stream.indirect_vreg.gather [hbm4b:s7+s6], $0x80, v51, vm0, $0xb8;
	[tilespmem:$0x1A900] =	vst v63  }
0x3fb: {  	v57 =	vperm.xlane v19, v15;
	v56 =	vadd.s32 v5, v55;
	s17 =	simm.s32 $0xAB00  }
0x3fc: {  	[tilespmem:s17], [sflag:$0x1] =	stream.indirect_vreg.gather [hbm4b:s7+s6], $0x80, v20, vm0, $0xb8;
	[tilespmem:$0x1A900] =	vst v63  }
0x3fd: {  	v58 =	vperm.xlane v19, v16;
	v20 =	vadd.s32 v5, v57;
	s17 =	simm.s32 $0xAB80  }
0x3fe: {  	[tilespmem:s17], [sflag:$0x1] =	stream.indirect_vreg.gather [hbm4b:s7+s6], $0x80, v54, vm0, $0xb8;
	[tilespmem:$0x1A900] =	vst v63  }
0x3ff: {  	v60 =	vperm.xlane v19, v17;
	v59 =	vadd.s32 v5, v58;
	s17 =	simm.s32 $0xAC00  }
0x400: {  	[tilespmem:s17], [sflag:$0x1] =	stream.indirect_vreg.gather [hbm4b:s7+s6], $0x80, v56, vm0, $0xb8;
	[tilespmem:$0x1A900] =	vst v63  }
0x401: {  	v19 =	vperm.xlane v19, v18;
	v61 =	vadd.s32 v5, v60;
	s17 =	simm.s32 $0xAC80  }
0x402: {  	[tilespmem:s17], [sflag:$0x1] =	stream.indirect_vreg.gather [hbm4b:s7+s6], $0x80, v20, vm0, $0xb8;
	[tilespmem:$0x1A900] =	vst v63  }
0x403: {  	v19 =	vadd.s32 v5, v19;
	s17 =	simm.s32 $0xAD00  }
0x404: {  	[tilespmem:s17], [sflag:$0x1] =	stream.indirect_vreg.gather [hbm4b:s7+s6], $0x80, v59, vm0, $0xb8;
	[tilespmem:$0x1A900] =	vst v63  }
0x405: {  	s17 =	simm.s32 $0xAD80  }
0x406: {  	[tilespmem:s17], [sflag:$0x1] =	stream.indirect_vreg.gather [hbm4b:s7+s6], $0x80, v61, vm0, $0xb8;
	[tilespmem:$0x1A900] =	vst v63  }
0x407: {  	s17 =	simm.s32 $0xAE00  }
0x408: {  	[tilespmem:s17], [sflag:$0x1] =	stream.indirect_vreg.gather [hbm4b:s7+s6], $0x80, v19, vm0, $0xb8;
	[tilespmem:$0x1A900] =	vst v63  }
0x409: {  	v19 =	vld [tilespmem:$0x3D0];
	_ =	sdelay $0x4  }
0x40a: {  	v20 =	vshll.u32 v19, $0x1  }
0x40b: {  	v19 =	vand.u32 $0x7, v19;
	v20 =	vand.u32 $0xFFFFFFF0, v20  }
0x40c: {  	v19 =	vor.u32 v19, v20  }
0x40d: {  	v20 =	vperm.xlane v19, v4;
	_ =	sdelay $0x1  }
0x40e: {  	v62 =	vperm.xlane v19, v3;
	v20 =	vadd.s32 v5, v20;
	_ =	sdelay $0x1  }
0x40f: {  	v63 =	vperm.xlane v19, v6;
	v21 =	vadd.s32 v5, v62;
	_ =	sdelay $0x1  }
0x410: {  	s17 =	simm.s32 $0xAE80;
	v24 =	vperm.xlane v19, v7;
	v22 =	vadd.s32 v5, v63  }
0x411: {  	[tilespmem:s17], [sflag:$0x1] =	stream.indirect_vreg.gather [hbm4b:s7+s6], $0x80, v20, vm0, $0xb8;
	[tilespmem:$0x1A900] =	vst v63  }
0x412: {  	v25 =	vperm.xlane v19, v8;
	v20 =	vadd.s32 v5, v24;
	s17 =	simm.s32 $0xAF00  }
0x413: {  	[tilespmem:s17], [sflag:$0x1] =	stream.indirect_vreg.gather [hbm4b:s7+s6], $0x80, v21, vm0, $0xb8;
	[tilespmem:$0x1A900] =	vst v63  }
0x414: {  	v27 =	vperm.xlane v19, v9;
	v26 =	vadd.s32 v5, v25;
	s17 =	simm.s32 $0xAF80  }
0x415: {  	[tilespmem:s17], [sflag:$0x1] =	stream.indirect_vreg.gather [hbm4b:s7+s6], $0x80, v22, vm0, $0xb8;
	[tilespmem:$0x1A900] =	vst v63  }
0x416: {  	v29 =	vperm.xlane v19, v10;
	v28 =	vadd.s32 v5, v27;
	s17 =	simm.s32 $0xB000  }
0x417: {  	[tilespmem:s17], [sflag:$0x1] =	stream.indirect_vreg.gather [hbm4b:s7+s6], $0x80, v20, vm0, $0xb8;
	[tilespmem:$0x1A900] =	vst v63  }
0x418: {  	v30 =	vperm.xlane v19, v2;
	v20 =	vadd.s32 v5, v29;
	s17 =	simm.s32 $0xB080  }
0x419: {  	[tilespmem:s17], [sflag:$0x1] =	stream.indirect_vreg.gather [hbm4b:s7+s6], $0x80, v26, vm0, $0xb8;
	[tilespmem:$0x1A900] =	vst v63  }
0x41a: {  	v32 =	vperm.xlane v19, v11;
	v31 =	vadd.s32 v5, v30;
	s17 =	simm.s32 $0xB100  }
0x41b: {  	[tilespmem:s17], [sflag:$0x1] =	stream.indirect_vreg.gather [hbm4b:s7+s6], $0x80, v28, vm0, $0xb8;
	[tilespmem:$0x1A900] =	vst v63  }
0x41c: {  	v34 =	vperm.xlane v19, v12;
	v33 =	vadd.s32 v5, v32;
	s17 =	simm.s32 $0xB180  }
0x41d: {  	[tilespmem:s17], [sflag:$0x1] =	stream.indirect_vreg.gather [hbm4b:s7+s6], $0x80, v20, vm0, $0xb8;
	[tilespmem:$0x1A900] =	vst v63  }
0x41e: {  	v35 =	vperm.xlane v19, v13;
	v20 =	vadd.s32 v5, v34;
	s17 =	simm.s32 $0xB200  }
0x41f: {  	[tilespmem:s17], [sflag:$0x1] =	stream.indirect_vreg.gather [hbm4b:s7+s6], $0x80, v31, vm0, $0xb8;
	[tilespmem:$0x1A900] =	vst v63  }
0x420: {  	v37 =	vperm.xlane v19, v14;
	v36 =	vadd.s32 v5, v35;
	s17 =	simm.s32 $0xB280  }
0x421: {  	[tilespmem:s17], [sflag:$0x1] =	stream.indirect_vreg.gather [hbm4b:s7+s6], $0x80, v33, vm0, $0xb8;
	[tilespmem:$0x1A900] =	vst v63  }
0x422: {  	v39 =	vperm.xlane v19, v15;
	v38 =	vadd.s32 v5, v37;
	s17 =	simm.s32 $0xB300  }
0x423: {  	[tilespmem:s17], [sflag:$0x1] =	stream.indirect_vreg.gather [hbm4b:s7+s6], $0x80, v20, vm0, $0xb8;
	[tilespmem:$0x1A900] =	vst v63  }
0x424: {  	v40 =	vperm.xlane v19, v16;
	v20 =	vadd.s32 v5, v39;
	s17 =	simm.s32 $0xB380  }
0x425: {  	[tilespmem:s17], [sflag:$0x1] =	stream.indirect_vreg.gather [hbm4b:s7+s6], $0x80, v36, vm0, $0xb8;
	[tilespmem:$0x1A900] =	vst v63  }
0x426: {  	v42 =	vperm.xlane v19, v17;
	v41 =	vadd.s32 v5, v40;
	s17 =	simm.s32 $0xB400  }
0x427: {  	[tilespmem:s17], [sflag:$0x1] =	stream.indirect_vreg.gather [hbm4b:s7+s6], $0x80, v38, vm0, $0xb8;
	[tilespmem:$0x1A900] =	vst v63  }
0x428: {  	v19 =	vperm.xlane v19, v18;
	v43 =	vadd.s32 v5, v42;
	s17 =	simm.s32 $0xB480  }
0x429: {  	[tilespmem:s17], [sflag:$0x1] =	stream.indirect_vreg.gather [hbm4b:s7+s6], $0x80, v20, vm0, $0xb8;
	[tilespmem:$0x1A900] =	vst v63  }
0x42a: {  	v19 =	vadd.s32 v5, v19;
	s17 =	simm.s32 $0xB500  }
0x42b: {  	[tilespmem:s17], [sflag:$0x1] =	stream.indirect_vreg.gather [hbm4b:s7+s6], $0x80, v41, vm0, $0xb8;
	[tilespmem:$0x1A900] =	vst v63  }
0x42c: {  	s17 =	simm.s32 $0xB580  }
0x42d: {  	[tilespmem:s17], [sflag:$0x1] =	stream.indirect_vreg.gather [hbm4b:s7+s6], $0x80, v43, vm0, $0xb8;
	[tilespmem:$0x1A900] =	vst v63  }
0x42e: {  	s17 =	simm.s32 $0xB600  }
0x42f: {  	[tilespmem:s17], [sflag:$0x1] =	stream.indirect_vreg.gather [hbm4b:s7+s6], $0x80, v19, vm0, $0xb8;
	[tilespmem:$0x1A900] =	vst v63  }
0x430: {  	v19 =	vld [tilespmem:$0x3E0];
	_ =	sdelay $0x4  }
0x431: {  	v20 =	vshll.u32 v19, $0x1  }
0x432: {  	v19 =	vand.u32 $0x7, v19;
	v20 =	vand.u32 $0xFFFFFFF0, v20  }
0x433: {  	v19 =	vor.u32 v19, v20  }
0x434: {  	v20 =	vperm.xlane v19, v4;
	_ =	sdelay $0x1  }
0x435: {  	v44 =	vperm.xlane v19, v3;
	v20 =	vadd.s32 v5, v20;
	_ =	sdelay $0x1  }
0x436: {  	v45 =	vperm.xlane v19, v6;
	v21 =	vadd.s32 v5, v44;
	_ =	sdelay $0x1  }
0x437: {  	s17 =	simm.s32 $0xB680;
	v46 =	vperm.xlane v19, v7;
	v22 =	vadd.s32 v5, v45  }
0x438: {  	[tilespmem:s17], [sflag:$0x1] =	stream.indirect_vreg.gather [hbm4b:s7+s6], $0x80, v20, vm0, $0xb8;
	[tilespmem:$0x1A900] =	vst v63  }
0x439: {  	v47 =	vperm.xlane v19, v8;
	v20 =	vadd.s32 v5, v46;
	s17 =	simm.s32 $0xB700  }
0x43a: {  	[tilespmem:s17], [sflag:$0x1] =	stream.indirect_vreg.gather [hbm4b:s7+s6], $0x80, v21, vm0, $0xb8;
	[tilespmem:$0x1A900] =	vst v63  }
0x43b: {  	v49 =	vperm.xlane v19, v9;
	v48 =	vadd.s32 v5, v47;
	s17 =	simm.s32 $0xB780  }
0x43c: {  	[tilespmem:s17], [sflag:$0x1] =	stream.indirect_vreg.gather [hbm4b:s7+s6], $0x80, v22, vm0, $0xb8;
	[tilespmem:$0x1A900] =	vst v63  }
0x43d: {  	v51 =	vperm.xlane v19, v10;
	v50 =	vadd.s32 v5, v49;
	s17 =	simm.s32 $0xB800  }
0x43e: {  	[tilespmem:s17], [sflag:$0x1] =	stream.indirect_vreg.gather [hbm4b:s7+s6], $0x80, v20, vm0, $0xb8;
	[tilespmem:$0x1A900] =	vst v63  }
0x43f: {  	v52 =	vperm.xlane v19, v2;
	v20 =	vadd.s32 v5, v51;
	s17 =	simm.s32 $0xB880  }
0x440: {  	[tilespmem:s17], [sflag:$0x1] =	stream.indirect_vreg.gather [hbm4b:s7+s6], $0x80, v48, vm0, $0xb8;
	[tilespmem:$0x1A900] =	vst v63  }
0x441: {  	v54 =	vperm.xlane v19, v11;
	v53 =	vadd.s32 v5, v52;
	s17 =	simm.s32 $0xB900  }
0x442: {  	[tilespmem:s17], [sflag:$0x1] =	stream.indirect_vreg.gather [hbm4b:s7+s6], $0x80, v50, vm0, $0xb8;
	[tilespmem:$0x1A900] =	vst v63  }
0x443: {  	v56 =	vperm.xlane v19, v12;
	v55 =	vadd.s32 v5, v54;
	s17 =	simm.s32 $0xB980  }
0x444: {  	[tilespmem:s17], [sflag:$0x1] =	stream.indirect_vreg.gather [hbm4b:s7+s6], $0x80, v20, vm0, $0xb8;
	[tilespmem:$0x1A900] =	vst v63  }
0x445: {  	v57 =	vperm.xlane v19, v13;
	v20 =	vadd.s32 v5, v56;
	s17 =	simm.s32 $0xBA00  }
0x446: {  	[tilespmem:s17], [sflag:$0x1] =	stream.indirect_vreg.gather [hbm4b:s7+s6], $0x80, v53, vm0, $0xb8;
	[tilespmem:$0x1A900] =	vst v63  }
0x447: {  	v59 =	vperm.xlane v19, v14;
	v58 =	vadd.s32 v5, v57;
	s17 =	simm.s32 $0xBA80  }
0x448: {  	[tilespmem:s17], [sflag:$0x1] =	stream.indirect_vreg.gather [hbm4b:s7+s6], $0x80, v55, vm0, $0xb8;
	[tilespmem:$0x1A900] =	vst v63  }
0x449: {  	v61 =	vperm.xlane v19, v15;
	v60 =	vadd.s32 v5, v59;
	s17 =	simm.s32 $0xBB00  }
0x44a: {  	[tilespmem:s17], [sflag:$0x1] =	stream.indirect_vreg.gather [hbm4b:s7+s6], $0x80, v20, vm0, $0xb8;
	[tilespmem:$0x1A900] =	vst v63  }
0x44b: {  	v62 =	vperm.xlane v19, v16;
	v20 =	vadd.s32 v5, v61;
	s17 =	simm.s32 $0xBB80  }
0x44c: {  	[tilespmem:s17], [sflag:$0x1] =	stream.indirect_vreg.gather [hbm4b:s7+s6], $0x80, v58, vm0, $0xb8;
	[tilespmem:$0x1A900] =	vst v63  }
0x44d: {  	v24 =	vperm.xlane v19, v17;
	v63 =	vadd.s32 v5, v62;
	s17 =	simm.s32 $0xBC00  }
0x44e: {  	[tilespmem:s17], [sflag:$0x1] =	stream.indirect_vreg.gather [hbm4b:s7+s6], $0x80, v60, vm0, $0xb8;
	[tilespmem:$0x1A900] =	vst v63  }
0x44f: {  	v19 =	vperm.xlane v19, v18;
	v25 =	vadd.s32 v5, v24;
	s17 =	simm.s32 $0xBC80  }
0x450: {  	[tilespmem:s17], [sflag:$0x1] =	stream.indirect_vreg.gather [hbm4b:s7+s6], $0x80, v20, vm0, $0xb8;
	[tilespmem:$0x1A900] =	vst v63  }
0x451: {  	v19 =	vadd.s32 v5, v19;
	s17 =	simm.s32 $0xBD00  }
0x452: {  	[tilespmem:s17], [sflag:$0x1] =	stream.indirect_vreg.gather [hbm4b:s7+s6], $0x80, v63, vm0, $0xb8;
	[tilespmem:$0x1A900] =	vst v63  }
0x453: {  	s17 =	simm.s32 $0xBD80  }
0x454: {  	[tilespmem:s17], [sflag:$0x1] =	stream.indirect_vreg.gather [hbm4b:s7+s6], $0x80, v25, vm0, $0xb8;
	[tilespmem:$0x1A900] =	vst v63  }
0x455: {  	s17 =	simm.s32 $0xBE00  }
0x456: {  	[tilespmem:s17], [sflag:$0x1] =	stream.indirect_vreg.gather [hbm4b:s7+s6], $0x80, v19, vm0, $0xb8;
	[tilespmem:$0x1A900] =	vst v63  }
0x457: {  	v19 =	vld [tilespmem:$0x3F0];
	_ =	sdelay $0x4  }
0x458: {  	v20 =	vshll.u32 v19, $0x1  }
0x459: {  	v19 =	vand.u32 $0x7, v19;
	v20 =	vand.u32 $0xFFFFFFF0, v20  }
0x45a: {  	v19 =	vor.u32 v19, v20  }
0x45b: {  	v20 =	vperm.xlane v19, v4;
	_ =	sdelay $0x1  }
0x45c: {  	v26 =	vperm.xlane v19, v3;
	v20 =	vadd.s32 v5, v20;
	_ =	sdelay $0x1  }
0x45d: {  	v27 =	vperm.xlane v19, v6;
	v21 =	vadd.s32 v5, v26;
	_ =	sdelay $0x1  }
0x45e: {  	s17 =	simm.s32 $0xBE80;
	v28 =	vperm.xlane v19, v7;
	v22 =	vadd.s32 v5, v27  }
0x45f: {  	[tilespmem:s17], [sflag:$0x1] =	stream.indirect_vreg.gather [hbm4b:s7+s6], $0x80, v20, vm0, $0xb8;
	[tilespmem:$0x1A900] =	vst v63  }
0x460: {  	v29 =	vperm.xlane v19, v8;
	v20 =	vadd.s32 v5, v28;
	s17 =	simm.s32 $0xBF00  }
0x461: {  	[tilespmem:s17], [sflag:$0x1] =	stream.indirect_vreg.gather [hbm4b:s7+s6], $0x80, v21, vm0, $0xb8;
	[tilespmem:$0x1A900] =	vst v63  }
0x462: {  	v31 =	vperm.xlane v19, v9;
	v30 =	vadd.s32 v5, v29;
	s17 =	simm.s32 $0xBF80  }
0x463: {  	[tilespmem:s17], [sflag:$0x1] =	stream.indirect_vreg.gather [hbm4b:s7+s6], $0x80, v22, vm0, $0xb8;
	[tilespmem:$0x1A900] =	vst v63  }
0x464: {  	v33 =	vperm.xlane v19, v10;
	v32 =	vadd.s32 v5, v31;
	s17 =	simm.s32 $0xC000  }
0x465: {  	[tilespmem:s17], [sflag:$0x1] =	stream.indirect_vreg.gather [hbm4b:s7+s6], $0x80, v20, vm0, $0xb8;
	[tilespmem:$0x1A900] =	vst v63  }
0x466: {  	v34 =	vperm.xlane v19, v2;
	v20 =	vadd.s32 v5, v33;
	s17 =	simm.s32 $0xC080  }
0x467: {  	[tilespmem:s17], [sflag:$0x1] =	stream.indirect_vreg.gather [hbm4b:s7+s6], $0x80, v30, vm0, $0xb8;
	[tilespmem:$0x1A900] =	vst v63  }
0x468: {  	v36 =	vperm.xlane v19, v11;
	v35 =	vadd.s32 v5, v34;
	s17 =	simm.s32 $0xC100  }
0x469: {  	[tilespmem:s17], [sflag:$0x1] =	stream.indirect_vreg.gather [hbm4b:s7+s6], $0x80, v32, vm0, $0xb8;
	[tilespmem:$0x1A900] =	vst v63  }
0x46a: {  	v38 =	vperm.xlane v19, v12;
	v37 =	vadd.s32 v5, v36;
	s17 =	simm.s32 $0xC180  }
0x46b: {  	[tilespmem:s17], [sflag:$0x1] =	stream.indirect_vreg.gather [hbm4b:s7+s6], $0x80, v20, vm0, $0xb8;
	[tilespmem:$0x1A900] =	vst v63  }
0x46c: {  	v39 =	vperm.xlane v19, v13;
	v20 =	vadd.s32 v5, v38;
	s17 =	simm.s32 $0xC200  }
0x46d: {  	[tilespmem:s17], [sflag:$0x1] =	stream.indirect_vreg.gather [hbm4b:s7+s6], $0x80, v35, vm0, $0xb8;
	[tilespmem:$0x1A900] =	vst v63  }
0x46e: {  	v41 =	vperm.xlane v19, v14;
	v40 =	vadd.s32 v5, v39;
	s17 =	simm.s32 $0xC280  }
0x46f: {  	[tilespmem:s17], [sflag:$0x1] =	stream.indirect_vreg.gather [hbm4b:s7+s6], $0x80, v37, vm0, $0xb8;
	[tilespmem:$0x1A900] =	vst v63  }
0x470: {  	v43 =	vperm.xlane v19, v15;
	v42 =	vadd.s32 v5, v41;
	s17 =	simm.s32 $0xC300  }
0x471: {  	[tilespmem:s17], [sflag:$0x1] =	stream.indirect_vreg.gather [hbm4b:s7+s6], $0x80, v20, vm0, $0xb8;
	[tilespmem:$0x1A900] =	vst v63  }
0x472: {  	v44 =	vperm.xlane v19, v16;
	v20 =	vadd.s32 v5, v43;
	s17 =	simm.s32 $0xC380  }
0x473: {  	[tilespmem:s17], [sflag:$0x1] =	stream.indirect_vreg.gather [hbm4b:s7+s6], $0x80, v40, vm0, $0xb8;
	[tilespmem:$0x1A900] =	vst v63  }
0x474: {  	v46 =	vperm.xlane v19, v17;
	v45 =	vadd.s32 v5, v44;
	s17 =	simm.s32 $0xC400  }
0x475: {  	[tilespmem:s17], [sflag:$0x1] =	stream.indirect_vreg.gather [hbm4b:s7+s6], $0x80, v42, vm0, $0xb8;
	[tilespmem:$0x1A900] =	vst v63  }
0x476: {  	v19 =	vperm.xlane v19, v18;
	v47 =	vadd.s32 v5, v46;
	s17 =	simm.s32 $0xC480  }
0x477: {  	[tilespmem:s17], [sflag:$0x1] =	stream.indirect_vreg.gather [hbm4b:s7+s6], $0x80, v20, vm0, $0xb8;
	[tilespmem:$0x1A900] =	vst v63  }
0x478: {  	v19 =	vadd.s32 v5, v19;
	s17 =	simm.s32 $0xC500  }
0x479: {  	[tilespmem:s17], [sflag:$0x1] =	stream.indirect_vreg.gather [hbm4b:s7+s6], $0x80, v45, vm0, $0xb8;
	[tilespmem:$0x1A900] =	vst v63  }
0x47a: {  	s17 =	simm.s32 $0xC580  }
0x47b: {  	[tilespmem:s17], [sflag:$0x1] =	stream.indirect_vreg.gather [hbm4b:s7+s6], $0x80, v47, vm0, $0xb8;
	[tilespmem:$0x1A900] =	vst v63  }
0x47c: {  	s17 =	simm.s32 $0xC600  }
0x47d: {  	[tilespmem:s17], [sflag:$0x1] =	stream.indirect_vreg.gather [hbm4b:s7+s6], $0x80, v19, vm0, $0xb8;
	[tilespmem:$0x1A900] =	vst v63  }
0x47e: {  	v19 =	vld [tilespmem:$0x380];
	_ =	sdelay $0x4  }
0x47f: {  	v20 =	vshll.u32 v19, $0x1  }
0x480: {  	v19 =	vand.u32 $0x7, v19;
	v20 =	vand.u32 $0xFFFFFFF0, v20  }
0x481: {  	v19 =	vor.u32 v19, v20  }
0x482: {  	v20 =	vperm.xlane v19, v4;
	_ =	sdelay $0x1  }
0x483: {  	v48 =	vperm.xlane v19, v3;
	v20 =	vadd.s32 v5, v20;
	_ =	sdelay $0x1  }
0x484: {  	v49 =	vperm.xlane v19, v6;
	v21 =	vadd.s32 v5, v48;
	_ =	sdelay $0x1  }
0x485: {  	v50 =	vperm.xlane v19, v7;
	v22 =	vadd.s32 v5, v49  }
0x486: {  	[tilespmem:s8], [sflag:$0x1] =	stream.indirect_vreg.gather [hbm4b:s22+s6], $0x80, v20, vm0, $0xb8;
	[tilespmem:$0x1A900] =	vst v63  }
0x487: {  	s17 =	simm.s32 $0xC700;
	v51 =	vperm.xlane v19, v8;
	v20 =	vadd.s32 v5, v50  }
0x488: {  	[tilespmem:s17], [sflag:$0x1] =	stream.indirect_vreg.gather [hbm4b:s22+s6], $0x80, v21, vm0, $0xb8;
	[tilespmem:$0x1A900] =	vst v63  }
0x489: {  	v53 =	vperm.xlane v19, v9;
	v52 =	vadd.s32 v5, v51;
	s17 =	simm.s32 $0xC780  }
0x48a: {  	[tilespmem:s17], [sflag:$0x1] =	stream.indirect_vreg.gather [hbm4b:s22+s6], $0x80, v22, vm0, $0xb8;
	[tilespmem:$0x1A900] =	vst v63  }
0x48b: {  	v55 =	vperm.xlane v19, v10;
	v54 =	vadd.s32 v5, v53;
	s17 =	simm.s32 $0xC800  }
0x48c: {  	[tilespmem:s17], [sflag:$0x1] =	stream.indirect_vreg.gather [hbm4b:s22+s6], $0x80, v20, vm0, $0xb8;
	[tilespmem:$0x1A900] =	vst v63  }
0x48d: {  	v56 =	vperm.xlane v19, v2;
	v20 =	vadd.s32 v5, v55;
	s17 =	simm.s32 $0xC880  }
0x48e: {  	[tilespmem:s17], [sflag:$0x1] =	stream.indirect_vreg.gather [hbm4b:s22+s6], $0x80, v52, vm0, $0xb8;
	[tilespmem:$0x1A900] =	vst v63  }
0x48f: {  	v58 =	vperm.xlane v19, v11;
	v57 =	vadd.s32 v5, v56;
	s17 =	simm.s32 $0xC900  }
0x490: {  	[tilespmem:s17], [sflag:$0x1] =	stream.indirect_vreg.gather [hbm4b:s22+s6], $0x80, v54, vm0, $0xb8;
	[tilespmem:$0x1A900] =	vst v63  }
0x491: {  	v60 =	vperm.xlane v19, v12;
	v59 =	vadd.s32 v5, v58;
	s17 =	simm.s32 $0xC980  }
0x492: {  	[tilespmem:s17], [sflag:$0x1] =	stream.indirect_vreg.gather [hbm4b:s22+s6], $0x80, v20, vm0, $0xb8;
	[tilespmem:$0x1A900] =	vst v63  }
0x493: {  	v61 =	vperm.xlane v19, v13;
	v20 =	vadd.s32 v5, v60;
	s17 =	simm.s32 $0xCA00  }
0x494: {  	[tilespmem:s17], [sflag:$0x1] =	stream.indirect_vreg.gather [hbm4b:s22+s6], $0x80, v57, vm0, $0xb8;
	[tilespmem:$0x1A900] =	vst v63  }
0x495: {  	v63 =	vperm.xlane v19, v14;
	v62 =	vadd.s32 v5, v61;
	s17 =	simm.s32 $0xCA80  }
0x496: {  	[tilespmem:s17], [sflag:$0x1] =	stream.indirect_vreg.gather [hbm4b:s22+s6], $0x80, v59, vm0, $0xb8;
	[tilespmem:$0x1A900] =	vst v63  }
0x497: {  	v25 =	vperm.xlane v19, v15;
	v24 =	vadd.s32 v5, v63;
	s17 =	simm.s32 $0xCB00  }
0x498: {  	[tilespmem:s17], [sflag:$0x1] =	stream.indirect_vreg.gather [hbm4b:s22+s6], $0x80, v20, vm0, $0xb8;
	[tilespmem:$0x1A900] =	vst v63  }
0x499: {  	v26 =	vperm.xlane v19, v16;
	v20 =	vadd.s32 v5, v25;
	s17 =	simm.s32 $0xCB80  }
0x49a: {  	[tilespmem:s17], [sflag:$0x1] =	stream.indirect_vreg.gather [hbm4b:s22+s6], $0x80, v62, vm0, $0xb8;
	[tilespmem:$0x1A900] =	vst v63  }
0x49b: {  	v28 =	vperm.xlane v19, v17;
	v27 =	vadd.s32 v5, v26;
	s17 =	simm.s32 $0xCC00  }
0x49c: {  	[tilespmem:s17], [sflag:$0x1] =	stream.indirect_vreg.gather [hbm4b:s22+s6], $0x80, v24, vm0, $0xb8;
	[tilespmem:$0x1A900] =	vst v63  }
0x49d: {  	v19 =	vperm.xlane v19, v18;
	v29 =	vadd.s32 v5, v28;
	s17 =	simm.s32 $0xCC80  }
0x49e: {  	[tilespmem:s17], [sflag:$0x1] =	stream.indirect_vreg.gather [hbm4b:s22+s6], $0x80, v20, vm0, $0xb8;
	[tilespmem:$0x1A900] =	vst v63  }
0x49f: {  	v19 =	vadd.s32 v5, v19;
	s17 =	simm.s32 $0xCD00  }
0x4a0: {  	[tilespmem:s17], [sflag:$0x1] =	stream.indirect_vreg.gather [hbm4b:s22+s6], $0x80, v27, vm0, $0xb8;
	[tilespmem:$0x1A900] =	vst v63  }
0x4a1: {  	s17 =	simm.s32 $0xCD80  }
0x4a2: {  	[tilespmem:s17], [sflag:$0x1] =	stream.indirect_vreg.gather [hbm4b:s22+s6], $0x80, v29, vm0, $0xb8;
	[tilespmem:$0x1A900] =	vst v63  }
0x4a3: {  	s17 =	simm.s32 $0xCE00  }
0x4a4: {  	[tilespmem:s17], [sflag:$0x1] =	stream.indirect_vreg.gather [hbm4b:s22+s6], $0x80, v19, vm0, $0xb8;
	[tilespmem:$0x1A900] =	vst v63  }
0x4a5: {  	v19 =	vld [tilespmem:$0x390];
	_ =	sdelay $0x4  }
0x4a6: {  	v20 =	vshll.u32 v19, $0x1  }
0x4a7: {  	v19 =	vand.u32 $0x7, v19;
	v20 =	vand.u32 $0xFFFFFFF0, v20  }
0x4a8: {  	v19 =	vor.u32 v19, v20  }
0x4a9: {  	v20 =	vperm.xlane v19, v4;
	_ =	sdelay $0x1  }
0x4aa: {  	v30 =	vperm.xlane v19, v3;
	v20 =	vadd.s32 v5, v20;
	_ =	sdelay $0x1  }
0x4ab: {  	v31 =	vperm.xlane v19, v6;
	v21 =	vadd.s32 v5, v30;
	_ =	sdelay $0x1  }
0x4ac: {  	s17 =	simm.s32 $0xCE80;
	v32 =	vperm.xlane v19, v7;
	v22 =	vadd.s32 v5, v31  }
0x4ad: {  	[tilespmem:s17], [sflag:$0x1] =	stream.indirect_vreg.gather [hbm4b:s22+s6], $0x80, v20, vm0, $0xb8;
	[tilespmem:$0x1A900] =	vst v63  }
0x4ae: {  	v33 =	vperm.xlane v19, v8;
	v20 =	vadd.s32 v5, v32;
	s17 =	simm.s32 $0xCF00  }
0x4af: {  	[tilespmem:s17], [sflag:$0x1] =	stream.indirect_vreg.gather [hbm4b:s22+s6], $0x80, v21, vm0, $0xb8;
	[tilespmem:$0x1A900] =	vst v63  }
0x4b0: {  	v35 =	vperm.xlane v19, v9;
	v34 =	vadd.s32 v5, v33;
	s17 =	simm.s32 $0xCF80  }
0x4b1: {  	[tilespmem:s17], [sflag:$0x1] =	stream.indirect_vreg.gather [hbm4b:s22+s6], $0x80, v22, vm0, $0xb8;
	[tilespmem:$0x1A900] =	vst v63  }
0x4b2: {  	v37 =	vperm.xlane v19, v10;
	v36 =	vadd.s32 v5, v35;
	s17 =	simm.s32 $0xD000  }
0x4b3: {  	[tilespmem:s17], [sflag:$0x1] =	stream.indirect_vreg.gather [hbm4b:s22+s6], $0x80, v20, vm0, $0xb8;
	[tilespmem:$0x1A900] =	vst v63  }
0x4b4: {  	v38 =	vperm.xlane v19, v2;
	v20 =	vadd.s32 v5, v37;
	s17 =	simm.s32 $0xD080  }
0x4b5: {  	[tilespmem:s17], [sflag:$0x1] =	stream.indirect_vreg.gather [hbm4b:s22+s6], $0x80, v34, vm0, $0xb8;
	[tilespmem:$0x1A900] =	vst v63  }
0x4b6: {  	v40 =	vperm.xlane v19, v11;
	v39 =	vadd.s32 v5, v38;
	s17 =	simm.s32 $0xD100  }
0x4b7: {  	[tilespmem:s17], [sflag:$0x1] =	stream.indirect_vreg.gather [hbm4b:s22+s6], $0x80, v36, vm0, $0xb8;
	[tilespmem:$0x1A900] =	vst v63  }
0x4b8: {  	v42 =	vperm.xlane v19, v12;
	v41 =	vadd.s32 v5, v40;
	s17 =	simm.s32 $0xD180  }
0x4b9: {  	[tilespmem:s17], [sflag:$0x1] =	stream.indirect_vreg.gather [hbm4b:s22+s6], $0x80, v20, vm0, $0xb8;
	[tilespmem:$0x1A900] =	vst v63  }
0x4ba: {  	v43 =	vperm.xlane v19, v13;
	v20 =	vadd.s32 v5, v42;
	s17 =	simm.s32 $0xD200  }
0x4bb: {  	[tilespmem:s17], [sflag:$0x1] =	stream.indirect_vreg.gather [hbm4b:s22+s6], $0x80, v39, vm0, $0xb8;
	[tilespmem:$0x1A900] =	vst v63  }
0x4bc: {  	v45 =	vperm.xlane v19, v14;
	v44 =	vadd.s32 v5, v43;
	s17 =	simm.s32 $0xD280  }
0x4bd: {  	[tilespmem:s17], [sflag:$0x1] =	stream.indirect_vreg.gather [hbm4b:s22+s6], $0x80, v41, vm0, $0xb8;
	[tilespmem:$0x1A900] =	vst v63  }
0x4be: {  	v47 =	vperm.xlane v19, v15;
	v46 =	vadd.s32 v5, v45;
	s17 =	simm.s32 $0xD300  }
0x4bf: {  	[tilespmem:s17], [sflag:$0x1] =	stream.indirect_vreg.gather [hbm4b:s22+s6], $0x80, v20, vm0, $0xb8;
	[tilespmem:$0x1A900] =	vst v63  }
0x4c0: {  	v48 =	vperm.xlane v19, v16;
	v20 =	vadd.s32 v5, v47;
	s17 =	simm.s32 $0xD380  }
0x4c1: {  	[tilespmem:s17], [sflag:$0x1] =	stream.indirect_vreg.gather [hbm4b:s22+s6], $0x80, v44, vm0, $0xb8;
	[tilespmem:$0x1A900] =	vst v63  }
0x4c2: {  	v50 =	vperm.xlane v19, v17;
	v49 =	vadd.s32 v5, v48;
	s17 =	simm.s32 $0xD400  }
0x4c3: {  	[tilespmem:s17], [sflag:$0x1] =	stream.indirect_vreg.gather [hbm4b:s22+s6], $0x80, v46, vm0, $0xb8;
	[tilespmem:$0x1A900] =	vst v63  }
0x4c4: {  	v19 =	vperm.xlane v19, v18;
	v51 =	vadd.s32 v5, v50;
	s17 =	simm.s32 $0xD480  }
0x4c5: {  	[tilespmem:s17], [sflag:$0x1] =	stream.indirect_vreg.gather [hbm4b:s22+s6], $0x80, v20, vm0, $0xb8;
	[tilespmem:$0x1A900] =	vst v63  }
0x4c6: {  	v19 =	vadd.s32 v5, v19;
	s17 =	simm.s32 $0xD500  }
0x4c7: {  	[tilespmem:s17], [sflag:$0x1] =	stream.indirect_vreg.gather [hbm4b:s22+s6], $0x80, v49, vm0, $0xb8;
	[tilespmem:$0x1A900] =	vst v63  }
0x4c8: {  	s17 =	simm.s32 $0xD580  }
0x4c9: {  	[tilespmem:s17], [sflag:$0x1] =	stream.indirect_vreg.gather [hbm4b:s22+s6], $0x80, v51, vm0, $0xb8;
	[tilespmem:$0x1A900] =	vst v63  }
0x4ca: {  	s17 =	simm.s32 $0xD600  }
0x4cb: {  	[tilespmem:s17], [sflag:$0x1] =	stream.indirect_vreg.gather [hbm4b:s22+s6], $0x80, v19, vm0, $0xb8;
	[tilespmem:$0x1A900] =	vst v63  }
0x4cc: {  	v19 =	vld [tilespmem:$0x3A0];
	_ =	sdelay $0x4  }
0x4cd: {  	v20 =	vshll.u32 v19, $0x1  }
0x4ce: {  	v19 =	vand.u32 $0x7, v19;
	v20 =	vand.u32 $0xFFFFFFF0, v20  }
0x4cf: {  	v19 =	vor.u32 v19, v20  }
0x4d0: {  	v20 =	vperm.xlane v19, v4;
	_ =	sdelay $0x1  }
0x4d1: {  	v52 =	vperm.xlane v19, v3;
	v20 =	vadd.s32 v5, v20;
	_ =	sdelay $0x1  }
0x4d2: {  	v53 =	vperm.xlane v19, v6;
	v21 =	vadd.s32 v5, v52;
	_ =	sdelay $0x1  }
0x4d3: {  	s17 =	simm.s32 $0xD680;
	v54 =	vperm.xlane v19, v7;
	v22 =	vadd.s32 v5, v53  }
0x4d4: {  	[tilespmem:s17], [sflag:$0x1] =	stream.indirect_vreg.gather [hbm4b:s22+s6], $0x80, v20, vm0, $0xb8;
	[tilespmem:$0x1A900] =	vst v63  }
0x4d5: {  	v55 =	vperm.xlane v19, v8;
	v20 =	vadd.s32 v5, v54;
	s17 =	simm.s32 $0xD700  }
0x4d6: {  	[tilespmem:s17], [sflag:$0x1] =	stream.indirect_vreg.gather [hbm4b:s22+s6], $0x80, v21, vm0, $0xb8;
	[tilespmem:$0x1A900] =	vst v63  }
0x4d7: {  	v57 =	vperm.xlane v19, v9;
	v56 =	vadd.s32 v5, v55;
	s17 =	simm.s32 $0xD780  }
0x4d8: {  	[tilespmem:s17], [sflag:$0x1] =	stream.indirect_vreg.gather [hbm4b:s22+s6], $0x80, v22, vm0, $0xb8;
	[tilespmem:$0x1A900] =	vst v63  }
0x4d9: {  	v59 =	vperm.xlane v19, v10;
	v58 =	vadd.s32 v5, v57;
	s17 =	simm.s32 $0xD800  }
0x4da: {  	[tilespmem:s17], [sflag:$0x1] =	stream.indirect_vreg.gather [hbm4b:s22+s6], $0x80, v20, vm0, $0xb8;
	[tilespmem:$0x1A900] =	vst v63  }
0x4db: {  	v60 =	vperm.xlane v19, v2;
	v20 =	vadd.s32 v5, v59;
	s17 =	simm.s32 $0xD880  }
0x4dc: {  	[tilespmem:s17], [sflag:$0x1] =	stream.indirect_vreg.gather [hbm4b:s22+s6], $0x80, v56, vm0, $0xb8;
	[tilespmem:$0x1A900] =	vst v63  }
0x4dd: {  	v62 =	vperm.xlane v19, v11;
	v61 =	vadd.s32 v5, v60;
	s17 =	simm.s32 $0xD900  }
0x4de: {  	[tilespmem:s17], [sflag:$0x1] =	stream.indirect_vreg.gather [hbm4b:s22+s6], $0x80, v58, vm0, $0xb8;
	[tilespmem:$0x1A900] =	vst v63  }
0x4df: {  	v24 =	vperm.xlane v19, v12;
	v63 =	vadd.s32 v5, v62;
	s17 =	simm.s32 $0xD980  }
0x4e0: {  	[tilespmem:s17], [sflag:$0x1] =	stream.indirect_vreg.gather [hbm4b:s22+s6], $0x80, v20, vm0, $0xb8;
	[tilespmem:$0x1A900] =	vst v63  }
0x4e1: {  	v25 =	vperm.xlane v19, v13;
	v20 =	vadd.s32 v5, v24;
	s17 =	simm.s32 $0xDA00  }
0x4e2: {  	[tilespmem:s17], [sflag:$0x1] =	stream.indirect_vreg.gather [hbm4b:s22+s6], $0x80, v61, vm0, $0xb8;
	[tilespmem:$0x1A900] =	vst v63  }
0x4e3: {  	v27 =	vperm.xlane v19, v14;
	v26 =	vadd.s32 v5, v25;
	s17 =	simm.s32 $0xDA80  }
0x4e4: {  	[tilespmem:s17], [sflag:$0x1] =	stream.indirect_vreg.gather [hbm4b:s22+s6], $0x80, v63, vm0, $0xb8;
	[tilespmem:$0x1A900] =	vst v63  }
0x4e5: {  	v29 =	vperm.xlane v19, v15;
	v28 =	vadd.s32 v5, v27;
	s17 =	simm.s32 $0xDB00  }
0x4e6: {  	[tilespmem:s17], [sflag:$0x1] =	stream.indirect_vreg.gather [hbm4b:s22+s6], $0x80, v20, vm0, $0xb8;
	[tilespmem:$0x1A900] =	vst v63  }
0x4e7: {  	v30 =	vperm.xlane v19, v16;
	v20 =	vadd.s32 v5, v29;
	s17 =	simm.s32 $0xDB80  }
0x4e8: {  	[tilespmem:s17], [sflag:$0x1] =	stream.indirect_vreg.gather [hbm4b:s22+s6], $0x80, v26, vm0, $0xb8;
	[tilespmem:$0x1A900] =	vst v63  }
0x4e9: {  	v32 =	vperm.xlane v19, v17;
	v31 =	vadd.s32 v5, v30;
	s17 =	simm.s32 $0xDC00  }
0x4ea: {  	[tilespmem:s17], [sflag:$0x1] =	stream.indirect_vreg.gather [hbm4b:s22+s6], $0x80, v28, vm0, $0xb8;
	[tilespmem:$0x1A900] =	vst v63  }
0x4eb: {  	v19 =	vperm.xlane v19, v18;
	v33 =	vadd.s32 v5, v32;
	s17 =	simm.s32 $0xDC80  }
0x4ec: {  	[tilespmem:s17], [sflag:$0x1] =	stream.indirect_vreg.gather [hbm4b:s22+s6], $0x80, v20, vm0, $0xb8;
	[tilespmem:$0x1A900] =	vst v63  }
0x4ed: {  	v19 =	vadd.s32 v5, v19;
	s17 =	simm.s32 $0xDD00  }
0x4ee: {  	[tilespmem:s17], [sflag:$0x1] =	stream.indirect_vreg.gather [hbm4b:s22+s6], $0x80, v31, vm0, $0xb8;
	[tilespmem:$0x1A900] =	vst v63  }
0x4ef: {  	s17 =	simm.s32 $0xDD80  }
0x4f0: {  	[tilespmem:s17], [sflag:$0x1] =	stream.indirect_vreg.gather [hbm4b:s22+s6], $0x80, v33, vm0, $0xb8;
	[tilespmem:$0x1A900] =	vst v63  }
0x4f1: {  	s17 =	simm.s32 $0xDE00  }
0x4f2: {  	[tilespmem:s17], [sflag:$0x1] =	stream.indirect_vreg.gather [hbm4b:s22+s6], $0x80, v19, vm0, $0xb8;
	[tilespmem:$0x1A900] =	vst v63  }
0x4f3: {  	v19 =	vld [tilespmem:$0x3B0];
	_ =	sdelay $0x4  }
0x4f4: {  	v20 =	vshll.u32 v19, $0x1  }
0x4f5: {  	v19 =	vand.u32 $0x7, v19;
	v20 =	vand.u32 $0xFFFFFFF0, v20  }
0x4f6: {  	v19 =	vor.u32 v19, v20  }
0x4f7: {  	v20 =	vperm.xlane v19, v4;
	_ =	sdelay $0x1  }
0x4f8: {  	v34 =	vperm.xlane v19, v3;
	v20 =	vadd.s32 v5, v20;
	_ =	sdelay $0x1  }
0x4f9: {  	v35 =	vperm.xlane v19, v6;
	v21 =	vadd.s32 v5, v34;
	_ =	sdelay $0x1  }
0x4fa: {  	s17 =	simm.s32 $0xDE80;
	v36 =	vperm.xlane v19, v7;
	v22 =	vadd.s32 v5, v35  }
0x4fb: {  	[tilespmem:s17], [sflag:$0x1] =	stream.indirect_vreg.gather [hbm4b:s22+s6], $0x80, v20, vm0, $0xb8;
	[tilespmem:$0x1A900] =	vst v63  }
0x4fc: {  	v37 =	vperm.xlane v19, v8;
	v20 =	vadd.s32 v5, v36;
	s17 =	simm.s32 $0xDF00  }
0x4fd: {  	[tilespmem:s17], [sflag:$0x1] =	stream.indirect_vreg.gather [hbm4b:s22+s6], $0x80, v21, vm0, $0xb8;
	[tilespmem:$0x1A900] =	vst v63  }
0x4fe: {  	v39 =	vperm.xlane v19, v9;
	v38 =	vadd.s32 v5, v37;
	s17 =	simm.s32 $0xDF80  }
0x4ff: {  	[tilespmem:s17], [sflag:$0x1] =	stream.indirect_vreg.gather [hbm4b:s22+s6], $0x80, v22, vm0, $0xb8;
	[tilespmem:$0x1A900] =	vst v63  }
0x500: {  	v41 =	vperm.xlane v19, v10;
	v40 =	vadd.s32 v5, v39;
	s17 =	simm.s32 $0xE000  }
0x501: {  	[tilespmem:s17], [sflag:$0x1] =	stream.indirect_vreg.gather [hbm4b:s22+s6], $0x80, v20, vm0, $0xb8;
	[tilespmem:$0x1A900] =	vst v63  }
0x502: {  	v42 =	vperm.xlane v19, v2;
	v20 =	vadd.s32 v5, v41;
	s17 =	simm.s32 $0xE080  }
0x503: {  	[tilespmem:s17], [sflag:$0x1] =	stream.indirect_vreg.gather [hbm4b:s22+s6], $0x80, v38, vm0, $0xb8;
	[tilespmem:$0x1A900] =	vst v63  }
0x504: {  	v44 =	vperm.xlane v19, v11;
	v43 =	vadd.s32 v5, v42;
	s17 =	simm.s32 $0xE100  }
0x505: {  	[tilespmem:s17], [sflag:$0x1] =	stream.indirect_vreg.gather [hbm4b:s22+s6], $0x80, v40, vm0, $0xb8;
	[tilespmem:$0x1A900] =	vst v63  }
0x506: {  	v46 =	vperm.xlane v19, v12;
	v45 =	vadd.s32 v5, v44;
	s17 =	simm.s32 $0xE180  }
0x507: {  	[tilespmem:s17], [sflag:$0x1] =	stream.indirect_vreg.gather [hbm4b:s22+s6], $0x80, v20, vm0, $0xb8;
	[tilespmem:$0x1A900] =	vst v63  }
0x508: {  	v47 =	vperm.xlane v19, v13;
	v20 =	vadd.s32 v5, v46;
	s17 =	simm.s32 $0xE200  }
0x509: {  	[tilespmem:s17], [sflag:$0x1] =	stream.indirect_vreg.gather [hbm4b:s22+s6], $0x80, v43, vm0, $0xb8;
	[tilespmem:$0x1A900] =	vst v63  }
0x50a: {  	v49 =	vperm.xlane v19, v14;
	v48 =	vadd.s32 v5, v47;
	s17 =	simm.s32 $0xE280  }
0x50b: {  	[tilespmem:s17], [sflag:$0x1] =	stream.indirect_vreg.gather [hbm4b:s22+s6], $0x80, v45, vm0, $0xb8;
	[tilespmem:$0x1A900] =	vst v63  }
0x50c: {  	v51 =	vperm.xlane v19, v15;
	v50 =	vadd.s32 v5, v49;
	s17 =	simm.s32 $0xE300  }
0x50d: {  	[tilespmem:s17], [sflag:$0x1] =	stream.indirect_vreg.gather [hbm4b:s22+s6], $0x80, v20, vm0, $0xb8;
	[tilespmem:$0x1A900] =	vst v63  }
0x50e: {  	v52 =	vperm.xlane v19, v16;
	v20 =	vadd.s32 v5, v51;
	s17 =	simm.s32 $0xE380  }
0x50f: {  	[tilespmem:s17], [sflag:$0x1] =	stream.indirect_vreg.gather [hbm4b:s22+s6], $0x80, v48, vm0, $0xb8;
	[tilespmem:$0x1A900] =	vst v63  }
0x510: {  	v54 =	vperm.xlane v19, v17;
	v53 =	vadd.s32 v5, v52;
	s17 =	simm.s32 $0xE400  }
0x511: {  	[tilespmem:s17], [sflag:$0x1] =	stream.indirect_vreg.gather [hbm4b:s22+s6], $0x80, v50, vm0, $0xb8;
	[tilespmem:$0x1A900] =	vst v63  }
0x512: {  	v19 =	vperm.xlane v19, v18;
	v55 =	vadd.s32 v5, v54;
	s17 =	simm.s32 $0xE480  }
0x513: {  	[tilespmem:s17], [sflag:$0x1] =	stream.indirect_vreg.gather [hbm4b:s22+s6], $0x80, v20, vm0, $0xb8;
	[tilespmem:$0x1A900] =	vst v63  }
0x514: {  	v19 =	vadd.s32 v5, v19;
	s17 =	simm.s32 $0xE500  }
0x515: {  	[tilespmem:s17], [sflag:$0x1] =	stream.indirect_vreg.gather [hbm4b:s22+s6], $0x80, v53, vm0, $0xb8;
	[tilespmem:$0x1A900] =	vst v63  }
0x516: {  	s17 =	simm.s32 $0xE580  }
0x517: {  	[tilespmem:s17], [sflag:$0x1] =	stream.indirect_vreg.gather [hbm4b:s22+s6], $0x80, v55, vm0, $0xb8;
	[tilespmem:$0x1A900] =	vst v63  }
0x518: {  	s17 =	simm.s32 $0xE600  }
0x519: {  	[tilespmem:s17], [sflag:$0x1] =	stream.indirect_vreg.gather [hbm4b:s22+s6], $0x80, v19, vm0, $0xb8;
	[tilespmem:$0x1A900] =	vst v63  }
0x51a: {  	v19 =	vld [tilespmem:$0x3C0];
	_ =	sdelay $0x4  }
0x51b: {  	v20 =	vshll.u32 v19, $0x1  }
0x51c: {  	v19 =	vand.u32 $0x7, v19;
	v20 =	vand.u32 $0xFFFFFFF0, v20  }
0x51d: {  	v19 =	vor.u32 v19, v20  }
0x51e: {  	v20 =	vperm.xlane v19, v4;
	_ =	sdelay $0x1  }
0x51f: {  	v56 =	vperm.xlane v19, v3;
	v20 =	vadd.s32 v5, v20;
	_ =	sdelay $0x1  }
0x520: {  	v57 =	vperm.xlane v19, v6;
	v21 =	vadd.s32 v5, v56;
	_ =	sdelay $0x1  }
0x521: {  	s17 =	simm.s32 $0xE680;
	v58 =	vperm.xlane v19, v7;
	v22 =	vadd.s32 v5, v57  }
0x522: {  	[tilespmem:s17], [sflag:$0x1] =	stream.indirect_vreg.gather [hbm4b:s22+s6], $0x80, v20, vm0, $0xb8;
	[tilespmem:$0x1A900] =	vst v63  }
0x523: {  	v59 =	vperm.xlane v19, v8;
	v20 =	vadd.s32 v5, v58;
	s17 =	simm.s32 $0xE700  }
0x524: {  	[tilespmem:s17], [sflag:$0x1] =	stream.indirect_vreg.gather [hbm4b:s22+s6], $0x80, v21, vm0, $0xb8;
	[tilespmem:$0x1A900] =	vst v63  }
0x525: {  	v61 =	vperm.xlane v19, v9;
	v60 =	vadd.s32 v5, v59;
	s17 =	simm.s32 $0xE780  }
0x526: {  	[tilespmem:s17], [sflag:$0x1] =	stream.indirect_vreg.gather [hbm4b:s22+s6], $0x80, v22, vm0, $0xb8;
	[tilespmem:$0x1A900] =	vst v63  }
0x527: {  	v63 =	vperm.xlane v19, v10;
	v62 =	vadd.s32 v5, v61;
	s17 =	simm.s32 $0xE800  }
0x528: {  	[tilespmem:s17], [sflag:$0x1] =	stream.indirect_vreg.gather [hbm4b:s22+s6], $0x80, v20, vm0, $0xb8;
	[tilespmem:$0x1A900] =	vst v63  }
0x529: {  	v24 =	vperm.xlane v19, v2;
	v20 =	vadd.s32 v5, v63;
	s17 =	simm.s32 $0xE880  }
0x52a: {  	[tilespmem:s17], [sflag:$0x1] =	stream.indirect_vreg.gather [hbm4b:s22+s6], $0x80, v60, vm0, $0xb8;
	[tilespmem:$0x1A900] =	vst v63  }
0x52b: {  	v26 =	vperm.xlane v19, v11;
	v25 =	vadd.s32 v5, v24;
	s17 =	simm.s32 $0xE900  }
0x52c: {  	[tilespmem:s17], [sflag:$0x1] =	stream.indirect_vreg.gather [hbm4b:s22+s6], $0x80, v62, vm0, $0xb8;
	[tilespmem:$0x1A900] =	vst v63  }
0x52d: {  	v28 =	vperm.xlane v19, v12;
	v27 =	vadd.s32 v5, v26;
	s17 =	simm.s32 $0xE980  }
0x52e: {  	[tilespmem:s17], [sflag:$0x1] =	stream.indirect_vreg.gather [hbm4b:s22+s6], $0x80, v20, vm0, $0xb8;
	[tilespmem:$0x1A900] =	vst v63  }
0x52f: {  	v29 =	vperm.xlane v19, v13;
	v20 =	vadd.s32 v5, v28;
	s17 =	simm.s32 $0xEA00  }
0x530: {  	[tilespmem:s17], [sflag:$0x1] =	stream.indirect_vreg.gather [hbm4b:s22+s6], $0x80, v25, vm0, $0xb8;
	[tilespmem:$0x1A900] =	vst v63  }
0x531: {  	v31 =	vperm.xlane v19, v14;
	v30 =	vadd.s32 v5, v29;
	s17 =	simm.s32 $0xEA80  }
0x532: {  	[tilespmem:s17], [sflag:$0x1] =	stream.indirect_vreg.gather [hbm4b:s22+s6], $0x80, v27, vm0, $0xb8;
	[tilespmem:$0x1A900] =	vst v63  }
0x533: {  	v33 =	vperm.xlane v19, v15;
	v32 =	vadd.s32 v5, v31;
	s17 =	simm.s32 $0xEB00  }
0x534: {  	[tilespmem:s17], [sflag:$0x1] =	stream.indirect_vreg.gather [hbm4b:s22+s6], $0x80, v20, vm0, $0xb8;
	[tilespmem:$0x1A900] =	vst v63  }
0x535: {  	v34 =	vperm.xlane v19, v16;
	v20 =	vadd.s32 v5, v33;
	s17 =	simm.s32 $0xEB80  }
0x536: {  	[tilespmem:s17], [sflag:$0x1] =	stream.indirect_vreg.gather [hbm4b:s22+s6], $0x80, v30, vm0, $0xb8;
	[tilespmem:$0x1A900] =	vst v63  }
0x537: {  	v36 =	vperm.xlane v19, v17;
	v35 =	vadd.s32 v5, v34;
	s17 =	simm.s32 $0xEC00  }
0x538: {  	[tilespmem:s17], [sflag:$0x1] =	stream.indirect_vreg.gather [hbm4b:s22+s6], $0x80, v32, vm0, $0xb8;
	[tilespmem:$0x1A900] =	vst v63  }
0x539: {  	v19 =	vperm.xlane v19, v18;
	v37 =	vadd.s32 v5, v36;
	s17 =	simm.s32 $0xEC80  }
0x53a: {  	[tilespmem:s17], [sflag:$0x1] =	stream.indirect_vreg.gather [hbm4b:s22+s6], $0x80, v20, vm0, $0xb8;
	[tilespmem:$0x1A900] =	vst v63  }
0x53b: {  	v19 =	vadd.s32 v5, v19;
	s17 =	simm.s32 $0xED00  }
0x53c: {  	[tilespmem:s17], [sflag:$0x1] =	stream.indirect_vreg.gather [hbm4b:s22+s6], $0x80, v35, vm0, $0xb8;
	[tilespmem:$0x1A900] =	vst v63  }
0x53d: {  	s17 =	simm.s32 $0xED80  }
0x53e: {  	[tilespmem:s17], [sflag:$0x1] =	stream.indirect_vreg.gather [hbm4b:s22+s6], $0x80, v37, vm0, $0xb8;
	[tilespmem:$0x1A900] =	vst v63  }
0x53f: {  	s17 =	simm.s32 $0xEE00  }
0x540: {  	[tilespmem:s17], [sflag:$0x1] =	stream.indirect_vreg.gather [hbm4b:s22+s6], $0x80, v19, vm0, $0xb8;
	[tilespmem:$0x1A900] =	vst v63  }
0x541: {  	v19 =	vld [tilespmem:$0x3D0];
	_ =	sdelay $0x4  }
0x542: {  	v20 =	vshll.u32 v19, $0x1  }
0x543: {  	v19 =	vand.u32 $0x7, v19;
	v20 =	vand.u32 $0xFFFFFFF0, v20  }
0x544: {  	v19 =	vor.u32 v19, v20  }
0x545: {  	v20 =	vperm.xlane v19, v4;
	_ =	sdelay $0x1  }
0x546: {  	v38 =	vperm.xlane v19, v3;
	v20 =	vadd.s32 v5, v20;
	_ =	sdelay $0x1  }
0x547: {  	v39 =	vperm.xlane v19, v6;
	v21 =	vadd.s32 v5, v38;
	_ =	sdelay $0x1  }
0x548: {  	s17 =	simm.s32 $0xEE80;
	v40 =	vperm.xlane v19, v7;
	v22 =	vadd.s32 v5, v39  }
0x549: {  	[tilespmem:s17], [sflag:$0x1] =	stream.indirect_vreg.gather [hbm4b:s22+s6], $0x80, v20, vm0, $0xb8;
	[tilespmem:$0x1A900] =	vst v63  }
0x54a: {  	v41 =	vperm.xlane v19, v8;
	v20 =	vadd.s32 v5, v40;
	s17 =	simm.s32 $0xEF00  }
0x54b: {  	[tilespmem:s17], [sflag:$0x1] =	stream.indirect_vreg.gather [hbm4b:s22+s6], $0x80, v21, vm0, $0xb8;
	[tilespmem:$0x1A900] =	vst v63  }
0x54c: {  	v43 =	vperm.xlane v19, v9;
	v42 =	vadd.s32 v5, v41;
	s17 =	simm.s32 $0xEF80  }
0x54d: {  	[tilespmem:s17], [sflag:$0x1] =	stream.indirect_vreg.gather [hbm4b:s22+s6], $0x80, v22, vm0, $0xb8;
	[tilespmem:$0x1A900] =	vst v63  }
0x54e: {  	v45 =	vperm.xlane v19, v10;
	v44 =	vadd.s32 v5, v43;
	s17 =	simm.s32 $0xF000  }
0x54f: {  	[tilespmem:s17], [sflag:$0x1] =	stream.indirect_vreg.gather [hbm4b:s22+s6], $0x80, v20, vm0, $0xb8;
	[tilespmem:$0x1A900] =	vst v63  }
0x550: {  	v46 =	vperm.xlane v19, v2;
	v20 =	vadd.s32 v5, v45;
	s17 =	simm.s32 $0xF080  }
0x551: {  	[tilespmem:s17], [sflag:$0x1] =	stream.indirect_vreg.gather [hbm4b:s22+s6], $0x80, v42, vm0, $0xb8;
	[tilespmem:$0x1A900] =	vst v63  }
0x552: {  	v48 =	vperm.xlane v19, v11;
	v47 =	vadd.s32 v5, v46;
	s17 =	simm.s32 $0xF100  }
0x553: {  	[tilespmem:s17], [sflag:$0x1] =	stream.indirect_vreg.gather [hbm4b:s22+s6], $0x80, v44, vm0, $0xb8;
	[tilespmem:$0x1A900] =	vst v63  }
0x554: {  	v50 =	vperm.xlane v19, v12;
	v49 =	vadd.s32 v5, v48;
	s17 =	simm.s32 $0xF180  }
0x555: {  	[tilespmem:s17], [sflag:$0x1] =	stream.indirect_vreg.gather [hbm4b:s22+s6], $0x80, v20, vm0, $0xb8;
	[tilespmem:$0x1A900] =	vst v63  }
0x556: {  	v51 =	vperm.xlane v19, v13;
	v20 =	vadd.s32 v5, v50;
	s17 =	simm.s32 $0xF200  }
0x557: {  	[tilespmem:s17], [sflag:$0x1] =	stream.indirect_vreg.gather [hbm4b:s22+s6], $0x80, v47, vm0, $0xb8;
	[tilespmem:$0x1A900] =	vst v63  }
0x558: {  	v53 =	vperm.xlane v19, v14;
	v52 =	vadd.s32 v5, v51;
	s17 =	simm.s32 $0xF280  }
0x559: {  	[tilespmem:s17], [sflag:$0x1] =	stream.indirect_vreg.gather [hbm4b:s22+s6], $0x80, v49, vm0, $0xb8;
	[tilespmem:$0x1A900] =	vst v63  }
0x55a: {  	v55 =	vperm.xlane v19, v15;
	v54 =	vadd.s32 v5, v53;
	s17 =	simm.s32 $0xF300  }
0x55b: {  	[tilespmem:s17], [sflag:$0x1] =	stream.indirect_vreg.gather [hbm4b:s22+s6], $0x80, v20, vm0, $0xb8;
	[tilespmem:$0x1A900] =	vst v63  }
0x55c: {  	v56 =	vperm.xlane v19, v16;
	v20 =	vadd.s32 v5, v55;
	s17 =	simm.s32 $0xF380  }
0x55d: {  	[tilespmem:s17], [sflag:$0x1] =	stream.indirect_vreg.gather [hbm4b:s22+s6], $0x80, v52, vm0, $0xb8;
	[tilespmem:$0x1A900] =	vst v63  }
0x55e: {  	v58 =	vperm.xlane v19, v17;
	v57 =	vadd.s32 v5, v56;
	s17 =	simm.s32 $0xF400  }
0x55f: {  	[tilespmem:s17], [sflag:$0x1] =	stream.indirect_vreg.gather [hbm4b:s22+s6], $0x80, v54, vm0, $0xb8;
	[tilespmem:$0x1A900] =	vst v63  }
0x560: {  	v19 =	vperm.xlane v19, v18;
	v59 =	vadd.s32 v5, v58;
	s17 =	simm.s32 $0xF480  }
0x561: {  	[tilespmem:s17], [sflag:$0x1] =	stream.indirect_vreg.gather [hbm4b:s22+s6], $0x80, v20, vm0, $0xb8;
	[tilespmem:$0x1A900] =	vst v63  }
0x562: {  	v19 =	vadd.s32 v5, v19;
	s17 =	simm.s32 $0xF500  }
0x563: {  	[tilespmem:s17], [sflag:$0x1] =	stream.indirect_vreg.gather [hbm4b:s22+s6], $0x80, v57, vm0, $0xb8;
	[tilespmem:$0x1A900] =	vst v63  }
0x564: {  	s17 =	simm.s32 $0xF580  }
0x565: {  	[tilespmem:s17], [sflag:$0x1] =	stream.indirect_vreg.gather [hbm4b:s22+s6], $0x80, v59, vm0, $0xb8;
	[tilespmem:$0x1A900] =	vst v63  }
0x566: {  	s17 =	simm.s32 $0xF600  }
0x567: {  	[tilespmem:s17], [sflag:$0x1] =	stream.indirect_vreg.gather [hbm4b:s22+s6], $0x80, v19, vm0, $0xb8;
	[tilespmem:$0x1A900] =	vst v63  }
0x568: {  	v19 =	vld [tilespmem:$0x3E0];
	_ =	sdelay $0x4  }
0x569: {  	v20 =	vshll.u32 v19, $0x1  }
0x56a: {  	v19 =	vand.u32 $0x7, v19;
	v20 =	vand.u32 $0xFFFFFFF0, v20  }
0x56b: {  	v19 =	vor.u32 v19, v20  }
0x56c: {  	v20 =	vperm.xlane v19, v4;
	_ =	sdelay $0x1  }
0x56d: {  	v60 =	vperm.xlane v19, v3;
	v20 =	vadd.s32 v5, v20;
	_ =	sdelay $0x1  }
0x56e: {  	v61 =	vperm.xlane v19, v6;
	v21 =	vadd.s32 v5, v60;
	_ =	sdelay $0x1  }
0x56f: {  	s17 =	simm.s32 $0xF680;
	v62 =	vperm.xlane v19, v7;
	v22 =	vadd.s32 v5, v61  }
0x570: {  	[tilespmem:s17], [sflag:$0x1] =	stream.indirect_vreg.gather [hbm4b:s22+s6], $0x80, v20, vm0, $0xb8;
	[tilespmem:$0x1A900] =	vst v63  }
0x571: {  	v63 =	vperm.xlane v19, v8;
	v20 =	vadd.s32 v5, v62;
	s17 =	simm.s32 $0xF700  }
0x572: {  	[tilespmem:s17], [sflag:$0x1] =	stream.indirect_vreg.gather [hbm4b:s22+s6], $0x80, v21, vm0, $0xb8;
	[tilespmem:$0x1A900] =	vst v63  }
0x573: {  	v25 =	vperm.xlane v19, v9;
	v24 =	vadd.s32 v5, v63  }
0x574: {  	[tilespmem:s30], [sflag:$0x1] =	stream.indirect_vreg.gather [hbm4b:s22+s6], $0x80, v22, vm0, $0xb8;
	[tilespmem:$0x1A900] =	vst v63  }
0x575: {  	v27 =	vperm.xlane v19, v10;
	v26 =	vadd.s32 v5, v25;
	s17 =	simm.s32 $0xF800  }
0x576: {  	[tilespmem:s17], [sflag:$0x1] =	stream.indirect_vreg.gather [hbm4b:s22+s6], $0x80, v20, vm0, $0xb8;
	[tilespmem:$0x1A900] =	vst v63  }
0x577: {  	v28 =	vperm.xlane v19, v2;
	v20 =	vadd.s32 v5, v27;
	s17 =	simm.s32 $0xF880  }
0x578: {  	[tilespmem:s17], [sflag:$0x1] =	stream.indirect_vreg.gather [hbm4b:s22+s6], $0x80, v24, vm0, $0xb8;
	[tilespmem:$0x1A900] =	vst v63  }
0x579: {  	v30 =	vperm.xlane v19, v11;
	v29 =	vadd.s32 v5, v28;
	s17 =	simm.s32 $0xF900  }
0x57a: {  	[tilespmem:s17], [sflag:$0x1] =	stream.indirect_vreg.gather [hbm4b:s22+s6], $0x80, v26, vm0, $0xb8;
	[tilespmem:$0x1A900] =	vst v63  }
0x57b: {  	v32 =	vperm.xlane v19, v12;
	v31 =	vadd.s32 v5, v30;
	s17 =	simm.s32 $0xF980  }
0x57c: {  	[tilespmem:s17], [sflag:$0x1] =	stream.indirect_vreg.gather [hbm4b:s22+s6], $0x80, v20, vm0, $0xb8;
	[tilespmem:$0x1A900] =	vst v63  }
0x57d: {  	v33 =	vperm.xlane v19, v13;
	v20 =	vadd.s32 v5, v32;
	s17 =	simm.s32 $0xFA00  }
0x57e: {  	[tilespmem:s17], [sflag:$0x1] =	stream.indirect_vreg.gather [hbm4b:s22+s6], $0x80, v29, vm0, $0xb8;
	[tilespmem:$0x1A900] =	vst v63  }
0x57f: {  	v35 =	vperm.xlane v19, v14;
	v34 =	vadd.s32 v5, v33;
	s17 =	simm.s32 $0xFA80  }
0x580: {  	[tilespmem:s17], [sflag:$0x1] =	stream.indirect_vreg.gather [hbm4b:s22+s6], $0x80, v31, vm0, $0xb8;
	[tilespmem:$0x1A900] =	vst v63  }
0x581: {  	v37 =	vperm.xlane v19, v15;
	v36 =	vadd.s32 v5, v35;
	s17 =	simm.s32 $0xFB00  }
0x582: {  	[tilespmem:s17], [sflag:$0x1] =	stream.indirect_vreg.gather [hbm4b:s22+s6], $0x80, v20, vm0, $0xb8;
	[tilespmem:$0x1A900] =	vst v63  }
0x583: {  	v38 =	vperm.xlane v19, v16;
	v20 =	vadd.s32 v5, v37;
	s17 =	simm.s32 $0xFB80  }
0x584: {  	[tilespmem:s17], [sflag:$0x1] =	stream.indirect_vreg.gather [hbm4b:s22+s6], $0x80, v34, vm0, $0xb8;
	[tilespmem:$0x1A900] =	vst v63  }
0x585: {  	v40 =	vperm.xlane v19, v17;
	v39 =	vadd.s32 v5, v38;
	s17 =	simm.s32 $0xFC00  }
0x586: {  	[tilespmem:s17], [sflag:$0x1] =	stream.indirect_vreg.gather [hbm4b:s22+s6], $0x80, v36, vm0, $0xb8;
	[tilespmem:$0x1A900] =	vst v63  }
0x587: {  	v19 =	vperm.xlane v19, v18;
	v41 =	vadd.s32 v5, v40;
	s17 =	simm.s32 $0xFC80  }
0x588: {  	[tilespmem:s17], [sflag:$0x1] =	stream.indirect_vreg.gather [hbm4b:s22+s6], $0x80, v20, vm0, $0xb8;
	[tilespmem:$0x1A900] =	vst v63  }
0x589: {  	v19 =	vadd.s32 v5, v19;
	s17 =	simm.s32 $0xFD00  }
0x58a: {  	[tilespmem:s17], [sflag:$0x1] =	stream.indirect_vreg.gather [hbm4b:s22+s6], $0x80, v39, vm0, $0xb8;
	[tilespmem:$0x1A900] =	vst v63  }
0x58b: {  	s17 =	simm.s32 $0xFD80  }
0x58c: {  	[tilespmem:s17], [sflag:$0x1] =	stream.indirect_vreg.gather [hbm4b:s22+s6], $0x80, v41, vm0, $0xb8;
	[tilespmem:$0x1A900] =	vst v63  }
0x58d: {  	s17 =	simm.s32 $0xFE00  }
0x58e: {  	[tilespmem:s17], [sflag:$0x1] =	stream.indirect_vreg.gather [hbm4b:s22+s6], $0x80, v19, vm0, $0xb8;
	[tilespmem:$0x1A900] =	vst v63  }
0x58f: {  	v19 =	vld [tilespmem:$0x3F0];
	_ =	sdelay $0x4  }
0x590: {  	v20 =	vshll.u32 v19, $0x1  }
0x591: {  	v19 =	vand.u32 $0x7, v19;
	v20 =	vand.u32 $0xFFFFFFF0, v20  }
0x592: {  	v19 =	vor.u32 v19, v20  }
0x593: {  	v20 =	vperm.xlane v19, v4;
	_ =	sdelay $0x1  }
0x594: {  	v42 =	vperm.xlane v19, v3;
	v20 =	vadd.s32 v5, v20;
	_ =	sdelay $0x1  }
0x595: {  	v43 =	vperm.xlane v19, v6;
	v21 =	vadd.s32 v5, v42;
	_ =	sdelay $0x1  }
0x596: {  	v44 =	vperm.xlane v19, v7;
	v22 =	vadd.s32 v5, v43  }
0x597: {  	[tilespmem:s25], [sflag:$0x1] =	stream.indirect_vreg.gather [hbm4b:s22+s6], $0x80, v20, vm0, $0xb8;
	[tilespmem:$0x1A900] =	vst v63  }
0x598: {  	v45 =	vperm.xlane v19, v8;
	v20 =	vadd.s32 v5, v44  }
0x599: {  	[tilespmem:s10], [sflag:$0x1] =	stream.indirect_vreg.gather [hbm4b:s22+s6], $0x80, v21, vm0, $0xb8;
	[tilespmem:$0x1A900] =	vst v63  }
0x59a: {  	v47 =	vperm.xlane v19, v9;
	v46 =	vadd.s32 v5, v45  }
0x59b: {  	[tilespmem:s13], [sflag:$0x1] =	stream.indirect_vreg.gather [hbm4b:s22+s6], $0x80, v22, vm0, $0xb8;
	[tilespmem:$0x1A900] =	vst v63  }
0x59c: {  	v49 =	vperm.xlane v19, v10;
	v48 =	vadd.s32 v5, v47  }
0x59d: {  	[tilespmem:s28], [sflag:$0x1] =	stream.indirect_vreg.gather [hbm4b:s22+s6], $0x80, v20, vm0, $0xb8;
	[tilespmem:$0x1A900] =	vst v63  }
0x59e: {  	v50 =	vperm.xlane v19, v2;
	v20 =	vadd.s32 v5, v49  }
0x59f: {  	[tilespmem:s9], [sflag:$0x1] =	stream.indirect_vreg.gather [hbm4b:s22+s6], $0x80, v46, vm0, $0xb8;
	[tilespmem:$0x1A900] =	vst v63  }
0x5a0: {  	s17 =	simm.s32 $0x10100;
	v52 =	vperm.xlane v19, v11;
	v51 =	vadd.s32 v5, v50  }
0x5a1: {  	[tilespmem:s17], [sflag:$0x1] =	stream.indirect_vreg.gather [hbm4b:s22+s6], $0x80, v48, vm0, $0xb8;
	[tilespmem:$0x1A900] =	vst v63  }
0x5a2: {  	v54 =	vperm.xlane v19, v12;
	v53 =	vadd.s32 v5, v52;
	s17 =	simm.s32 $0x10180  }
0x5a3: {  	[tilespmem:s17], [sflag:$0x1] =	stream.indirect_vreg.gather [hbm4b:s22+s6], $0x80, v20, vm0, $0xb8;
	[tilespmem:$0x1A900] =	vst v63  }
0x5a4: {  	v55 =	vperm.xlane v19, v13;
	v20 =	vadd.s32 v5, v54;
	s17 =	simm.s32 $0x10200  }
0x5a5: {  	[tilespmem:s17], [sflag:$0x1] =	stream.indirect_vreg.gather [hbm4b:s22+s6], $0x80, v51, vm0, $0xb8;
	[tilespmem:$0x1A900] =	vst v63  }
0x5a6: {  	v57 =	vperm.xlane v19, v14;
	v56 =	vadd.s32 v5, v55;
	s17 =	simm.s32 $0x10280  }
0x5a7: {  	[tilespmem:s17], [sflag:$0x1] =	stream.indirect_vreg.gather [hbm4b:s22+s6], $0x80, v53, vm0, $0xb8;
	[tilespmem:$0x1A900] =	vst v63  }
0x5a8: {  	v59 =	vperm.xlane v19, v15;
	v58 =	vadd.s32 v5, v57;
	s17 =	simm.s32 $0x10300  }
0x5a9: {  	[tilespmem:s17], [sflag:$0x1] =	stream.indirect_vreg.gather [hbm4b:s22+s6], $0x80, v20, vm0, $0xb8;
	[tilespmem:$0x1A900] =	vst v63  }
0x5aa: {  	v60 =	vperm.xlane v19, v16;
	v20 =	vadd.s32 v5, v59;
	s17 =	simm.s32 $0x10380  }
0x5ab: {  	[tilespmem:s17], [sflag:$0x1] =	stream.indirect_vreg.gather [hbm4b:s22+s6], $0x80, v56, vm0, $0xb8;
	[tilespmem:$0x1A900] =	vst v63  }
0x5ac: {  	v62 =	vperm.xlane v19, v17;
	v61 =	vadd.s32 v5, v60;
	s17 =	simm.s32 $0x10400  }
0x5ad: {  	[tilespmem:s17], [sflag:$0x1] =	stream.indirect_vreg.gather [hbm4b:s22+s6], $0x80, v58, vm0, $0xb8;
	[tilespmem:$0x1A900] =	vst v63  }
0x5ae: {  	v19 =	vperm.xlane v19, v18;
	v63 =	vadd.s32 v5, v62;
	s17 =	simm.s32 $0x10480  }
0x5af: {  	[tilespmem:s17], [sflag:$0x1] =	stream.indirect_vreg.gather [hbm4b:s22+s6], $0x80, v20, vm0, $0xb8;
	[tilespmem:$0x1A900] =	vst v63  }
0x5b0: {  	v19 =	vadd.s32 v5, v19;
	s17 =	simm.s32 $0x10500  }
0x5b1: {  	[tilespmem:s17], [sflag:$0x1] =	stream.indirect_vreg.gather [hbm4b:s22+s6], $0x80, v61, vm0, $0xb8;
	[tilespmem:$0x1A900] =	vst v63  }
0x5b2: {  	s17 =	simm.s32 $0x10580  }
0x5b3: {  	[tilespmem:s17], [sflag:$0x1] =	stream.indirect_vreg.gather [hbm4b:s22+s6], $0x80, v63, vm0, $0xb8;
	[tilespmem:$0x1A900] =	vst v63  }
0x5b4: {  	s17 =	simm.s32 $0x10600  }
0x5b5: {  	[tilespmem:s17], [sflag:$0x1] =	stream.indirect_vreg.gather [hbm4b:s22+s6], $0x80, v19, vm0, $0xb8;
	[tilespmem:$0x1A900] =	vst v63  }
0x5b6: {  	_ =	swait.ge [sflag:s0], $0x4000  }
0x5b7: {  	[sflag:s0] =	ssyncset.done $0x0  }
0x5b8: {  	[sflag:s0] =	ssyncadd.s32 $0xFFFFC000  }
0x5b9: {  	_ =	swait.ge [sflag:s0], $0x4000  }
0x5ba: {  	[sflag:s0] =	ssyncset.done $0x0  }
0x5bb: {  	[sflag:s0] =	ssyncadd.s32 $0xFFFFC000  }
0x5bc: {  	_ =	swait.ge [sflag:s0], $0x4000  }
0x5bd: {  	[sflag:s0] =	ssyncset.done $0x0  }
0x5be: {  	[sflag:s0] =	ssyncadd.s32 $0xFFFFC000  }
0x5bf: {  	_ =	swait.ge [sflag:s0], $0x4000  }
0x5c0: {  	[sflag:s0] =	ssyncset.done $0x0  }
0x5c1: {  	[sflag:s0] =	ssyncadd.s32 $0xFFFFC000  }
0x5c2: {  	[spmem:s1] =	stream.indirect.scatter.add.f32 [tilespmem:s4], [sflag:$0x1], $0x80, s12, s31, $0xb8;
	[tilespmem:$0x1A900] =	vst v63  }
0x5c3: {  	_ = 	snop  }
0x5c4: {  	[spmem:s2] =	stream.indirect.scatter.add.f32 [tilespmem:s26], [sflag:$0x1], $0x80, s12, s31, $0xb8;
	[tilespmem:$0x1A900] =	vst v63  }
0x5c5: {  	_ = 	snop  }
0x5c6: {  	[spmem:s1] =	stream.indirect.scatter.add.f32 [tilespmem:s16], [sflag:$0x1], $0x80, s14, s31, $0xb8;
	[tilespmem:$0x1A900] =	vst v63  }
0x5c7: {  	_ = 	snop  }
0x5c8: {  	[spmem:s2] =	stream.indirect.scatter.add.f32 [tilespmem:s8], [sflag:$0x1], $0x80, s14, s31, $0xb8;
	[tilespmem:$0x1A900] =	vst v63  }
0x5c9: {  	_ = 	snop  }
0x5ca: {  	[spmem:s3] =	stream.indirect.scatter.add.f32 [tilespmem:s24], [sflag:$0x2], $0x1, s12, s31, $0xb8;
	[tilespmem:$0x1A900] =	vst v63  }
0x5cb: {  	_ =	swait.ge [sflag:s29], $0x80  }
0x5cc: {  	[sflag:s29] =	ssyncset.done $0x0  }
0x5cd: {  	[sflag:s29] =	ssyncadd.s32 $0xFFFFFF80  }
0x5ce: {  	[spmem:s3] =	stream.indirect.scatter.add.f32 [tilespmem:s24], [sflag:$0x2], $0x1, s14, s31, $0xb8;
	[tilespmem:$0x1A900] =	vst v63  }
0x5cf: {  	_ =	swait.ge [sflag:s29], $0x80  }
0x5d0: {  	[sflag:s29] =	ssyncset.done $0x0  }
0x5d1: {  	s17 =	simm.s32 $0x400;
	[sflag:s29] =	ssyncadd.s32 $0xFFFFFF80  }
0x5d2: {  	[spmem:s5] =	stream.indirect.scatter.add.f32 [tilespmem:s24], [sflag:$0x2], $0x1, s17, s31, $0xb8;
	[tilespmem:$0x1A900] =	vst v63  }
0x5d3: {  	_ =	swait.ge [sflag:s29], $0x80  }
0x5d4: {  	[sflag:s29] =	ssyncset.done $0x0  }
0x5d5: {  	s17 =	simm.s32 $0x480;
	[sflag:s29] =	ssyncadd.s32 $0xFFFFFF80  }
0x5d6: {  	[spmem:s5] =	stream.indirect.scatter.add.f32 [tilespmem:s24], [sflag:$0x2], $0x1, s17, s31, $0xb8;
	[tilespmem:$0x1A900] =	vst v63  }
0x5d7: {  	_ =	swait.ge [sflag:s29], $0x80  }
0x5d8: {  	[sflag:s29] =	ssyncset.done $0x0  }
0x5d9: {  	[sflag:s29] =	ssyncadd.s32 $0xFFFFFF80  }
0x5da: {  	_ =	swait.ge [sflag:s0], $0x4000  }
0x5db: {  	[sflag:s0] =	ssyncset.done $0x0  }
0x5dc: {  	[sflag:s0] =	ssyncadd.s32 $0xFFFFC000  }
0x5dd: {  	_ =	swait.ge [sflag:s0], $0x4000  }
0x5de: {  	[sflag:s0] =	ssyncset.done $0x0  }
0x5df: {  	[sflag:s0] =	ssyncadd.s32 $0xFFFFC000  }
0x5e0: {  	_ =	swait.ge [sflag:s0], $0x4000  }
.Ltmp6:
0x5e1: {  	[sflag:s0] =	ssyncset.done $0x0;
	(pc) =	sbr.rel .LBB2_6-.Ltmp6, $4  }
0x5e2: {  	[sflag:s0] =	ssyncadd.s32 $0xFFFFC000  }
0x5e3: {  	_ =	swait.ge [sflag:s0], $0x4000  }
0x5e4: {  	[sflag:s0] =	ssyncset.done $0x0  }
0x5e5: {  	[sflag:s0] =	ssyncadd.s32 $0xFFFFC000  }
.LBB2_8:
0x5e6: {  	_ =	sfence.sel $0x180000  }
0x5e7: {  	[bflag:$0x0] =	sbarrier.arrive $0xFFFF  }
0x5e8: {  	_ =	strace $0x90000047  }
0x5e9: {  	s0 =	stileid.u32;
	[bflag:$0x2] =	sbarrier.arrive $0xFFFF  }
0x5ea: {  	p0 =	sne.s32 s0, $0x0;
	s0 =	rddreg [dreg:$0xa]  }
0x5eb: {  	s0 =	sadd.s32 @!p0 $0x100000, s0  }
0x5ec: {  	[sflag:s0] =	ssyncadd.tile.s32 @!p0 $0x1;
	_ =	shalt  }
.Lfunc_end2:
_tile_overlayer_lowered:
.L_overlay_start_2:
0x5ed: {  	(tag) =	ssettag $0x2  }
0x5ee: {  	s0 =	rddreg [dreg:$0x0];
	s2 =	stileid.u32  }
0x5ef: {  	s1 =	rddreg [dreg:$0x1];
	p0 =	sne.s32 s2, $0x0  }
0x5f0: {  	s3 =	rddreg [dreg:$0x2];
	[bflag:$0x3] =	sbarrier.arrive $0xFFFF;
	s2 =	simm.s32 @!p0 $0x1C02  }
0x5f1: {  	[timem:s3], [sflag:s2] =	dma.local @!p0 [hbm:s0], s1  }
0x5f2: {  	s0 =	simm.s32 @!p0 $0x2  }
0x5f3: {  	_ =	swait.ge @!p0 [sflag:s0], s1  }
0x5f4: {  	s1 =	ssub.s32 @!p0 $0x0, s1;
	[sflag:s0] =	ssyncset.done @!p0 $0x0  }
0x5f5: {  	[sflag:s0] =	ssyncadd.s32 @!p0 s1  }
0x5f6: {  	[bflag:$0x3] =	sbarrier.arrive $0xFFFF  }
0x5f7: {  	_ =	shalt  }

</sc_bundles>
